<compile_context>
chip_gen: v7x
topology: tpu7x:2x2x1
jax: 0.10.2.dev20260603
libtpu: 0.0.44.dev20260713+nightly
codegen_flags: <defaults>
</compile_context>

<pallas_src>
import functools

import jax
import jax.numpy as jnp
from jax import lax
from jax.experimental import pallas as pl
from jax.experimental.pallas import tpu as pltpu
from jax.experimental.pallas import tpu_sc as plsc

B = 16384
N_NEG = 200
D = 64
NC = 2
NS = 16
NW = NC * NS
BPW = B // NW
CB = 8
NCHUNK = BPW // CB
GW = 100
GPC = CB * N_NEG // GW
NPAD = N_NEG + 8


def _dot4(row_ref, r, q0, q1, q2, q3):
    a = row_ref[r, pl.ds(0, 16)] * q0
    a = a + row_ref[r, pl.ds(16, 16)] * q1
    a = a + row_ref[r, pl.ds(32, 16)] * q2
    a = a + row_ref[r, pl.ds(48, 16)] * q3
    return jnp.sum(a)


def _sc_body(uid_hbm, pos_hbm, negf_hbm, utab_hbm, itab_hbm,
             pos_out, neg_out,
             nidx_v, qidx_v, pidx_v, qrows_v, prows_v, rows_v,
             nscore_v, pscore_v, sem):
    cid = lax.axis_index("c")
    sid = lax.axis_index("s")
    wid = sid * NC + cid
    base = pl.multiple_of(wid * BPW, BPW)
    iota = lax.iota(jnp.int32, 16)
    mask8 = iota < 8

    def chunk_body(c, _):
        cb = pl.multiple_of(base + c * CB, CB)
        pltpu.sync_copy(uid_hbm.at[pl.ds(cb, CB)], qidx_v)
        pltpu.sync_copy(pos_hbm.at[pl.ds(cb, CB)], pidx_v)
        pltpu.sync_copy(negf_hbm.at[pl.ds(cb * (N_NEG // GW), GPC)], nidx_v)
        cps = [pltpu.async_copy(utab_hbm.at[qidx_v], qrows_v, sem),
               pltpu.async_copy(itab_hbm.at[pidx_v], prows_v, sem)]
        for g in range(GPC):
            cps.append(pltpu.async_copy(itab_hbm.at[nidx_v.at[g]],
                                        rows_v.at[pl.ds(g * GW, GW)], sem))
        for cp in cps:
            cp.wait()
        pos_vec = jnp.zeros((16,), jnp.float32)
        for b in range(CB):
            q0 = qrows_v[b, pl.ds(0, 16)]
            q1 = qrows_v[b, pl.ds(16, 16)]
            q2 = qrows_v[b, pl.ds(32, 16)]
            q3 = qrows_v[b, pl.ds(48, 16)]
            ps = _dot4(prows_v, b, q0, q1, q2, q3)
            pos_vec = jnp.where(iota == b, ps, pos_vec)

            def nbody(g, _, b=b, q0=q0, q1=q1, q2=q2, q3=q3):
                ss = [_dot4(rows_v, b * N_NEG + g * 8 + u, q0, q1, q2, q3)
                      for u in range(8)]
                vec = jnp.full((16,), ss[0], jnp.float32)
                for u in range(1, 8):
                    vec = jnp.where(iota == u, ss[u], vec)
                plsc.store_compressed(
                    nscore_v.at[pl.ds(b * NPAD + g * 8, 16)],
                    vec, mask=mask8)
                return 0

            lax.fori_loop(0, N_NEG // 8, nbody, 0)
        plsc.store_compressed(pscore_v.at[pl.ds(c * CB, 16)], pos_vec,
                              mask=mask8)
        for b in range(CB):
            pltpu.sync_copy(nscore_v.at[pl.ds(b * NPAD, N_NEG)],
                            neg_out.at[cb + b])
        return 0

    lax.fori_loop(0, NCHUNK, chunk_body, 0)
    pltpu.sync_copy(pscore_v.at[pl.ds(0, BPW)], pos_out.at[pl.ds(base, BPW)])


@jax.jit
def _mf_scores(user_id, pos_items, neg_flat, user_table, item_table):
    mesh = plsc.VectorSubcoreMesh(core_axis_name="c", subcore_axis_name="s")
    f = functools.partial(
        pl.kernel,
        mesh=mesh,
        compiler_params=pltpu.CompilerParams(needs_layout_passes=False,
                                             use_tc_tiling_on_sc=False),
        out_type=[jax.ShapeDtypeStruct((B,), jnp.float32),
                  jax.ShapeDtypeStruct((B, N_NEG), jnp.float32)],
        scratch_types=[
            pltpu.VMEM((GPC, GW), jnp.int32),
            pltpu.VMEM((CB,), jnp.int32),
            pltpu.VMEM((CB,), jnp.int32),
            pltpu.VMEM((CB, D), jnp.float32),
            pltpu.VMEM((CB, D), jnp.float32),
            pltpu.VMEM((CB * N_NEG, D), jnp.float32),
            pltpu.VMEM((CB * NPAD,), jnp.float32),
            pltpu.VMEM((BPW + 8,), jnp.float32),
            pltpu.SemaphoreType.DMA,
        ],
    )(_sc_body)
    return f(user_id, pos_items, neg_flat, user_table, item_table)


def kernel(user_id, pos_items, neg_items, user_table, item_table):
    user_id = user_id.astype(jnp.int32)
    pos_items = pos_items.astype(jnp.int32)
    neg_flat = neg_items.astype(jnp.int32).reshape(B * N_NEG // GW, GW)
    pos_score, neg_score = _mf_scores(user_id, pos_items, neg_flat,
                                      user_table, item_table)
    return pos_score, neg_score

# --- scband reference (transcript-rebuilt; emitter-appended) ---
"""Pipeline reference for scband-mfmodel-25082609008869 (READ-ONLY COPY).

The authoritative reference and input builder live on the scoring server;
editing this copy changes nothing except your own understanding.
"""

import jax, jax.numpy as jnp
import numpy as np

USER_NUM = 1000000
ITEM_NUM = 1000000 + 1  # module adds 1 for padding row
EMB_DIM = 64
BATCH = 16384
N_NEG = 200


def setup_inputs(seed: int = 0) -> dict:
    key = jax.random.key(seed)
    k1, k2, k3, k4, k5 = jax.random.split(key, 5)
    user_id = jax.random.randint(k1, (BATCH,), 0, USER_NUM, dtype=jnp.int64 if jax.config.jax_enable_x64 else jnp.int32)
    pos_items = jax.random.randint(k2, (BATCH,), 0, ITEM_NUM, dtype=jnp.int64 if jax.config.jax_enable_x64 else jnp.int32)
    neg_items = jax.random.randint(k3, (BATCH, N_NEG), 0, ITEM_NUM, dtype=jnp.int64 if jax.config.jax_enable_x64 else jnp.int32)
    # learned parameters (nn.Embedding weights)
    user_table = jax.random.normal(k4, (USER_NUM, EMB_DIM), dtype=jnp.float32)
    item_table = jax.random.normal(k5, (ITEM_NUM, EMB_DIM), dtype=jnp.float32)
    return {
        "user_id": user_id,
        "pos_items": pos_items,
        "neg_items": neg_items,
        "user_table": user_table,
        "item_table": item_table,
    }


def reference(user_id, pos_items, neg_items, user_table, item_table):
    # construct_query: user embedding lookup
    query = jnp.take(user_table, user_id, axis=0)            # [B, d]
    # item embedding lookups
    pos_items_emb = jnp.take(item_table, pos_items, axis=0)  # [B, d]
    neg_items_emb = jnp.take(item_table, neg_items, axis=0)  # [B, n_neg, d]
    # scorer(query, pos_items_emb): same batch, same dim -> dot product
    pos_score = jnp.sum(query * pos_items_emb, axis=-1)      # [B]
    # scorer(query, neg_items_emb): query.dim < items.dim -> bmm(items, query[...,None])
    neg_score = jnp.einsum("bnd,bd->bn", neg_items_emb, query)  # [B, n_neg]
    return (pos_score, neg_score)

if __name__ == "__main__":
    import jax
    _d = setup_inputs()
    print(jax.jit(kernel)(*tuple(_d.values())))

</pallas_src>

<mosaic_0001>
#map = affine_map<(d0, d1) -> (0)>
#map1 = affine_map<(d0, d1) -> (0, 0)>
module attributes {stable_mosaic.version = 14 : i64} {
  func.func @_sc_body(%arg0: i32, %arg1: i32, %arg2: memref<16384xi32, #tpu.memory_space<hbm>>, %arg3: memref<16384xi32, #tpu.memory_space<hbm>>, %arg4: memref<32768x100xi32, #tpu.memory_space<hbm>>, %arg5: memref<1000000x64xf32, #tpu.memory_space<hbm>>, %arg6: memref<1000001x64xf32, #tpu.memory_space<hbm>>, %arg7: memref<16384xf32, #tpu.memory_space<hbm>>, %arg8: memref<16384x200xf32, #tpu.memory_space<hbm>>, %arg9: memref<16x100xi32, #tpu.memory_space<vmem>>, %arg10: memref<8xi32, #tpu.memory_space<vmem>>, %arg11: memref<8xi32, #tpu.memory_space<vmem>>, %arg12: memref<8x64xf32, #tpu.memory_space<vmem>>, %arg13: memref<8x64xf32, #tpu.memory_space<vmem>>, %arg14: memref<1600x64xf32, #tpu.memory_space<vmem>>, %arg15: memref<1664xf32, #tpu.memory_space<vmem>>, %arg16: memref<520xf32, #tpu.memory_space<vmem>>, %arg17: memref<!tpu.dma_semaphore, #tpu.memory_space<semaphore_mem>>) attributes {dimension_semantics = [#tpu.dimension_semantics<core_parallel>, #tpu.dimension_semantics<subcore_parallel>], iteration_bounds = array<i64: 2, 16>, scalar_prefetch = 0 : i64, scratch_operands = 9 : i64, tpu.core_type = #tpu.core_type<sc_vector_subcore>, window_params = [{transform_indices = #map}, {transform_indices = #map}, {transform_indices = #map1}, {transform_indices = #map1}, {transform_indices = #map1}, {transform_indices = #map}, {transform_indices = #map1}]} {
    %mul3A = arith.constant 2 : i32
    %mul3A_0 = arith.muli %arg1, %mul3A : i32
    %add3A = arith.addi %mul3A_0, %arg0 : i32
    %mul3A_1 = arith.constant 512 : i32
    %mul3A_2 = arith.muli %add3A, %mul3A_1 : i32
    %multiple_of3A = tpu.assume_multiple %mul3A_2, 512 : i32
    %iota3A = tpu.iota {dimensions = array<i32: 0>} : vector<16xi32>
    %lt3A = arith.constant 8 : i32
    %lt3A_3 = vector.broadcast %lt3A : i32 to vector<16xi32>
    %lt3A_4 = arith.cmpi slt, %iota3A, %lt3A_3 : vector<16xi32>
    %scan3A = arith.constant 0 : i32
    %scan3A_5 = arith.constant 0 : i32
    %scan3A_6 = arith.constant 64 : i32
    %scan3A_7 = arith.addi %scan3A_5, %scan3A_6 : i32
    %scan3A_8 = arith.constant 1 : i32
    %scan3A_9 = scf.for %scan3A_11 = %scan3A_5 to %scan3A_7 step %scan3A_8 iter_args(%scan3A_12 = %scan3A) -> (i32)  : i32 {
      %mul3A_13 = arith.constant 8 : i32
      %mul3A_14 = arith.muli %scan3A_11, %mul3A_13 : i32
      %add3A_15 = arith.addi %multiple_of3A, %mul3A_14 : i32
      %multiple_of3A_16 = tpu.assume_multiple %add3A_15, 8 : i32
      "tpu.region"() ({
        %run_scoped3A = tpu.sem_alloc : memref<!tpu.dma_semaphore, #tpu.memory_space<semaphore_mem>>
        %dma_start3A_806 = tpu.memref_slice %arg2[%multiple_of3A_16] : memref<16384xi32, #tpu.memory_space<hbm>> -> memref<8xi32, #tpu.memory_space<hbm>>
        %dma_start3A_807 = tpu.memref_slice %arg2[%multiple_of3A_16] : memref<16384xi32, #tpu.memory_space<hbm>> -> memref<8xi32, #tpu.memory_space<hbm>>
        tpu.enqueue_dma source(%dma_start3A_807 : memref<8xi32, #tpu.memory_space<hbm>>) target(%arg10 : memref<8xi32, #tpu.memory_space<vmem>>) target_semaphore(%run_scoped3A : memref<!tpu.dma_semaphore, #tpu.memory_space<semaphore_mem>>)
        %dma_wait3A_808 = tpu.memref_slice %arg2[%multiple_of3A_16] : memref<16384xi32, #tpu.memory_space<hbm>> -> memref<8xi32, #tpu.memory_space<hbm>>
        %dma_wait3A_809 = tpu.memref_slice %arg2[%multiple_of3A_16] : memref<16384xi32, #tpu.memory_space<hbm>> -> memref<8xi32, #tpu.memory_space<hbm>>
        tpu.wait_dma2 semaphore(%run_scoped3A : memref<!tpu.dma_semaphore, #tpu.memory_space<semaphore_mem>>) src(%dma_wait3A_809 : memref<8xi32, #tpu.memory_space<hbm>>) dst(%arg10 : memref<8xi32, #tpu.memory_space<vmem>>)
        tpu.yield
      }) : () -> ()
      "tpu.region"() ({
        %run_scoped3A = tpu.sem_alloc : memref<!tpu.dma_semaphore, #tpu.memory_space<semaphore_mem>>
        %dma_start3A_806 = tpu.memref_slice %arg3[%multiple_of3A_16] : memref<16384xi32, #tpu.memory_space<hbm>> -> memref<8xi32, #tpu.memory_space<hbm>>
        %dma_start3A_807 = tpu.memref_slice %arg3[%multiple_of3A_16] : memref<16384xi32, #tpu.memory_space<hbm>> -> memref<8xi32, #tpu.memory_space<hbm>>
        tpu.enqueue_dma source(%dma_start3A_807 : memref<8xi32, #tpu.memory_space<hbm>>) target(%arg11 : memref<8xi32, #tpu.memory_space<vmem>>) target_semaphore(%run_scoped3A : memref<!tpu.dma_semaphore, #tpu.memory_space<semaphore_mem>>)
        %dma_wait3A_808 = tpu.memref_slice %arg3[%multiple_of3A_16] : memref<16384xi32, #tpu.memory_space<hbm>> -> memref<8xi32, #tpu.memory_space<hbm>>
        %dma_wait3A_809 = tpu.memref_slice %arg3[%multiple_of3A_16] : memref<16384xi32, #tpu.memory_space<hbm>> -> memref<8xi32, #tpu.memory_space<hbm>>
        tpu.wait_dma2 semaphore(%run_scoped3A : memref<!tpu.dma_semaphore, #tpu.memory_space<semaphore_mem>>) src(%dma_wait3A_809 : memref<8xi32, #tpu.memory_space<hbm>>) dst(%arg11 : memref<8xi32, #tpu.memory_space<vmem>>)
        tpu.yield
      }) : () -> ()
      %mul3A_17 = arith.constant 2 : i32
      %mul3A_18 = arith.muli %multiple_of3A_16, %mul3A_17 : i32
      "tpu.region"() ({
        %run_scoped3A = tpu.sem_alloc : memref<!tpu.dma_semaphore, #tpu.memory_space<semaphore_mem>>
        %dma_start3A_806 = arith.constant 0 : i32
        %dma_start3A_807 = tpu.memref_slice %arg4[%mul3A_18, %dma_start3A_806] : memref<32768x100xi32, #tpu.memory_space<hbm>> -> memref<16x100xi32, #tpu.memory_space<hbm>>
        %dma_start3A_808 = arith.constant 0 : i32
        %dma_start3A_809 = tpu.memref_slice %arg4[%mul3A_18, %dma_start3A_808] : memref<32768x100xi32, #tpu.memory_space<hbm>> -> memref<16x100xi32, #tpu.memory_space<hbm>>
        tpu.enqueue_dma source(%dma_start3A_809 : memref<16x100xi32, #tpu.memory_space<hbm>>) target(%arg9 : memref<16x100xi32, #tpu.memory_space<vmem>>) target_semaphore(%run_scoped3A : memref<!tpu.dma_semaphore, #tpu.memory_space<semaphore_mem>>)
        %dma_wait3A_810 = arith.constant 0 : i32
        %dma_wait3A_811 = tpu.memref_slice %arg4[%mul3A_18, %dma_wait3A_810] : memref<32768x100xi32, #tpu.memory_space<hbm>> -> memref<16x100xi32, #tpu.memory_space<hbm>>
        %dma_wait3A_812 = arith.constant 0 : i32
        %dma_wait3A_813 = tpu.memref_slice %arg4[%mul3A_18, %dma_wait3A_812] : memref<32768x100xi32, #tpu.memory_space<hbm>> -> memref<16x100xi32, #tpu.memory_space<hbm>>
        tpu.wait_dma2 semaphore(%run_scoped3A : memref<!tpu.dma_semaphore, #tpu.memory_space<semaphore_mem>>) src(%dma_wait3A_813 : memref<16x100xi32, #tpu.memory_space<hbm>>) dst(%arg9 : memref<16x100xi32, #tpu.memory_space<vmem>>)
        tpu.yield
      }) : () -> ()
      %dma_start3A = arith.constant 0 : i32
      %dma_start3A_19 = arith.constant 0 : i32
      %dma_start3A_20 = tpu.memref_slice %arg5[%dma_start3A, %dma_start3A_19] : memref<1000000x64xf32, #tpu.memory_space<hbm>> -> memref<1000000x64xf32, #tpu.memory_space<hbm>>
      tpu.enqueue_indirect_dma source(%dma_start3A_20 : memref<1000000x64xf32, #tpu.memory_space<hbm>>) target(%arg12 : memref<8x64xf32, #tpu.memory_space<vmem>>) offsets(%arg10 : memref<8xi32, #tpu.memory_space<vmem>>) semaphore(%arg17 : memref<!tpu.dma_semaphore, #tpu.memory_space<semaphore_mem>>)
      %dma_start3A_21 = arith.constant 0 : i32
      %dma_start3A_22 = arith.constant 0 : i32
      %dma_start3A_23 = tpu.memref_slice %arg6[%dma_start3A_21, %dma_start3A_22] : memref<1000001x64xf32, #tpu.memory_space<hbm>> -> memref<1000001x64xf32, #tpu.memory_space<hbm>>
      tpu.enqueue_indirect_dma source(%dma_start3A_23 : memref<1000001x64xf32, #tpu.memory_space<hbm>>) target(%arg13 : memref<8x64xf32, #tpu.memory_space<vmem>>) offsets(%arg11 : memref<8xi32, #tpu.memory_space<vmem>>) semaphore(%arg17 : memref<!tpu.dma_semaphore, #tpu.memory_space<semaphore_mem>>)
      %dma_start3A_24 = arith.constant 0 : i32
      %dma_start3A_25 = arith.constant 0 : i32
      %dma_start3A_26 = arith.constant 0 : i32
      %dma_start3A_27 = tpu.memref_slice %arg14[%dma_start3A_25, %dma_start3A_26] : memref<1600x64xf32, #tpu.memory_space<vmem>> -> memref<100x64xf32, #tpu.memory_space<vmem>>
      %dma_start3A_28 = arith.constant 0 : i32
      %dma_start3A_29 = tpu.memref_slice %arg9[%dma_start3A_24, %dma_start3A_28] : memref<16x100xi32, #tpu.memory_space<vmem>> -> memref<1x100xi32, #tpu.memory_space<vmem>>
      %dma_start3A_30 = tpu.memref_squeeze %dma_start3A_29 : memref<1x100xi32, #tpu.memory_space<vmem>> -> memref<100xi32, #tpu.memory_space<vmem>>
      %dma_start3A_31 = arith.constant 0 : i32
      %dma_start3A_32 = arith.constant 0 : i32
      %dma_start3A_33 = tpu.memref_slice %arg6[%dma_start3A_31, %dma_start3A_32] : memref<1000001x64xf32, #tpu.memory_space<hbm>> -> memref<1000001x64xf32, #tpu.memory_space<hbm>>
      tpu.enqueue_indirect_dma source(%dma_start3A_33 : memref<1000001x64xf32, #tpu.memory_space<hbm>>) target(%dma_start3A_27 : memref<100x64xf32, #tpu.memory_space<vmem>>) offsets(%dma_start3A_30 : memref<100xi32, #tpu.memory_space<vmem>>) semaphore(%arg17 : memref<!tpu.dma_semaphore, #tpu.memory_space<semaphore_mem>>)
      %dma_start3A_34 = arith.constant 1 : i32
      %dma_start3A_35 = arith.constant 100 : i32
      %dma_start3A_36 = arith.constant 0 : i32
      %dma_start3A_37 = tpu.memref_slice %arg14[%dma_start3A_35, %dma_start3A_36] : memref<1600x64xf32, #tpu.memory_space<vmem>> -> memref<100x64xf32, #tpu.memory_space<vmem>>
      %dma_start3A_38 = arith.constant 0 : i32
      %dma_start3A_39 = tpu.memref_slice %arg9[%dma_start3A_34, %dma_start3A_38] : memref<16x100xi32, #tpu.memory_space<vmem>> -> memref<1x100xi32, #tpu.memory_space<vmem>>
      %dma_start3A_40 = tpu.memref_squeeze %dma_start3A_39 : memref<1x100xi32, #tpu.memory_space<vmem>> -> memref<100xi32, #tpu.memory_space<vmem>>
      %dma_start3A_41 = arith.constant 0 : i32
      %dma_start3A_42 = arith.constant 0 : i32
      %dma_start3A_43 = tpu.memref_slice %arg6[%dma_start3A_41, %dma_start3A_42] : memref<1000001x64xf32, #tpu.memory_space<hbm>> -> memref<1000001x64xf32, #tpu.memory_space<hbm>>
      tpu.enqueue_indirect_dma source(%dma_start3A_43 : memref<1000001x64xf32, #tpu.memory_space<hbm>>) target(%dma_start3A_37 : memref<100x64xf32, #tpu.memory_space<vmem>>) offsets(%dma_start3A_40 : memref<100xi32, #tpu.memory_space<vmem>>) semaphore(%arg17 : memref<!tpu.dma_semaphore, #tpu.memory_space<semaphore_mem>>)
      %dma_start3A_44 = arith.constant 2 : i32
      %dma_start3A_45 = arith.constant 200 : i32
      %dma_start3A_46 = arith.constant 0 : i32
      %dma_start3A_47 = tpu.memref_slice %arg14[%dma_start3A_45, %dma_start3A_46] : memref<1600x64xf32, #tpu.memory_space<vmem>> -> memref<100x64xf32, #tpu.memory_space<vmem>>
      %dma_start3A_48 = arith.constant 0 : i32
      %dma_start3A_49 = tpu.memref_slice %arg9[%dma_start3A_44, %dma_start3A_48] : memref<16x100xi32, #tpu.memory_space<vmem>> -> memref<1x100xi32, #tpu.memory_space<vmem>>
      %dma_start3A_50 = tpu.memref_squeeze %dma_start3A_49 : memref<1x100xi32, #tpu.memory_space<vmem>> -> memref<100xi32, #tpu.memory_space<vmem>>
      %dma_start3A_51 = arith.constant 0 : i32
      %dma_start3A_52 = arith.constant 0 : i32
      %dma_start3A_53 = tpu.memref_slice %arg6[%dma_start3A_51, %dma_start3A_52] : memref<1000001x64xf32, #tpu.memory_space<hbm>> -> memref<1000001x64xf32, #tpu.memory_space<hbm>>
      tpu.enqueue_indirect_dma source(%dma_start3A_53 : memref<1000001x64xf32, #tpu.memory_space<hbm>>) target(%dma_start3A_47 : memref<100x64xf32, #tpu.memory_space<vmem>>) offsets(%dma_start3A_50 : memref<100xi32, #tpu.memory_space<vmem>>) semaphore(%arg17 : memref<!tpu.dma_semaphore, #tpu.memory_space<semaphore_mem>>)
      %dma_start3A_54 = arith.constant 3 : i32
      %dma_start3A_55 = arith.constant 300 : i32
      %dma_start3A_56 = arith.constant 0 : i32
      %dma_start3A_57 = tpu.memref_slice %arg14[%dma_start3A_55, %dma_start3A_56] : memref<1600x64xf32, #tpu.memory_space<vmem>> -> memref<100x64xf32, #tpu.memory_space<vmem>>
      %dma_start3A_58 = arith.constant 0 : i32
      %dma_start3A_59 = tpu.memref_slice %arg9[%dma_start3A_54, %dma_start3A_58] : memref<16x100xi32, #tpu.memory_space<vmem>> -> memref<1x100xi32, #tpu.memory_space<vmem>>
      %dma_start3A_60 = tpu.memref_squeeze %dma_start3A_59 : memref<1x100xi32, #tpu.memory_space<vmem>> -> memref<100xi32, #tpu.memory_space<vmem>>
      %dma_start3A_61 = arith.constant 0 : i32
      %dma_start3A_62 = arith.constant 0 : i32
      %dma_start3A_63 = tpu.memref_slice %arg6[%dma_start3A_61, %dma_start3A_62] : memref<1000001x64xf32, #tpu.memory_space<hbm>> -> memref<1000001x64xf32, #tpu.memory_space<hbm>>
      tpu.enqueue_indirect_dma source(%dma_start3A_63 : memref<1000001x64xf32, #tpu.memory_space<hbm>>) target(%dma_start3A_57 : memref<100x64xf32, #tpu.memory_space<vmem>>) offsets(%dma_start3A_60 : memref<100xi32, #tpu.memory_space<vmem>>) semaphore(%arg17 : memref<!tpu.dma_semaphore, #tpu.memory_space<semaphore_mem>>)
      %dma_start3A_64 = arith.constant 4 : i32
      %dma_start3A_65 = arith.constant 400 : i32
      %dma_start3A_66 = arith.constant 0 : i32
      %dma_start3A_67 = tpu.memref_slice %arg14[%dma_start3A_65, %dma_start3A_66] : memref<1600x64xf32, #tpu.memory_space<vmem>> -> memref<100x64xf32, #tpu.memory_space<vmem>>
      %dma_start3A_68 = arith.constant 0 : i32
      %dma_start3A_69 = tpu.memref_slice %arg9[%dma_start3A_64, %dma_start3A_68] : memref<16x100xi32, #tpu.memory_space<vmem>> -> memref<1x100xi32, #tpu.memory_space<vmem>>
      %dma_start3A_70 = tpu.memref_squeeze %dma_start3A_69 : memref<1x100xi32, #tpu.memory_space<vmem>> -> memref<100xi32, #tpu.memory_space<vmem>>
      %dma_start3A_71 = arith.constant 0 : i32
      %dma_start3A_72 = arith.constant 0 : i32
      %dma_start3A_73 = tpu.memref_slice %arg6[%dma_start3A_71, %dma_start3A_72] : memref<1000001x64xf32, #tpu.memory_space<hbm>> -> memref<1000001x64xf32, #tpu.memory_space<hbm>>
      tpu.enqueue_indirect_dma source(%dma_start3A_73 : memref<1000001x64xf32, #tpu.memory_space<hbm>>) target(%dma_start3A_67 : memref<100x64xf32, #tpu.memory_space<vmem>>) offsets(%dma_start3A_70 : memref<100xi32, #tpu.memory_space<vmem>>) semaphore(%arg17 : memref<!tpu.dma_semaphore, #tpu.memory_space<semaphore_mem>>)
      %dma_start3A_74 = arith.constant 5 : i32
      %dma_start3A_75 = arith.constant 500 : i32
      %dma_start3A_76 = arith.constant 0 : i32
      %dma_start3A_77 = tpu.memref_slice %arg14[%dma_start3A_75, %dma_start3A_76] : memref<1600x64xf32, #tpu.memory_space<vmem>> -> memref<100x64xf32, #tpu.memory_space<vmem>>
      %dma_start3A_78 = arith.constant 0 : i32
      %dma_start3A_79 = tpu.memref_slice %arg9[%dma_start3A_74, %dma_start3A_78] : memref<16x100xi32, #tpu.memory_space<vmem>> -> memref<1x100xi32, #tpu.memory_space<vmem>>
      %dma_start3A_80 = tpu.memref_squeeze %dma_start3A_79 : memref<1x100xi32, #tpu.memory_space<vmem>> -> memref<100xi32, #tpu.memory_space<vmem>>
      %dma_start3A_81 = arith.constant 0 : i32
      %dma_start3A_82 = arith.constant 0 : i32
      %dma_start3A_83 = tpu.memref_slice %arg6[%dma_start3A_81, %dma_start3A_82] : memref<1000001x64xf32, #tpu.memory_space<hbm>> -> memref<1000001x64xf32, #tpu.memory_space<hbm>>
      tpu.enqueue_indirect_dma source(%dma_start3A_83 : memref<1000001x64xf32, #tpu.memory_space<hbm>>) target(%dma_start3A_77 : memref<100x64xf32, #tpu.memory_space<vmem>>) offsets(%dma_start3A_80 : memref<100xi32, #tpu.memory_space<vmem>>) semaphore(%arg17 : memref<!tpu.dma_semaphore, #tpu.memory_space<semaphore_mem>>)
      %dma_start3A_84 = arith.constant 6 : i32
      %dma_start3A_85 = arith.constant 600 : i32
      %dma_start3A_86 = arith.constant 0 : i32
      %dma_start3A_87 = tpu.memref_slice %arg14[%dma_start3A_85, %dma_start3A_86] : memref<1600x64xf32, #tpu.memory_space<vmem>> -> memref<100x64xf32, #tpu.memory_space<vmem>>
      %dma_start3A_88 = arith.constant 0 : i32
      %dma_start3A_89 = tpu.memref_slice %arg9[%dma_start3A_84, %dma_start3A_88] : memref<16x100xi32, #tpu.memory_space<vmem>> -> memref<1x100xi32, #tpu.memory_space<vmem>>
      %dma_start3A_90 = tpu.memref_squeeze %dma_start3A_89 : memref<1x100xi32, #tpu.memory_space<vmem>> -> memref<100xi32, #tpu.memory_space<vmem>>
      %dma_start3A_91 = arith.constant 0 : i32
      %dma_start3A_92 = arith.constant 0 : i32
      %dma_start3A_93 = tpu.memref_slice %arg6[%dma_start3A_91, %dma_start3A_92] : memref<1000001x64xf32, #tpu.memory_space<hbm>> -> memref<1000001x64xf32, #tpu.memory_space<hbm>>
      tpu.enqueue_indirect_dma source(%dma_start3A_93 : memref<1000001x64xf32, #tpu.memory_space<hbm>>) target(%dma_start3A_87 : memref<100x64xf32, #tpu.memory_space<vmem>>) offsets(%dma_start3A_90 : memref<100xi32, #tpu.memory_space<vmem>>) semaphore(%arg17 : memref<!tpu.dma_semaphore, #tpu.memory_space<semaphore_mem>>)
      %dma_start3A_94 = arith.constant 7 : i32
      %dma_start3A_95 = arith.constant 700 : i32
      %dma_start3A_96 = arith.constant 0 : i32
      %dma_start3A_97 = tpu.memref_slice %arg14[%dma_start3A_95, %dma_start3A_96] : memref<1600x64xf32, #tpu.memory_space<vmem>> -> memref<100x64xf32, #tpu.memory_space<vmem>>
      %dma_start3A_98 = arith.constant 0 : i32
      %dma_start3A_99 = tpu.memref_slice %arg9[%dma_start3A_94, %dma_start3A_98] : memref<16x100xi32, #tpu.memory_space<vmem>> -> memref<1x100xi32, #tpu.memory_space<vmem>>
      %dma_start3A_100 = tpu.memref_squeeze %dma_start3A_99 : memref<1x100xi32, #tpu.memory_space<vmem>> -> memref<100xi32, #tpu.memory_space<vmem>>
      %dma_start3A_101 = arith.constant 0 : i32
      %dma_start3A_102 = arith.constant 0 : i32
      %dma_start3A_103 = tpu.memref_slice %arg6[%dma_start3A_101, %dma_start3A_102] : memref<1000001x64xf32, #tpu.memory_space<hbm>> -> memref<1000001x64xf32, #tpu.memory_space<hbm>>
      tpu.enqueue_indirect_dma source(%dma_start3A_103 : memref<1000001x64xf32, #tpu.memory_space<hbm>>) target(%dma_start3A_97 : memref<100x64xf32, #tpu.memory_space<vmem>>) offsets(%dma_start3A_100 : memref<100xi32, #tpu.memory_space<vmem>>) semaphore(%arg17 : memref<!tpu.dma_semaphore, #tpu.memory_space<semaphore_mem>>)
      %dma_start3A_104 = arith.constant 8 : i32
      %dma_start3A_105 = arith.constant 800 : i32
      %dma_start3A_106 = arith.constant 0 : i32
      %dma_start3A_107 = tpu.memref_slice %arg14[%dma_start3A_105, %dma_start3A_106] : memref<1600x64xf32, #tpu.memory_space<vmem>> -> memref<100x64xf32, #tpu.memory_space<vmem>>
      %dma_start3A_108 = arith.constant 0 : i32
      %dma_start3A_109 = tpu.memref_slice %arg9[%dma_start3A_104, %dma_start3A_108] : memref<16x100xi32, #tpu.memory_space<vmem>> -> memref<1x100xi32, #tpu.memory_space<vmem>>
      %dma_start3A_110 = tpu.memref_squeeze %dma_start3A_109 : memref<1x100xi32, #tpu.memory_space<vmem>> -> memref<100xi32, #tpu.memory_space<vmem>>
      %dma_start3A_111 = arith.constant 0 : i32
      %dma_start3A_112 = arith.constant 0 : i32
      %dma_start3A_113 = tpu.memref_slice %arg6[%dma_start3A_111, %dma_start3A_112] : memref<1000001x64xf32, #tpu.memory_space<hbm>> -> memref<1000001x64xf32, #tpu.memory_space<hbm>>
      tpu.enqueue_indirect_dma source(%dma_start3A_113 : memref<1000001x64xf32, #tpu.memory_space<hbm>>) target(%dma_start3A_107 : memref<100x64xf32, #tpu.memory_space<vmem>>) offsets(%dma_start3A_110 : memref<100xi32, #tpu.memory_space<vmem>>) semaphore(%arg17 : memref<!tpu.dma_semaphore, #tpu.memory_space<semaphore_mem>>)
      %dma_start3A_114 = arith.constant 9 : i32
      %dma_start3A_115 = arith.constant 900 : i32
      %dma_start3A_116 = arith.constant 0 : i32
      %dma_start3A_117 = tpu.memref_slice %arg14[%dma_start3A_115, %dma_start3A_116] : memref<1600x64xf32, #tpu.memory_space<vmem>> -> memref<100x64xf32, #tpu.memory_space<vmem>>
      %dma_start3A_118 = arith.constant 0 : i32
      %dma_start3A_119 = tpu.memref_slice %arg9[%dma_start3A_114, %dma_start3A_118] : memref<16x100xi32, #tpu.memory_space<vmem>> -> memref<1x100xi32, #tpu.memory_space<vmem>>
      %dma_start3A_120 = tpu.memref_squeeze %dma_start3A_119 : memref<1x100xi32, #tpu.memory_space<vmem>> -> memref<100xi32, #tpu.memory_space<vmem>>
      %dma_start3A_121 = arith.constant 0 : i32
      %dma_start3A_122 = arith.constant 0 : i32
      %dma_start3A_123 = tpu.memref_slice %arg6[%dma_start3A_121, %dma_start3A_122] : memref<1000001x64xf32, #tpu.memory_space<hbm>> -> memref<1000001x64xf32, #tpu.memory_space<hbm>>
      tpu.enqueue_indirect_dma source(%dma_start3A_123 : memref<1000001x64xf32, #tpu.memory_space<hbm>>) target(%dma_start3A_117 : memref<100x64xf32, #tpu.memory_space<vmem>>) offsets(%dma_start3A_120 : memref<100xi32, #tpu.memory_space<vmem>>) semaphore(%arg17 : memref<!tpu.dma_semaphore, #tpu.memory_space<semaphore_mem>>)
      %dma_start3A_124 = arith.constant 10 : i32
      %dma_start3A_125 = arith.constant 1000 : i32
      %dma_start3A_126 = arith.constant 0 : i32
      %dma_start3A_127 = tpu.memref_slice %arg14[%dma_start3A_125, %dma_start3A_126] : memref<1600x64xf32, #tpu.memory_space<vmem>> -> memref<100x64xf32, #tpu.memory_space<vmem>>
      %dma_start3A_128 = arith.constant 0 : i32
      %dma_start3A_129 = tpu.memref_slice %arg9[%dma_start3A_124, %dma_start3A_128] : memref<16x100xi32, #tpu.memory_space<vmem>> -> memref<1x100xi32, #tpu.memory_space<vmem>>
      %dma_start3A_130 = tpu.memref_squeeze %dma_start3A_129 : memref<1x100xi32, #tpu.memory_space<vmem>> -> memref<100xi32, #tpu.memory_space<vmem>>
      %dma_start3A_131 = arith.constant 0 : i32
      %dma_start3A_132 = arith.constant 0 : i32
      %dma_start3A_133 = tpu.memref_slice %arg6[%dma_start3A_131, %dma_start3A_132] : memref<1000001x64xf32, #tpu.memory_space<hbm>> -> memref<1000001x64xf32, #tpu.memory_space<hbm>>
      tpu.enqueue_indirect_dma source(%dma_start3A_133 : memref<1000001x64xf32, #tpu.memory_space<hbm>>) target(%dma_start3A_127 : memref<100x64xf32, #tpu.memory_space<vmem>>) offsets(%dma_start3A_130 : memref<100xi32, #tpu.memory_space<vmem>>) semaphore(%arg17 : memref<!tpu.dma_semaphore, #tpu.memory_space<semaphore_mem>>)
      %dma_start3A_134 = arith.constant 11 : i32
      %dma_start3A_135 = arith.constant 1100 : i32
      %dma_start3A_136 = arith.constant 0 : i32
      %dma_start3A_137 = tpu.memref_slice %arg14[%dma_start3A_135, %dma_start3A_136] : memref<1600x64xf32, #tpu.memory_space<vmem>> -> memref<100x64xf32, #tpu.memory_space<vmem>>
      %dma_start3A_138 = arith.constant 0 : i32
      %dma_start3A_139 = tpu.memref_slice %arg9[%dma_start3A_134, %dma_start3A_138] : memref<16x100xi32, #tpu.memory_space<vmem>> -> memref<1x100xi32, #tpu.memory_space<vmem>>
      %dma_start3A_140 = tpu.memref_squeeze %dma_start3A_139 : memref<1x100xi32, #tpu.memory_space<vmem>> -> memref<100xi32, #tpu.memory_space<vmem>>
      %dma_start3A_141 = arith.constant 0 : i32
      %dma_start3A_142 = arith.constant 0 : i32
      %dma_start3A_143 = tpu.memref_slice %arg6[%dma_start3A_141, %dma_start3A_142] : memref<1000001x64xf32, #tpu.memory_space<hbm>> -> memref<1000001x64xf32, #tpu.memory_space<hbm>>
      tpu.enqueue_indirect_dma source(%dma_start3A_143 : memref<1000001x64xf32, #tpu.memory_space<hbm>>) target(%dma_start3A_137 : memref<100x64xf32, #tpu.memory_space<vmem>>) offsets(%dma_start3A_140 : memref<100xi32, #tpu.memory_space<vmem>>) semaphore(%arg17 : memref<!tpu.dma_semaphore, #tpu.memory_space<semaphore_mem>>)
      %dma_start3A_144 = arith.constant 12 : i32
      %dma_start3A_145 = arith.constant 1200 : i32
      %dma_start3A_146 = arith.constant 0 : i32
      %dma_start3A_147 = tpu.memref_slice %arg14[%dma_start3A_145, %dma_start3A_146] : memref<1600x64xf32, #tpu.memory_space<vmem>> -> memref<100x64xf32, #tpu.memory_space<vmem>>
      %dma_start3A_148 = arith.constant 0 : i32
      %dma_start3A_149 = tpu.memref_slice %arg9[%dma_start3A_144, %dma_start3A_148] : memref<16x100xi32, #tpu.memory_space<vmem>> -> memref<1x100xi32, #tpu.memory_space<vmem>>
      %dma_start3A_150 = tpu.memref_squeeze %dma_start3A_149 : memref<1x100xi32, #tpu.memory_space<vmem>> -> memref<100xi32, #tpu.memory_space<vmem>>
      %dma_start3A_151 = arith.constant 0 : i32
      %dma_start3A_152 = arith.constant 0 : i32
      %dma_start3A_153 = tpu.memref_slice %arg6[%dma_start3A_151, %dma_start3A_152] : memref<1000001x64xf32, #tpu.memory_space<hbm>> -> memref<1000001x64xf32, #tpu.memory_space<hbm>>
      tpu.enqueue_indirect_dma source(%dma_start3A_153 : memref<1000001x64xf32, #tpu.memory_space<hbm>>) target(%dma_start3A_147 : memref<100x64xf32, #tpu.memory_space<vmem>>) offsets(%dma_start3A_150 : memref<100xi32, #tpu.memory_space<vmem>>) semaphore(%arg17 : memref<!tpu.dma_semaphore, #tpu.memory_space<semaphore_mem>>)
      %dma_start3A_154 = arith.constant 13 : i32
      %dma_start3A_155 = arith.constant 1300 : i32
      %dma_start3A_156 = arith.constant 0 : i32
      %dma_start3A_157 = tpu.memref_slice %arg14[%dma_start3A_155, %dma_start3A_156] : memref<1600x64xf32, #tpu.memory_space<vmem>> -> memref<100x64xf32, #tpu.memory_space<vmem>>
      %dma_start3A_158 = arith.constant 0 : i32
      %dma_start3A_159 = tpu.memref_slice %arg9[%dma_start3A_154, %dma_start3A_158] : memref<16x100xi32, #tpu.memory_space<vmem>> -> memref<1x100xi32, #tpu.memory_space<vmem>>
      %dma_start3A_160 = tpu.memref_squeeze %dma_start3A_159 : memref<1x100xi32, #tpu.memory_space<vmem>> -> memref<100xi32, #tpu.memory_space<vmem>>
      %dma_start3A_161 = arith.constant 0 : i32
      %dma_start3A_162 = arith.constant 0 : i32
      %dma_start3A_163 = tpu.memref_slice %arg6[%dma_start3A_161, %dma_start3A_162] : memref<1000001x64xf32, #tpu.memory_space<hbm>> -> memref<1000001x64xf32, #tpu.memory_space<hbm>>
      tpu.enqueue_indirect_dma source(%dma_start3A_163 : memref<1000001x64xf32, #tpu.memory_space<hbm>>) target(%dma_start3A_157 : memref<100x64xf32, #tpu.memory_space<vmem>>) offsets(%dma_start3A_160 : memref<100xi32, #tpu.memory_space<vmem>>) semaphore(%arg17 : memref<!tpu.dma_semaphore, #tpu.memory_space<semaphore_mem>>)
      %dma_start3A_164 = arith.constant 14 : i32
      %dma_start3A_165 = arith.constant 1400 : i32
      %dma_start3A_166 = arith.constant 0 : i32
      %dma_start3A_167 = tpu.memref_slice %arg14[%dma_start3A_165, %dma_start3A_166] : memref<1600x64xf32, #tpu.memory_space<vmem>> -> memref<100x64xf32, #tpu.memory_space<vmem>>
      %dma_start3A_168 = arith.constant 0 : i32
      %dma_start3A_169 = tpu.memref_slice %arg9[%dma_start3A_164, %dma_start3A_168] : memref<16x100xi32, #tpu.memory_space<vmem>> -> memref<1x100xi32, #tpu.memory_space<vmem>>
      %dma_start3A_170 = tpu.memref_squeeze %dma_start3A_169 : memref<1x100xi32, #tpu.memory_space<vmem>> -> memref<100xi32, #tpu.memory_space<vmem>>
      %dma_start3A_171 = arith.constant 0 : i32
      %dma_start3A_172 = arith.constant 0 : i32
      %dma_start3A_173 = tpu.memref_slice %arg6[%dma_start3A_171, %dma_start3A_172] : memref<1000001x64xf32, #tpu.memory_space<hbm>> -> memref<1000001x64xf32, #tpu.memory_space<hbm>>
      tpu.enqueue_indirect_dma source(%dma_start3A_173 : memref<1000001x64xf32, #tpu.memory_space<hbm>>) target(%dma_start3A_167 : memref<100x64xf32, #tpu.memory_space<vmem>>) offsets(%dma_start3A_170 : memref<100xi32, #tpu.memory_space<vmem>>) semaphore(%arg17 : memref<!tpu.dma_semaphore, #tpu.memory_space<semaphore_mem>>)
      %dma_start3A_174 = arith.constant 15 : i32
      %dma_start3A_175 = arith.constant 1500 : i32
      %dma_start3A_176 = arith.constant 0 : i32
      %dma_start3A_177 = tpu.memref_slice %arg14[%dma_start3A_175, %dma_start3A_176] : memref<1600x64xf32, #tpu.memory_space<vmem>> -> memref<100x64xf32, #tpu.memory_space<vmem>>
      %dma_start3A_178 = arith.constant 0 : i32
      %dma_start3A_179 = tpu.memref_slice %arg9[%dma_start3A_174, %dma_start3A_178] : memref<16x100xi32, #tpu.memory_space<vmem>> -> memref<1x100xi32, #tpu.memory_space<vmem>>
      %dma_start3A_180 = tpu.memref_squeeze %dma_start3A_179 : memref<1x100xi32, #tpu.memory_space<vmem>> -> memref<100xi32, #tpu.memory_space<vmem>>
      %dma_start3A_181 = arith.constant 0 : i32
      %dma_start3A_182 = arith.constant 0 : i32
      %dma_start3A_183 = tpu.memref_slice %arg6[%dma_start3A_181, %dma_start3A_182] : memref<1000001x64xf32, #tpu.memory_space<hbm>> -> memref<1000001x64xf32, #tpu.memory_space<hbm>>
      tpu.enqueue_indirect_dma source(%dma_start3A_183 : memref<1000001x64xf32, #tpu.memory_space<hbm>>) target(%dma_start3A_177 : memref<100x64xf32, #tpu.memory_space<vmem>>) offsets(%dma_start3A_180 : memref<100xi32, #tpu.memory_space<vmem>>) semaphore(%arg17 : memref<!tpu.dma_semaphore, #tpu.memory_space<semaphore_mem>>)
      %dma_wait3A = arith.constant 0 : i32
      %dma_wait3A_184 = arith.constant 0 : i32
      %dma_wait3A_185 = tpu.memref_slice %arg5[%dma_wait3A, %dma_wait3A_184] : memref<1000000x64xf32, #tpu.memory_space<hbm>> -> memref<1000000x64xf32, #tpu.memory_space<hbm>>
      tpu.wait_indirect_dma semaphore(%arg17 : memref<!tpu.dma_semaphore, #tpu.memory_space<semaphore_mem>>) src(%dma_wait3A_185 : memref<1000000x64xf32, #tpu.memory_space<hbm>>) dst(%arg12 : memref<8x64xf32, #tpu.memory_space<vmem>>)
      %dma_wait3A_186 = arith.constant 0 : i32
      %dma_wait3A_187 = arith.constant 0 : i32
      %dma_wait3A_188 = tpu.memref_slice %arg6[%dma_wait3A_186, %dma_wait3A_187] : memref<1000001x64xf32, #tpu.memory_space<hbm>> -> memref<1000001x64xf32, #tpu.memory_space<hbm>>
      tpu.wait_indirect_dma semaphore(%arg17 : memref<!tpu.dma_semaphore, #tpu.memory_space<semaphore_mem>>) src(%dma_wait3A_188 : memref<1000001x64xf32, #tpu.memory_space<hbm>>) dst(%arg13 : memref<8x64xf32, #tpu.memory_space<vmem>>)
      %dma_wait3A_189 = arith.constant 0 : i32
      %dma_wait3A_190 = arith.constant 0 : i32
      %dma_wait3A_191 = arith.constant 0 : i32
      %dma_wait3A_192 = tpu.memref_slice %arg14[%dma_wait3A_190, %dma_wait3A_191] : memref<1600x64xf32, #tpu.memory_space<vmem>> -> memref<100x64xf32, #tpu.memory_space<vmem>>
      %dma_wait3A_193 = arith.constant 0 : i32
      %dma_wait3A_194 = tpu.memref_slice %arg9[%dma_wait3A_189, %dma_wait3A_193] : memref<16x100xi32, #tpu.memory_space<vmem>> -> memref<1x100xi32, #tpu.memory_space<vmem>>
      %dma_wait3A_195 = tpu.memref_squeeze %dma_wait3A_194 : memref<1x100xi32, #tpu.memory_space<vmem>> -> memref<100xi32, #tpu.memory_space<vmem>>
      %dma_wait3A_196 = arith.constant 0 : i32
      %dma_wait3A_197 = arith.constant 0 : i32
      %dma_wait3A_198 = tpu.memref_slice %arg6[%dma_wait3A_196, %dma_wait3A_197] : memref<1000001x64xf32, #tpu.memory_space<hbm>> -> memref<1000001x64xf32, #tpu.memory_space<hbm>>
      tpu.wait_indirect_dma semaphore(%arg17 : memref<!tpu.dma_semaphore, #tpu.memory_space<semaphore_mem>>) src(%dma_wait3A_198 : memref<1000001x64xf32, #tpu.memory_space<hbm>>) dst(%dma_wait3A_192 : memref<100x64xf32, #tpu.memory_space<vmem>>)
      %dma_wait3A_199 = arith.constant 1 : i32
      %dma_wait3A_200 = arith.constant 100 : i32
      %dma_wait3A_201 = arith.constant 0 : i32
      %dma_wait3A_202 = tpu.memref_slice %arg14[%dma_wait3A_200, %dma_wait3A_201] : memref<1600x64xf32, #tpu.memory_space<vmem>> -> memref<100x64xf32, #tpu.memory_space<vmem>>
      %dma_wait3A_203 = arith.constant 0 : i32
      %dma_wait3A_204 = tpu.memref_slice %arg9[%dma_wait3A_199, %dma_wait3A_203] : memref<16x100xi32, #tpu.memory_space<vmem>> -> memref<1x100xi32, #tpu.memory_space<vmem>>
      %dma_wait3A_205 = tpu.memref_squeeze %dma_wait3A_204 : memref<1x100xi32, #tpu.memory_space<vmem>> -> memref<100xi32, #tpu.memory_space<vmem>>
      %dma_wait3A_206 = arith.constant 0 : i32
      %dma_wait3A_207 = arith.constant 0 : i32
      %dma_wait3A_208 = tpu.memref_slice %arg6[%dma_wait3A_206, %dma_wait3A_207] : memref<1000001x64xf32, #tpu.memory_space<hbm>> -> memref<1000001x64xf32, #tpu.memory_space<hbm>>
      tpu.wait_indirect_dma semaphore(%arg17 : memref<!tpu.dma_semaphore, #tpu.memory_space<semaphore_mem>>) src(%dma_wait3A_208 : memref<1000001x64xf32, #tpu.memory_space<hbm>>) dst(%dma_wait3A_202 : memref<100x64xf32, #tpu.memory_space<vmem>>)
      %dma_wait3A_209 = arith.constant 2 : i32
      %dma_wait3A_210 = arith.constant 200 : i32
      %dma_wait3A_211 = arith.constant 0 : i32
      %dma_wait3A_212 = tpu.memref_slice %arg14[%dma_wait3A_210, %dma_wait3A_211] : memref<1600x64xf32, #tpu.memory_space<vmem>> -> memref<100x64xf32, #tpu.memory_space<vmem>>
      %dma_wait3A_213 = arith.constant 0 : i32
      %dma_wait3A_214 = tpu.memref_slice %arg9[%dma_wait3A_209, %dma_wait3A_213] : memref<16x100xi32, #tpu.memory_space<vmem>> -> memref<1x100xi32, #tpu.memory_space<vmem>>
      %dma_wait3A_215 = tpu.memref_squeeze %dma_wait3A_214 : memref<1x100xi32, #tpu.memory_space<vmem>> -> memref<100xi32, #tpu.memory_space<vmem>>
      %dma_wait3A_216 = arith.constant 0 : i32
      %dma_wait3A_217 = arith.constant 0 : i32
      %dma_wait3A_218 = tpu.memref_slice %arg6[%dma_wait3A_216, %dma_wait3A_217] : memref<1000001x64xf32, #tpu.memory_space<hbm>> -> memref<1000001x64xf32, #tpu.memory_space<hbm>>
      tpu.wait_indirect_dma semaphore(%arg17 : memref<!tpu.dma_semaphore, #tpu.memory_space<semaphore_mem>>) src(%dma_wait3A_218 : memref<1000001x64xf32, #tpu.memory_space<hbm>>) dst(%dma_wait3A_212 : memref<100x64xf32, #tpu.memory_space<vmem>>)
      %dma_wait3A_219 = arith.constant 3 : i32
      %dma_wait3A_220 = arith.constant 300 : i32
      %dma_wait3A_221 = arith.constant 0 : i32
      %dma_wait3A_222 = tpu.memref_slice %arg14[%dma_wait3A_220, %dma_wait3A_221] : memref<1600x64xf32, #tpu.memory_space<vmem>> -> memref<100x64xf32, #tpu.memory_space<vmem>>
      %dma_wait3A_223 = arith.constant 0 : i32
      %dma_wait3A_224 = tpu.memref_slice %arg9[%dma_wait3A_219, %dma_wait3A_223] : memref<16x100xi32, #tpu.memory_space<vmem>> -> memref<1x100xi32, #tpu.memory_space<vmem>>
      %dma_wait3A_225 = tpu.memref_squeeze %dma_wait3A_224 : memref<1x100xi32, #tpu.memory_space<vmem>> -> memref<100xi32, #tpu.memory_space<vmem>>
      %dma_wait3A_226 = arith.constant 0 : i32
      %dma_wait3A_227 = arith.constant 0 : i32
      %dma_wait3A_228 = tpu.memref_slice %arg6[%dma_wait3A_226, %dma_wait3A_227] : memref<1000001x64xf32, #tpu.memory_space<hbm>> -> memref<1000001x64xf32, #tpu.memory_space<hbm>>
      tpu.wait_indirect_dma semaphore(%arg17 : memref<!tpu.dma_semaphore, #tpu.memory_space<semaphore_mem>>) src(%dma_wait3A_228 : memref<1000001x64xf32, #tpu.memory_space<hbm>>) dst(%dma_wait3A_222 : memref<100x64xf32, #tpu.memory_space<vmem>>)
      %dma_wait3A_229 = arith.constant 4 : i32
      %dma_wait3A_230 = arith.constant 400 : i32
      %dma_wait3A_231 = arith.constant 0 : i32
      %dma_wait3A_232 = tpu.memref_slice %arg14[%dma_wait3A_230, %dma_wait3A_231] : memref<1600x64xf32, #tpu.memory_space<vmem>> -> memref<100x64xf32, #tpu.memory_space<vmem>>
      %dma_wait3A_233 = arith.constant 0 : i32
      %dma_wait3A_234 = tpu.memref_slice %arg9[%dma_wait3A_229, %dma_wait3A_233] : memref<16x100xi32, #tpu.memory_space<vmem>> -> memref<1x100xi32, #tpu.memory_space<vmem>>
      %dma_wait3A_235 = tpu.memref_squeeze %dma_wait3A_234 : memref<1x100xi32, #tpu.memory_space<vmem>> -> memref<100xi32, #tpu.memory_space<vmem>>
      %dma_wait3A_236 = arith.constant 0 : i32
      %dma_wait3A_237 = arith.constant 0 : i32
      %dma_wait3A_238 = tpu.memref_slice %arg6[%dma_wait3A_236, %dma_wait3A_237] : memref<1000001x64xf32, #tpu.memory_space<hbm>> -> memref<1000001x64xf32, #tpu.memory_space<hbm>>
      tpu.wait_indirect_dma semaphore(%arg17 : memref<!tpu.dma_semaphore, #tpu.memory_space<semaphore_mem>>) src(%dma_wait3A_238 : memref<1000001x64xf32, #tpu.memory_space<hbm>>) dst(%dma_wait3A_232 : memref<100x64xf32, #tpu.memory_space<vmem>>)
      %dma_wait3A_239 = arith.constant 5 : i32
      %dma_wait3A_240 = arith.constant 500 : i32
      %dma_wait3A_241 = arith.constant 0 : i32
      %dma_wait3A_242 = tpu.memref_slice %arg14[%dma_wait3A_240, %dma_wait3A_241] : memref<1600x64xf32, #tpu.memory_space<vmem>> -> memref<100x64xf32, #tpu.memory_space<vmem>>
      %dma_wait3A_243 = arith.constant 0 : i32
      %dma_wait3A_244 = tpu.memref_slice %arg9[%dma_wait3A_239, %dma_wait3A_243] : memref<16x100xi32, #tpu.memory_space<vmem>> -> memref<1x100xi32, #tpu.memory_space<vmem>>
      %dma_wait3A_245 = tpu.memref_squeeze %dma_wait3A_244 : memref<1x100xi32, #tpu.memory_space<vmem>> -> memref<100xi32, #tpu.memory_space<vmem>>
      %dma_wait3A_246 = arith.constant 0 : i32
      %dma_wait3A_247 = arith.constant 0 : i32
      %dma_wait3A_248 = tpu.memref_slice %arg6[%dma_wait3A_246, %dma_wait3A_247] : memref<1000001x64xf32, #tpu.memory_space<hbm>> -> memref<1000001x64xf32, #tpu.memory_space<hbm>>
      tpu.wait_indirect_dma semaphore(%arg17 : memref<!tpu.dma_semaphore, #tpu.memory_space<semaphore_mem>>) src(%dma_wait3A_248 : memref<1000001x64xf32, #tpu.memory_space<hbm>>) dst(%dma_wait3A_242 : memref<100x64xf32, #tpu.memory_space<vmem>>)
      %dma_wait3A_249 = arith.constant 6 : i32
      %dma_wait3A_250 = arith.constant 600 : i32
      %dma_wait3A_251 = arith.constant 0 : i32
      %dma_wait3A_252 = tpu.memref_slice %arg14[%dma_wait3A_250, %dma_wait3A_251] : memref<1600x64xf32, #tpu.memory_space<vmem>> -> memref<100x64xf32, #tpu.memory_space<vmem>>
      %dma_wait3A_253 = arith.constant 0 : i32
      %dma_wait3A_254 = tpu.memref_slice %arg9[%dma_wait3A_249, %dma_wait3A_253] : memref<16x100xi32, #tpu.memory_space<vmem>> -> memref<1x100xi32, #tpu.memory_space<vmem>>
      %dma_wait3A_255 = tpu.memref_squeeze %dma_wait3A_254 : memref<1x100xi32, #tpu.memory_space<vmem>> -> memref<100xi32, #tpu.memory_space<vmem>>
      %dma_wait3A_256 = arith.constant 0 : i32
      %dma_wait3A_257 = arith.constant 0 : i32
      %dma_wait3A_258 = tpu.memref_slice %arg6[%dma_wait3A_256, %dma_wait3A_257] : memref<1000001x64xf32, #tpu.memory_space<hbm>> -> memref<1000001x64xf32, #tpu.memory_space<hbm>>
      tpu.wait_indirect_dma semaphore(%arg17 : memref<!tpu.dma_semaphore, #tpu.memory_space<semaphore_mem>>) src(%dma_wait3A_258 : memref<1000001x64xf32, #tpu.memory_space<hbm>>) dst(%dma_wait3A_252 : memref<100x64xf32, #tpu.memory_space<vmem>>)
      %dma_wait3A_259 = arith.constant 7 : i32
      %dma_wait3A_260 = arith.constant 700 : i32
      %dma_wait3A_261 = arith.constant 0 : i32
      %dma_wait3A_262 = tpu.memref_slice %arg14[%dma_wait3A_260, %dma_wait3A_261] : memref<1600x64xf32, #tpu.memory_space<vmem>> -> memref<100x64xf32, #tpu.memory_space<vmem>>
      %dma_wait3A_263 = arith.constant 0 : i32
      %dma_wait3A_264 = tpu.memref_slice %arg9[%dma_wait3A_259, %dma_wait3A_263] : memref<16x100xi32, #tpu.memory_space<vmem>> -> memref<1x100xi32, #tpu.memory_space<vmem>>
      %dma_wait3A_265 = tpu.memref_squeeze %dma_wait3A_264 : memref<1x100xi32, #tpu.memory_space<vmem>> -> memref<100xi32, #tpu.memory_space<vmem>>
      %dma_wait3A_266 = arith.constant 0 : i32
      %dma_wait3A_267 = arith.constant 0 : i32
      %dma_wait3A_268 = tpu.memref_slice %arg6[%dma_wait3A_266, %dma_wait3A_267] : memref<1000001x64xf32, #tpu.memory_space<hbm>> -> memref<1000001x64xf32, #tpu.memory_space<hbm>>
      tpu.wait_indirect_dma semaphore(%arg17 : memref<!tpu.dma_semaphore, #tpu.memory_space<semaphore_mem>>) src(%dma_wait3A_268 : memref<1000001x64xf32, #tpu.memory_space<hbm>>) dst(%dma_wait3A_262 : memref<100x64xf32, #tpu.memory_space<vmem>>)
      %dma_wait3A_269 = arith.constant 8 : i32
      %dma_wait3A_270 = arith.constant 800 : i32
      %dma_wait3A_271 = arith.constant 0 : i32
      %dma_wait3A_272 = tpu.memref_slice %arg14[%dma_wait3A_270, %dma_wait3A_271] : memref<1600x64xf32, #tpu.memory_space<vmem>> -> memref<100x64xf32, #tpu.memory_space<vmem>>
      %dma_wait3A_273 = arith.constant 0 : i32
      %dma_wait3A_274 = tpu.memref_slice %arg9[%dma_wait3A_269, %dma_wait3A_273] : memref<16x100xi32, #tpu.memory_space<vmem>> -> memref<1x100xi32, #tpu.memory_space<vmem>>
      %dma_wait3A_275 = tpu.memref_squeeze %dma_wait3A_274 : memref<1x100xi32, #tpu.memory_space<vmem>> -> memref<100xi32, #tpu.memory_space<vmem>>
      %dma_wait3A_276 = arith.constant 0 : i32
      %dma_wait3A_277 = arith.constant 0 : i32
      %dma_wait3A_278 = tpu.memref_slice %arg6[%dma_wait3A_276, %dma_wait3A_277] : memref<1000001x64xf32, #tpu.memory_space<hbm>> -> memref<1000001x64xf32, #tpu.memory_space<hbm>>
      tpu.wait_indirect_dma semaphore(%arg17 : memref<!tpu.dma_semaphore, #tpu.memory_space<semaphore_mem>>) src(%dma_wait3A_278 : memref<1000001x64xf32, #tpu.memory_space<hbm>>) dst(%dma_wait3A_272 : memref<100x64xf32, #tpu.memory_space<vmem>>)
      %dma_wait3A_279 = arith.constant 9 : i32
      %dma_wait3A_280 = arith.constant 900 : i32
      %dma_wait3A_281 = arith.constant 0 : i32
      %dma_wait3A_282 = tpu.memref_slice %arg14[%dma_wait3A_280, %dma_wait3A_281] : memref<1600x64xf32, #tpu.memory_space<vmem>> -> memref<100x64xf32, #tpu.memory_space<vmem>>
      %dma_wait3A_283 = arith.constant 0 : i32
      %dma_wait3A_284 = tpu.memref_slice %arg9[%dma_wait3A_279, %dma_wait3A_283] : memref<16x100xi32, #tpu.memory_space<vmem>> -> memref<1x100xi32, #tpu.memory_space<vmem>>
      %dma_wait3A_285 = tpu.memref_squeeze %dma_wait3A_284 : memref<1x100xi32, #tpu.memory_space<vmem>> -> memref<100xi32, #tpu.memory_space<vmem>>
      %dma_wait3A_286 = arith.constant 0 : i32
      %dma_wait3A_287 = arith.constant 0 : i32
      %dma_wait3A_288 = tpu.memref_slice %arg6[%dma_wait3A_286, %dma_wait3A_287] : memref<1000001x64xf32, #tpu.memory_space<hbm>> -> memref<1000001x64xf32, #tpu.memory_space<hbm>>
      tpu.wait_indirect_dma semaphore(%arg17 : memref<!tpu.dma_semaphore, #tpu.memory_space<semaphore_mem>>) src(%dma_wait3A_288 : memref<1000001x64xf32, #tpu.memory_space<hbm>>) dst(%dma_wait3A_282 : memref<100x64xf32, #tpu.memory_space<vmem>>)
      %dma_wait3A_289 = arith.constant 10 : i32
      %dma_wait3A_290 = arith.constant 1000 : i32
      %dma_wait3A_291 = arith.constant 0 : i32
      %dma_wait3A_292 = tpu.memref_slice %arg14[%dma_wait3A_290, %dma_wait3A_291] : memref<1600x64xf32, #tpu.memory_space<vmem>> -> memref<100x64xf32, #tpu.memory_space<vmem>>
      %dma_wait3A_293 = arith.constant 0 : i32
      %dma_wait3A_294 = tpu.memref_slice %arg9[%dma_wait3A_289, %dma_wait3A_293] : memref<16x100xi32, #tpu.memory_space<vmem>> -> memref<1x100xi32, #tpu.memory_space<vmem>>
      %dma_wait3A_295 = tpu.memref_squeeze %dma_wait3A_294 : memref<1x100xi32, #tpu.memory_space<vmem>> -> memref<100xi32, #tpu.memory_space<vmem>>
      %dma_wait3A_296 = arith.constant 0 : i32
      %dma_wait3A_297 = arith.constant 0 : i32
      %dma_wait3A_298 = tpu.memref_slice %arg6[%dma_wait3A_296, %dma_wait3A_297] : memref<1000001x64xf32, #tpu.memory_space<hbm>> -> memref<1000001x64xf32, #tpu.memory_space<hbm>>
      tpu.wait_indirect_dma semaphore(%arg17 : memref<!tpu.dma_semaphore, #tpu.memory_space<semaphore_mem>>) src(%dma_wait3A_298 : memref<1000001x64xf32, #tpu.memory_space<hbm>>) dst(%dma_wait3A_292 : memref<100x64xf32, #tpu.memory_space<vmem>>)
      %dma_wait3A_299 = arith.constant 11 : i32
      %dma_wait3A_300 = arith.constant 1100 : i32
      %dma_wait3A_301 = arith.constant 0 : i32
      %dma_wait3A_302 = tpu.memref_slice %arg14[%dma_wait3A_300, %dma_wait3A_301] : memref<1600x64xf32, #tpu.memory_space<vmem>> -> memref<100x64xf32, #tpu.memory_space<vmem>>
      %dma_wait3A_303 = arith.constant 0 : i32
      %dma_wait3A_304 = tpu.memref_slice %arg9[%dma_wait3A_299, %dma_wait3A_303] : memref<16x100xi32, #tpu.memory_space<vmem>> -> memref<1x100xi32, #tpu.memory_space<vmem>>
      %dma_wait3A_305 = tpu.memref_squeeze %dma_wait3A_304 : memref<1x100xi32, #tpu.memory_space<vmem>> -> memref<100xi32, #tpu.memory_space<vmem>>
      %dma_wait3A_306 = arith.constant 0 : i32
      %dma_wait3A_307 = arith.constant 0 : i32
      %dma_wait3A_308 = tpu.memref_slice %arg6[%dma_wait3A_306, %dma_wait3A_307] : memref<1000001x64xf32, #tpu.memory_space<hbm>> -> memref<1000001x64xf32, #tpu.memory_space<hbm>>
      tpu.wait_indirect_dma semaphore(%arg17 : memref<!tpu.dma_semaphore, #tpu.memory_space<semaphore_mem>>) src(%dma_wait3A_308 : memref<1000001x64xf32, #tpu.memory_space<hbm>>) dst(%dma_wait3A_302 : memref<100x64xf32, #tpu.memory_space<vmem>>)
      %dma_wait3A_309 = arith.constant 12 : i32
      %dma_wait3A_310 = arith.constant 1200 : i32
      %dma_wait3A_311 = arith.constant 0 : i32
      %dma_wait3A_312 = tpu.memref_slice %arg14[%dma_wait3A_310, %dma_wait3A_311] : memref<1600x64xf32, #tpu.memory_space<vmem>> -> memref<100x64xf32, #tpu.memory_space<vmem>>
      %dma_wait3A_313 = arith.constant 0 : i32
      %dma_wait3A_314 = tpu.memref_slice %arg9[%dma_wait3A_309, %dma_wait3A_313] : memref<16x100xi32, #tpu.memory_space<vmem>> -> memref<1x100xi32, #tpu.memory_space<vmem>>
      %dma_wait3A_315 = tpu.memref_squeeze %dma_wait3A_314 : memref<1x100xi32, #tpu.memory_space<vmem>> -> memref<100xi32, #tpu.memory_space<vmem>>
      %dma_wait3A_316 = arith.constant 0 : i32
      %dma_wait3A_317 = arith.constant 0 : i32
      %dma_wait3A_318 = tpu.memref_slice %arg6[%dma_wait3A_316, %dma_wait3A_317] : memref<1000001x64xf32, #tpu.memory_space<hbm>> -> memref<1000001x64xf32, #tpu.memory_space<hbm>>
      tpu.wait_indirect_dma semaphore(%arg17 : memref<!tpu.dma_semaphore, #tpu.memory_space<semaphore_mem>>) src(%dma_wait3A_318 : memref<1000001x64xf32, #tpu.memory_space<hbm>>) dst(%dma_wait3A_312 : memref<100x64xf32, #tpu.memory_space<vmem>>)
      %dma_wait3A_319 = arith.constant 13 : i32
      %dma_wait3A_320 = arith.constant 1300 : i32
      %dma_wait3A_321 = arith.constant 0 : i32
      %dma_wait3A_322 = tpu.memref_slice %arg14[%dma_wait3A_320, %dma_wait3A_321] : memref<1600x64xf32, #tpu.memory_space<vmem>> -> memref<100x64xf32, #tpu.memory_space<vmem>>
      %dma_wait3A_323 = arith.constant 0 : i32
      %dma_wait3A_324 = tpu.memref_slice %arg9[%dma_wait3A_319, %dma_wait3A_323] : memref<16x100xi32, #tpu.memory_space<vmem>> -> memref<1x100xi32, #tpu.memory_space<vmem>>
      %dma_wait3A_325 = tpu.memref_squeeze %dma_wait3A_324 : memref<1x100xi32, #tpu.memory_space<vmem>> -> memref<100xi32, #tpu.memory_space<vmem>>
      %dma_wait3A_326 = arith.constant 0 : i32
      %dma_wait3A_327 = arith.constant 0 : i32
      %dma_wait3A_328 = tpu.memref_slice %arg6[%dma_wait3A_326, %dma_wait3A_327] : memref<1000001x64xf32, #tpu.memory_space<hbm>> -> memref<1000001x64xf32, #tpu.memory_space<hbm>>
      tpu.wait_indirect_dma semaphore(%arg17 : memref<!tpu.dma_semaphore, #tpu.memory_space<semaphore_mem>>) src(%dma_wait3A_328 : memref<1000001x64xf32, #tpu.memory_space<hbm>>) dst(%dma_wait3A_322 : memref<100x64xf32, #tpu.memory_space<vmem>>)
      %dma_wait3A_329 = arith.constant 14 : i32
      %dma_wait3A_330 = arith.constant 1400 : i32
      %dma_wait3A_331 = arith.constant 0 : i32
      %dma_wait3A_332 = tpu.memref_slice %arg14[%dma_wait3A_330, %dma_wait3A_331] : memref<1600x64xf32, #tpu.memory_space<vmem>> -> memref<100x64xf32, #tpu.memory_space<vmem>>
      %dma_wait3A_333 = arith.constant 0 : i32
      %dma_wait3A_334 = tpu.memref_slice %arg9[%dma_wait3A_329, %dma_wait3A_333] : memref<16x100xi32, #tpu.memory_space<vmem>> -> memref<1x100xi32, #tpu.memory_space<vmem>>
      %dma_wait3A_335 = tpu.memref_squeeze %dma_wait3A_334 : memref<1x100xi32, #tpu.memory_space<vmem>> -> memref<100xi32, #tpu.memory_space<vmem>>
      %dma_wait3A_336 = arith.constant 0 : i32
      %dma_wait3A_337 = arith.constant 0 : i32
      %dma_wait3A_338 = tpu.memref_slice %arg6[%dma_wait3A_336, %dma_wait3A_337] : memref<1000001x64xf32, #tpu.memory_space<hbm>> -> memref<1000001x64xf32, #tpu.memory_space<hbm>>
      tpu.wait_indirect_dma semaphore(%arg17 : memref<!tpu.dma_semaphore, #tpu.memory_space<semaphore_mem>>) src(%dma_wait3A_338 : memref<1000001x64xf32, #tpu.memory_space<hbm>>) dst(%dma_wait3A_332 : memref<100x64xf32, #tpu.memory_space<vmem>>)
      %dma_wait3A_339 = arith.constant 15 : i32
      %dma_wait3A_340 = arith.constant 1500 : i32
      %dma_wait3A_341 = arith.constant 0 : i32
      %dma_wait3A_342 = tpu.memref_slice %arg14[%dma_wait3A_340, %dma_wait3A_341] : memref<1600x64xf32, #tpu.memory_space<vmem>> -> memref<100x64xf32, #tpu.memory_space<vmem>>
      %dma_wait3A_343 = arith.constant 0 : i32
      %dma_wait3A_344 = tpu.memref_slice %arg9[%dma_wait3A_339, %dma_wait3A_343] : memref<16x100xi32, #tpu.memory_space<vmem>> -> memref<1x100xi32, #tpu.memory_space<vmem>>
      %dma_wait3A_345 = tpu.memref_squeeze %dma_wait3A_344 : memref<1x100xi32, #tpu.memory_space<vmem>> -> memref<100xi32, #tpu.memory_space<vmem>>
      %dma_wait3A_346 = arith.constant 0 : i32
      %dma_wait3A_347 = arith.constant 0 : i32
      %dma_wait3A_348 = tpu.memref_slice %arg6[%dma_wait3A_346, %dma_wait3A_347] : memref<1000001x64xf32, #tpu.memory_space<hbm>> -> memref<1000001x64xf32, #tpu.memory_space<hbm>>
      tpu.wait_indirect_dma semaphore(%arg17 : memref<!tpu.dma_semaphore, #tpu.memory_space<semaphore_mem>>) src(%dma_wait3A_348 : memref<1000001x64xf32, #tpu.memory_space<hbm>>) dst(%dma_wait3A_342 : memref<100x64xf32, #tpu.memory_space<vmem>>)
      %broadcast_in_dim3A = arith.constant 0.000000e+00 : f32
      %broadcast_in_dim3A_349 = vector.broadcast %broadcast_in_dim3A : f32 to vector<16xf32>
      %get3A = arith.constant 0 : i32
      %get3A_350 = arith.index_cast %get3A : i32 to index
      %get3A_351 = arith.constant 0 : index
      %get3A_352 = tpu.vector_load %arg12[%get3A_350, %get3A_351] {strides = array<i32>} : memref<8x64xf32, #tpu.memory_space<vmem>>, vector<16xf32>,
      %get3A_353 = arith.constant 0 : i32
      %get3A_354 = arith.index_cast %get3A_353 : i32 to index
      %get3A_355 = arith.constant 16 : index
      %get3A_356 = tpu.vector_load %arg12[%get3A_354, %get3A_355] {strides = array<i32>} : memref<8x64xf32, #tpu.memory_space<vmem>>, vector<16xf32>,
      %get3A_357 = arith.constant 0 : i32
      %get3A_358 = arith.index_cast %get3A_357 : i32 to index
      %get3A_359 = arith.constant 32 : index
      %get3A_360 = tpu.vector_load %arg12[%get3A_358, %get3A_359] {strides = array<i32>} : memref<8x64xf32, #tpu.memory_space<vmem>>, vector<16xf32>,
      %get3A_361 = arith.constant 0 : i32
      %get3A_362 = arith.index_cast %get3A_361 : i32 to index
      %get3A_363 = arith.constant 48 : index
      %get3A_364 = tpu.vector_load %arg12[%get3A_362, %get3A_363] {strides = array<i32>} : memref<8x64xf32, #tpu.memory_space<vmem>>, vector<16xf32>,
      %get3A_365 = arith.constant 0 : i32
      %get3A_366 = arith.index_cast %get3A_365 : i32 to index
      %get3A_367 = arith.constant 0 : index
      %get3A_368 = tpu.vector_load %arg13[%get3A_366, %get3A_367] {strides = array<i32>} : memref<8x64xf32, #tpu.memory_space<vmem>>, vector<16xf32>,
      %mul3A_369 = arith.mulf %get3A_368, %get3A_352 : vector<16xf32>
      %get3A_370 = arith.constant 0 : i32
      %get3A_371 = arith.index_cast %get3A_370 : i32 to index
      %get3A_372 = arith.constant 16 : index
      %get3A_373 = tpu.vector_load %arg13[%get3A_371, %get3A_372] {strides = array<i32>} : memref<8x64xf32, #tpu.memory_space<vmem>>, vector<16xf32>,
      %mul3A_374 = arith.mulf %get3A_373, %get3A_356 : vector<16xf32>
      %add3A_375 = arith.addf %mul3A_369, %mul3A_374 : vector<16xf32>
      %get3A_376 = arith.constant 0 : i32
      %get3A_377 = arith.index_cast %get3A_376 : i32 to index
      %get3A_378 = arith.constant 32 : index
      %get3A_379 = tpu.vector_load %arg13[%get3A_377, %get3A_378] {strides = array<i32>} : memref<8x64xf32, #tpu.memory_space<vmem>>, vector<16xf32>,
      %mul3A_380 = arith.mulf %get3A_379, %get3A_360 : vector<16xf32>
      %add3A_381 = arith.addf %add3A_375, %mul3A_380 : vector<16xf32>
      %get3A_382 = arith.constant 0 : i32
      %get3A_383 = arith.index_cast %get3A_382 : i32 to index
      %get3A_384 = arith.constant 48 : index
      %get3A_385 = tpu.vector_load %arg13[%get3A_383, %get3A_384] {strides = array<i32>} : memref<8x64xf32, #tpu.memory_space<vmem>>, vector<16xf32>,
      %mul3A_386 = arith.mulf %get3A_385, %get3A_364 : vector<16xf32>
      %add3A_387 = arith.addf %add3A_381, %mul3A_386 : vector<16xf32>
      %reduce_sum3A = arith.constant true
      %reduce_sum3A_388 = vector.broadcast %reduce_sum3A : i1 to vector<16xi1>
      %reduce_sum3A_389 = tpu.scan <sum>, %add3A_387 masked %reduce_sum3A_388 : vector<16xf32>, vector<16xi1> -> vector<16xf32>
      %reduce_sum3A_390 = vector.extract %reduce_sum3A_389[15] : f32 from vector<16xf32>
      %eq3A = arith.constant 0 : i32
      %eq3A_391 = vector.broadcast %eq3A : i32 to vector<16xi32>
      %eq3A_392 = arith.cmpi eq, %iota3A, %eq3A_391 : vector<16xi32>
      %broadcast_in_dim3A_393 = vector.broadcast %reduce_sum3A_390 : f32 to vector<16xf32>
      %select_n3A = arith.select %eq3A_392, %broadcast_in_dim3A_393, %broadcast_in_dim3A_349 : vector<16xi1>, vector<16xf32>
      %scan3A_394 = arith.constant 0 : i32
      %scan3A_395 = arith.constant 0 : i32
      %scan3A_396 = arith.constant 25 : i32
      %scan3A_397 = arith.addi %scan3A_395, %scan3A_396 : i32
      %scan3A_398 = arith.constant 1 : i32
      %scan3A_399 = scf.for %scan3A_806 = %scan3A_395 to %scan3A_397 step %scan3A_398 iter_args(%scan3A_807 = %scan3A_394) -> (i32)  : i32 {
        %mul3A_808 = arith.constant 8 : i32
        %mul3A_809 = arith.muli %scan3A_806, %mul3A_808 : i32
        %add3A_810 = arith.constant 0 : i32
        %add3A_811 = arith.addi %add3A_810, %mul3A_809 : i32
        %add3A_812 = arith.constant 0 : i32
        %add3A_813 = arith.addi %add3A_811, %add3A_812 : i32
        %get3A_814 = arith.index_cast %add3A_813 : i32 to index
        %get3A_815 = arith.constant 0 : index
        %get3A_816 = tpu.vector_load %arg14[%get3A_814, %get3A_815] {strides = array<i32>} : memref<1600x64xf32, #tpu.memory_space<vmem>>, vector<16xf32>,
        %mul3A_817 = arith.mulf %get3A_816, %get3A_352 : vector<16xf32>
        %get3A_818 = arith.index_cast %add3A_813 : i32 to index
        %get3A_819 = arith.constant 16 : index
        %get3A_820 = tpu.vector_load %arg14[%get3A_818, %get3A_819] {strides = array<i32>} : memref<1600x64xf32, #tpu.memory_space<vmem>>, vector<16xf32>,
        %mul3A_821 = arith.mulf %get3A_820, %get3A_356 : vector<16xf32>
        %add3A_822 = arith.addf %mul3A_817, %mul3A_821 : vector<16xf32>
        %get3A_823 = arith.index_cast %add3A_813 : i32 to index
        %get3A_824 = arith.constant 32 : index
        %get3A_825 = tpu.vector_load %arg14[%get3A_823, %get3A_824] {strides = array<i32>} : memref<1600x64xf32, #tpu.memory_space<vmem>>, vector<16xf32>,
        %mul3A_826 = arith.mulf %get3A_825, %get3A_360 : vector<16xf32>
        %add3A_827 = arith.addf %add3A_822, %mul3A_826 : vector<16xf32>
        %get3A_828 = arith.index_cast %add3A_813 : i32 to index
        %get3A_829 = arith.constant 48 : index
        %get3A_830 = tpu.vector_load %arg14[%get3A_828, %get3A_829] {strides = array<i32>} : memref<1600x64xf32, #tpu.memory_space<vmem>>, vector<16xf32>,
        %mul3A_831 = arith.mulf %get3A_830, %get3A_364 : vector<16xf32>
        %add3A_832 = arith.addf %add3A_827, %mul3A_831 : vector<16xf32>
        %reduce_sum3A_833 = arith.constant true
        %reduce_sum3A_834 = vector.broadcast %reduce_sum3A_833 : i1 to vector<16xi1>
        %reduce_sum3A_835 = tpu.scan <sum>, %add3A_832 masked %reduce_sum3A_834 : vector<16xf32>, vector<16xi1> -> vector<16xf32>
        %reduce_sum3A_836 = vector.extract %reduce_sum3A_835[15] : f32 from vector<16xf32>
        %mul3A_837 = arith.constant 8 : i32
        %mul3A_838 = arith.muli %scan3A_806, %mul3A_837 : i32
        %add3A_839 = arith.constant 0 : i32
        %add3A_840 = arith.addi %add3A_839, %mul3A_838 : i32
        %add3A_841 = arith.constant 1 : i32
        %add3A_842 = arith.addi %add3A_840, %add3A_841 : i32
        %get3A_843 = arith.index_cast %add3A_842 : i32 to index
        %get3A_844 = arith.constant 0 : index
        %get3A_845 = tpu.vector_load %arg14[%get3A_843, %get3A_844] {strides = array<i32>} : memref<1600x64xf32, #tpu.memory_space<vmem>>, vector<16xf32>,
        %mul3A_846 = arith.mulf %get3A_845, %get3A_352 : vector<16xf32>
        %get3A_847 = arith.index_cast %add3A_842 : i32 to index
        %get3A_848 = arith.constant 16 : index
        %get3A_849 = tpu.vector_load %arg14[%get3A_847, %get3A_848] {strides = array<i32>} : memref<1600x64xf32, #tpu.memory_space<vmem>>, vector<16xf32>,
        %mul3A_850 = arith.mulf %get3A_849, %get3A_356 : vector<16xf32>
        %add3A_851 = arith.addf %mul3A_846, %mul3A_850 : vector<16xf32>
        %get3A_852 = arith.index_cast %add3A_842 : i32 to index
        %get3A_853 = arith.constant 32 : index
        %get3A_854 = tpu.vector_load %arg14[%get3A_852, %get3A_853] {strides = array<i32>} : memref<1600x64xf32, #tpu.memory_space<vmem>>, vector<16xf32>,
        %mul3A_855 = arith.mulf %get3A_854, %get3A_360 : vector<16xf32>
        %add3A_856 = arith.addf %add3A_851, %mul3A_855 : vector<16xf32>
        %get3A_857 = arith.index_cast %add3A_842 : i32 to index
        %get3A_858 = arith.constant 48 : index
        %get3A_859 = tpu.vector_load %arg14[%get3A_857, %get3A_858] {strides = array<i32>} : memref<1600x64xf32, #tpu.memory_space<vmem>>, vector<16xf32>,
        %mul3A_860 = arith.mulf %get3A_859, %get3A_364 : vector<16xf32>
        %add3A_861 = arith.addf %add3A_856, %mul3A_860 : vector<16xf32>
        %reduce_sum3A_862 = arith.constant true
        %reduce_sum3A_863 = vector.broadcast %reduce_sum3A_862 : i1 to vector<16xi1>
        %reduce_sum3A_864 = tpu.scan <sum>, %add3A_861 masked %reduce_sum3A_863 : vector<16xf32>, vector<16xi1> -> vector<16xf32>
        %reduce_sum3A_865 = vector.extract %reduce_sum3A_864[15] : f32 from vector<16xf32>
        %mul3A_866 = arith.constant 8 : i32
        %mul3A_867 = arith.muli %scan3A_806, %mul3A_866 : i32
        %add3A_868 = arith.constant 0 : i32
        %add3A_869 = arith.addi %add3A_868, %mul3A_867 : i32
        %add3A_870 = arith.constant 2 : i32
        %add3A_871 = arith.addi %add3A_869, %add3A_870 : i32
        %get3A_872 = arith.index_cast %add3A_871 : i32 to index
        %get3A_873 = arith.constant 0 : index
        %get3A_874 = tpu.vector_load %arg14[%get3A_872, %get3A_873] {strides = array<i32>} : memref<1600x64xf32, #tpu.memory_space<vmem>>, vector<16xf32>,
        %mul3A_875 = arith.mulf %get3A_874, %get3A_352 : vector<16xf32>
        %get3A_876 = arith.index_cast %add3A_871 : i32 to index
        %get3A_877 = arith.constant 16 : index
        %get3A_878 = tpu.vector_load %arg14[%get3A_876, %get3A_877] {strides = array<i32>} : memref<1600x64xf32, #tpu.memory_space<vmem>>, vector<16xf32>,
        %mul3A_879 = arith.mulf %get3A_878, %get3A_356 : vector<16xf32>
        %add3A_880 = arith.addf %mul3A_875, %mul3A_879 : vector<16xf32>
        %get3A_881 = arith.index_cast %add3A_871 : i32 to index
        %get3A_882 = arith.constant 32 : index
        %get3A_883 = tpu.vector_load %arg14[%get3A_881, %get3A_882] {strides = array<i32>} : memref<1600x64xf32, #tpu.memory_space<vmem>>, vector<16xf32>,
        %mul3A_884 = arith.mulf %get3A_883, %get3A_360 : vector<16xf32>
        %add3A_885 = arith.addf %add3A_880, %mul3A_884 : vector<16xf32>
        %get3A_886 = arith.index_cast %add3A_871 : i32 to index
        %get3A_887 = arith.constant 48 : index
        %get3A_888 = tpu.vector_load %arg14[%get3A_886, %get3A_887] {strides = array<i32>} : memref<1600x64xf32, #tpu.memory_space<vmem>>, vector<16xf32>,
        %mul3A_889 = arith.mulf %get3A_888, %get3A_364 : vector<16xf32>
        %add3A_890 = arith.addf %add3A_885, %mul3A_889 : vector<16xf32>
        %reduce_sum3A_891 = arith.constant true
        %reduce_sum3A_892 = vector.broadcast %reduce_sum3A_891 : i1 to vector<16xi1>
        %reduce_sum3A_893 = tpu.scan <sum>, %add3A_890 masked %reduce_sum3A_892 : vector<16xf32>, vector<16xi1> -> vector<16xf32>
        %reduce_sum3A_894 = vector.extract %reduce_sum3A_893[15] : f32 from vector<16xf32>
        %mul3A_895 = arith.constant 8 : i32
        %mul3A_896 = arith.muli %scan3A_806, %mul3A_895 : i32
        %add3A_897 = arith.constant 0 : i32
        %add3A_898 = arith.addi %add3A_897, %mul3A_896 : i32
        %add3A_899 = arith.constant 3 : i32
        %add3A_900 = arith.addi %add3A_898, %add3A_899 : i32
        %get3A_901 = arith.index_cast %add3A_900 : i32 to index
        %get3A_902 = arith.constant 0 : index
        %get3A_903 = tpu.vector_load %arg14[%get3A_901, %get3A_902] {strides = array<i32>} : memref<1600x64xf32, #tpu.memory_space<vmem>>, vector<16xf32>,
        %mul3A_904 = arith.mulf %get3A_903, %get3A_352 : vector<16xf32>
        %get3A_905 = arith.index_cast %add3A_900 : i32 to index
        %get3A_906 = arith.constant 16 : index
        %get3A_907 = tpu.vector_load %arg14[%get3A_905, %get3A_906] {strides = array<i32>} : memref<1600x64xf32, #tpu.memory_space<vmem>>, vector<16xf32>,
        %mul3A_908 = arith.mulf %get3A_907, %get3A_356 : vector<16xf32>
        %add3A_909 = arith.addf %mul3A_904, %mul3A_908 : vector<16xf32>
        %get3A_910 = arith.index_cast %add3A_900 : i32 to index
        %get3A_911 = arith.constant 32 : index
        %get3A_912 = tpu.vector_load %arg14[%get3A_910, %get3A_911] {strides = array<i32>} : memref<1600x64xf32, #tpu.memory_space<vmem>>, vector<16xf32>,
        %mul3A_913 = arith.mulf %get3A_912, %get3A_360 : vector<16xf32>
        %add3A_914 = arith.addf %add3A_909, %mul3A_913 : vector<16xf32>
        %get3A_915 = arith.index_cast %add3A_900 : i32 to index
        %get3A_916 = arith.constant 48 : index
        %get3A_917 = tpu.vector_load %arg14[%get3A_915, %get3A_916] {strides = array<i32>} : memref<1600x64xf32, #tpu.memory_space<vmem>>, vector<16xf32>,
        %mul3A_918 = arith.mulf %get3A_917, %get3A_364 : vector<16xf32>
        %add3A_919 = arith.addf %add3A_914, %mul3A_918 : vector<16xf32>
        %reduce_sum3A_920 = arith.constant true
        %reduce_sum3A_921 = vector.broadcast %reduce_sum3A_920 : i1 to vector<16xi1>
        %reduce_sum3A_922 = tpu.scan <sum>, %add3A_919 masked %reduce_sum3A_921 : vector<16xf32>, vector<16xi1> -> vector<16xf32>
        %reduce_sum3A_923 = vector.extract %reduce_sum3A_922[15] : f32 from vector<16xf32>
        %mul3A_924 = arith.constant 8 : i32
        %mul3A_925 = arith.muli %scan3A_806, %mul3A_924 : i32
        %add3A_926 = arith.constant 0 : i32
        %add3A_927 = arith.addi %add3A_926, %mul3A_925 : i32
        %add3A_928 = arith.constant 4 : i32
        %add3A_929 = arith.addi %add3A_927, %add3A_928 : i32
        %get3A_930 = arith.index_cast %add3A_929 : i32 to index
        %get3A_931 = arith.constant 0 : index
        %get3A_932 = tpu.vector_load %arg14[%get3A_930, %get3A_931] {strides = array<i32>} : memref<1600x64xf32, #tpu.memory_space<vmem>>, vector<16xf32>,
        %mul3A_933 = arith.mulf %get3A_932, %get3A_352 : vector<16xf32>
        %get3A_934 = arith.index_cast %add3A_929 : i32 to index
        %get3A_935 = arith.constant 16 : index
        %get3A_936 = tpu.vector_load %arg14[%get3A_934, %get3A_935] {strides = array<i32>} : memref<1600x64xf32, #tpu.memory_space<vmem>>, vector<16xf32>,
        %mul3A_937 = arith.mulf %get3A_936, %get3A_356 : vector<16xf32>
        %add3A_938 = arith.addf %mul3A_933, %mul3A_937 : vector<16xf32>
        %get3A_939 = arith.index_cast %add3A_929 : i32 to index
        %get3A_940 = arith.constant 32 : index
        %get3A_941 = tpu.vector_load %arg14[%get3A_939, %get3A_940] {strides = array<i32>} : memref<1600x64xf32, #tpu.memory_space<vmem>>, vector<16xf32>,
        %mul3A_942 = arith.mulf %get3A_941, %get3A_360 : vector<16xf32>
        %add3A_943 = arith.addf %add3A_938, %mul3A_942 : vector<16xf32>
        %get3A_944 = arith.index_cast %add3A_929 : i32 to index
        %get3A_945 = arith.constant 48 : index
        %get3A_946 = tpu.vector_load %arg14[%get3A_944, %get3A_945] {strides = array<i32>} : memref<1600x64xf32, #tpu.memory_space<vmem>>, vector<16xf32>,
        %mul3A_947 = arith.mulf %get3A_946, %get3A_364 : vector<16xf32>
        %add3A_948 = arith.addf %add3A_943, %mul3A_947 : vector<16xf32>
        %reduce_sum3A_949 = arith.constant true
        %reduce_sum3A_950 = vector.broadcast %reduce_sum3A_949 : i1 to vector<16xi1>
        %reduce_sum3A_951 = tpu.scan <sum>, %add3A_948 masked %reduce_sum3A_950 : vector<16xf32>, vector<16xi1> -> vector<16xf32>
        %reduce_sum3A_952 = vector.extract %reduce_sum3A_951[15] : f32 from vector<16xf32>
        %mul3A_953 = arith.constant 8 : i32
        %mul3A_954 = arith.muli %scan3A_806, %mul3A_953 : i32
        %add3A_955 = arith.constant 0 : i32
        %add3A_956 = arith.addi %add3A_955, %mul3A_954 : i32
        %add3A_957 = arith.constant 5 : i32
        %add3A_958 = arith.addi %add3A_956, %add3A_957 : i32
        %get3A_959 = arith.index_cast %add3A_958 : i32 to index
        %get3A_960 = arith.constant 0 : index
        %get3A_961 = tpu.vector_load %arg14[%get3A_959, %get3A_960] {strides = array<i32>} : memref<1600x64xf32, #tpu.memory_space<vmem>>, vector<16xf32>,
        %mul3A_962 = arith.mulf %get3A_961, %get3A_352 : vector<16xf32>
        %get3A_963 = arith.index_cast %add3A_958 : i32 to index
        %get3A_964 = arith.constant 16 : index
        %get3A_965 = tpu.vector_load %arg14[%get3A_963, %get3A_964] {strides = array<i32>} : memref<1600x64xf32, #tpu.memory_space<vmem>>, vector<16xf32>,
        %mul3A_966 = arith.mulf %get3A_965, %get3A_356 : vector<16xf32>
        %add3A_967 = arith.addf %mul3A_962, %mul3A_966 : vector<16xf32>
        %get3A_968 = arith.index_cast %add3A_958 : i32 to index
        %get3A_969 = arith.constant 32 : index
        %get3A_970 = tpu.vector_load %arg14[%get3A_968, %get3A_969] {strides = array<i32>} : memref<1600x64xf32, #tpu.memory_space<vmem>>, vector<16xf32>,
        %mul3A_971 = arith.mulf %get3A_970, %get3A_360 : vector<16xf32>
        %add3A_972 = arith.addf %add3A_967, %mul3A_971 : vector<16xf32>
        %get3A_973 = arith.index_cast %add3A_958 : i32 to index
        %get3A_974 = arith.constant 48 : index
        %get3A_975 = tpu.vector_load %arg14[%get3A_973, %get3A_974] {strides = array<i32>} : memref<1600x64xf32, #tpu.memory_space<vmem>>, vector<16xf32>,
        %mul3A_976 = arith.mulf %get3A_975, %get3A_364 : vector<16xf32>
        %add3A_977 = arith.addf %add3A_972, %mul3A_976 : vector<16xf32>
        %reduce_sum3A_978 = arith.constant true
        %reduce_sum3A_979 = vector.broadcast %reduce_sum3A_978 : i1 to vector<16xi1>
        %reduce_sum3A_980 = tpu.scan <sum>, %add3A_977 masked %reduce_sum3A_979 : vector<16xf32>, vector<16xi1> -> vector<16xf32>
        %reduce_sum3A_981 = vector.extract %reduce_sum3A_980[15] : f32 from vector<16xf32>
        %mul3A_982 = arith.constant 8 : i32
        %mul3A_983 = arith.muli %scan3A_806, %mul3A_982 : i32
        %add3A_984 = arith.constant 0 : i32
        %add3A_985 = arith.addi %add3A_984, %mul3A_983 : i32
        %add3A_986 = arith.constant 6 : i32
        %add3A_987 = arith.addi %add3A_985, %add3A_986 : i32
        %get3A_988 = arith.index_cast %add3A_987 : i32 to index
        %get3A_989 = arith.constant 0 : index
        %get3A_990 = tpu.vector_load %arg14[%get3A_988, %get3A_989] {strides = array<i32>} : memref<1600x64xf32, #tpu.memory_space<vmem>>, vector<16xf32>,
        %mul3A_991 = arith.mulf %get3A_990, %get3A_352 : vector<16xf32>
        %get3A_992 = arith.index_cast %add3A_987 : i32 to index
        %get3A_993 = arith.constant 16 : index
        %get3A_994 = tpu.vector_load %arg14[%get3A_992, %get3A_993] {strides = array<i32>} : memref<1600x64xf32, #tpu.memory_space<vmem>>, vector<16xf32>,
        %mul3A_995 = arith.mulf %get3A_994, %get3A_356 : vector<16xf32>
        %add3A_996 = arith.addf %mul3A_991, %mul3A_995 : vector<16xf32>
        %get3A_997 = arith.index_cast %add3A_987 : i32 to index
        %get3A_998 = arith.constant 32 : index
        %get3A_999 = tpu.vector_load %arg14[%get3A_997, %get3A_998] {strides = array<i32>} : memref<1600x64xf32, #tpu.memory_space<vmem>>, vector<16xf32>,
        %mul3A_1000 = arith.mulf %get3A_999, %get3A_360 : vector<16xf32>
        %add3A_1001 = arith.addf %add3A_996, %mul3A_1000 : vector<16xf32>
        %get3A_1002 = arith.index_cast %add3A_987 : i32 to index
        %get3A_1003 = arith.constant 48 : index
        %get3A_1004 = tpu.vector_load %arg14[%get3A_1002, %get3A_1003] {strides = array<i32>} : memref<1600x64xf32, #tpu.memory_space<vmem>>, vector<16xf32>,
        %mul3A_1005 = arith.mulf %get3A_1004, %get3A_364 : vector<16xf32>
        %add3A_1006 = arith.addf %add3A_1001, %mul3A_1005 : vector<16xf32>
        %reduce_sum3A_1007 = arith.constant true
        %reduce_sum3A_1008 = vector.broadcast %reduce_sum3A_1007 : i1 to vector<16xi1>
        %reduce_sum3A_1009 = tpu.scan <sum>, %add3A_1006 masked %reduce_sum3A_1008 : vector<16xf32>, vector<16xi1> -> vector<16xf32>
        %reduce_sum3A_1010 = vector.extract %reduce_sum3A_1009[15] : f32 from vector<16xf32>
        %mul3A_1011 = arith.constant 8 : i32
        %mul3A_1012 = arith.muli %scan3A_806, %mul3A_1011 : i32
        %add3A_1013 = arith.constant 0 : i32
        %add3A_1014 = arith.addi %add3A_1013, %mul3A_1012 : i32
        %add3A_1015 = arith.constant 7 : i32
        %add3A_1016 = arith.addi %add3A_1014, %add3A_1015 : i32
        %get3A_1017 = arith.index_cast %add3A_1016 : i32 to index
        %get3A_1018 = arith.constant 0 : index
        %get3A_1019 = tpu.vector_load %arg14[%get3A_1017, %get3A_1018] {strides = array<i32>} : memref<1600x64xf32, #tpu.memory_space<vmem>>, vector<16xf32>,
        %mul3A_1020 = arith.mulf %get3A_1019, %get3A_352 : vector<16xf32>
        %get3A_1021 = arith.index_cast %add3A_1016 : i32 to index
        %get3A_1022 = arith.constant 16 : index
        %get3A_1023 = tpu.vector_load %arg14[%get3A_1021, %get3A_1022] {strides = array<i32>} : memref<1600x64xf32, #tpu.memory_space<vmem>>, vector<16xf32>,
        %mul3A_1024 = arith.mulf %get3A_1023, %get3A_356 : vector<16xf32>
        %add3A_1025 = arith.addf %mul3A_1020, %mul3A_1024 : vector<16xf32>
        %get3A_1026 = arith.index_cast %add3A_1016 : i32 to index
        %get3A_1027 = arith.constant 32 : index
        %get3A_1028 = tpu.vector_load %arg14[%get3A_1026, %get3A_1027] {strides = array<i32>} : memref<1600x64xf32, #tpu.memory_space<vmem>>, vector<16xf32>,
        %mul3A_1029 = arith.mulf %get3A_1028, %get3A_360 : vector<16xf32>
        %add3A_1030 = arith.addf %add3A_1025, %mul3A_1029 : vector<16xf32>
        %get3A_1031 = arith.index_cast %add3A_1016 : i32 to index
        %get3A_1032 = arith.constant 48 : index
        %get3A_1033 = tpu.vector_load %arg14[%get3A_1031, %get3A_1032] {strides = array<i32>} : memref<1600x64xf32, #tpu.memory_space<vmem>>, vector<16xf32>,
        %mul3A_1034 = arith.mulf %get3A_1033, %get3A_364 : vector<16xf32>
        %add3A_1035 = arith.addf %add3A_1030, %mul3A_1034 : vector<16xf32>
        %reduce_sum3A_1036 = arith.constant true
        %reduce_sum3A_1037 = vector.broadcast %reduce_sum3A_1036 : i1 to vector<16xi1>
        %reduce_sum3A_1038 = tpu.scan <sum>, %add3A_1035 masked %reduce_sum3A_1037 : vector<16xf32>, vector<16xi1> -> vector<16xf32>
        %reduce_sum3A_1039 = vector.extract %reduce_sum3A_1038[15] : f32 from vector<16xf32>
        %broadcast_in_dim3A_1040 = vector.broadcast %reduce_sum3A_836 : f32 to vector<16xf32>
        %eq3A_1041 = arith.constant 1 : i32
        %eq3A_1042 = vector.broadcast %eq3A_1041 : i32 to vector<16xi32>
        %eq3A_1043 = arith.cmpi eq, %iota3A, %eq3A_1042 : vector<16xi32>
        %broadcast_in_dim3A_1044 = vector.broadcast %reduce_sum3A_865 : f32 to vector<16xf32>
        %select_n3A_1045 = arith.select %eq3A_1043, %broadcast_in_dim3A_1044, %broadcast_in_dim3A_1040 : vector<16xi1>, vector<16xf32>
        %eq3A_1046 = arith.constant 2 : i32
        %eq3A_1047 = vector.broadcast %eq3A_1046 : i32 to vector<16xi32>
        %eq3A_1048 = arith.cmpi eq, %iota3A, %eq3A_1047 : vector<16xi32>
        %broadcast_in_dim3A_1049 = vector.broadcast %reduce_sum3A_894 : f32 to vector<16xf32>
        %select_n3A_1050 = arith.select %eq3A_1048, %broadcast_in_dim3A_1049, %select_n3A_1045 : vector<16xi1>, vector<16xf32>
        %eq3A_1051 = arith.constant 3 : i32
        %eq3A_1052 = vector.broadcast %eq3A_1051 : i32 to vector<16xi32>
        %eq3A_1053 = arith.cmpi eq, %iota3A, %eq3A_1052 : vector<16xi32>
        %broadcast_in_dim3A_1054 = vector.broadcast %reduce_sum3A_923 : f32 to vector<16xf32>
        %select_n3A_1055 = arith.select %eq3A_1053, %broadcast_in_dim3A_1054, %select_n3A_1050 : vector<16xi1>, vector<16xf32>
        %eq3A_1056 = arith.constant 4 : i32
        %eq3A_1057 = vector.broadcast %eq3A_1056 : i32 to vector<16xi32>
        %eq3A_1058 = arith.cmpi eq, %iota3A, %eq3A_1057 : vector<16xi32>
        %broadcast_in_dim3A_1059 = vector.broadcast %reduce_sum3A_952 : f32 to vector<16xf32>
        %select_n3A_1060 = arith.select %eq3A_1058, %broadcast_in_dim3A_1059, %select_n3A_1055 : vector<16xi1>, vector<16xf32>
        %eq3A_1061 = arith.constant 5 : i32
        %eq3A_1062 = vector.broadcast %eq3A_1061 : i32 to vector<16xi32>
        %eq3A_1063 = arith.cmpi eq, %iota3A, %eq3A_1062 : vector<16xi32>
        %broadcast_in_dim3A_1064 = vector.broadcast %reduce_sum3A_981 : f32 to vector<16xf32>
        %select_n3A_1065 = arith.select %eq3A_1063, %broadcast_in_dim3A_1064, %select_n3A_1060 : vector<16xi1>, vector<16xf32>
        %eq3A_1066 = arith.constant 6 : i32
        %eq3A_1067 = vector.broadcast %eq3A_1066 : i32 to vector<16xi32>
        %eq3A_1068 = arith.cmpi eq, %iota3A, %eq3A_1067 : vector<16xi32>
        %broadcast_in_dim3A_1069 = vector.broadcast %reduce_sum3A_1010 : f32 to vector<16xf32>
        %select_n3A_1070 = arith.select %eq3A_1068, %broadcast_in_dim3A_1069, %select_n3A_1065 : vector<16xi1>, vector<16xf32>
        %eq3A_1071 = arith.constant 7 : i32
        %eq3A_1072 = vector.broadcast %eq3A_1071 : i32 to vector<16xi32>
        %eq3A_1073 = arith.cmpi eq, %iota3A, %eq3A_1072 : vector<16xi32>
        %broadcast_in_dim3A_1074 = vector.broadcast %reduce_sum3A_1039 : f32 to vector<16xf32>
        %select_n3A_1075 = arith.select %eq3A_1073, %broadcast_in_dim3A_1074, %select_n3A_1070 : vector<16xi1>, vector<16xf32>
        %mul3A_1076 = arith.constant 8 : i32
        %mul3A_1077 = arith.muli %scan3A_806, %mul3A_1076 : i32
        %add3A_1078 = arith.constant 0 : i32
        %add3A_1079 = arith.addi %add3A_1078, %mul3A_1077 : i32
        %swap3A_1080 = arith.index_cast %add3A_1079 : i32 to index
        %swap3A_1081 = tpu.vector_load %arg15[%swap3A_1080] masked %lt3A_4 {strides = array<i32>} : memref<1664xf32, #tpu.memory_space<vmem>>, vector<16xf32>, vector<16xi1>
        tpu.vector_store %arg15[%swap3A_1080], %select_n3A_1075 masked %lt3A_4 {strides = array<i32>} : memref<1664xf32, #tpu.memory_space<vmem>>, vector<16xf32>, vector<16xi1>
        %scan3A_1082 = arith.constant 0 : i32
        scf.yield %scan3A_1082 : i32
      }
      %scan3A_400 = arith.constant 25 : i32
      %get3A_401 = arith.constant 1 : i32
      %get3A_402 = arith.index_cast %get3A_401 : i32 to index
      %get3A_403 = arith.constant 0 : index
      %get3A_404 = tpu.vector_load %arg12[%get3A_402, %get3A_403] {strides = array<i32>} : memref<8x64xf32, #tpu.memory_space<vmem>>, vector<16xf32>,
      %get3A_405 = arith.constant 1 : i32
      %get3A_406 = arith.index_cast %get3A_405 : i32 to index
      %get3A_407 = arith.constant 16 : index
      %get3A_408 = tpu.vector_load %arg12[%get3A_406, %get3A_407] {strides = array<i32>} : memref<8x64xf32, #tpu.memory_space<vmem>>, vector<16xf32>,
      %get3A_409 = arith.constant 1 : i32
      %get3A_410 = arith.index_cast %get3A_409 : i32 to index
      %get3A_411 = arith.constant 32 : index
      %get3A_412 = tpu.vector_load %arg12[%get3A_410, %get3A_411] {strides = array<i32>} : memref<8x64xf32, #tpu.memory_space<vmem>>, vector<16xf32>,
      %get3A_413 = arith.constant 1 : i32
      %get3A_414 = arith.index_cast %get3A_413 : i32 to index
      %get3A_415 = arith.constant 48 : index
      %get3A_416 = tpu.vector_load %arg12[%get3A_414, %get3A_415] {strides = array<i32>} : memref<8x64xf32, #tpu.memory_space<vmem>>, vector<16xf32>,
      %get3A_417 = arith.constant 1 : i32
      %get3A_418 = arith.index_cast %get3A_417 : i32 to index
      %get3A_419 = arith.constant 0 : index
      %get3A_420 = tpu.vector_load %arg13[%get3A_418, %get3A_419] {strides = array<i32>} : memref<8x64xf32, #tpu.memory_space<vmem>>, vector<16xf32>,
      %mul3A_421 = arith.mulf %get3A_420, %get3A_404 : vector<16xf32>
      %get3A_422 = arith.constant 1 : i32
      %get3A_423 = arith.index_cast %get3A_422 : i32 to index
      %get3A_424 = arith.constant 16 : index
      %get3A_425 = tpu.vector_load %arg13[%get3A_423, %get3A_424] {strides = array<i32>} : memref<8x64xf32, #tpu.memory_space<vmem>>, vector<16xf32>,
      %mul3A_426 = arith.mulf %get3A_425, %get3A_408 : vector<16xf32>
      %add3A_427 = arith.addf %mul3A_421, %mul3A_426 : vector<16xf32>
      %get3A_428 = arith.constant 1 : i32
      %get3A_429 = arith.index_cast %get3A_428 : i32 to index
      %get3A_430 = arith.constant 32 : index
      %get3A_431 = tpu.vector_load %arg13[%get3A_429, %get3A_430] {strides = array<i32>} : memref<8x64xf32, #tpu.memory_space<vmem>>, vector<16xf32>,
      %mul3A_432 = arith.mulf %get3A_431, %get3A_412 : vector<16xf32>
      %add3A_433 = arith.addf %add3A_427, %mul3A_432 : vector<16xf32>
      %get3A_434 = arith.constant 1 : i32
      %get3A_435 = arith.index_cast %get3A_434 : i32 to index
      %get3A_436 = arith.constant 48 : index
      %get3A_437 = tpu.vector_load %arg13[%get3A_435, %get3A_436] {strides = array<i32>} : memref<8x64xf32, #tpu.memory_space<vmem>>, vector<16xf32>,
      %mul3A_438 = arith.mulf %get3A_437, %get3A_416 : vector<16xf32>
      %add3A_439 = arith.addf %add3A_433, %mul3A_438 : vector<16xf32>
      %reduce_sum3A_440 = arith.constant true
      %reduce_sum3A_441 = vector.broadcast %reduce_sum3A_440 : i1 to vector<16xi1>
      %reduce_sum3A_442 = tpu.scan <sum>, %add3A_439 masked %reduce_sum3A_441 : vector<16xf32>, vector<16xi1> -> vector<16xf32>
      %reduce_sum3A_443 = vector.extract %reduce_sum3A_442[15] : f32 from vector<16xf32>
      %eq3A_444 = arith.constant 1 : i32
      %eq3A_445 = vector.broadcast %eq3A_444 : i32 to vector<16xi32>
      %eq3A_446 = arith.cmpi eq, %iota3A, %eq3A_445 : vector<16xi32>
      %broadcast_in_dim3A_447 = vector.broadcast %reduce_sum3A_443 : f32 to vector<16xf32>
      %select_n3A_448 = arith.select %eq3A_446, %broadcast_in_dim3A_447, %select_n3A : vector<16xi1>, vector<16xf32>
      %scan3A_449 = arith.constant 0 : i32
      %scan3A_450 = arith.constant 0 : i32
      %scan3A_451 = arith.constant 25 : i32
      %scan3A_452 = arith.addi %scan3A_450, %scan3A_451 : i32
      %scan3A_453 = arith.constant 1 : i32
      %scan3A_454 = scf.for %scan3A_806 = %scan3A_450 to %scan3A_452 step %scan3A_453 iter_args(%scan3A_807 = %scan3A_449) -> (i32)  : i32 {
        %mul3A_808 = arith.constant 8 : i32
        %mul3A_809 = arith.muli %scan3A_806, %mul3A_808 : i32
        %add3A_810 = arith.constant 200 : i32
        %add3A_811 = arith.addi %add3A_810, %mul3A_809 : i32
        %add3A_812 = arith.constant 0 : i32
        %add3A_813 = arith.addi %add3A_811, %add3A_812 : i32
        %get3A_814 = arith.index_cast %add3A_813 : i32 to index
        %get3A_815 = arith.constant 0 : index
        %get3A_816 = tpu.vector_load %arg14[%get3A_814, %get3A_815] {strides = array<i32>} : memref<1600x64xf32, #tpu.memory_space<vmem>>, vector<16xf32>,
        %mul3A_817 = arith.mulf %get3A_816, %get3A_404 : vector<16xf32>
        %get3A_818 = arith.index_cast %add3A_813 : i32 to index
        %get3A_819 = arith.constant 16 : index
        %get3A_820 = tpu.vector_load %arg14[%get3A_818, %get3A_819] {strides = array<i32>} : memref<1600x64xf32, #tpu.memory_space<vmem>>, vector<16xf32>,
        %mul3A_821 = arith.mulf %get3A_820, %get3A_408 : vector<16xf32>
        %add3A_822 = arith.addf %mul3A_817, %mul3A_821 : vector<16xf32>
        %get3A_823 = arith.index_cast %add3A_813 : i32 to index
        %get3A_824 = arith.constant 32 : index
        %get3A_825 = tpu.vector_load %arg14[%get3A_823, %get3A_824] {strides = array<i32>} : memref<1600x64xf32, #tpu.memory_space<vmem>>, vector<16xf32>,
        %mul3A_826 = arith.mulf %get3A_825, %get3A_412 : vector<16xf32>
        %add3A_827 = arith.addf %add3A_822, %mul3A_826 : vector<16xf32>
        %get3A_828 = arith.index_cast %add3A_813 : i32 to index
        %get3A_829 = arith.constant 48 : index
        %get3A_830 = tpu.vector_load %arg14[%get3A_828, %get3A_829] {strides = array<i32>} : memref<1600x64xf32, #tpu.memory_space<vmem>>, vector<16xf32>,
        %mul3A_831 = arith.mulf %get3A_830, %get3A_416 : vector<16xf32>
        %add3A_832 = arith.addf %add3A_827, %mul3A_831 : vector<16xf32>
        %reduce_sum3A_833 = arith.constant true
        %reduce_sum3A_834 = vector.broadcast %reduce_sum3A_833 : i1 to vector<16xi1>
        %reduce_sum3A_835 = tpu.scan <sum>, %add3A_832 masked %reduce_sum3A_834 : vector<16xf32>, vector<16xi1> -> vector<16xf32>
        %reduce_sum3A_836 = vector.extract %reduce_sum3A_835[15] : f32 from vector<16xf32>
        %mul3A_837 = arith.constant 8 : i32
        %mul3A_838 = arith.muli %scan3A_806, %mul3A_837 : i32
        %add3A_839 = arith.constant 200 : i32
        %add3A_840 = arith.addi %add3A_839, %mul3A_838 : i32
        %add3A_841 = arith.constant 1 : i32
        %add3A_842 = arith.addi %add3A_840, %add3A_841 : i32
        %get3A_843 = arith.index_cast %add3A_842 : i32 to index
        %get3A_844 = arith.constant 0 : index
        %get3A_845 = tpu.vector_load %arg14[%get3A_843, %get3A_844] {strides = array<i32>} : memref<1600x64xf32, #tpu.memory_space<vmem>>, vector<16xf32>,
        %mul3A_846 = arith.mulf %get3A_845, %get3A_404 : vector<16xf32>
        %get3A_847 = arith.index_cast %add3A_842 : i32 to index
        %get3A_848 = arith.constant 16 : index
        %get3A_849 = tpu.vector_load %arg14[%get3A_847, %get3A_848] {strides = array<i32>} : memref<1600x64xf32, #tpu.memory_space<vmem>>, vector<16xf32>,
        %mul3A_850 = arith.mulf %get3A_849, %get3A_408 : vector<16xf32>
        %add3A_851 = arith.addf %mul3A_846, %mul3A_850 : vector<16xf32>
        %get3A_852 = arith.index_cast %add3A_842 : i32 to index
        %get3A_853 = arith.constant 32 : index
        %get3A_854 = tpu.vector_load %arg14[%get3A_852, %get3A_853] {strides = array<i32>} : memref<1600x64xf32, #tpu.memory_space<vmem>>, vector<16xf32>,
        %mul3A_855 = arith.mulf %get3A_854, %get3A_412 : vector<16xf32>
        %add3A_856 = arith.addf %add3A_851, %mul3A_855 : vector<16xf32>
        %get3A_857 = arith.index_cast %add3A_842 : i32 to index
        %get3A_858 = arith.constant 48 : index
        %get3A_859 = tpu.vector_load %arg14[%get3A_857, %get3A_858] {strides = array<i32>} : memref<1600x64xf32, #tpu.memory_space<vmem>>, vector<16xf32>,
        %mul3A_860 = arith.mulf %get3A_859, %get3A_416 : vector<16xf32>
        %add3A_861 = arith.addf %add3A_856, %mul3A_860 : vector<16xf32>
        %reduce_sum3A_862 = arith.constant true
        %reduce_sum3A_863 = vector.broadcast %reduce_sum3A_862 : i1 to vector<16xi1>
        %reduce_sum3A_864 = tpu.scan <sum>, %add3A_861 masked %reduce_sum3A_863 : vector<16xf32>, vector<16xi1> -> vector<16xf32>
        %reduce_sum3A_865 = vector.extract %reduce_sum3A_864[15] : f32 from vector<16xf32>
        %mul3A_866 = arith.constant 8 : i32
        %mul3A_867 = arith.muli %scan3A_806, %mul3A_866 : i32
        %add3A_868 = arith.constant 200 : i32
        %add3A_869 = arith.addi %add3A_868, %mul3A_867 : i32
        %add3A_870 = arith.constant 2 : i32
        %add3A_871 = arith.addi %add3A_869, %add3A_870 : i32
        %get3A_872 = arith.index_cast %add3A_871 : i32 to index
        %get3A_873 = arith.constant 0 : index
        %get3A_874 = tpu.vector_load %arg14[%get3A_872, %get3A_873] {strides = array<i32>} : memref<1600x64xf32, #tpu.memory_space<vmem>>, vector<16xf32>,
        %mul3A_875 = arith.mulf %get3A_874, %get3A_404 : vector<16xf32>
        %get3A_876 = arith.index_cast %add3A_871 : i32 to index
        %get3A_877 = arith.constant 16 : index
        %get3A_878 = tpu.vector_load %arg14[%get3A_876, %get3A_877] {strides = array<i32>} : memref<1600x64xf32, #tpu.memory_space<vmem>>, vector<16xf32>,
        %mul3A_879 = arith.mulf %get3A_878, %get3A_408 : vector<16xf32>
        %add3A_880 = arith.addf %mul3A_875, %mul3A_879 : vector<16xf32>
        %get3A_881 = arith.index_cast %add3A_871 : i32 to index
        %get3A_882 = arith.constant 32 : index
        %get3A_883 = tpu.vector_load %arg14[%get3A_881, %get3A_882] {strides = array<i32>} : memref<1600x64xf32, #tpu.memory_space<vmem>>, vector<16xf32>,
        %mul3A_884 = arith.mulf %get3A_883, %get3A_412 : vector<16xf32>
        %add3A_885 = arith.addf %add3A_880, %mul3A_884 : vector<16xf32>
        %get3A_886 = arith.index_cast %add3A_871 : i32 to index
        %get3A_887 = arith.constant 48 : index
        %get3A_888 = tpu.vector_load %arg14[%get3A_886, %get3A_887] {strides = array<i32>} : memref<1600x64xf32, #tpu.memory_space<vmem>>, vector<16xf32>,
        %mul3A_889 = arith.mulf %get3A_888, %get3A_416 : vector<16xf32>
        %add3A_890 = arith.addf %add3A_885, %mul3A_889 : vector<16xf32>
        %reduce_sum3A_891 = arith.constant true
        %reduce_sum3A_892 = vector.broadcast %reduce_sum3A_891 : i1 to vector<16xi1>
        %reduce_sum3A_893 = tpu.scan <sum>, %add3A_890 masked %reduce_sum3A_892 : vector<16xf32>, vector<16xi1> -> vector<16xf32>
        %reduce_sum3A_894 = vector.extract %reduce_sum3A_893[15] : f32 from vector<16xf32>
        %mul3A_895 = arith.constant 8 : i32
        %mul3A_896 = arith.muli %scan3A_806, %mul3A_895 : i32
        %add3A_897 = arith.constant 200 : i32
        %add3A_898 = arith.addi %add3A_897, %mul3A_896 : i32
        %add3A_899 = arith.constant 3 : i32
        %add3A_900 = arith.addi %add3A_898, %add3A_899 : i32
        %get3A_901 = arith.index_cast %add3A_900 : i32 to index
        %get3A_902 = arith.constant 0 : index
        %get3A_903 = tpu.vector_load %arg14[%get3A_901, %get3A_902] {strides = array<i32>} : memref<1600x64xf32, #tpu.memory_space<vmem>>, vector<16xf32>,
        %mul3A_904 = arith.mulf %get3A_903, %get3A_404 : vector<16xf32>
        %get3A_905 = arith.index_cast %add3A_900 : i32 to index
        %get3A_906 = arith.constant 16 : index
        %get3A_907 = tpu.vector_load %arg14[%get3A_905, %get3A_906] {strides = array<i32>} : memref<1600x64xf32, #tpu.memory_space<vmem>>, vector<16xf32>,
        %mul3A_908 = arith.mulf %get3A_907, %get3A_408 : vector<16xf32>
        %add3A_909 = arith.addf %mul3A_904, %mul3A_908 : vector<16xf32>
        %get3A_910 = arith.index_cast %add3A_900 : i32 to index
        %get3A_911 = arith.constant 32 : index
        %get3A_912 = tpu.vector_load %arg14[%get3A_910, %get3A_911] {strides = array<i32>} : memref<1600x64xf32, #tpu.memory_space<vmem>>, vector<16xf32>,
        %mul3A_913 = arith.mulf %get3A_912, %get3A_412 : vector<16xf32>
        %add3A_914 = arith.addf %add3A_909, %mul3A_913 : vector<16xf32>
        %get3A_915 = arith.index_cast %add3A_900 : i32 to index
        %get3A_916 = arith.constant 48 : index
        %get3A_917 = tpu.vector_load %arg14[%get3A_915, %get3A_916] {strides = array<i32>} : memref<1600x64xf32, #tpu.memory_space<vmem>>, vector<16xf32>,
        %mul3A_918 = arith.mulf %get3A_917, %get3A_416 : vector<16xf32>
        %add3A_919 = arith.addf %add3A_914, %mul3A_918 : vector<16xf32>
        %reduce_sum3A_920 = arith.constant true
        %reduce_sum3A_921 = vector.broadcast %reduce_sum3A_920 : i1 to vector<16xi1>
        %reduce_sum3A_922 = tpu.scan <sum>, %add3A_919 masked %reduce_sum3A_921 : vector<16xf32>, vector<16xi1> -> vector<16xf32>
        %reduce_sum3A_923 = vector.extract %reduce_sum3A_922[15] : f32 from vector<16xf32>
        %mul3A_924 = arith.constant 8 : i32
        %mul3A_925 = arith.muli %scan3A_806, %mul3A_924 : i32
        %add3A_926 = arith.constant 200 : i32
        %add3A_927 = arith.addi %add3A_926, %mul3A_925 : i32
        %add3A_928 = arith.constant 4 : i32
        %add3A_929 = arith.addi %add3A_927, %add3A_928 : i32
        %get3A_930 = arith.index_cast %add3A_929 : i32 to index
        %get3A_931 = arith.constant 0 : index
        %get3A_932 = tpu.vector_load %arg14[%get3A_930, %get3A_931] {strides = array<i32>} : memref<1600x64xf32, #tpu.memory_space<vmem>>, vector<16xf32>,
        %mul3A_933 = arith.mulf %get3A_932, %get3A_404 : vector<16xf32>
        %get3A_934 = arith.index_cast %add3A_929 : i32 to index
        %get3A_935 = arith.constant 16 : index
        %get3A_936 = tpu.vector_load %arg14[%get3A_934, %get3A_935] {strides = array<i32>} : memref<1600x64xf32, #tpu.memory_space<vmem>>, vector<16xf32>,
        %mul3A_937 = arith.mulf %get3A_936, %get3A_408 : vector<16xf32>
        %add3A_938 = arith.addf %mul3A_933, %mul3A_937 : vector<16xf32>
        %get3A_939 = arith.index_cast %add3A_929 : i32 to index
        %get3A_940 = arith.constant 32 : index
        %get3A_941 = tpu.vector_load %arg14[%get3A_939, %get3A_940] {strides = array<i32>} : memref<1600x64xf32, #tpu.memory_space<vmem>>, vector<16xf32>,
        %mul3A_942 = arith.mulf %get3A_941, %get3A_412 : vector<16xf32>
        %add3A_943 = arith.addf %add3A_938, %mul3A_942 : vector<16xf32>
        %get3A_944 = arith.index_cast %add3A_929 : i32 to index
        %get3A_945 = arith.constant 48 : index
        %get3A_946 = tpu.vector_load %arg14[%get3A_944, %get3A_945] {strides = array<i32>} : memref<1600x64xf32, #tpu.memory_space<vmem>>, vector<16xf32>,
        %mul3A_947 = arith.mulf %get3A_946, %get3A_416 : vector<16xf32>
        %add3A_948 = arith.addf %add3A_943, %mul3A_947 : vector<16xf32>
        %reduce_sum3A_949 = arith.constant true
        %reduce_sum3A_950 = vector.broadcast %reduce_sum3A_949 : i1 to vector<16xi1>
        %reduce_sum3A_951 = tpu.scan <sum>, %add3A_948 masked %reduce_sum3A_950 : vector<16xf32>, vector<16xi1> -> vector<16xf32>
        %reduce_sum3A_952 = vector.extract %reduce_sum3A_951[15] : f32 from vector<16xf32>
        %mul3A_953 = arith.constant 8 : i32
        %mul3A_954 = arith.muli %scan3A_806, %mul3A_953 : i32
        %add3A_955 = arith.constant 200 : i32
        %add3A_956 = arith.addi %add3A_955, %mul3A_954 : i32
        %add3A_957 = arith.constant 5 : i32
        %add3A_958 = arith.addi %add3A_956, %add3A_957 : i32
        %get3A_959 = arith.index_cast %add3A_958 : i32 to index
        %get3A_960 = arith.constant 0 : index
        %get3A_961 = tpu.vector_load %arg14[%get3A_959, %get3A_960] {strides = array<i32>} : memref<1600x64xf32, #tpu.memory_space<vmem>>, vector<16xf32>,
        %mul3A_962 = arith.mulf %get3A_961, %get3A_404 : vector<16xf32>
        %get3A_963 = arith.index_cast %add3A_958 : i32 to index
        %get3A_964 = arith.constant 16 : index
        %get3A_965 = tpu.vector_load %arg14[%get3A_963, %get3A_964] {strides = array<i32>} : memref<1600x64xf32, #tpu.memory_space<vmem>>, vector<16xf32>,
        %mul3A_966 = arith.mulf %get3A_965, %get3A_408 : vector<16xf32>
        %add3A_967 = arith.addf %mul3A_962, %mul3A_966 : vector<16xf32>
        %get3A_968 = arith.index_cast %add3A_958 : i32 to index
        %get3A_969 = arith.constant 32 : index
        %get3A_970 = tpu.vector_load %arg14[%get3A_968, %get3A_969] {strides = array<i32>} : memref<1600x64xf32, #tpu.memory_space<vmem>>, vector<16xf32>,
        %mul3A_971 = arith.mulf %get3A_970, %get3A_412 : vector<16xf32>
        %add3A_972 = arith.addf %add3A_967, %mul3A_971 : vector<16xf32>
        %get3A_973 = arith.index_cast %add3A_958 : i32 to index
        %get3A_974 = arith.constant 48 : index
        %get3A_975 = tpu.vector_load %arg14[%get3A_973, %get3A_974] {strides = array<i32>} : memref<1600x64xf32, #tpu.memory_space<vmem>>, vector<16xf32>,
        %mul3A_976 = arith.mulf %get3A_975, %get3A_416 : vector<16xf32>
        %add3A_977 = arith.addf %add3A_972, %mul3A_976 : vector<16xf32>
        %reduce_sum3A_978 = arith.constant true
        %reduce_sum3A_979 = vector.broadcast %reduce_sum3A_978 : i1 to vector<16xi1>
        %reduce_sum3A_980 = tpu.scan <sum>, %add3A_977 masked %reduce_sum3A_979 : vector<16xf32>, vector<16xi1> -> vector<16xf32>
        %reduce_sum3A_981 = vector.extract %reduce_sum3A_980[15] : f32 from vector<16xf32>
        %mul3A_982 = arith.constant 8 : i32
        %mul3A_983 = arith.muli %scan3A_806, %mul3A_982 : i32
        %add3A_984 = arith.constant 200 : i32
        %add3A_985 = arith.addi %add3A_984, %mul3A_983 : i32
        %add3A_986 = arith.constant 6 : i32
        %add3A_987 = arith.addi %add3A_985, %add3A_986 : i32
        %get3A_988 = arith.index_cast %add3A_987 : i32 to index
        %get3A_989 = arith.constant 0 : index
        %get3A_990 = tpu.vector_load %arg14[%get3A_988, %get3A_989] {strides = array<i32>} : memref<1600x64xf32, #tpu.memory_space<vmem>>, vector<16xf32>,
        %mul3A_991 = arith.mulf %get3A_990, %get3A_404 : vector<16xf32>
        %get3A_992 = arith.index_cast %add3A_987 : i32 to index
        %get3A_993 = arith.constant 16 : index
        %get3A_994 = tpu.vector_load %arg14[%get3A_992, %get3A_993] {strides = array<i32>} : memref<1600x64xf32, #tpu.memory_space<vmem>>, vector<16xf32>,
        %mul3A_995 = arith.mulf %get3A_994, %get3A_408 : vector<16xf32>
        %add3A_996 = arith.addf %mul3A_991, %mul3A_995 : vector<16xf32>
        %get3A_997 = arith.index_cast %add3A_987 : i32 to index
        %get3A_998 = arith.constant 32 : index
        %get3A_999 = tpu.vector_load %arg14[%get3A_997, %get3A_998] {strides = array<i32>} : memref<1600x64xf32, #tpu.memory_space<vmem>>, vector<16xf32>,
        %mul3A_1000 = arith.mulf %get3A_999, %get3A_412 : vector<16xf32>
        %add3A_1001 = arith.addf %add3A_996, %mul3A_1000 : vector<16xf32>
        %get3A_1002 = arith.index_cast %add3A_987 : i32 to index
        %get3A_1003 = arith.constant 48 : index
        %get3A_1004 = tpu.vector_load %arg14[%get3A_1002, %get3A_1003] {strides = array<i32>} : memref<1600x64xf32, #tpu.memory_space<vmem>>, vector<16xf32>,
        %mul3A_1005 = arith.mulf %get3A_1004, %get3A_416 : vector<16xf32>
        %add3A_1006 = arith.addf %add3A_1001, %mul3A_1005 : vector<16xf32>
        %reduce_sum3A_1007 = arith.constant true
        %reduce_sum3A_1008 = vector.broadcast %reduce_sum3A_1007 : i1 to vector<16xi1>
        %reduce_sum3A_1009 = tpu.scan <sum>, %add3A_1006 masked %reduce_sum3A_1008 : vector<16xf32>, vector<16xi1> -> vector<16xf32>
        %reduce_sum3A_1010 = vector.extract %reduce_sum3A_1009[15] : f32 from vector<16xf32>
        %mul3A_1011 = arith.constant 8 : i32
        %mul3A_1012 = arith.muli %scan3A_806, %mul3A_1011 : i32
        %add3A_1013 = arith.constant 200 : i32
        %add3A_1014 = arith.addi %add3A_1013, %mul3A_1012 : i32
        %add3A_1015 = arith.constant 7 : i32
        %add3A_1016 = arith.addi %add3A_1014, %add3A_1015 : i32
        %get3A_1017 = arith.index_cast %add3A_1016 : i32 to index
        %get3A_1018 = arith.constant 0 : index
        %get3A_1019 = tpu.vector_load %arg14[%get3A_1017, %get3A_1018] {strides = array<i32>} : memref<1600x64xf32, #tpu.memory_space<vmem>>, vector<16xf32>,
        %mul3A_1020 = arith.mulf %get3A_1019, %get3A_404 : vector<16xf32>
        %get3A_1021 = arith.index_cast %add3A_1016 : i32 to index
        %get3A_1022 = arith.constant 16 : index
        %get3A_1023 = tpu.vector_load %arg14[%get3A_1021, %get3A_1022] {strides = array<i32>} : memref<1600x64xf32, #tpu.memory_space<vmem>>, vector<16xf32>,
        %mul3A_1024 = arith.mulf %get3A_1023, %get3A_408 : vector<16xf32>
        %add3A_1025 = arith.addf %mul3A_1020, %mul3A_1024 : vector<16xf32>
        %get3A_1026 = arith.index_cast %add3A_1016 : i32 to index
        %get3A_1027 = arith.constant 32 : index
        %get3A_1028 = tpu.vector_load %arg14[%get3A_1026, %get3A_1027] {strides = array<i32>} : memref<1600x64xf32, #tpu.memory_space<vmem>>, vector<16xf32>,
        %mul3A_1029 = arith.mulf %get3A_1028, %get3A_412 : vector<16xf32>
        %add3A_1030 = arith.addf %add3A_1025, %mul3A_1029 : vector<16xf32>
        %get3A_1031 = arith.index_cast %add3A_1016 : i32 to index
        %get3A_1032 = arith.constant 48 : index
        %get3A_1033 = tpu.vector_load %arg14[%get3A_1031, %get3A_1032] {strides = array<i32>} : memref<1600x64xf32, #tpu.memory_space<vmem>>, vector<16xf32>,
        %mul3A_1034 = arith.mulf %get3A_1033, %get3A_416 : vector<16xf32>
        %add3A_1035 = arith.addf %add3A_1030, %mul3A_1034 : vector<16xf32>
        %reduce_sum3A_1036 = arith.constant true
        %reduce_sum3A_1037 = vector.broadcast %reduce_sum3A_1036 : i1 to vector<16xi1>
        %reduce_sum3A_1038 = tpu.scan <sum>, %add3A_1035 masked %reduce_sum3A_1037 : vector<16xf32>, vector<16xi1> -> vector<16xf32>
        %reduce_sum3A_1039 = vector.extract %reduce_sum3A_1038[15] : f32 from vector<16xf32>
        %broadcast_in_dim3A_1040 = vector.broadcast %reduce_sum3A_836 : f32 to vector<16xf32>
        %eq3A_1041 = arith.constant 1 : i32
        %eq3A_1042 = vector.broadcast %eq3A_1041 : i32 to vector<16xi32>
        %eq3A_1043 = arith.cmpi eq, %iota3A, %eq3A_1042 : vector<16xi32>
        %broadcast_in_dim3A_1044 = vector.broadcast %reduce_sum3A_865 : f32 to vector<16xf32>
        %select_n3A_1045 = arith.select %eq3A_1043, %broadcast_in_dim3A_1044, %broadcast_in_dim3A_1040 : vector<16xi1>, vector<16xf32>
        %eq3A_1046 = arith.constant 2 : i32
        %eq3A_1047 = vector.broadcast %eq3A_1046 : i32 to vector<16xi32>
        %eq3A_1048 = arith.cmpi eq, %iota3A, %eq3A_1047 : vector<16xi32>
        %broadcast_in_dim3A_1049 = vector.broadcast %reduce_sum3A_894 : f32 to vector<16xf32>
        %select_n3A_1050 = arith.select %eq3A_1048, %broadcast_in_dim3A_1049, %select_n3A_1045 : vector<16xi1>, vector<16xf32>
        %eq3A_1051 = arith.constant 3 : i32
        %eq3A_1052 = vector.broadcast %eq3A_1051 : i32 to vector<16xi32>
        %eq3A_1053 = arith.cmpi eq, %iota3A, %eq3A_1052 : vector<16xi32>
        %broadcast_in_dim3A_1054 = vector.broadcast %reduce_sum3A_923 : f32 to vector<16xf32>
        %select_n3A_1055 = arith.select %eq3A_1053, %broadcast_in_dim3A_1054, %select_n3A_1050 : vector<16xi1>, vector<16xf32>
        %eq3A_1056 = arith.constant 4 : i32
        %eq3A_1057 = vector.broadcast %eq3A_1056 : i32 to vector<16xi32>
        %eq3A_1058 = arith.cmpi eq, %iota3A, %eq3A_1057 : vector<16xi32>
        %broadcast_in_dim3A_1059 = vector.broadcast %reduce_sum3A_952 : f32 to vector<16xf32>
        %select_n3A_1060 = arith.select %eq3A_1058, %broadcast_in_dim3A_1059, %select_n3A_1055 : vector<16xi1>, vector<16xf32>
        %eq3A_1061 = arith.constant 5 : i32
        %eq3A_1062 = vector.broadcast %eq3A_1061 : i32 to vector<16xi32>
        %eq3A_1063 = arith.cmpi eq, %iota3A, %eq3A_1062 : vector<16xi32>
        %broadcast_in_dim3A_1064 = vector.broadcast %reduce_sum3A_981 : f32 to vector<16xf32>
        %select_n3A_1065 = arith.select %eq3A_1063, %broadcast_in_dim3A_1064, %select_n3A_1060 : vector<16xi1>, vector<16xf32>
        %eq3A_1066 = arith.constant 6 : i32
        %eq3A_1067 = vector.broadcast %eq3A_1066 : i32 to vector<16xi32>
        %eq3A_1068 = arith.cmpi eq, %iota3A, %eq3A_1067 : vector<16xi32>
        %broadcast_in_dim3A_1069 = vector.broadcast %reduce_sum3A_1010 : f32 to vector<16xf32>
        %select_n3A_1070 = arith.select %eq3A_1068, %broadcast_in_dim3A_1069, %select_n3A_1065 : vector<16xi1>, vector<16xf32>
        %eq3A_1071 = arith.constant 7 : i32
        %eq3A_1072 = vector.broadcast %eq3A_1071 : i32 to vector<16xi32>
        %eq3A_1073 = arith.cmpi eq, %iota3A, %eq3A_1072 : vector<16xi32>
        %broadcast_in_dim3A_1074 = vector.broadcast %reduce_sum3A_1039 : f32 to vector<16xf32>
        %select_n3A_1075 = arith.select %eq3A_1073, %broadcast_in_dim3A_1074, %select_n3A_1070 : vector<16xi1>, vector<16xf32>
        %mul3A_1076 = arith.constant 8 : i32
        %mul3A_1077 = arith.muli %scan3A_806, %mul3A_1076 : i32
        %add3A_1078 = arith.constant 208 : i32
        %add3A_1079 = arith.addi %add3A_1078, %mul3A_1077 : i32
        %swap3A_1080 = arith.index_cast %add3A_1079 : i32 to index
        %swap3A_1081 = tpu.vector_load %arg15[%swap3A_1080] masked %lt3A_4 {strides = array<i32>} : memref<1664xf32, #tpu.memory_space<vmem>>, vector<16xf32>, vector<16xi1>
        tpu.vector_store %arg15[%swap3A_1080], %select_n3A_1075 masked %lt3A_4 {strides = array<i32>} : memref<1664xf32, #tpu.memory_space<vmem>>, vector<16xf32>, vector<16xi1>
        %scan3A_1082 = arith.constant 0 : i32
        scf.yield %scan3A_1082 : i32
      }
      %scan3A_455 = arith.constant 25 : i32
      %get3A_456 = arith.constant 2 : i32
      %get3A_457 = arith.index_cast %get3A_456 : i32 to index
      %get3A_458 = arith.constant 0 : index
      %get3A_459 = tpu.vector_load %arg12[%get3A_457, %get3A_458] {strides = array<i32>} : memref<8x64xf32, #tpu.memory_space<vmem>>, vector<16xf32>,
      %get3A_460 = arith.constant 2 : i32
      %get3A_461 = arith.index_cast %get3A_460 : i32 to index
      %get3A_462 = arith.constant 16 : index
      %get3A_463 = tpu.vector_load %arg12[%get3A_461, %get3A_462] {strides = array<i32>} : memref<8x64xf32, #tpu.memory_space<vmem>>, vector<16xf32>,
      %get3A_464 = arith.constant 2 : i32
      %get3A_465 = arith.index_cast %get3A_464 : i32 to index
      %get3A_466 = arith.constant 32 : index
      %get3A_467 = tpu.vector_load %arg12[%get3A_465, %get3A_466] {strides = array<i32>} : memref<8x64xf32, #tpu.memory_space<vmem>>, vector<16xf32>,
      %get3A_468 = arith.constant 2 : i32
      %get3A_469 = arith.index_cast %get3A_468 : i32 to index
      %get3A_470 = arith.constant 48 : index
      %get3A_471 = tpu.vector_load %arg12[%get3A_469, %get3A_470] {strides = array<i32>} : memref<8x64xf32, #tpu.memory_space<vmem>>, vector<16xf32>,
      %get3A_472 = arith.constant 2 : i32
      %get3A_473 = arith.index_cast %get3A_472 : i32 to index
      %get3A_474 = arith.constant 0 : index
      %get3A_475 = tpu.vector_load %arg13[%get3A_473, %get3A_474] {strides = array<i32>} : memref<8x64xf32, #tpu.memory_space<vmem>>, vector<16xf32>,
      %mul3A_476 = arith.mulf %get3A_475, %get3A_459 : vector<16xf32>
      %get3A_477 = arith.constant 2 : i32
      %get3A_478 = arith.index_cast %get3A_477 : i32 to index
      %get3A_479 = arith.constant 16 : index
      %get3A_480 = tpu.vector_load %arg13[%get3A_478, %get3A_479] {strides = array<i32>} : memref<8x64xf32, #tpu.memory_space<vmem>>, vector<16xf32>,
      %mul3A_481 = arith.mulf %get3A_480, %get3A_463 : vector<16xf32>
      %add3A_482 = arith.addf %mul3A_476, %mul3A_481 : vector<16xf32>
      %get3A_483 = arith.constant 2 : i32
      %get3A_484 = arith.index_cast %get3A_483 : i32 to index
      %get3A_485 = arith.constant 32 : index
      %get3A_486 = tpu.vector_load %arg13[%get3A_484, %get3A_485] {strides = array<i32>} : memref<8x64xf32, #tpu.memory_space<vmem>>, vector<16xf32>,
      %mul3A_487 = arith.mulf %get3A_486, %get3A_467 : vector<16xf32>
      %add3A_488 = arith.addf %add3A_482, %mul3A_487 : vector<16xf32>
      %get3A_489 = arith.constant 2 : i32
      %get3A_490 = arith.index_cast %get3A_489 : i32 to index
      %get3A_491 = arith.constant 48 : index
      %get3A_492 = tpu.vector_load %arg13[%get3A_490, %get3A_491] {strides = array<i32>} : memref<8x64xf32, #tpu.memory_space<vmem>>, vector<16xf32>,
      %mul3A_493 = arith.mulf %get3A_492, %get3A_471 : vector<16xf32>
      %add3A_494 = arith.addf %add3A_488, %mul3A_493 : vector<16xf32>
      %reduce_sum3A_495 = arith.constant true
      %reduce_sum3A_496 = vector.broadcast %reduce_sum3A_495 : i1 to vector<16xi1>
      %reduce_sum3A_497 = tpu.scan <sum>, %add3A_494 masked %reduce_sum3A_496 : vector<16xf32>, vector<16xi1> -> vector<16xf32>
      %reduce_sum3A_498 = vector.extract %reduce_sum3A_497[15] : f32 from vector<16xf32>
      %eq3A_499 = arith.constant 2 : i32
      %eq3A_500 = vector.broadcast %eq3A_499 : i32 to vector<16xi32>
      %eq3A_501 = arith.cmpi eq, %iota3A, %eq3A_500 : vector<16xi32>
      %broadcast_in_dim3A_502 = vector.broadcast %reduce_sum3A_498 : f32 to vector<16xf32>
      %select_n3A_503 = arith.select %eq3A_501, %broadcast_in_dim3A_502, %select_n3A_448 : vector<16xi1>, vector<16xf32>
      %scan3A_504 = arith.constant 0 : i32
      %scan3A_505 = arith.constant 0 : i32
      %scan3A_506 = arith.constant 25 : i32
      %scan3A_507 = arith.addi %scan3A_505, %scan3A_506 : i32
      %scan3A_508 = arith.constant 1 : i32
      %scan3A_509 = scf.for %scan3A_806 = %scan3A_505 to %scan3A_507 step %scan3A_508 iter_args(%scan3A_807 = %scan3A_504) -> (i32)  : i32 {
        %mul3A_808 = arith.constant 8 : i32
        %mul3A_809 = arith.muli %scan3A_806, %mul3A_808 : i32
        %add3A_810 = arith.constant 400 : i32
        %add3A_811 = arith.addi %add3A_810, %mul3A_809 : i32
        %add3A_812 = arith.constant 0 : i32
        %add3A_813 = arith.addi %add3A_811, %add3A_812 : i32
        %get3A_814 = arith.index_cast %add3A_813 : i32 to index
        %get3A_815 = arith.constant 0 : index
        %get3A_816 = tpu.vector_load %arg14[%get3A_814, %get3A_815] {strides = array<i32>} : memref<1600x64xf32, #tpu.memory_space<vmem>>, vector<16xf32>,
        %mul3A_817 = arith.mulf %get3A_816, %get3A_459 : vector<16xf32>
        %get3A_818 = arith.index_cast %add3A_813 : i32 to index
        %get3A_819 = arith.constant 16 : index
        %get3A_820 = tpu.vector_load %arg14[%get3A_818, %get3A_819] {strides = array<i32>} : memref<1600x64xf32, #tpu.memory_space<vmem>>, vector<16xf32>,
        %mul3A_821 = arith.mulf %get3A_820, %get3A_463 : vector<16xf32>
        %add3A_822 = arith.addf %mul3A_817, %mul3A_821 : vector<16xf32>
        %get3A_823 = arith.index_cast %add3A_813 : i32 to index
        %get3A_824 = arith.constant 32 : index
        %get3A_825 = tpu.vector_load %arg14[%get3A_823, %get3A_824] {strides = array<i32>} : memref<1600x64xf32, #tpu.memory_space<vmem>>, vector<16xf32>,
        %mul3A_826 = arith.mulf %get3A_825, %get3A_467 : vector<16xf32>
        %add3A_827 = arith.addf %add3A_822, %mul3A_826 : vector<16xf32>
        %get3A_828 = arith.index_cast %add3A_813 : i32 to index
        %get3A_829 = arith.constant 48 : index
        %get3A_830 = tpu.vector_load %arg14[%get3A_828, %get3A_829] {strides = array<i32>} : memref<1600x64xf32, #tpu.memory_space<vmem>>, vector<16xf32>,
        %mul3A_831 = arith.mulf %get3A_830, %get3A_471 : vector<16xf32>
        %add3A_832 = arith.addf %add3A_827, %mul3A_831 : vector<16xf32>
        %reduce_sum3A_833 = arith.constant true
        %reduce_sum3A_834 = vector.broadcast %reduce_sum3A_833 : i1 to vector<16xi1>
        %reduce_sum3A_835 = tpu.scan <sum>, %add3A_832 masked %reduce_sum3A_834 : vector<16xf32>, vector<16xi1> -> vector<16xf32>
        %reduce_sum3A_836 = vector.extract %reduce_sum3A_835[15] : f32 from vector<16xf32>
        %mul3A_837 = arith.constant 8 : i32
        %mul3A_838 = arith.muli %scan3A_806, %mul3A_837 : i32
        %add3A_839 = arith.constant 400 : i32
        %add3A_840 = arith.addi %add3A_839, %mul3A_838 : i32
        %add3A_841 = arith.constant 1 : i32
        %add3A_842 = arith.addi %add3A_840, %add3A_841 : i32
        %get3A_843 = arith.index_cast %add3A_842 : i32 to index
        %get3A_844 = arith.constant 0 : index
        %get3A_845 = tpu.vector_load %arg14[%get3A_843, %get3A_844] {strides = array<i32>} : memref<1600x64xf32, #tpu.memory_space<vmem>>, vector<16xf32>,
        %mul3A_846 = arith.mulf %get3A_845, %get3A_459 : vector<16xf32>
        %get3A_847 = arith.index_cast %add3A_842 : i32 to index
        %get3A_848 = arith.constant 16 : index
        %get3A_849 = tpu.vector_load %arg14[%get3A_847, %get3A_848] {strides = array<i32>} : memref<1600x64xf32, #tpu.memory_space<vmem>>, vector<16xf32>,
        %mul3A_850 = arith.mulf %get3A_849, %get3A_463 : vector<16xf32>
        %add3A_851 = arith.addf %mul3A_846, %mul3A_850 : vector<16xf32>
        %get3A_852 = arith.index_cast %add3A_842 : i32 to index
        %get3A_853 = arith.constant 32 : index
        %get3A_854 = tpu.vector_load %arg14[%get3A_852, %get3A_853] {strides = array<i32>} : memref<1600x64xf32, #tpu.memory_space<vmem>>, vector<16xf32>,
        %mul3A_855 = arith.mulf %get3A_854, %get3A_467 : vector<16xf32>
        %add3A_856 = arith.addf %add3A_851, %mul3A_855 : vector<16xf32>
        %get3A_857 = arith.index_cast %add3A_842 : i32 to index
        %get3A_858 = arith.constant 48 : index
        %get3A_859 = tpu.vector_load %arg14[%get3A_857, %get3A_858] {strides = array<i32>} : memref<1600x64xf32, #tpu.memory_space<vmem>>, vector<16xf32>,
        %mul3A_860 = arith.mulf %get3A_859, %get3A_471 : vector<16xf32>
        %add3A_861 = arith.addf %add3A_856, %mul3A_860 : vector<16xf32>
        %reduce_sum3A_862 = arith.constant true
        %reduce_sum3A_863 = vector.broadcast %reduce_sum3A_862 : i1 to vector<16xi1>
        %reduce_sum3A_864 = tpu.scan <sum>, %add3A_861 masked %reduce_sum3A_863 : vector<16xf32>, vector<16xi1> -> vector<16xf32>
        %reduce_sum3A_865 = vector.extract %reduce_sum3A_864[15] : f32 from vector<16xf32>
        %mul3A_866 = arith.constant 8 : i32
        %mul3A_867 = arith.muli %scan3A_806, %mul3A_866 : i32
        %add3A_868 = arith.constant 400 : i32
        %add3A_869 = arith.addi %add3A_868, %mul3A_867 : i32
        %add3A_870 = arith.constant 2 : i32
        %add3A_871 = arith.addi %add3A_869, %add3A_870 : i32
        %get3A_872 = arith.index_cast %add3A_871 : i32 to index
        %get3A_873 = arith.constant 0 : index
        %get3A_874 = tpu.vector_load %arg14[%get3A_872, %get3A_873] {strides = array<i32>} : memref<1600x64xf32, #tpu.memory_space<vmem>>, vector<16xf32>,
        %mul3A_875 = arith.mulf %get3A_874, %get3A_459 : vector<16xf32>
        %get3A_876 = arith.index_cast %add3A_871 : i32 to index
        %get3A_877 = arith.constant 16 : index
        %get3A_878 = tpu.vector_load %arg14[%get3A_876, %get3A_877] {strides = array<i32>} : memref<1600x64xf32, #tpu.memory_space<vmem>>, vector<16xf32>,
        %mul3A_879 = arith.mulf %get3A_878, %get3A_463 : vector<16xf32>
        %add3A_880 = arith.addf %mul3A_875, %mul3A_879 : vector<16xf32>
        %get3A_881 = arith.index_cast %add3A_871 : i32 to index
        %get3A_882 = arith.constant 32 : index
        %get3A_883 = tpu.vector_load %arg14[%get3A_881, %get3A_882] {strides = array<i32>} : memref<1600x64xf32, #tpu.memory_space<vmem>>, vector<16xf32>,
        %mul3A_884 = arith.mulf %get3A_883, %get3A_467 : vector<16xf32>
        %add3A_885 = arith.addf %add3A_880, %mul3A_884 : vector<16xf32>
        %get3A_886 = arith.index_cast %add3A_871 : i32 to index
        %get3A_887 = arith.constant 48 : index
        %get3A_888 = tpu.vector_load %arg14[%get3A_886, %get3A_887] {strides = array<i32>} : memref<1600x64xf32, #tpu.memory_space<vmem>>, vector<16xf32>,
        %mul3A_889 = arith.mulf %get3A_888, %get3A_471 : vector<16xf32>
        %add3A_890 = arith.addf %add3A_885, %mul3A_889 : vector<16xf32>
        %reduce_sum3A_891 = arith.constant true
        %reduce_sum3A_892 = vector.broadcast %reduce_sum3A_891 : i1 to vector<16xi1>
        %reduce_sum3A_893 = tpu.scan <sum>, %add3A_890 masked %reduce_sum3A_892 : vector<16xf32>, vector<16xi1> -> vector<16xf32>
        %reduce_sum3A_894 = vector.extract %reduce_sum3A_893[15] : f32 from vector<16xf32>
        %mul3A_895 = arith.constant 8 : i32
        %mul3A_896 = arith.muli %scan3A_806, %mul3A_895 : i32
        %add3A_897 = arith.constant 400 : i32
        %add3A_898 = arith.addi %add3A_897, %mul3A_896 : i32
        %add3A_899 = arith.constant 3 : i32
        %add3A_900 = arith.addi %add3A_898, %add3A_899 : i32
        %get3A_901 = arith.index_cast %add3A_900 : i32 to index
        %get3A_902 = arith.constant 0 : index
        %get3A_903 = tpu.vector_load %arg14[%get3A_901, %get3A_902] {strides = array<i32>} : memref<1600x64xf32, #tpu.memory_space<vmem>>, vector<16xf32>,
        %mul3A_904 = arith.mulf %get3A_903, %get3A_459 : vector<16xf32>
        %get3A_905 = arith.index_cast %add3A_900 : i32 to index
        %get3A_906 = arith.constant 16 : index
        %get3A_907 = tpu.vector_load %arg14[%get3A_905, %get3A_906] {strides = array<i32>} : memref<1600x64xf32, #tpu.memory_space<vmem>>, vector<16xf32>,
        %mul3A_908 = arith.mulf %get3A_907, %get3A_463 : vector<16xf32>
        %add3A_909 = arith.addf %mul3A_904, %mul3A_908 : vector<16xf32>
        %get3A_910 = arith.index_cast %add3A_900 : i32 to index
        %get3A_911 = arith.constant 32 : index
        %get3A_912 = tpu.vector_load %arg14[%get3A_910, %get3A_911] {strides = array<i32>} : memref<1600x64xf32, #tpu.memory_space<vmem>>, vector<16xf32>,
        %mul3A_913 = arith.mulf %get3A_912, %get3A_467 : vector<16xf32>
        %add3A_914 = arith.addf %add3A_909, %mul3A_913 : vector<16xf32>
        %get3A_915 = arith.index_cast %add3A_900 : i32 to index
        %get3A_916 = arith.constant 48 : index
        %get3A_917 = tpu.vector_load %arg14[%get3A_915, %get3A_916] {strides = array<i32>} : memref<1600x64xf32, #tpu.memory_space<vmem>>, vector<16xf32>,
        %mul3A_918 = arith.mulf %get3A_917, %get3A_471 : vector<16xf32>
        %add3A_919 = arith.addf %add3A_914, %mul3A_918 : vector<16xf32>
        %reduce_sum3A_920 = arith.constant true
        %reduce_sum3A_921 = vector.broadcast %reduce_sum3A_920 : i1 to vector<16xi1>
        %reduce_sum3A_922 = tpu.scan <sum>, %add3A_919 masked %reduce_sum3A_921 : vector<16xf32>, vector<16xi1> -> vector<16xf32>
        %reduce_sum3A_923 = vector.extract %reduce_sum3A_922[15] : f32 from vector<16xf32>
        %mul3A_924 = arith.constant 8 : i32
        %mul3A_925 = arith.muli %scan3A_806, %mul3A_924 : i32
        %add3A_926 = arith.constant 400 : i32
        %add3A_927 = arith.addi %add3A_926, %mul3A_925 : i32
        %add3A_928 = arith.constant 4 : i32
        %add3A_929 = arith.addi %add3A_927, %add3A_928 : i32
        %get3A_930 = arith.index_cast %add3A_929 : i32 to index
        %get3A_931 = arith.constant 0 : index
        %get3A_932 = tpu.vector_load %arg14[%get3A_930, %get3A_931] {strides = array<i32>} : memref<1600x64xf32, #tpu.memory_space<vmem>>, vector<16xf32>,
        %mul3A_933 = arith.mulf %get3A_932, %get3A_459 : vector<16xf32>
        %get3A_934 = arith.index_cast %add3A_929 : i32 to index
        %get3A_935 = arith.constant 16 : index
        %get3A_936 = tpu.vector_load %arg14[%get3A_934, %get3A_935] {strides = array<i32>} : memref<1600x64xf32, #tpu.memory_space<vmem>>, vector<16xf32>,
        %mul3A_937 = arith.mulf %get3A_936, %get3A_463 : vector<16xf32>
        %add3A_938 = arith.addf %mul3A_933, %mul3A_937 : vector<16xf32>
        %get3A_939 = arith.index_cast %add3A_929 : i32 to index
        %get3A_940 = arith.constant 32 : index
        %get3A_941 = tpu.vector_load %arg14[%get3A_939, %get3A_940] {strides = array<i32>} : memref<1600x64xf32, #tpu.memory_space<vmem>>, vector<16xf32>,
        %mul3A_942 = arith.mulf %get3A_941, %get3A_467 : vector<16xf32>
        %add3A_943 = arith.addf %add3A_938, %mul3A_942 : vector<16xf32>
        %get3A_944 = arith.index_cast %add3A_929 : i32 to index
        %get3A_945 = arith.constant 48 : index
        %get3A_946 = tpu.vector_load %arg14[%get3A_944, %get3A_945] {strides = array<i32>} : memref<1600x64xf32, #tpu.memory_space<vmem>>, vector<16xf32>,
        %mul3A_947 = arith.mulf %get3A_946, %get3A_471 : vector<16xf32>
        %add3A_948 = arith.addf %add3A_943, %mul3A_947 : vector<16xf32>
        %reduce_sum3A_949 = arith.constant true
        %reduce_sum3A_950 = vector.broadcast %reduce_sum3A_949 : i1 to vector<16xi1>
        %reduce_sum3A_951 = tpu.scan <sum>, %add3A_948 masked %reduce_sum3A_950 : vector<16xf32>, vector<16xi1> -> vector<16xf32>
        %reduce_sum3A_952 = vector.extract %reduce_sum3A_951[15] : f32 from vector<16xf32>
        %mul3A_953 = arith.constant 8 : i32
        %mul3A_954 = arith.muli %scan3A_806, %mul3A_953 : i32
        %add3A_955 = arith.constant 400 : i32
        %add3A_956 = arith.addi %add3A_955, %mul3A_954 : i32
        %add3A_957 = arith.constant 5 : i32
        %add3A_958 = arith.addi %add3A_956, %add3A_957 : i32
        %get3A_959 = arith.index_cast %add3A_958 : i32 to index
        %get3A_960 = arith.constant 0 : index
        %get3A_961 = tpu.vector_load %arg14[%get3A_959, %get3A_960] {strides = array<i32>} : memref<1600x64xf32, #tpu.memory_space<vmem>>, vector<16xf32>,
        %mul3A_962 = arith.mulf %get3A_961, %get3A_459 : vector<16xf32>
        %get3A_963 = arith.index_cast %add3A_958 : i32 to index
        %get3A_964 = arith.constant 16 : index
        %get3A_965 = tpu.vector_load %arg14[%get3A_963, %get3A_964] {strides = array<i32>} : memref<1600x64xf32, #tpu.memory_space<vmem>>, vector<16xf32>,
        %mul3A_966 = arith.mulf %get3A_965, %get3A_463 : vector<16xf32>
        %add3A_967 = arith.addf %mul3A_962, %mul3A_966 : vector<16xf32>
        %get3A_968 = arith.index_cast %add3A_958 : i32 to index
        %get3A_969 = arith.constant 32 : index
        %get3A_970 = tpu.vector_load %arg14[%get3A_968, %get3A_969] {strides = array<i32>} : memref<1600x64xf32, #tpu.memory_space<vmem>>, vector<16xf32>,
        %mul3A_971 = arith.mulf %get3A_970, %get3A_467 : vector<16xf32>
        %add3A_972 = arith.addf %add3A_967, %mul3A_971 : vector<16xf32>
        %get3A_973 = arith.index_cast %add3A_958 : i32 to index
        %get3A_974 = arith.constant 48 : index
        %get3A_975 = tpu.vector_load %arg14[%get3A_973, %get3A_974] {strides = array<i32>} : memref<1600x64xf32, #tpu.memory_space<vmem>>, vector<16xf32>,
        %mul3A_976 = arith.mulf %get3A_975, %get3A_471 : vector<16xf32>
        %add3A_977 = arith.addf %add3A_972, %mul3A_976 : vector<16xf32>
        %reduce_sum3A_978 = arith.constant true
        %reduce_sum3A_979 = vector.broadcast %reduce_sum3A_978 : i1 to vector<16xi1>
        %reduce_sum3A_980 = tpu.scan <sum>, %add3A_977 masked %reduce_sum3A_979 : vector<16xf32>, vector<16xi1> -> vector<16xf32>
        %reduce_sum3A_981 = vector.extract %reduce_sum3A_980[15] : f32 from vector<16xf32>
        %mul3A_982 = arith.constant 8 : i32
        %mul3A_983 = arith.muli %scan3A_806, %mul3A_982 : i32
        %add3A_984 = arith.constant 400 : i32
        %add3A_985 = arith.addi %add3A_984, %mul3A_983 : i32
        %add3A_986 = arith.constant 6 : i32
        %add3A_987 = arith.addi %add3A_985, %add3A_986 : i32
        %get3A_988 = arith.index_cast %add3A_987 : i32 to index
        %get3A_989 = arith.constant 0 : index
        %get3A_990 = tpu.vector_load %arg14[%get3A_988, %get3A_989] {strides = array<i32>} : memref<1600x64xf32, #tpu.memory_space<vmem>>, vector<16xf32>,
        %mul3A_991 = arith.mulf %get3A_990, %get3A_459 : vector<16xf32>
        %get3A_992 = arith.index_cast %add3A_987 : i32 to index
        %get3A_993 = arith.constant 16 : index
        %get3A_994 = tpu.vector_load %arg14[%get3A_992, %get3A_993] {strides = array<i32>} : memref<1600x64xf32, #tpu.memory_space<vmem>>, vector<16xf32>,
        %mul3A_995 = arith.mulf %get3A_994, %get3A_463 : vector<16xf32>
        %add3A_996 = arith.addf %mul3A_991, %mul3A_995 : vector<16xf32>
        %get3A_997 = arith.index_cast %add3A_987 : i32 to index
        %get3A_998 = arith.constant 32 : index
        %get3A_999 = tpu.vector_load %arg14[%get3A_997, %get3A_998] {strides = array<i32>} : memref<1600x64xf32, #tpu.memory_space<vmem>>, vector<16xf32>,
        %mul3A_1000 = arith.mulf %get3A_999, %get3A_467 : vector<16xf32>
        %add3A_1001 = arith.addf %add3A_996, %mul3A_1000 : vector<16xf32>
        %get3A_1002 = arith.index_cast %add3A_987 : i32 to index
        %get3A_1003 = arith.constant 48 : index
        %get3A_1004 = tpu.vector_load %arg14[%get3A_1002, %get3A_1003] {strides = array<i32>} : memref<1600x64xf32, #tpu.memory_space<vmem>>, vector<16xf32>,
        %mul3A_1005 = arith.mulf %get3A_1004, %get3A_471 : vector<16xf32>
        %add3A_1006 = arith.addf %add3A_1001, %mul3A_1005 : vector<16xf32>
        %reduce_sum3A_1007 = arith.constant true
        %reduce_sum3A_1008 = vector.broadcast %reduce_sum3A_1007 : i1 to vector<16xi1>
        %reduce_sum3A_1009 = tpu.scan <sum>, %add3A_1006 masked %reduce_sum3A_1008 : vector<16xf32>, vector<16xi1> -> vector<16xf32>
        %reduce_sum3A_1010 = vector.extract %reduce_sum3A_1009[15] : f32 from vector<16xf32>
        %mul3A_1011 = arith.constant 8 : i32
        %mul3A_1012 = arith.muli %scan3A_806, %mul3A_1011 : i32
        %add3A_1013 = arith.constant 400 : i32
        %add3A_1014 = arith.addi %add3A_1013, %mul3A_1012 : i32
        %add3A_1015 = arith.constant 7 : i32
        %add3A_1016 = arith.addi %add3A_1014, %add3A_1015 : i32
        %get3A_1017 = arith.index_cast %add3A_1016 : i32 to index
        %get3A_1018 = arith.constant 0 : index
        %get3A_1019 = tpu.vector_load %arg14[%get3A_1017, %get3A_1018] {strides = array<i32>} : memref<1600x64xf32, #tpu.memory_space<vmem>>, vector<16xf32>,
        %mul3A_1020 = arith.mulf %get3A_1019, %get3A_459 : vector<16xf32>
        %get3A_1021 = arith.index_cast %add3A_1016 : i32 to index
        %get3A_1022 = arith.constant 16 : index
        %get3A_1023 = tpu.vector_load %arg14[%get3A_1021, %get3A_1022] {strides = array<i32>} : memref<1600x64xf32, #tpu.memory_space<vmem>>, vector<16xf32>,
        %mul3A_1024 = arith.mulf %get3A_1023, %get3A_463 : vector<16xf32>
        %add3A_1025 = arith.addf %mul3A_1020, %mul3A_1024 : vector<16xf32>
        %get3A_1026 = arith.index_cast %add3A_1016 : i32 to index
        %get3A_1027 = arith.constant 32 : index
        %get3A_1028 = tpu.vector_load %arg14[%get3A_1026, %get3A_1027] {strides = array<i32>} : memref<1600x64xf32, #tpu.memory_space<vmem>>, vector<16xf32>,
        %mul3A_1029 = arith.mulf %get3A_1028, %get3A_467 : vector<16xf32>
        %add3A_1030 = arith.addf %add3A_1025, %mul3A_1029 : vector<16xf32>
        %get3A_1031 = arith.index_cast %add3A_1016 : i32 to index
        %get3A_1032 = arith.constant 48 : index
        %get3A_1033 = tpu.vector_load %arg14[%get3A_1031, %get3A_1032] {strides = array<i32>} : memref<1600x64xf32, #tpu.memory_space<vmem>>, vector<16xf32>,
        %mul3A_1034 = arith.mulf %get3A_1033, %get3A_471 : vector<16xf32>
        %add3A_1035 = arith.addf %add3A_1030, %mul3A_1034 : vector<16xf32>
        %reduce_sum3A_1036 = arith.constant true
        %reduce_sum3A_1037 = vector.broadcast %reduce_sum3A_1036 : i1 to vector<16xi1>
        %reduce_sum3A_1038 = tpu.scan <sum>, %add3A_1035 masked %reduce_sum3A_1037 : vector<16xf32>, vector<16xi1> -> vector<16xf32>
        %reduce_sum3A_1039 = vector.extract %reduce_sum3A_1038[15] : f32 from vector<16xf32>
        %broadcast_in_dim3A_1040 = vector.broadcast %reduce_sum3A_836 : f32 to vector<16xf32>
        %eq3A_1041 = arith.constant 1 : i32
        %eq3A_1042 = vector.broadcast %eq3A_1041 : i32 to vector<16xi32>
        %eq3A_1043 = arith.cmpi eq, %iota3A, %eq3A_1042 : vector<16xi32>
        %broadcast_in_dim3A_1044 = vector.broadcast %reduce_sum3A_865 : f32 to vector<16xf32>
        %select_n3A_1045 = arith.select %eq3A_1043, %broadcast_in_dim3A_1044, %broadcast_in_dim3A_1040 : vector<16xi1>, vector<16xf32>
        %eq3A_1046 = arith.constant 2 : i32
        %eq3A_1047 = vector.broadcast %eq3A_1046 : i32 to vector<16xi32>
        %eq3A_1048 = arith.cmpi eq, %iota3A, %eq3A_1047 : vector<16xi32>
        %broadcast_in_dim3A_1049 = vector.broadcast %reduce_sum3A_894 : f32 to vector<16xf32>
        %select_n3A_1050 = arith.select %eq3A_1048, %broadcast_in_dim3A_1049, %select_n3A_1045 : vector<16xi1>, vector<16xf32>
        %eq3A_1051 = arith.constant 3 : i32
        %eq3A_1052 = vector.broadcast %eq3A_1051 : i32 to vector<16xi32>
        %eq3A_1053 = arith.cmpi eq, %iota3A, %eq3A_1052 : vector<16xi32>
        %broadcast_in_dim3A_1054 = vector.broadcast %reduce_sum3A_923 : f32 to vector<16xf32>
        %select_n3A_1055 = arith.select %eq3A_1053, %broadcast_in_dim3A_1054, %select_n3A_1050 : vector<16xi1>, vector<16xf32>
        %eq3A_1056 = arith.constant 4 : i32
        %eq3A_1057 = vector.broadcast %eq3A_1056 : i32 to vector<16xi32>
        %eq3A_1058 = arith.cmpi eq, %iota3A, %eq3A_1057 : vector<16xi32>
        %broadcast_in_dim3A_1059 = vector.broadcast %reduce_sum3A_952 : f32 to vector<16xf32>
        %select_n3A_1060 = arith.select %eq3A_1058, %broadcast_in_dim3A_1059, %select_n3A_1055 : vector<16xi1>, vector<16xf32>
        %eq3A_1061 = arith.constant 5 : i32
        %eq3A_1062 = vector.broadcast %eq3A_1061 : i32 to vector<16xi32>
        %eq3A_1063 = arith.cmpi eq, %iota3A, %eq3A_1062 : vector<16xi32>
        %broadcast_in_dim3A_1064 = vector.broadcast %reduce_sum3A_981 : f32 to vector<16xf32>
        %select_n3A_1065 = arith.select %eq3A_1063, %broadcast_in_dim3A_1064, %select_n3A_1060 : vector<16xi1>, vector<16xf32>
        %eq3A_1066 = arith.constant 6 : i32
        %eq3A_1067 = vector.broadcast %eq3A_1066 : i32 to vector<16xi32>
        %eq3A_1068 = arith.cmpi eq, %iota3A, %eq3A_1067 : vector<16xi32>
        %broadcast_in_dim3A_1069 = vector.broadcast %reduce_sum3A_1010 : f32 to vector<16xf32>
        %select_n3A_1070 = arith.select %eq3A_1068, %broadcast_in_dim3A_1069, %select_n3A_1065 : vector<16xi1>, vector<16xf32>
        %eq3A_1071 = arith.constant 7 : i32
        %eq3A_1072 = vector.broadcast %eq3A_1071 : i32 to vector<16xi32>
        %eq3A_1073 = arith.cmpi eq, %iota3A, %eq3A_1072 : vector<16xi32>
        %broadcast_in_dim3A_1074 = vector.broadcast %reduce_sum3A_1039 : f32 to vector<16xf32>
        %select_n3A_1075 = arith.select %eq3A_1073, %broadcast_in_dim3A_1074, %select_n3A_1070 : vector<16xi1>, vector<16xf32>
        %mul3A_1076 = arith.constant 8 : i32
        %mul3A_1077 = arith.muli %scan3A_806, %mul3A_1076 : i32
        %add3A_1078 = arith.constant 416 : i32
        %add3A_1079 = arith.addi %add3A_1078, %mul3A_1077 : i32
        %swap3A_1080 = arith.index_cast %add3A_1079 : i32 to index
        %swap3A_1081 = tpu.vector_load %arg15[%swap3A_1080] masked %lt3A_4 {strides = array<i32>} : memref<1664xf32, #tpu.memory_space<vmem>>, vector<16xf32>, vector<16xi1>
        tpu.vector_store %arg15[%swap3A_1080], %select_n3A_1075 masked %lt3A_4 {strides = array<i32>} : memref<1664xf32, #tpu.memory_space<vmem>>, vector<16xf32>, vector<16xi1>
        %scan3A_1082 = arith.constant 0 : i32
        scf.yield %scan3A_1082 : i32
      }
      %scan3A_510 = arith.constant 25 : i32
      %get3A_511 = arith.constant 3 : i32
      %get3A_512 = arith.index_cast %get3A_511 : i32 to index
      %get3A_513 = arith.constant 0 : index
      %get3A_514 = tpu.vector_load %arg12[%get3A_512, %get3A_513] {strides = array<i32>} : memref<8x64xf32, #tpu.memory_space<vmem>>, vector<16xf32>,
      %get3A_515 = arith.constant 3 : i32
      %get3A_516 = arith.index_cast %get3A_515 : i32 to index
      %get3A_517 = arith.constant 16 : index
      %get3A_518 = tpu.vector_load %arg12[%get3A_516, %get3A_517] {strides = array<i32>} : memref<8x64xf32, #tpu.memory_space<vmem>>, vector<16xf32>,
      %get3A_519 = arith.constant 3 : i32
      %get3A_520 = arith.index_cast %get3A_519 : i32 to index
      %get3A_521 = arith.constant 32 : index
      %get3A_522 = tpu.vector_load %arg12[%get3A_520, %get3A_521] {strides = array<i32>} : memref<8x64xf32, #tpu.memory_space<vmem>>, vector<16xf32>,
      %get3A_523 = arith.constant 3 : i32
      %get3A_524 = arith.index_cast %get3A_523 : i32 to index
      %get3A_525 = arith.constant 48 : index
      %get3A_526 = tpu.vector_load %arg12[%get3A_524, %get3A_525] {strides = array<i32>} : memref<8x64xf32, #tpu.memory_space<vmem>>, vector<16xf32>,
      %get3A_527 = arith.constant 3 : i32
      %get3A_528 = arith.index_cast %get3A_527 : i32 to index
      %get3A_529 = arith.constant 0 : index
      %get3A_530 = tpu.vector_load %arg13[%get3A_528, %get3A_529] {strides = array<i32>} : memref<8x64xf32, #tpu.memory_space<vmem>>, vector<16xf32>,
      %mul3A_531 = arith.mulf %get3A_530, %get3A_514 : vector<16xf32>
      %get3A_532 = arith.constant 3 : i32
      %get3A_533 = arith.index_cast %get3A_532 : i32 to index
      %get3A_534 = arith.constant 16 : index
      %get3A_535 = tpu.vector_load %arg13[%get3A_533, %get3A_534] {strides = array<i32>} : memref<8x64xf32, #tpu.memory_space<vmem>>, vector<16xf32>,
      %mul3A_536 = arith.mulf %get3A_535, %get3A_518 : vector<16xf32>
      %add3A_537 = arith.addf %mul3A_531, %mul3A_536 : vector<16xf32>
      %get3A_538 = arith.constant 3 : i32
      %get3A_539 = arith.index_cast %get3A_538 : i32 to index
      %get3A_540 = arith.constant 32 : index
      %get3A_541 = tpu.vector_load %arg13[%get3A_539, %get3A_540] {strides = array<i32>} : memref<8x64xf32, #tpu.memory_space<vmem>>, vector<16xf32>,
      %mul3A_542 = arith.mulf %get3A_541, %get3A_522 : vector<16xf32>
      %add3A_543 = arith.addf %add3A_537, %mul3A_542 : vector<16xf32>
      %get3A_544 = arith.constant 3 : i32
      %get3A_545 = arith.index_cast %get3A_544 : i32 to index
      %get3A_546 = arith.constant 48 : index
      %get3A_547 = tpu.vector_load %arg13[%get3A_545, %get3A_546] {strides = array<i32>} : memref<8x64xf32, #tpu.memory_space<vmem>>, vector<16xf32>,
      %mul3A_548 = arith.mulf %get3A_547, %get3A_526 : vector<16xf32>
      %add3A_549 = arith.addf %add3A_543, %mul3A_548 : vector<16xf32>
      %reduce_sum3A_550 = arith.constant true
      %reduce_sum3A_551 = vector.broadcast %reduce_sum3A_550 : i1 to vector<16xi1>
      %reduce_sum3A_552 = tpu.scan <sum>, %add3A_549 masked %reduce_sum3A_551 : vector<16xf32>, vector<16xi1> -> vector<16xf32>
      %reduce_sum3A_553 = vector.extract %reduce_sum3A_552[15] : f32 from vector<16xf32>
      %eq3A_554 = arith.constant 3 : i32
      %eq3A_555 = vector.broadcast %eq3A_554 : i32 to vector<16xi32>
      %eq3A_556 = arith.cmpi eq, %iota3A, %eq3A_555 : vector<16xi32>
      %broadcast_in_dim3A_557 = vector.broadcast %reduce_sum3A_553 : f32 to vector<16xf32>
      %select_n3A_558 = arith.select %eq3A_556, %broadcast_in_dim3A_557, %select_n3A_503 : vector<16xi1>, vector<16xf32>
      %scan3A_559 = arith.constant 0 : i32
      %scan3A_560 = arith.constant 0 : i32
      %scan3A_561 = arith.constant 25 : i32
      %scan3A_562 = arith.addi %scan3A_560, %scan3A_561 : i32
      %scan3A_563 = arith.constant 1 : i32
      %scan3A_564 = scf.for %scan3A_806 = %scan3A_560 to %scan3A_562 step %scan3A_563 iter_args(%scan3A_807 = %scan3A_559) -> (i32)  : i32 {
        %mul3A_808 = arith.constant 8 : i32
        %mul3A_809 = arith.muli %scan3A_806, %mul3A_808 : i32
        %add3A_810 = arith.constant 600 : i32
        %add3A_811 = arith.addi %add3A_810, %mul3A_809 : i32
        %add3A_812 = arith.constant 0 : i32
        %add3A_813 = arith.addi %add3A_811, %add3A_812 : i32
        %get3A_814 = arith.index_cast %add3A_813 : i32 to index
        %get3A_815 = arith.constant 0 : index
        %get3A_816 = tpu.vector_load %arg14[%get3A_814, %get3A_815] {strides = array<i32>} : memref<1600x64xf32, #tpu.memory_space<vmem>>, vector<16xf32>,
        %mul3A_817 = arith.mulf %get3A_816, %get3A_514 : vector<16xf32>
        %get3A_818 = arith.index_cast %add3A_813 : i32 to index
        %get3A_819 = arith.constant 16 : index
        %get3A_820 = tpu.vector_load %arg14[%get3A_818, %get3A_819] {strides = array<i32>} : memref<1600x64xf32, #tpu.memory_space<vmem>>, vector<16xf32>,
        %mul3A_821 = arith.mulf %get3A_820, %get3A_518 : vector<16xf32>
        %add3A_822 = arith.addf %mul3A_817, %mul3A_821 : vector<16xf32>
        %get3A_823 = arith.index_cast %add3A_813 : i32 to index
        %get3A_824 = arith.constant 32 : index
        %get3A_825 = tpu.vector_load %arg14[%get3A_823, %get3A_824] {strides = array<i32>} : memref<1600x64xf32, #tpu.memory_space<vmem>>, vector<16xf32>,
        %mul3A_826 = arith.mulf %get3A_825, %get3A_522 : vector<16xf32>
        %add3A_827 = arith.addf %add3A_822, %mul3A_826 : vector<16xf32>
        %get3A_828 = arith.index_cast %add3A_813 : i32 to index
        %get3A_829 = arith.constant 48 : index
        %get3A_830 = tpu.vector_load %arg14[%get3A_828, %get3A_829] {strides = array<i32>} : memref<1600x64xf32, #tpu.memory_space<vmem>>, vector<16xf32>,
        %mul3A_831 = arith.mulf %get3A_830, %get3A_526 : vector<16xf32>
        %add3A_832 = arith.addf %add3A_827, %mul3A_831 : vector<16xf32>
        %reduce_sum3A_833 = arith.constant true
        %reduce_sum3A_834 = vector.broadcast %reduce_sum3A_833 : i1 to vector<16xi1>
        %reduce_sum3A_835 = tpu.scan <sum>, %add3A_832 masked %reduce_sum3A_834 : vector<16xf32>, vector<16xi1> -> vector<16xf32>
        %reduce_sum3A_836 = vector.extract %reduce_sum3A_835[15] : f32 from vector<16xf32>
        %mul3A_837 = arith.constant 8 : i32
        %mul3A_838 = arith.muli %scan3A_806, %mul3A_837 : i32
        %add3A_839 = arith.constant 600 : i32
        %add3A_840 = arith.addi %add3A_839, %mul3A_838 : i32
        %add3A_841 = arith.constant 1 : i32
        %add3A_842 = arith.addi %add3A_840, %add3A_841 : i32
        %get3A_843 = arith.index_cast %add3A_842 : i32 to index
        %get3A_844 = arith.constant 0 : index
        %get3A_845 = tpu.vector_load %arg14[%get3A_843, %get3A_844] {strides = array<i32>} : memref<1600x64xf32, #tpu.memory_space<vmem>>, vector<16xf32>,
        %mul3A_846 = arith.mulf %get3A_845, %get3A_514 : vector<16xf32>
        %get3A_847 = arith.index_cast %add3A_842 : i32 to index
        %get3A_848 = arith.constant 16 : index
        %get3A_849 = tpu.vector_load %arg14[%get3A_847, %get3A_848] {strides = array<i32>} : memref<1600x64xf32, #tpu.memory_space<vmem>>, vector<16xf32>,
        %mul3A_850 = arith.mulf %get3A_849, %get3A_518 : vector<16xf32>
        %add3A_851 = arith.addf %mul3A_846, %mul3A_850 : vector<16xf32>
        %get3A_852 = arith.index_cast %add3A_842 : i32 to index
        %get3A_853 = arith.constant 32 : index
        %get3A_854 = tpu.vector_load %arg14[%get3A_852, %get3A_853] {strides = array<i32>} : memref<1600x64xf32, #tpu.memory_space<vmem>>, vector<16xf32>,
        %mul3A_855 = arith.mulf %get3A_854, %get3A_522 : vector<16xf32>
        %add3A_856 = arith.addf %add3A_851, %mul3A_855 : vector<16xf32>
        %get3A_857 = arith.index_cast %add3A_842 : i32 to index
        %get3A_858 = arith.constant 48 : index
        %get3A_859 = tpu.vector_load %arg14[%get3A_857, %get3A_858] {strides = array<i32>} : memref<1600x64xf32, #tpu.memory_space<vmem>>, vector<16xf32>,
        %mul3A_860 = arith.mulf %get3A_859, %get3A_526 : vector<16xf32>
        %add3A_861 = arith.addf %add3A_856, %mul3A_860 : vector<16xf32>
        %reduce_sum3A_862 = arith.constant true
        %reduce_sum3A_863 = vector.broadcast %reduce_sum3A_862 : i1 to vector<16xi1>
        %reduce_sum3A_864 = tpu.scan <sum>, %add3A_861 masked %reduce_sum3A_863 : vector<16xf32>, vector<16xi1> -> vector<16xf32>
        %reduce_sum3A_865 = vector.extract %reduce_sum3A_864[15] : f32 from vector<16xf32>
        %mul3A_866 = arith.constant 8 : i32
        %mul3A_867 = arith.muli %scan3A_806, %mul3A_866 : i32
        %add3A_868 = arith.constant 600 : i32
        %add3A_869 = arith.addi %add3A_868, %mul3A_867 : i32
        %add3A_870 = arith.constant 2 : i32
        %add3A_871 = arith.addi %add3A_869, %add3A_870 : i32
        %get3A_872 = arith.index_cast %add3A_871 : i32 to index
        %get3A_873 = arith.constant 0 : index
        %get3A_874 = tpu.vector_load %arg14[%get3A_872, %get3A_873] {strides = array<i32>} : memref<1600x64xf32, #tpu.memory_space<vmem>>, vector<16xf32>,
        %mul3A_875 = arith.mulf %get3A_874, %get3A_514 : vector<16xf32>
        %get3A_876 = arith.index_cast %add3A_871 : i32 to index
        %get3A_877 = arith.constant 16 : index
        %get3A_878 = tpu.vector_load %arg14[%get3A_876, %get3A_877] {strides = array<i32>} : memref<1600x64xf32, #tpu.memory_space<vmem>>, vector<16xf32>,
        %mul3A_879 = arith.mulf %get3A_878, %get3A_518 : vector<16xf32>
        %add3A_880 = arith.addf %mul3A_875, %mul3A_879 : vector<16xf32>
        %get3A_881 = arith.index_cast %add3A_871 : i32 to index
        %get3A_882 = arith.constant 32 : index
        %get3A_883 = tpu.vector_load %arg14[%get3A_881, %get3A_882] {strides = array<i32>} : memref<1600x64xf32, #tpu.memory_space<vmem>>, vector<16xf32>,
        %mul3A_884 = arith.mulf %get3A_883, %get3A_522 : vector<16xf32>
        %add3A_885 = arith.addf %add3A_880, %mul3A_884 : vector<16xf32>
        %get3A_886 = arith.index_cast %add3A_871 : i32 to index
        %get3A_887 = arith.constant 48 : index
        %get3A_888 = tpu.vector_load %arg14[%get3A_886, %get3A_887] {strides = array<i32>} : memref<1600x64xf32, #tpu.memory_space<vmem>>, vector<16xf32>,
        %mul3A_889 = arith.mulf %get3A_888, %get3A_526 : vector<16xf32>
        %add3A_890 = arith.addf %add3A_885, %mul3A_889 : vector<16xf32>
        %reduce_sum3A_891 = arith.constant true
        %reduce_sum3A_892 = vector.broadcast %reduce_sum3A_891 : i1 to vector<16xi1>
        %reduce_sum3A_893 = tpu.scan <sum>, %add3A_890 masked %reduce_sum3A_892 : vector<16xf32>, vector<16xi1> -> vector<16xf32>
        %reduce_sum3A_894 = vector.extract %reduce_sum3A_893[15] : f32 from vector<16xf32>
        %mul3A_895 = arith.constant 8 : i32
        %mul3A_896 = arith.muli %scan3A_806, %mul3A_895 : i32
        %add3A_897 = arith.constant 600 : i32
        %add3A_898 = arith.addi %add3A_897, %mul3A_896 : i32
        %add3A_899 = arith.constant 3 : i32
        %add3A_900 = arith.addi %add3A_898, %add3A_899 : i32
        %get3A_901 = arith.index_cast %add3A_900 : i32 to index
        %get3A_902 = arith.constant 0 : index
        %get3A_903 = tpu.vector_load %arg14[%get3A_901, %get3A_902] {strides = array<i32>} : memref<1600x64xf32, #tpu.memory_space<vmem>>, vector<16xf32>,
        %mul3A_904 = arith.mulf %get3A_903, %get3A_514 : vector<16xf32>
        %get3A_905 = arith.index_cast %add3A_900 : i32 to index
        %get3A_906 = arith.constant 16 : index
        %get3A_907 = tpu.vector_load %arg14[%get3A_905, %get3A_906] {strides = array<i32>} : memref<1600x64xf32, #tpu.memory_space<vmem>>, vector<16xf32>,
        %mul3A_908 = arith.mulf %get3A_907, %get3A_518 : vector<16xf32>
        %add3A_909 = arith.addf %mul3A_904, %mul3A_908 : vector<16xf32>
        %get3A_910 = arith.index_cast %add3A_900 : i32 to index
        %get3A_911 = arith.constant 32 : index
        %get3A_912 = tpu.vector_load %arg14[%get3A_910, %get3A_911] {strides = array<i32>} : memref<1600x64xf32, #tpu.memory_space<vmem>>, vector<16xf32>,
        %mul3A_913 = arith.mulf %get3A_912, %get3A_522 : vector<16xf32>
        %add3A_914 = arith.addf %add3A_909, %mul3A_913 : vector<16xf32>
        %get3A_915 = arith.index_cast %add3A_900 : i32 to index
        %get3A_916 = arith.constant 48 : index
        %get3A_917 = tpu.vector_load %arg14[%get3A_915, %get3A_916] {strides = array<i32>} : memref<1600x64xf32, #tpu.memory_space<vmem>>, vector<16xf32>,
        %mul3A_918 = arith.mulf %get3A_917, %get3A_526 : vector<16xf32>
        %add3A_919 = arith.addf %add3A_914, %mul3A_918 : vector<16xf32>
        %reduce_sum3A_920 = arith.constant true
        %reduce_sum3A_921 = vector.broadcast %reduce_sum3A_920 : i1 to vector<16xi1>
        %reduce_sum3A_922 = tpu.scan <sum>, %add3A_919 masked %reduce_sum3A_921 : vector<16xf32>, vector<16xi1> -> vector<16xf32>
        %reduce_sum3A_923 = vector.extract %reduce_sum3A_922[15] : f32 from vector<16xf32>
        %mul3A_924 = arith.constant 8 : i32
        %mul3A_925 = arith.muli %scan3A_806, %mul3A_924 : i32
        %add3A_926 = arith.constant 600 : i32
        %add3A_927 = arith.addi %add3A_926, %mul3A_925 : i32
        %add3A_928 = arith.constant 4 : i32
        %add3A_929 = arith.addi %add3A_927, %add3A_928 : i32
        %get3A_930 = arith.index_cast %add3A_929 : i32 to index
        %get3A_931 = arith.constant 0 : index
        %get3A_932 = tpu.vector_load %arg14[%get3A_930, %get3A_931] {strides = array<i32>} : memref<1600x64xf32, #tpu.memory_space<vmem>>, vector<16xf32>,
        %mul3A_933 = arith.mulf %get3A_932, %get3A_514 : vector<16xf32>
        %get3A_934 = arith.index_cast %add3A_929 : i32 to index
        %get3A_935 = arith.constant 16 : index
        %get3A_936 = tpu.vector_load %arg14[%get3A_934, %get3A_935] {strides = array<i32>} : memref<1600x64xf32, #tpu.memory_space<vmem>>, vector<16xf32>,
        %mul3A_937 = arith.mulf %get3A_936, %get3A_518 : vector<16xf32>
        %add3A_938 = arith.addf %mul3A_933, %mul3A_937 : vector<16xf32>
        %get3A_939 = arith.index_cast %add3A_929 : i32 to index
        %get3A_940 = arith.constant 32 : index
        %get3A_941 = tpu.vector_load %arg14[%get3A_939, %get3A_940] {strides = array<i32>} : memref<1600x64xf32, #tpu.memory_space<vmem>>, vector<16xf32>,
        %mul3A_942 = arith.mulf %get3A_941, %get3A_522 : vector<16xf32>
        %add3A_943 = arith.addf %add3A_938, %mul3A_942 : vector<16xf32>
        %get3A_944 = arith.index_cast %add3A_929 : i32 to index
        %get3A_945 = arith.constant 48 : index
        %get3A_946 = tpu.vector_load %arg14[%get3A_944, %get3A_945] {strides = array<i32>} : memref<1600x64xf32, #tpu.memory_space<vmem>>, vector<16xf32>,
        %mul3A_947 = arith.mulf %get3A_946, %get3A_526 : vector<16xf32>
        %add3A_948 = arith.addf %add3A_943, %mul3A_947 : vector<16xf32>
        %reduce_sum3A_949 = arith.constant true
        %reduce_sum3A_950 = vector.broadcast %reduce_sum3A_949 : i1 to vector<16xi1>
        %reduce_sum3A_951 = tpu.scan <sum>, %add3A_948 masked %reduce_sum3A_950 : vector<16xf32>, vector<16xi1> -> vector<16xf32>
        %reduce_sum3A_952 = vector.extract %reduce_sum3A_951[15] : f32 from vector<16xf32>
        %mul3A_953 = arith.constant 8 : i32
        %mul3A_954 = arith.muli %scan3A_806, %mul3A_953 : i32
        %add3A_955 = arith.constant 600 : i32
        %add3A_956 = arith.addi %add3A_955, %mul3A_954 : i32
        %add3A_957 = arith.constant 5 : i32
        %add3A_958 = arith.addi %add3A_956, %add3A_957 : i32
        %get3A_959 = arith.index_cast %add3A_958 : i32 to index
        %get3A_960 = arith.constant 0 : index
        %get3A_961 = tpu.vector_load %arg14[%get3A_959, %get3A_960] {strides = array<i32>} : memref<1600x64xf32, #tpu.memory_space<vmem>>, vector<16xf32>,
        %mul3A_962 = arith.mulf %get3A_961, %get3A_514 : vector<16xf32>
        %get3A_963 = arith.index_cast %add3A_958 : i32 to index
        %get3A_964 = arith.constant 16 : index
        %get3A_965 = tpu.vector_load %arg14[%get3A_963, %get3A_964] {strides = array<i32>} : memref<1600x64xf32, #tpu.memory_space<vmem>>, vector<16xf32>,
        %mul3A_966 = arith.mulf %get3A_965, %get3A_518 : vector<16xf32>
        %add3A_967 = arith.addf %mul3A_962, %mul3A_966 : vector<16xf32>
        %get3A_968 = arith.index_cast %add3A_958 : i32 to index
        %get3A_969 = arith.constant 32 : index
        %get3A_970 = tpu.vector_load %arg14[%get3A_968, %get3A_969] {strides = array<i32>} : memref<1600x64xf32, #tpu.memory_space<vmem>>, vector<16xf32>,
        %mul3A_971 = arith.mulf %get3A_970, %get3A_522 : vector<16xf32>
        %add3A_972 = arith.addf %add3A_967, %mul3A_971 : vector<16xf32>
        %get3A_973 = arith.index_cast %add3A_958 : i32 to index
        %get3A_974 = arith.constant 48 : index
        %get3A_975 = tpu.vector_load %arg14[%get3A_973, %get3A_974] {strides = array<i32>} : memref<1600x64xf32, #tpu.memory_space<vmem>>, vector<16xf32>,
        %mul3A_976 = arith.mulf %get3A_975, %get3A_526 : vector<16xf32>
        %add3A_977 = arith.addf %add3A_972, %mul3A_976 : vector<16xf32>
        %reduce_sum3A_978 = arith.constant true
        %reduce_sum3A_979 = vector.broadcast %reduce_sum3A_978 : i1 to vector<16xi1>
        %reduce_sum3A_980 = tpu.scan <sum>, %add3A_977 masked %reduce_sum3A_979 : vector<16xf32>, vector<16xi1> -> vector<16xf32>
        %reduce_sum3A_981 = vector.extract %reduce_sum3A_980[15] : f32 from vector<16xf32>
        %mul3A_982 = arith.constant 8 : i32
        %mul3A_983 = arith.muli %scan3A_806, %mul3A_982 : i32
        %add3A_984 = arith.constant 600 : i32
        %add3A_985 = arith.addi %add3A_984, %mul3A_983 : i32
        %add3A_986 = arith.constant 6 : i32
        %add3A_987 = arith.addi %add3A_985, %add3A_986 : i32
        %get3A_988 = arith.index_cast %add3A_987 : i32 to index
        %get3A_989 = arith.constant 0 : index
        %get3A_990 = tpu.vector_load %arg14[%get3A_988, %get3A_989] {strides = array<i32>} : memref<1600x64xf32, #tpu.memory_space<vmem>>, vector<16xf32>,
        %mul3A_991 = arith.mulf %get3A_990, %get3A_514 : vector<16xf32>
        %get3A_992 = arith.index_cast %add3A_987 : i32 to index
        %get3A_993 = arith.constant 16 : index
        %get3A_994 = tpu.vector_load %arg14[%get3A_992, %get3A_993] {strides = array<i32>} : memref<1600x64xf32, #tpu.memory_space<vmem>>, vector<16xf32>,
        %mul3A_995 = arith.mulf %get3A_994, %get3A_518 : vector<16xf32>
        %add3A_996 = arith.addf %mul3A_991, %mul3A_995 : vector<16xf32>
        %get3A_997 = arith.index_cast %add3A_987 : i32 to index
        %get3A_998 = arith.constant 32 : index
        %get3A_999 = tpu.vector_load %arg14[%get3A_997, %get3A_998] {strides = array<i32>} : memref<1600x64xf32, #tpu.memory_space<vmem>>, vector<16xf32>,
        %mul3A_1000 = arith.mulf %get3A_999, %get3A_522 : vector<16xf32>
        %add3A_1001 = arith.addf %add3A_996, %mul3A_1000 : vector<16xf32>
        %get3A_1002 = arith.index_cast %add3A_987 : i32 to index
        %get3A_1003 = arith.constant 48 : index
        %get3A_1004 = tpu.vector_load %arg14[%get3A_1002, %get3A_1003] {strides = array<i32>} : memref<1600x64xf32, #tpu.memory_space<vmem>>, vector<16xf32>,
        %mul3A_1005 = arith.mulf %get3A_1004, %get3A_526 : vector<16xf32>
        %add3A_1006 = arith.addf %add3A_1001, %mul3A_1005 : vector<16xf32>
        %reduce_sum3A_1007 = arith.constant true
        %reduce_sum3A_1008 = vector.broadcast %reduce_sum3A_1007 : i1 to vector<16xi1>
        %reduce_sum3A_1009 = tpu.scan <sum>, %add3A_1006 masked %reduce_sum3A_1008 : vector<16xf32>, vector<16xi1> -> vector<16xf32>
        %reduce_sum3A_1010 = vector.extract %reduce_sum3A_1009[15] : f32 from vector<16xf32>
        %mul3A_1011 = arith.constant 8 : i32
        %mul3A_1012 = arith.muli %scan3A_806, %mul3A_1011 : i32
        %add3A_1013 = arith.constant 600 : i32
        %add3A_1014 = arith.addi %add3A_1013, %mul3A_1012 : i32
        %add3A_1015 = arith.constant 7 : i32
        %add3A_1016 = arith.addi %add3A_1014, %add3A_1015 : i32
        %get3A_1017 = arith.index_cast %add3A_1016 : i32 to index
        %get3A_1018 = arith.constant 0 : index
        %get3A_1019 = tpu.vector_load %arg14[%get3A_1017, %get3A_1018] {strides = array<i32>} : memref<1600x64xf32, #tpu.memory_space<vmem>>, vector<16xf32>,
        %mul3A_1020 = arith.mulf %get3A_1019, %get3A_514 : vector<16xf32>
        %get3A_1021 = arith.index_cast %add3A_1016 : i32 to index
        %get3A_1022 = arith.constant 16 : index
        %get3A_1023 = tpu.vector_load %arg14[%get3A_1021, %get3A_1022] {strides = array<i32>} : memref<1600x64xf32, #tpu.memory_space<vmem>>, vector<16xf32>,
        %mul3A_1024 = arith.mulf %get3A_1023, %get3A_518 : vector<16xf32>
        %add3A_1025 = arith.addf %mul3A_1020, %mul3A_1024 : vector<16xf32>
        %get3A_1026 = arith.index_cast %add3A_1016 : i32 to index
        %get3A_1027 = arith.constant 32 : index
        %get3A_1028 = tpu.vector_load %arg14[%get3A_1026, %get3A_1027] {strides = array<i32>} : memref<1600x64xf32, #tpu.memory_space<vmem>>, vector<16xf32>,
        %mul3A_1029 = arith.mulf %get3A_1028, %get3A_522 : vector<16xf32>
        %add3A_1030 = arith.addf %add3A_1025, %mul3A_1029 : vector<16xf32>
        %get3A_1031 = arith.index_cast %add3A_1016 : i32 to index
        %get3A_1032 = arith.constant 48 : index
        %get3A_1033 = tpu.vector_load %arg14[%get3A_1031, %get3A_1032] {strides = array<i32>} : memref<1600x64xf32, #tpu.memory_space<vmem>>, vector<16xf32>,
        %mul3A_1034 = arith.mulf %get3A_1033, %get3A_526 : vector<16xf32>
        %add3A_1035 = arith.addf %add3A_1030, %mul3A_1034 : vector<16xf32>
        %reduce_sum3A_1036 = arith.constant true
        %reduce_sum3A_1037 = vector.broadcast %reduce_sum3A_1036 : i1 to vector<16xi1>
        %reduce_sum3A_1038 = tpu.scan <sum>, %add3A_1035 masked %reduce_sum3A_1037 : vector<16xf32>, vector<16xi1> -> vector<16xf32>
        %reduce_sum3A_1039 = vector.extract %reduce_sum3A_1038[15] : f32 from vector<16xf32>
        %broadcast_in_dim3A_1040 = vector.broadcast %reduce_sum3A_836 : f32 to vector<16xf32>
        %eq3A_1041 = arith.constant 1 : i32
        %eq3A_1042 = vector.broadcast %eq3A_1041 : i32 to vector<16xi32>
        %eq3A_1043 = arith.cmpi eq, %iota3A, %eq3A_1042 : vector<16xi32>
        %broadcast_in_dim3A_1044 = vector.broadcast %reduce_sum3A_865 : f32 to vector<16xf32>
        %select_n3A_1045 = arith.select %eq3A_1043, %broadcast_in_dim3A_1044, %broadcast_in_dim3A_1040 : vector<16xi1>, vector<16xf32>
        %eq3A_1046 = arith.constant 2 : i32
        %eq3A_1047 = vector.broadcast %eq3A_1046 : i32 to vector<16xi32>
        %eq3A_1048 = arith.cmpi eq, %iota3A, %eq3A_1047 : vector<16xi32>
        %broadcast_in_dim3A_1049 = vector.broadcast %reduce_sum3A_894 : f32 to vector<16xf32>
        %select_n3A_1050 = arith.select %eq3A_1048, %broadcast_in_dim3A_1049, %select_n3A_1045 : vector<16xi1>, vector<16xf32>
        %eq3A_1051 = arith.constant 3 : i32
        %eq3A_1052 = vector.broadcast %eq3A_1051 : i32 to vector<16xi32>
        %eq3A_1053 = arith.cmpi eq, %iota3A, %eq3A_1052 : vector<16xi32>
        %broadcast_in_dim3A_1054 = vector.broadcast %reduce_sum3A_923 : f32 to vector<16xf32>
        %select_n3A_1055 = arith.select %eq3A_1053, %broadcast_in_dim3A_1054, %select_n3A_1050 : vector<16xi1>, vector<16xf32>
        %eq3A_1056 = arith.constant 4 : i32
        %eq3A_1057 = vector.broadcast %eq3A_1056 : i32 to vector<16xi32>
        %eq3A_1058 = arith.cmpi eq, %iota3A, %eq3A_1057 : vector<16xi32>
        %broadcast_in_dim3A_1059 = vector.broadcast %reduce_sum3A_952 : f32 to vector<16xf32>
        %select_n3A_1060 = arith.select %eq3A_1058, %broadcast_in_dim3A_1059, %select_n3A_1055 : vector<16xi1>, vector<16xf32>
        %eq3A_1061 = arith.constant 5 : i32
        %eq3A_1062 = vector.broadcast %eq3A_1061 : i32 to vector<16xi32>
        %eq3A_1063 = arith.cmpi eq, %iota3A, %eq3A_1062 : vector<16xi32>
        %broadcast_in_dim3A_1064 = vector.broadcast %reduce_sum3A_981 : f32 to vector<16xf32>
        %select_n3A_1065 = arith.select %eq3A_1063, %broadcast_in_dim3A_1064, %select_n3A_1060 : vector<16xi1>, vector<16xf32>
        %eq3A_1066 = arith.constant 6 : i32
        %eq3A_1067 = vector.broadcast %eq3A_1066 : i32 to vector<16xi32>
        %eq3A_1068 = arith.cmpi eq, %iota3A, %eq3A_1067 : vector<16xi32>
        %broadcast_in_dim3A_1069 = vector.broadcast %reduce_sum3A_1010 : f32 to vector<16xf32>
        %select_n3A_1070 = arith.select %eq3A_1068, %broadcast_in_dim3A_1069, %select_n3A_1065 : vector<16xi1>, vector<16xf32>
        %eq3A_1071 = arith.constant 7 : i32
        %eq3A_1072 = vector.broadcast %eq3A_1071 : i32 to vector<16xi32>
        %eq3A_1073 = arith.cmpi eq, %iota3A, %eq3A_1072 : vector<16xi32>
        %broadcast_in_dim3A_1074 = vector.broadcast %reduce_sum3A_1039 : f32 to vector<16xf32>
        %select_n3A_1075 = arith.select %eq3A_1073, %broadcast_in_dim3A_1074, %select_n3A_1070 : vector<16xi1>, vector<16xf32>
        %mul3A_1076 = arith.constant 8 : i32
        %mul3A_1077 = arith.muli %scan3A_806, %mul3A_1076 : i32
        %add3A_1078 = arith.constant 624 : i32
        %add3A_1079 = arith.addi %add3A_1078, %mul3A_1077 : i32
        %swap3A_1080 = arith.index_cast %add3A_1079 : i32 to index
        %swap3A_1081 = tpu.vector_load %arg15[%swap3A_1080] masked %lt3A_4 {strides = array<i32>} : memref<1664xf32, #tpu.memory_space<vmem>>, vector<16xf32>, vector<16xi1>
        tpu.vector_store %arg15[%swap3A_1080], %select_n3A_1075 masked %lt3A_4 {strides = array<i32>} : memref<1664xf32, #tpu.memory_space<vmem>>, vector<16xf32>, vector<16xi1>
        %scan3A_1082 = arith.constant 0 : i32
        scf.yield %scan3A_1082 : i32
      }
      %scan3A_565 = arith.constant 25 : i32
      %get3A_566 = arith.constant 4 : i32
      %get3A_567 = arith.index_cast %get3A_566 : i32 to index
      %get3A_568 = arith.constant 0 : index
      %get3A_569 = tpu.vector_load %arg12[%get3A_567, %get3A_568] {strides = array<i32>} : memref<8x64xf32, #tpu.memory_space<vmem>>, vector<16xf32>,
      %get3A_570 = arith.constant 4 : i32
      %get3A_571 = arith.index_cast %get3A_570 : i32 to index
      %get3A_572 = arith.constant 16 : index
      %get3A_573 = tpu.vector_load %arg12[%get3A_571, %get3A_572] {strides = array<i32>} : memref<8x64xf32, #tpu.memory_space<vmem>>, vector<16xf32>,
      %get3A_574 = arith.constant 4 : i32
      %get3A_575 = arith.index_cast %get3A_574 : i32 to index
      %get3A_576 = arith.constant 32 : index
      %get3A_577 = tpu.vector_load %arg12[%get3A_575, %get3A_576] {strides = array<i32>} : memref<8x64xf32, #tpu.memory_space<vmem>>, vector<16xf32>,
      %get3A_578 = arith.constant 4 : i32
      %get3A_579 = arith.index_cast %get3A_578 : i32 to index
      %get3A_580 = arith.constant 48 : index
      %get3A_581 = tpu.vector_load %arg12[%get3A_579, %get3A_580] {strides = array<i32>} : memref<8x64xf32, #tpu.memory_space<vmem>>, vector<16xf32>,
      %get3A_582 = arith.constant 4 : i32
      %get3A_583 = arith.index_cast %get3A_582 : i32 to index
      %get3A_584 = arith.constant 0 : index
      %get3A_585 = tpu.vector_load %arg13[%get3A_583, %get3A_584] {strides = array<i32>} : memref<8x64xf32, #tpu.memory_space<vmem>>, vector<16xf32>,
      %mul3A_586 = arith.mulf %get3A_585, %get3A_569 : vector<16xf32>
      %get3A_587 = arith.constant 4 : i32
      %get3A_588 = arith.index_cast %get3A_587 : i32 to index
      %get3A_589 = arith.constant 16 : index
      %get3A_590 = tpu.vector_load %arg13[%get3A_588, %get3A_589] {strides = array<i32>} : memref<8x64xf32, #tpu.memory_space<vmem>>, vector<16xf32>,
      %mul3A_591 = arith.mulf %get3A_590, %get3A_573 : vector<16xf32>
      %add3A_592 = arith.addf %mul3A_586, %mul3A_591 : vector<16xf32>
      %get3A_593 = arith.constant 4 : i32
      %get3A_594 = arith.index_cast %get3A_593 : i32 to index
      %get3A_595 = arith.constant 32 : index
      %get3A_596 = tpu.vector_load %arg13[%get3A_594, %get3A_595] {strides = array<i32>} : memref<8x64xf32, #tpu.memory_space<vmem>>, vector<16xf32>,
      %mul3A_597 = arith.mulf %get3A_596, %get3A_577 : vector<16xf32>
      %add3A_598 = arith.addf %add3A_592, %mul3A_597 : vector<16xf32>
      %get3A_599 = arith.constant 4 : i32
      %get3A_600 = arith.index_cast %get3A_599 : i32 to index
      %get3A_601 = arith.constant 48 : index
      %get3A_602 = tpu.vector_load %arg13[%get3A_600, %get3A_601] {strides = array<i32>} : memref<8x64xf32, #tpu.memory_space<vmem>>, vector<16xf32>,
      %mul3A_603 = arith.mulf %get3A_602, %get3A_581 : vector<16xf32>
      %add3A_604 = arith.addf %add3A_598, %mul3A_603 : vector<16xf32>
      %reduce_sum3A_605 = arith.constant true
      %reduce_sum3A_606 = vector.broadcast %reduce_sum3A_605 : i1 to vector<16xi1>
      %reduce_sum3A_607 = tpu.scan <sum>, %add3A_604 masked %reduce_sum3A_606 : vector<16xf32>, vector<16xi1> -> vector<16xf32>
      %reduce_sum3A_608 = vector.extract %reduce_sum3A_607[15] : f32 from vector<16xf32>
      %eq3A_609 = arith.constant 4 : i32
      %eq3A_610 = vector.broadcast %eq3A_609 : i32 to vector<16xi32>
      %eq3A_611 = arith.cmpi eq, %iota3A, %eq3A_610 : vector<16xi32>
      %broadcast_in_dim3A_612 = vector.broadcast %reduce_sum3A_608 : f32 to vector<16xf32>
      %select_n3A_613 = arith.select %eq3A_611, %broadcast_in_dim3A_612, %select_n3A_558 : vector<16xi1>, vector<16xf32>
      %scan3A_614 = arith.constant 0 : i32
      %scan3A_615 = arith.constant 0 : i32
      %scan3A_616 = arith.constant 25 : i32
      %scan3A_617 = arith.addi %scan3A_615, %scan3A_616 : i32
      %scan3A_618 = arith.constant 1 : i32
      %scan3A_619 = scf.for %scan3A_806 = %scan3A_615 to %scan3A_617 step %scan3A_618 iter_args(%scan3A_807 = %scan3A_614) -> (i32)  : i32 {
        %mul3A_808 = arith.constant 8 : i32
        %mul3A_809 = arith.muli %scan3A_806, %mul3A_808 : i32
        %add3A_810 = arith.constant 800 : i32
        %add3A_811 = arith.addi %add3A_810, %mul3A_809 : i32
        %add3A_812 = arith.constant 0 : i32
        %add3A_813 = arith.addi %add3A_811, %add3A_812 : i32
        %get3A_814 = arith.index_cast %add3A_813 : i32 to index
        %get3A_815 = arith.constant 0 : index
        %get3A_816 = tpu.vector_load %arg14[%get3A_814, %get3A_815] {strides = array<i32>} : memref<1600x64xf32, #tpu.memory_space<vmem>>, vector<16xf32>,
        %mul3A_817 = arith.mulf %get3A_816, %get3A_569 : vector<16xf32>
        %get3A_818 = arith.index_cast %add3A_813 : i32 to index
        %get3A_819 = arith.constant 16 : index
        %get3A_820 = tpu.vector_load %arg14[%get3A_818, %get3A_819] {strides = array<i32>} : memref<1600x64xf32, #tpu.memory_space<vmem>>, vector<16xf32>,
        %mul3A_821 = arith.mulf %get3A_820, %get3A_573 : vector<16xf32>
        %add3A_822 = arith.addf %mul3A_817, %mul3A_821 : vector<16xf32>
        %get3A_823 = arith.index_cast %add3A_813 : i32 to index
        %get3A_824 = arith.constant 32 : index
        %get3A_825 = tpu.vector_load %arg14[%get3A_823, %get3A_824] {strides = array<i32>} : memref<1600x64xf32, #tpu.memory_space<vmem>>, vector<16xf32>,
        %mul3A_826 = arith.mulf %get3A_825, %get3A_577 : vector<16xf32>
        %add3A_827 = arith.addf %add3A_822, %mul3A_826 : vector<16xf32>
        %get3A_828 = arith.index_cast %add3A_813 : i32 to index
        %get3A_829 = arith.constant 48 : index
        %get3A_830 = tpu.vector_load %arg14[%get3A_828, %get3A_829] {strides = array<i32>} : memref<1600x64xf32, #tpu.memory_space<vmem>>, vector<16xf32>,
        %mul3A_831 = arith.mulf %get3A_830, %get3A_581 : vector<16xf32>
        %add3A_832 = arith.addf %add3A_827, %mul3A_831 : vector<16xf32>
        %reduce_sum3A_833 = arith.constant true
        %reduce_sum3A_834 = vector.broadcast %reduce_sum3A_833 : i1 to vector<16xi1>
        %reduce_sum3A_835 = tpu.scan <sum>, %add3A_832 masked %reduce_sum3A_834 : vector<16xf32>, vector<16xi1> -> vector<16xf32>
        %reduce_sum3A_836 = vector.extract %reduce_sum3A_835[15] : f32 from vector<16xf32>
        %mul3A_837 = arith.constant 8 : i32
        %mul3A_838 = arith.muli %scan3A_806, %mul3A_837 : i32
        %add3A_839 = arith.constant 800 : i32
        %add3A_840 = arith.addi %add3A_839, %mul3A_838 : i32
        %add3A_841 = arith.constant 1 : i32
        %add3A_842 = arith.addi %add3A_840, %add3A_841 : i32
        %get3A_843 = arith.index_cast %add3A_842 : i32 to index
        %get3A_844 = arith.constant 0 : index
        %get3A_845 = tpu.vector_load %arg14[%get3A_843, %get3A_844] {strides = array<i32>} : memref<1600x64xf32, #tpu.memory_space<vmem>>, vector<16xf32>,
        %mul3A_846 = arith.mulf %get3A_845, %get3A_569 : vector<16xf32>
        %get3A_847 = arith.index_cast %add3A_842 : i32 to index
        %get3A_848 = arith.constant 16 : index
        %get3A_849 = tpu.vector_load %arg14[%get3A_847, %get3A_848] {strides = array<i32>} : memref<1600x64xf32, #tpu.memory_space<vmem>>, vector<16xf32>,
        %mul3A_850 = arith.mulf %get3A_849, %get3A_573 : vector<16xf32>
        %add3A_851 = arith.addf %mul3A_846, %mul3A_850 : vector<16xf32>
        %get3A_852 = arith.index_cast %add3A_842 : i32 to index
        %get3A_853 = arith.constant 32 : index
        %get3A_854 = tpu.vector_load %arg14[%get3A_852, %get3A_853] {strides = array<i32>} : memref<1600x64xf32, #tpu.memory_space<vmem>>, vector<16xf32>,
        %mul3A_855 = arith.mulf %get3A_854, %get3A_577 : vector<16xf32>
        %add3A_856 = arith.addf %add3A_851, %mul3A_855 : vector<16xf32>
        %get3A_857 = arith.index_cast %add3A_842 : i32 to index
        %get3A_858 = arith.constant 48 : index
        %get3A_859 = tpu.vector_load %arg14[%get3A_857, %get3A_858] {strides = array<i32>} : memref<1600x64xf32, #tpu.memory_space<vmem>>, vector<16xf32>,
        %mul3A_860 = arith.mulf %get3A_859, %get3A_581 : vector<16xf32>
        %add3A_861 = arith.addf %add3A_856, %mul3A_860 : vector<16xf32>
        %reduce_sum3A_862 = arith.constant true
        %reduce_sum3A_863 = vector.broadcast %reduce_sum3A_862 : i1 to vector<16xi1>
        %reduce_sum3A_864 = tpu.scan <sum>, %add3A_861 masked %reduce_sum3A_863 : vector<16xf32>, vector<16xi1> -> vector<16xf32>
        %reduce_sum3A_865 = vector.extract %reduce_sum3A_864[15] : f32 from vector<16xf32>
        %mul3A_866 = arith.constant 8 : i32
        %mul3A_867 = arith.muli %scan3A_806, %mul3A_866 : i32
        %add3A_868 = arith.constant 800 : i32
        %add3A_869 = arith.addi %add3A_868, %mul3A_867 : i32
        %add3A_870 = arith.constant 2 : i32
        %add3A_871 = arith.addi %add3A_869, %add3A_870 : i32
        %get3A_872 = arith.index_cast %add3A_871 : i32 to index
        %get3A_873 = arith.constant 0 : index
        %get3A_874 = tpu.vector_load %arg14[%get3A_872, %get3A_873] {strides = array<i32>} : memref<1600x64xf32, #tpu.memory_space<vmem>>, vector<16xf32>,
        %mul3A_875 = arith.mulf %get3A_874, %get3A_569 : vector<16xf32>
        %get3A_876 = arith.index_cast %add3A_871 : i32 to index
        %get3A_877 = arith.constant 16 : index
        %get3A_878 = tpu.vector_load %arg14[%get3A_876, %get3A_877] {strides = array<i32>} : memref<1600x64xf32, #tpu.memory_space<vmem>>, vector<16xf32>,
        %mul3A_879 = arith.mulf %get3A_878, %get3A_573 : vector<16xf32>
        %add3A_880 = arith.addf %mul3A_875, %mul3A_879 : vector<16xf32>
        %get3A_881 = arith.index_cast %add3A_871 : i32 to index
        %get3A_882 = arith.constant 32 : index
        %get3A_883 = tpu.vector_load %arg14[%get3A_881, %get3A_882] {strides = array<i32>} : memref<1600x64xf32, #tpu.memory_space<vmem>>, vector<16xf32>,
        %mul3A_884 = arith.mulf %get3A_883, %get3A_577 : vector<16xf32>
        %add3A_885 = arith.addf %add3A_880, %mul3A_884 : vector<16xf32>
        %get3A_886 = arith.index_cast %add3A_871 : i32 to index
        %get3A_887 = arith.constant 48 : index
        %get3A_888 = tpu.vector_load %arg14[%get3A_886, %get3A_887] {strides = array<i32>} : memref<1600x64xf32, #tpu.memory_space<vmem>>, vector<16xf32>,
        %mul3A_889 = arith.mulf %get3A_888, %get3A_581 : vector<16xf32>
        %add3A_890 = arith.addf %add3A_885, %mul3A_889 : vector<16xf32>
        %reduce_sum3A_891 = arith.constant true
        %reduce_sum3A_892 = vector.broadcast %reduce_sum3A_891 : i1 to vector<16xi1>
        %reduce_sum3A_893 = tpu.scan <sum>, %add3A_890 masked %reduce_sum3A_892 : vector<16xf32>, vector<16xi1> -> vector<16xf32>
        %reduce_sum3A_894 = vector.extract %reduce_sum3A_893[15] : f32 from vector<16xf32>
        %mul3A_895 = arith.constant 8 : i32
        %mul3A_896 = arith.muli %scan3A_806, %mul3A_895 : i32
        %add3A_897 = arith.constant 800 : i32
        %add3A_898 = arith.addi %add3A_897, %mul3A_896 : i32
        %add3A_899 = arith.constant 3 : i32
        %add3A_900 = arith.addi %add3A_898, %add3A_899 : i32
        %get3A_901 = arith.index_cast %add3A_900 : i32 to index
        %get3A_902 = arith.constant 0 : index
        %get3A_903 = tpu.vector_load %arg14[%get3A_901, %get3A_902] {strides = array<i32>} : memref<1600x64xf32, #tpu.memory_space<vmem>>, vector<16xf32>,
        %mul3A_904 = arith.mulf %get3A_903, %get3A_569 : vector<16xf32>
        %get3A_905 = arith.index_cast %add3A_900 : i32 to index
        %get3A_906 = arith.constant 16 : index
        %get3A_907 = tpu.vector_load %arg14[%get3A_905, %get3A_906] {strides = array<i32>} : memref<1600x64xf32, #tpu.memory_space<vmem>>, vector<16xf32>,
        %mul3A_908 = arith.mulf %get3A_907, %get3A_573 : vector<16xf32>
        %add3A_909 = arith.addf %mul3A_904, %mul3A_908 : vector<16xf32>
        %get3A_910 = arith.index_cast %add3A_900 : i32 to index
        %get3A_911 = arith.constant 32 : index
        %get3A_912 = tpu.vector_load %arg14[%get3A_910, %get3A_911] {strides = array<i32>} : memref<1600x64xf32, #tpu.memory_space<vmem>>, vector<16xf32>,
        %mul3A_913 = arith.mulf %get3A_912, %get3A_577 : vector<16xf32>
        %add3A_914 = arith.addf %add3A_909, %mul3A_913 : vector<16xf32>
        %get3A_915 = arith.index_cast %add3A_900 : i32 to index
        %get3A_916 = arith.constant 48 : index
        %get3A_917 = tpu.vector_load %arg14[%get3A_915, %get3A_916] {strides = array<i32>} : memref<1600x64xf32, #tpu.memory_space<vmem>>, vector<16xf32>,
        %mul3A_918 = arith.mulf %get3A_917, %get3A_581 : vector<16xf32>
        %add3A_919 = arith.addf %add3A_914, %mul3A_918 : vector<16xf32>
        %reduce_sum3A_920 = arith.constant true
        %reduce_sum3A_921 = vector.broadcast %reduce_sum3A_920 : i1 to vector<16xi1>
        %reduce_sum3A_922 = tpu.scan <sum>, %add3A_919 masked %reduce_sum3A_921 : vector<16xf32>, vector<16xi1> -> vector<16xf32>
        %reduce_sum3A_923 = vector.extract %reduce_sum3A_922[15] : f32 from vector<16xf32>
        %mul3A_924 = arith.constant 8 : i32
        %mul3A_925 = arith.muli %scan3A_806, %mul3A_924 : i32
        %add3A_926 = arith.constant 800 : i32
        %add3A_927 = arith.addi %add3A_926, %mul3A_925 : i32
        %add3A_928 = arith.constant 4 : i32
        %add3A_929 = arith.addi %add3A_927, %add3A_928 : i32
        %get3A_930 = arith.index_cast %add3A_929 : i32 to index
        %get3A_931 = arith.constant 0 : index
        %get3A_932 = tpu.vector_load %arg14[%get3A_930, %get3A_931] {strides = array<i32>} : memref<1600x64xf32, #tpu.memory_space<vmem>>, vector<16xf32>,
        %mul3A_933 = arith.mulf %get3A_932, %get3A_569 : vector<16xf32>
        %get3A_934 = arith.index_cast %add3A_929 : i32 to index
        %get3A_935 = arith.constant 16 : index
        %get3A_936 = tpu.vector_load %arg14[%get3A_934, %get3A_935] {strides = array<i32>} : memref<1600x64xf32, #tpu.memory_space<vmem>>, vector<16xf32>,
        %mul3A_937 = arith.mulf %get3A_936, %get3A_573 : vector<16xf32>
        %add3A_938 = arith.addf %mul3A_933, %mul3A_937 : vector<16xf32>
        %get3A_939 = arith.index_cast %add3A_929 : i32 to index
        %get3A_940 = arith.constant 32 : index
        %get3A_941 = tpu.vector_load %arg14[%get3A_939, %get3A_940] {strides = array<i32>} : memref<1600x64xf32, #tpu.memory_space<vmem>>, vector<16xf32>,
        %mul3A_942 = arith.mulf %get3A_941, %get3A_577 : vector<16xf32>
        %add3A_943 = arith.addf %add3A_938, %mul3A_942 : vector<16xf32>
        %get3A_944 = arith.index_cast %add3A_929 : i32 to index
        %get3A_945 = arith.constant 48 : index
        %get3A_946 = tpu.vector_load %arg14[%get3A_944, %get3A_945] {strides = array<i32>} : memref<1600x64xf32, #tpu.memory_space<vmem>>, vector<16xf32>,
        %mul3A_947 = arith.mulf %get3A_946, %get3A_581 : vector<16xf32>
        %add3A_948 = arith.addf %add3A_943, %mul3A_947 : vector<16xf32>
        %reduce_sum3A_949 = arith.constant true
        %reduce_sum3A_950 = vector.broadcast %reduce_sum3A_949 : i1 to vector<16xi1>
        %reduce_sum3A_951 = tpu.scan <sum>, %add3A_948 masked %reduce_sum3A_950 : vector<16xf32>, vector<16xi1> -> vector<16xf32>
        %reduce_sum3A_952 = vector.extract %reduce_sum3A_951[15] : f32 from vector<16xf32>
        %mul3A_953 = arith.constant 8 : i32
        %mul3A_954 = arith.muli %scan3A_806, %mul3A_953 : i32
        %add3A_955 = arith.constant 800 : i32
        %add3A_956 = arith.addi %add3A_955, %mul3A_954 : i32
        %add3A_957 = arith.constant 5 : i32
        %add3A_958 = arith.addi %add3A_956, %add3A_957 : i32
        %get3A_959 = arith.index_cast %add3A_958 : i32 to index
        %get3A_960 = arith.constant 0 : index
        %get3A_961 = tpu.vector_load %arg14[%get3A_959, %get3A_960] {strides = array<i32>} : memref<1600x64xf32, #tpu.memory_space<vmem>>, vector<16xf32>,
        %mul3A_962 = arith.mulf %get3A_961, %get3A_569 : vector<16xf32>
        %get3A_963 = arith.index_cast %add3A_958 : i32 to index
        %get3A_964 = arith.constant 16 : index
        %get3A_965 = tpu.vector_load %arg14[%get3A_963, %get3A_964] {strides = array<i32>} : memref<1600x64xf32, #tpu.memory_space<vmem>>, vector<16xf32>,
        %mul3A_966 = arith.mulf %get3A_965, %get3A_573 : vector<16xf32>
        %add3A_967 = arith.addf %mul3A_962, %mul3A_966 : vector<16xf32>
        %get3A_968 = arith.index_cast %add3A_958 : i32 to index
        %get3A_969 = arith.constant 32 : index
        %get3A_970 = tpu.vector_load %arg14[%get3A_968, %get3A_969] {strides = array<i32>} : memref<1600x64xf32, #tpu.memory_space<vmem>>, vector<16xf32>,
        %mul3A_971 = arith.mulf %get3A_970, %get3A_577 : vector<16xf32>
        %add3A_972 = arith.addf %add3A_967, %mul3A_971 : vector<16xf32>
        %get3A_973 = arith.index_cast %add3A_958 : i32 to index
        %get3A_974 = arith.constant 48 : index
        %get3A_975 = tpu.vector_load %arg14[%get3A_973, %get3A_974] {strides = array<i32>} : memref<1600x64xf32, #tpu.memory_space<vmem>>, vector<16xf32>,
        %mul3A_976 = arith.mulf %get3A_975, %get3A_581 : vector<16xf32>
        %add3A_977 = arith.addf %add3A_972, %mul3A_976 : vector<16xf32>
        %reduce_sum3A_978 = arith.constant true
        %reduce_sum3A_979 = vector.broadcast %reduce_sum3A_978 : i1 to vector<16xi1>
        %reduce_sum3A_980 = tpu.scan <sum>, %add3A_977 masked %reduce_sum3A_979 : vector<16xf32>, vector<16xi1> -> vector<16xf32>
        %reduce_sum3A_981 = vector.extract %reduce_sum3A_980[15] : f32 from vector<16xf32>
        %mul3A_982 = arith.constant 8 : i32
        %mul3A_983 = arith.muli %scan3A_806, %mul3A_982 : i32
        %add3A_984 = arith.constant 800 : i32
        %add3A_985 = arith.addi %add3A_984, %mul3A_983 : i32
        %add3A_986 = arith.constant 6 : i32
        %add3A_987 = arith.addi %add3A_985, %add3A_986 : i32
        %get3A_988 = arith.index_cast %add3A_987 : i32 to index
        %get3A_989 = arith.constant 0 : index
        %get3A_990 = tpu.vector_load %arg14[%get3A_988, %get3A_989] {strides = array<i32>} : memref<1600x64xf32, #tpu.memory_space<vmem>>, vector<16xf32>,
        %mul3A_991 = arith.mulf %get3A_990, %get3A_569 : vector<16xf32>
        %get3A_992 = arith.index_cast %add3A_987 : i32 to index
        %get3A_993 = arith.constant 16 : index
        %get3A_994 = tpu.vector_load %arg14[%get3A_992, %get3A_993] {strides = array<i32>} : memref<1600x64xf32, #tpu.memory_space<vmem>>, vector<16xf32>,
        %mul3A_995 = arith.mulf %get3A_994, %get3A_573 : vector<16xf32>
        %add3A_996 = arith.addf %mul3A_991, %mul3A_995 : vector<16xf32>
        %get3A_997 = arith.index_cast %add3A_987 : i32 to index
        %get3A_998 = arith.constant 32 : index
        %get3A_999 = tpu.vector_load %arg14[%get3A_997, %get3A_998] {strides = array<i32>} : memref<1600x64xf32, #tpu.memory_space<vmem>>, vector<16xf32>,
        %mul3A_1000 = arith.mulf %get3A_999, %get3A_577 : vector<16xf32>
        %add3A_1001 = arith.addf %add3A_996, %mul3A_1000 : vector<16xf32>
        %get3A_1002 = arith.index_cast %add3A_987 : i32 to index
        %get3A_1003 = arith.constant 48 : index
        %get3A_1004 = tpu.vector_load %arg14[%get3A_1002, %get3A_1003] {strides = array<i32>} : memref<1600x64xf32, #tpu.memory_space<vmem>>, vector<16xf32>,
        %mul3A_1005 = arith.mulf %get3A_1004, %get3A_581 : vector<16xf32>
        %add3A_1006 = arith.addf %add3A_1001, %mul3A_1005 : vector<16xf32>
        %reduce_sum3A_1007 = arith.constant true
        %reduce_sum3A_1008 = vector.broadcast %reduce_sum3A_1007 : i1 to vector<16xi1>
        %reduce_sum3A_1009 = tpu.scan <sum>, %add3A_1006 masked %reduce_sum3A_1008 : vector<16xf32>, vector<16xi1> -> vector<16xf32>
        %reduce_sum3A_1010 = vector.extract %reduce_sum3A_1009[15] : f32 from vector<16xf32>
        %mul3A_1011 = arith.constant 8 : i32
        %mul3A_1012 = arith.muli %scan3A_806, %mul3A_1011 : i32
        %add3A_1013 = arith.constant 800 : i32
        %add3A_1014 = arith.addi %add3A_1013, %mul3A_1012 : i32
        %add3A_1015 = arith.constant 7 : i32
        %add3A_1016 = arith.addi %add3A_1014, %add3A_1015 : i32
        %get3A_1017 = arith.index_cast %add3A_1016 : i32 to index
        %get3A_1018 = arith.constant 0 : index
        %get3A_1019 = tpu.vector_load %arg14[%get3A_1017, %get3A_1018] {strides = array<i32>} : memref<1600x64xf32, #tpu.memory_space<vmem>>, vector<16xf32>,
        %mul3A_1020 = arith.mulf %get3A_1019, %get3A_569 : vector<16xf32>
        %get3A_1021 = arith.index_cast %add3A_1016 : i32 to index
        %get3A_1022 = arith.constant 16 : index
        %get3A_1023 = tpu.vector_load %arg14[%get3A_1021, %get3A_1022] {strides = array<i32>} : memref<1600x64xf32, #tpu.memory_space<vmem>>, vector<16xf32>,
        %mul3A_1024 = arith.mulf %get3A_1023, %get3A_573 : vector<16xf32>
        %add3A_1025 = arith.addf %mul3A_1020, %mul3A_1024 : vector<16xf32>
        %get3A_1026 = arith.index_cast %add3A_1016 : i32 to index
        %get3A_1027 = arith.constant 32 : index
        %get3A_1028 = tpu.vector_load %arg14[%get3A_1026, %get3A_1027] {strides = array<i32>} : memref<1600x64xf32, #tpu.memory_space<vmem>>, vector<16xf32>,
        %mul3A_1029 = arith.mulf %get3A_1028, %get3A_577 : vector<16xf32>
        %add3A_1030 = arith.addf %add3A_1025, %mul3A_1029 : vector<16xf32>
        %get3A_1031 = arith.index_cast %add3A_1016 : i32 to index
        %get3A_1032 = arith.constant 48 : index
        %get3A_1033 = tpu.vector_load %arg14[%get3A_1031, %get3A_1032] {strides = array<i32>} : memref<1600x64xf32, #tpu.memory_space<vmem>>, vector<16xf32>,
        %mul3A_1034 = arith.mulf %get3A_1033, %get3A_581 : vector<16xf32>
        %add3A_1035 = arith.addf %add3A_1030, %mul3A_1034 : vector<16xf32>
        %reduce_sum3A_1036 = arith.constant true
        %reduce_sum3A_1037 = vector.broadcast %reduce_sum3A_1036 : i1 to vector<16xi1>
        %reduce_sum3A_1038 = tpu.scan <sum>, %add3A_1035 masked %reduce_sum3A_1037 : vector<16xf32>, vector<16xi1> -> vector<16xf32>
        %reduce_sum3A_1039 = vector.extract %reduce_sum3A_1038[15] : f32 from vector<16xf32>
        %broadcast_in_dim3A_1040 = vector.broadcast %reduce_sum3A_836 : f32 to vector<16xf32>
        %eq3A_1041 = arith.constant 1 : i32
        %eq3A_1042 = vector.broadcast %eq3A_1041 : i32 to vector<16xi32>
        %eq3A_1043 = arith.cmpi eq, %iota3A, %eq3A_1042 : vector<16xi32>
        %broadcast_in_dim3A_1044 = vector.broadcast %reduce_sum3A_865 : f32 to vector<16xf32>
        %select_n3A_1045 = arith.select %eq3A_1043, %broadcast_in_dim3A_1044, %broadcast_in_dim3A_1040 : vector<16xi1>, vector<16xf32>
        %eq3A_1046 = arith.constant 2 : i32
        %eq3A_1047 = vector.broadcast %eq3A_1046 : i32 to vector<16xi32>
        %eq3A_1048 = arith.cmpi eq, %iota3A, %eq3A_1047 : vector<16xi32>
        %broadcast_in_dim3A_1049 = vector.broadcast %reduce_sum3A_894 : f32 to vector<16xf32>
        %select_n3A_1050 = arith.select %eq3A_1048, %broadcast_in_dim3A_1049, %select_n3A_1045 : vector<16xi1>, vector<16xf32>
        %eq3A_1051 = arith.constant 3 : i32
        %eq3A_1052 = vector.broadcast %eq3A_1051 : i32 to vector<16xi32>
        %eq3A_1053 = arith.cmpi eq, %iota3A, %eq3A_1052 : vector<16xi32>
        %broadcast_in_dim3A_1054 = vector.broadcast %reduce_sum3A_923 : f32 to vector<16xf32>
        %select_n3A_1055 = arith.select %eq3A_1053, %broadcast_in_dim3A_1054, %select_n3A_1050 : vector<16xi1>, vector<16xf32>
        %eq3A_1056 = arith.constant 4 : i32
        %eq3A_1057 = vector.broadcast %eq3A_1056 : i32 to vector<16xi32>
        %eq3A_1058 = arith.cmpi eq, %iota3A, %eq3A_1057 : vector<16xi32>
        %broadcast_in_dim3A_1059 = vector.broadcast %reduce_sum3A_952 : f32 to vector<16xf32>
        %select_n3A_1060 = arith.select %eq3A_1058, %broadcast_in_dim3A_1059, %select_n3A_1055 : vector<16xi1>, vector<16xf32>
        %eq3A_1061 = arith.constant 5 : i32
        %eq3A_1062 = vector.broadcast %eq3A_1061 : i32 to vector<16xi32>
        %eq3A_1063 = arith.cmpi eq, %iota3A, %eq3A_1062 : vector<16xi32>
        %broadcast_in_dim3A_1064 = vector.broadcast %reduce_sum3A_981 : f32 to vector<16xf32>
        %select_n3A_1065 = arith.select %eq3A_1063, %broadcast_in_dim3A_1064, %select_n3A_1060 : vector<16xi1>, vector<16xf32>
        %eq3A_1066 = arith.constant 6 : i32
        %eq3A_1067 = vector.broadcast %eq3A_1066 : i32 to vector<16xi32>
        %eq3A_1068 = arith.cmpi eq, %iota3A, %eq3A_1067 : vector<16xi32>
        %broadcast_in_dim3A_1069 = vector.broadcast %reduce_sum3A_1010 : f32 to vector<16xf32>
        %select_n3A_1070 = arith.select %eq3A_1068, %broadcast_in_dim3A_1069, %select_n3A_1065 : vector<16xi1>, vector<16xf32>
        %eq3A_1071 = arith.constant 7 : i32
        %eq3A_1072 = vector.broadcast %eq3A_1071 : i32 to vector<16xi32>
        %eq3A_1073 = arith.cmpi eq, %iota3A, %eq3A_1072 : vector<16xi32>
        %broadcast_in_dim3A_1074 = vector.broadcast %reduce_sum3A_1039 : f32 to vector<16xf32>
        %select_n3A_1075 = arith.select %eq3A_1073, %broadcast_in_dim3A_1074, %select_n3A_1070 : vector<16xi1>, vector<16xf32>
        %mul3A_1076 = arith.constant 8 : i32
        %mul3A_1077 = arith.muli %scan3A_806, %mul3A_1076 : i32
        %add3A_1078 = arith.constant 832 : i32
        %add3A_1079 = arith.addi %add3A_1078, %mul3A_1077 : i32
        %swap3A_1080 = arith.index_cast %add3A_1079 : i32 to index
        %swap3A_1081 = tpu.vector_load %arg15[%swap3A_1080] masked %lt3A_4 {strides = array<i32>} : memref<1664xf32, #tpu.memory_space<vmem>>, vector<16xf32>, vector<16xi1>
        tpu.vector_store %arg15[%swap3A_1080], %select_n3A_1075 masked %lt3A_4 {strides = array<i32>} : memref<1664xf32, #tpu.memory_space<vmem>>, vector<16xf32>, vector<16xi1>
        %scan3A_1082 = arith.constant 0 : i32
        scf.yield %scan3A_1082 : i32
      }
      %scan3A_620 = arith.constant 25 : i32
      %get3A_621 = arith.constant 5 : i32
      %get3A_622 = arith.index_cast %get3A_621 : i32 to index
      %get3A_623 = arith.constant 0 : index
      %get3A_624 = tpu.vector_load %arg12[%get3A_622, %get3A_623] {strides = array<i32>} : memref<8x64xf32, #tpu.memory_space<vmem>>, vector<16xf32>,
      %get3A_625 = arith.constant 5 : i32
      %get3A_626 = arith.index_cast %get3A_625 : i32 to index
      %get3A_627 = arith.constant 16 : index
      %get3A_628 = tpu.vector_load %arg12[%get3A_626, %get3A_627] {strides = array<i32>} : memref<8x64xf32, #tpu.memory_space<vmem>>, vector<16xf32>,
      %get3A_629 = arith.constant 5 : i32
      %get3A_630 = arith.index_cast %get3A_629 : i32 to index
      %get3A_631 = arith.constant 32 : index
      %get3A_632 = tpu.vector_load %arg12[%get3A_630, %get3A_631] {strides = array<i32>} : memref<8x64xf32, #tpu.memory_space<vmem>>, vector<16xf32>,
      %get3A_633 = arith.constant 5 : i32
      %get3A_634 = arith.index_cast %get3A_633 : i32 to index
      %get3A_635 = arith.constant 48 : index
      %get3A_636 = tpu.vector_load %arg12[%get3A_634, %get3A_635] {strides = array<i32>} : memref<8x64xf32, #tpu.memory_space<vmem>>, vector<16xf32>,
      %get3A_637 = arith.constant 5 : i32
      %get3A_638 = arith.index_cast %get3A_637 : i32 to index
      %get3A_639 = arith.constant 0 : index
      %get3A_640 = tpu.vector_load %arg13[%get3A_638, %get3A_639] {strides = array<i32>} : memref<8x64xf32, #tpu.memory_space<vmem>>, vector<16xf32>,
      %mul3A_641 = arith.mulf %get3A_640, %get3A_624 : vector<16xf32>
      %get3A_642 = arith.constant 5 : i32
      %get3A_643 = arith.index_cast %get3A_642 : i32 to index
      %get3A_644 = arith.constant 16 : index
      %get3A_645 = tpu.vector_load %arg13[%get3A_643, %get3A_644] {strides = array<i32>} : memref<8x64xf32, #tpu.memory_space<vmem>>, vector<16xf32>,
      %mul3A_646 = arith.mulf %get3A_645, %get3A_628 : vector<16xf32>
      %add3A_647 = arith.addf %mul3A_641, %mul3A_646 : vector<16xf32>
      %get3A_648 = arith.constant 5 : i32
      %get3A_649 = arith.index_cast %get3A_648 : i32 to index
      %get3A_650 = arith.constant 32 : index
      %get3A_651 = tpu.vector_load %arg13[%get3A_649, %get3A_650] {strides = array<i32>} : memref<8x64xf32, #tpu.memory_space<vmem>>, vector<16xf32>,
      %mul3A_652 = arith.mulf %get3A_651, %get3A_632 : vector<16xf32>
      %add3A_653 = arith.addf %add3A_647, %mul3A_652 : vector<16xf32>
      %get3A_654 = arith.constant 5 : i32
      %get3A_655 = arith.index_cast %get3A_654 : i32 to index
      %get3A_656 = arith.constant 48 : index
      %get3A_657 = tpu.vector_load %arg13[%get3A_655, %get3A_656] {strides = array<i32>} : memref<8x64xf32, #tpu.memory_space<vmem>>, vector<16xf32>,
      %mul3A_658 = arith.mulf %get3A_657, %get3A_636 : vector<16xf32>
      %add3A_659 = arith.addf %add3A_653, %mul3A_658 : vector<16xf32>
      %reduce_sum3A_660 = arith.constant true
      %reduce_sum3A_661 = vector.broadcast %reduce_sum3A_660 : i1 to vector<16xi1>
      %reduce_sum3A_662 = tpu.scan <sum>, %add3A_659 masked %reduce_sum3A_661 : vector<16xf32>, vector<16xi1> -> vector<16xf32>
      %reduce_sum3A_663 = vector.extract %reduce_sum3A_662[15] : f32 from vector<16xf32>
      %eq3A_664 = arith.constant 5 : i32
      %eq3A_665 = vector.broadcast %eq3A_664 : i32 to vector<16xi32>
      %eq3A_666 = arith.cmpi eq, %iota3A, %eq3A_665 : vector<16xi32>
      %broadcast_in_dim3A_667 = vector.broadcast %reduce_sum3A_663 : f32 to vector<16xf32>
      %select_n3A_668 = arith.select %eq3A_666, %broadcast_in_dim3A_667, %select_n3A_613 : vector<16xi1>, vector<16xf32>
      %scan3A_669 = arith.constant 0 : i32
      %scan3A_670 = arith.constant 0 : i32
      %scan3A_671 = arith.constant 25 : i32
      %scan3A_672 = arith.addi %scan3A_670, %scan3A_671 : i32
      %scan3A_673 = arith.constant 1 : i32
      %scan3A_674 = scf.for %scan3A_806 = %scan3A_670 to %scan3A_672 step %scan3A_673 iter_args(%scan3A_807 = %scan3A_669) -> (i32)  : i32 {
        %mul3A_808 = arith.constant 8 : i32
        %mul3A_809 = arith.muli %scan3A_806, %mul3A_808 : i32
        %add3A_810 = arith.constant 1000 : i32
        %add3A_811 = arith.addi %add3A_810, %mul3A_809 : i32
        %add3A_812 = arith.constant 0 : i32
        %add3A_813 = arith.addi %add3A_811, %add3A_812 : i32
        %get3A_814 = arith.index_cast %add3A_813 : i32 to index
        %get3A_815 = arith.constant 0 : index
        %get3A_816 = tpu.vector_load %arg14[%get3A_814, %get3A_815] {strides = array<i32>} : memref<1600x64xf32, #tpu.memory_space<vmem>>, vector<16xf32>,
        %mul3A_817 = arith.mulf %get3A_816, %get3A_624 : vector<16xf32>
        %get3A_818 = arith.index_cast %add3A_813 : i32 to index
        %get3A_819 = arith.constant 16 : index
        %get3A_820 = tpu.vector_load %arg14[%get3A_818, %get3A_819] {strides = array<i32>} : memref<1600x64xf32, #tpu.memory_space<vmem>>, vector<16xf32>,
        %mul3A_821 = arith.mulf %get3A_820, %get3A_628 : vector<16xf32>
        %add3A_822 = arith.addf %mul3A_817, %mul3A_821 : vector<16xf32>
        %get3A_823 = arith.index_cast %add3A_813 : i32 to index
        %get3A_824 = arith.constant 32 : index
        %get3A_825 = tpu.vector_load %arg14[%get3A_823, %get3A_824] {strides = array<i32>} : memref<1600x64xf32, #tpu.memory_space<vmem>>, vector<16xf32>,
        %mul3A_826 = arith.mulf %get3A_825, %get3A_632 : vector<16xf32>
        %add3A_827 = arith.addf %add3A_822, %mul3A_826 : vector<16xf32>
        %get3A_828 = arith.index_cast %add3A_813 : i32 to index
        %get3A_829 = arith.constant 48 : index
        %get3A_830 = tpu.vector_load %arg14[%get3A_828, %get3A_829] {strides = array<i32>} : memref<1600x64xf32, #tpu.memory_space<vmem>>, vector<16xf32>,
        %mul3A_831 = arith.mulf %get3A_830, %get3A_636 : vector<16xf32>
        %add3A_832 = arith.addf %add3A_827, %mul3A_831 : vector<16xf32>
        %reduce_sum3A_833 = arith.constant true
        %reduce_sum3A_834 = vector.broadcast %reduce_sum3A_833 : i1 to vector<16xi1>
        %reduce_sum3A_835 = tpu.scan <sum>, %add3A_832 masked %reduce_sum3A_834 : vector<16xf32>, vector<16xi1> -> vector<16xf32>
        %reduce_sum3A_836 = vector.extract %reduce_sum3A_835[15] : f32 from vector<16xf32>
        %mul3A_837 = arith.constant 8 : i32
        %mul3A_838 = arith.muli %scan3A_806, %mul3A_837 : i32
        %add3A_839 = arith.constant 1000 : i32
        %add3A_840 = arith.addi %add3A_839, %mul3A_838 : i32
        %add3A_841 = arith.constant 1 : i32
        %add3A_842 = arith.addi %add3A_840, %add3A_841 : i32
        %get3A_843 = arith.index_cast %add3A_842 : i32 to index
        %get3A_844 = arith.constant 0 : index
        %get3A_845 = tpu.vector_load %arg14[%get3A_843, %get3A_844] {strides = array<i32>} : memref<1600x64xf32, #tpu.memory_space<vmem>>, vector<16xf32>,
        %mul3A_846 = arith.mulf %get3A_845, %get3A_624 : vector<16xf32>
        %get3A_847 = arith.index_cast %add3A_842 : i32 to index
        %get3A_848 = arith.constant 16 : index
        %get3A_849 = tpu.vector_load %arg14[%get3A_847, %get3A_848] {strides = array<i32>} : memref<1600x64xf32, #tpu.memory_space<vmem>>, vector<16xf32>,
        %mul3A_850 = arith.mulf %get3A_849, %get3A_628 : vector<16xf32>
        %add3A_851 = arith.addf %mul3A_846, %mul3A_850 : vector<16xf32>
        %get3A_852 = arith.index_cast %add3A_842 : i32 to index
        %get3A_853 = arith.constant 32 : index
        %get3A_854 = tpu.vector_load %arg14[%get3A_852, %get3A_853] {strides = array<i32>} : memref<1600x64xf32, #tpu.memory_space<vmem>>, vector<16xf32>,
        %mul3A_855 = arith.mulf %get3A_854, %get3A_632 : vector<16xf32>
        %add3A_856 = arith.addf %add3A_851, %mul3A_855 : vector<16xf32>
        %get3A_857 = arith.index_cast %add3A_842 : i32 to index
        %get3A_858 = arith.constant 48 : index
        %get3A_859 = tpu.vector_load %arg14[%get3A_857, %get3A_858] {strides = array<i32>} : memref<1600x64xf32, #tpu.memory_space<vmem>>, vector<16xf32>,
        %mul3A_860 = arith.mulf %get3A_859, %get3A_636 : vector<16xf32>
        %add3A_861 = arith.addf %add3A_856, %mul3A_860 : vector<16xf32>
        %reduce_sum3A_862 = arith.constant true
        %reduce_sum3A_863 = vector.broadcast %reduce_sum3A_862 : i1 to vector<16xi1>
        %reduce_sum3A_864 = tpu.scan <sum>, %add3A_861 masked %reduce_sum3A_863 : vector<16xf32>, vector<16xi1> -> vector<16xf32>
        %reduce_sum3A_865 = vector.extract %reduce_sum3A_864[15] : f32 from vector<16xf32>
        %mul3A_866 = arith.constant 8 : i32
        %mul3A_867 = arith.muli %scan3A_806, %mul3A_866 : i32
        %add3A_868 = arith.constant 1000 : i32
        %add3A_869 = arith.addi %add3A_868, %mul3A_867 : i32
        %add3A_870 = arith.constant 2 : i32
        %add3A_871 = arith.addi %add3A_869, %add3A_870 : i32
        %get3A_872 = arith.index_cast %add3A_871 : i32 to index
        %get3A_873 = arith.constant 0 : index
        %get3A_874 = tpu.vector_load %arg14[%get3A_872, %get3A_873] {strides = array<i32>} : memref<1600x64xf32, #tpu.memory_space<vmem>>, vector<16xf32>,
        %mul3A_875 = arith.mulf %get3A_874, %get3A_624 : vector<16xf32>
        %get3A_876 = arith.index_cast %add3A_871 : i32 to index
        %get3A_877 = arith.constant 16 : index
        %get3A_878 = tpu.vector_load %arg14[%get3A_876, %get3A_877] {strides = array<i32>} : memref<1600x64xf32, #tpu.memory_space<vmem>>, vector<16xf32>,
        %mul3A_879 = arith.mulf %get3A_878, %get3A_628 : vector<16xf32>
        %add3A_880 = arith.addf %mul3A_875, %mul3A_879 : vector<16xf32>
        %get3A_881 = arith.index_cast %add3A_871 : i32 to index
        %get3A_882 = arith.constant 32 : index
        %get3A_883 = tpu.vector_load %arg14[%get3A_881, %get3A_882] {strides = array<i32>} : memref<1600x64xf32, #tpu.memory_space<vmem>>, vector<16xf32>,
        %mul3A_884 = arith.mulf %get3A_883, %get3A_632 : vector<16xf32>
        %add3A_885 = arith.addf %add3A_880, %mul3A_884 : vector<16xf32>
        %get3A_886 = arith.index_cast %add3A_871 : i32 to index
        %get3A_887 = arith.constant 48 : index
        %get3A_888 = tpu.vector_load %arg14[%get3A_886, %get3A_887] {strides = array<i32>} : memref<1600x64xf32, #tpu.memory_space<vmem>>, vector<16xf32>,
        %mul3A_889 = arith.mulf %get3A_888, %get3A_636 : vector<16xf32>
        %add3A_890 = arith.addf %add3A_885, %mul3A_889 : vector<16xf32>
        %reduce_sum3A_891 = arith.constant true
        %reduce_sum3A_892 = vector.broadcast %reduce_sum3A_891 : i1 to vector<16xi1>
        %reduce_sum3A_893 = tpu.scan <sum>, %add3A_890 masked %reduce_sum3A_892 : vector<16xf32>, vector<16xi1> -> vector<16xf32>
        %reduce_sum3A_894 = vector.extract %reduce_sum3A_893[15] : f32 from vector<16xf32>
        %mul3A_895 = arith.constant 8 : i32
        %mul3A_896 = arith.muli %scan3A_806, %mul3A_895 : i32
        %add3A_897 = arith.constant 1000 : i32
        %add3A_898 = arith.addi %add3A_897, %mul3A_896 : i32
        %add3A_899 = arith.constant 3 : i32
        %add3A_900 = arith.addi %add3A_898, %add3A_899 : i32
        %get3A_901 = arith.index_cast %add3A_900 : i32 to index
        %get3A_902 = arith.constant 0 : index
        %get3A_903 = tpu.vector_load %arg14[%get3A_901, %get3A_902] {strides = array<i32>} : memref<1600x64xf32, #tpu.memory_space<vmem>>, vector<16xf32>,
        %mul3A_904 = arith.mulf %get3A_903, %get3A_624 : vector<16xf32>
        %get3A_905 = arith.index_cast %add3A_900 : i32 to index
        %get3A_906 = arith.constant 16 : index
        %get3A_907 = tpu.vector_load %arg14[%get3A_905, %get3A_906] {strides = array<i32>} : memref<1600x64xf32, #tpu.memory_space<vmem>>, vector<16xf32>,
        %mul3A_908 = arith.mulf %get3A_907, %get3A_628 : vector<16xf32>
        %add3A_909 = arith.addf %mul3A_904, %mul3A_908 : vector<16xf32>
        %get3A_910 = arith.index_cast %add3A_900 : i32 to index
        %get3A_911 = arith.constant 32 : index
        %get3A_912 = tpu.vector_load %arg14[%get3A_910, %get3A_911] {strides = array<i32>} : memref<1600x64xf32, #tpu.memory_space<vmem>>, vector<16xf32>,
        %mul3A_913 = arith.mulf %get3A_912, %get3A_632 : vector<16xf32>
        %add3A_914 = arith.addf %add3A_909, %mul3A_913 : vector<16xf32>
        %get3A_915 = arith.index_cast %add3A_900 : i32 to index
        %get3A_916 = arith.constant 48 : index
        %get3A_917 = tpu.vector_load %arg14[%get3A_915, %get3A_916] {strides = array<i32>} : memref<1600x64xf32, #tpu.memory_space<vmem>>, vector<16xf32>,
        %mul3A_918 = arith.mulf %get3A_917, %get3A_636 : vector<16xf32>
        %add3A_919 = arith.addf %add3A_914, %mul3A_918 : vector<16xf32>
        %reduce_sum3A_920 = arith.constant true
        %reduce_sum3A_921 = vector.broadcast %reduce_sum3A_920 : i1 to vector<16xi1>
        %reduce_sum3A_922 = tpu.scan <sum>, %add3A_919 masked %reduce_sum3A_921 : vector<16xf32>, vector<16xi1> -> vector<16xf32>
        %reduce_sum3A_923 = vector.extract %reduce_sum3A_922[15] : f32 from vector<16xf32>
        %mul3A_924 = arith.constant 8 : i32
        %mul3A_925 = arith.muli %scan3A_806, %mul3A_924 : i32
        %add3A_926 = arith.constant 1000 : i32
        %add3A_927 = arith.addi %add3A_926, %mul3A_925 : i32
        %add3A_928 = arith.constant 4 : i32
        %add3A_929 = arith.addi %add3A_927, %add3A_928 : i32
        %get3A_930 = arith.index_cast %add3A_929 : i32 to index
        %get3A_931 = arith.constant 0 : index
        %get3A_932 = tpu.vector_load %arg14[%get3A_930, %get3A_931] {strides = array<i32>} : memref<1600x64xf32, #tpu.memory_space<vmem>>, vector<16xf32>,
        %mul3A_933 = arith.mulf %get3A_932, %get3A_624 : vector<16xf32>
        %get3A_934 = arith.index_cast %add3A_929 : i32 to index
        %get3A_935 = arith.constant 16 : index
        %get3A_936 = tpu.vector_load %arg14[%get3A_934, %get3A_935] {strides = array<i32>} : memref<1600x64xf32, #tpu.memory_space<vmem>>, vector<16xf32>,
        %mul3A_937 = arith.mulf %get3A_936, %get3A_628 : vector<16xf32>
        %add3A_938 = arith.addf %mul3A_933, %mul3A_937 : vector<16xf32>
        %get3A_939 = arith.index_cast %add3A_929 : i32 to index
        %get3A_940 = arith.constant 32 : index
        %get3A_941 = tpu.vector_load %arg14[%get3A_939, %get3A_940] {strides = array<i32>} : memref<1600x64xf32, #tpu.memory_space<vmem>>, vector<16xf32>,
        %mul3A_942 = arith.mulf %get3A_941, %get3A_632 : vector<16xf32>
        %add3A_943 = arith.addf %add3A_938, %mul3A_942 : vector<16xf32>
        %get3A_944 = arith.index_cast %add3A_929 : i32 to index
        %get3A_945 = arith.constant 48 : index
        %get3A_946 = tpu.vector_load %arg14[%get3A_944, %get3A_945] {strides = array<i32>} : memref<1600x64xf32, #tpu.memory_space<vmem>>, vector<16xf32>,
        %mul3A_947 = arith.mulf %get3A_946, %get3A_636 : vector<16xf32>
        %add3A_948 = arith.addf %add3A_943, %mul3A_947 : vector<16xf32>
        %reduce_sum3A_949 = arith.constant true
        %reduce_sum3A_950 = vector.broadcast %reduce_sum3A_949 : i1 to vector<16xi1>
        %reduce_sum3A_951 = tpu.scan <sum>, %add3A_948 masked %reduce_sum3A_950 : vector<16xf32>, vector<16xi1> -> vector<16xf32>
        %reduce_sum3A_952 = vector.extract %reduce_sum3A_951[15] : f32 from vector<16xf32>
        %mul3A_953 = arith.constant 8 : i32
        %mul3A_954 = arith.muli %scan3A_806, %mul3A_953 : i32
        %add3A_955 = arith.constant 1000 : i32
        %add3A_956 = arith.addi %add3A_955, %mul3A_954 : i32
        %add3A_957 = arith.constant 5 : i32
        %add3A_958 = arith.addi %add3A_956, %add3A_957 : i32
        %get3A_959 = arith.index_cast %add3A_958 : i32 to index
        %get3A_960 = arith.constant 0 : index
        %get3A_961 = tpu.vector_load %arg14[%get3A_959, %get3A_960] {strides = array<i32>} : memref<1600x64xf32, #tpu.memory_space<vmem>>, vector<16xf32>,
        %mul3A_962 = arith.mulf %get3A_961, %get3A_624 : vector<16xf32>
        %get3A_963 = arith.index_cast %add3A_958 : i32 to index
        %get3A_964 = arith.constant 16 : index
        %get3A_965 = tpu.vector_load %arg14[%get3A_963, %get3A_964] {strides = array<i32>} : memref<1600x64xf32, #tpu.memory_space<vmem>>, vector<16xf32>,
        %mul3A_966 = arith.mulf %get3A_965, %get3A_628 : vector<16xf32>
        %add3A_967 = arith.addf %mul3A_962, %mul3A_966 : vector<16xf32>
        %get3A_968 = arith.index_cast %add3A_958 : i32 to index
        %get3A_969 = arith.constant 32 : index
        %get3A_970 = tpu.vector_load %arg14[%get3A_968, %get3A_969] {strides = array<i32>} : memref<1600x64xf32, #tpu.memory_space<vmem>>, vector<16xf32>,
        %mul3A_971 = arith.mulf %get3A_970, %get3A_632 : vector<16xf32>
        %add3A_972 = arith.addf %add3A_967, %mul3A_971 : vector<16xf32>
        %get3A_973 = arith.index_cast %add3A_958 : i32 to index
        %get3A_974 = arith.constant 48 : index
        %get3A_975 = tpu.vector_load %arg14[%get3A_973, %get3A_974] {strides = array<i32>} : memref<1600x64xf32, #tpu.memory_space<vmem>>, vector<16xf32>,
        %mul3A_976 = arith.mulf %get3A_975, %get3A_636 : vector<16xf32>
        %add3A_977 = arith.addf %add3A_972, %mul3A_976 : vector<16xf32>
        %reduce_sum3A_978 = arith.constant true
        %reduce_sum3A_979 = vector.broadcast %reduce_sum3A_978 : i1 to vector<16xi1>
        %reduce_sum3A_980 = tpu.scan <sum>, %add3A_977 masked %reduce_sum3A_979 : vector<16xf32>, vector<16xi1> -> vector<16xf32>
        %reduce_sum3A_981 = vector.extract %reduce_sum3A_980[15] : f32 from vector<16xf32>
        %mul3A_982 = arith.constant 8 : i32
        %mul3A_983 = arith.muli %scan3A_806, %mul3A_982 : i32
        %add3A_984 = arith.constant 1000 : i32
        %add3A_985 = arith.addi %add3A_984, %mul3A_983 : i32
        %add3A_986 = arith.constant 6 : i32
        %add3A_987 = arith.addi %add3A_985, %add3A_986 : i32
        %get3A_988 = arith.index_cast %add3A_987 : i32 to index
        %get3A_989 = arith.constant 0 : index
        %get3A_990 = tpu.vector_load %arg14[%get3A_988, %get3A_989] {strides = array<i32>} : memref<1600x64xf32, #tpu.memory_space<vmem>>, vector<16xf32>,
        %mul3A_991 = arith.mulf %get3A_990, %get3A_624 : vector<16xf32>
        %get3A_992 = arith.index_cast %add3A_987 : i32 to index
        %get3A_993 = arith.constant 16 : index
        %get3A_994 = tpu.vector_load %arg14[%get3A_992, %get3A_993] {strides = array<i32>} : memref<1600x64xf32, #tpu.memory_space<vmem>>, vector<16xf32>,
        %mul3A_995 = arith.mulf %get3A_994, %get3A_628 : vector<16xf32>
        %add3A_996 = arith.addf %mul3A_991, %mul3A_995 : vector<16xf32>
        %get3A_997 = arith.index_cast %add3A_987 : i32 to index
        %get3A_998 = arith.constant 32 : index
        %get3A_999 = tpu.vector_load %arg14[%get3A_997, %get3A_998] {strides = array<i32>} : memref<1600x64xf32, #tpu.memory_space<vmem>>, vector<16xf32>,
        %mul3A_1000 = arith.mulf %get3A_999, %get3A_632 : vector<16xf32>
        %add3A_1001 = arith.addf %add3A_996, %mul3A_1000 : vector<16xf32>
        %get3A_1002 = arith.index_cast %add3A_987 : i32 to index
        %get3A_1003 = arith.constant 48 : index
        %get3A_1004 = tpu.vector_load %arg14[%get3A_1002, %get3A_1003] {strides = array<i32>} : memref<1600x64xf32, #tpu.memory_space<vmem>>, vector<16xf32>,
        %mul3A_1005 = arith.mulf %get3A_1004, %get3A_636 : vector<16xf32>
        %add3A_1006 = arith.addf %add3A_1001, %mul3A_1005 : vector<16xf32>
        %reduce_sum3A_1007 = arith.constant true
        %reduce_sum3A_1008 = vector.broadcast %reduce_sum3A_1007 : i1 to vector<16xi1>
        %reduce_sum3A_1009 = tpu.scan <sum>, %add3A_1006 masked %reduce_sum3A_1008 : vector<16xf32>, vector<16xi1> -> vector<16xf32>
        %reduce_sum3A_1010 = vector.extract %reduce_sum3A_1009[15] : f32 from vector<16xf32>
        %mul3A_1011 = arith.constant 8 : i32
        %mul3A_1012 = arith.muli %scan3A_806, %mul3A_1011 : i32
        %add3A_1013 = arith.constant 1000 : i32
        %add3A_1014 = arith.addi %add3A_1013, %mul3A_1012 : i32
        %add3A_1015 = arith.constant 7 : i32
        %add3A_1016 = arith.addi %add3A_1014, %add3A_1015 : i32
        %get3A_1017 = arith.index_cast %add3A_1016 : i32 to index
        %get3A_1018 = arith.constant 0 : index
        %get3A_1019 = tpu.vector_load %arg14[%get3A_1017, %get3A_1018] {strides = array<i32>} : memref<1600x64xf32, #tpu.memory_space<vmem>>, vector<16xf32>,
        %mul3A_1020 = arith.mulf %get3A_1019, %get3A_624 : vector<16xf32>
        %get3A_1021 = arith.index_cast %add3A_1016 : i32 to index
        %get3A_1022 = arith.constant 16 : index
        %get3A_1023 = tpu.vector_load %arg14[%get3A_1021, %get3A_1022] {strides = array<i32>} : memref<1600x64xf32, #tpu.memory_space<vmem>>, vector<16xf32>,
        %mul3A_1024 = arith.mulf %get3A_1023, %get3A_628 : vector<16xf32>
        %add3A_1025 = arith.addf %mul3A_1020, %mul3A_1024 : vector<16xf32>
        %get3A_1026 = arith.index_cast %add3A_1016 : i32 to index
        %get3A_1027 = arith.constant 32 : index
        %get3A_1028 = tpu.vector_load %arg14[%get3A_1026, %get3A_1027] {strides = array<i32>} : memref<1600x64xf32, #tpu.memory_space<vmem>>, vector<16xf32>,
        %mul3A_1029 = arith.mulf %get3A_1028, %get3A_632 : vector<16xf32>
        %add3A_1030 = arith.addf %add3A_1025, %mul3A_1029 : vector<16xf32>
        %get3A_1031 = arith.index_cast %add3A_1016 : i32 to index
        %get3A_1032 = arith.constant 48 : index
        %get3A_1033 = tpu.vector_load %arg14[%get3A_1031, %get3A_1032] {strides = array<i32>} : memref<1600x64xf32, #tpu.memory_space<vmem>>, vector<16xf32>,
        %mul3A_1034 = arith.mulf %get3A_1033, %get3A_636 : vector<16xf32>
        %add3A_1035 = arith.addf %add3A_1030, %mul3A_1034 : vector<16xf32>
        %reduce_sum3A_1036 = arith.constant true
        %reduce_sum3A_1037 = vector.broadcast %reduce_sum3A_1036 : i1 to vector<16xi1>
        %reduce_sum3A_1038 = tpu.scan <sum>, %add3A_1035 masked %reduce_sum3A_1037 : vector<16xf32>, vector<16xi1> -> vector<16xf32>
        %reduce_sum3A_1039 = vector.extract %reduce_sum3A_1038[15] : f32 from vector<16xf32>
        %broadcast_in_dim3A_1040 = vector.broadcast %reduce_sum3A_836 : f32 to vector<16xf32>
        %eq3A_1041 = arith.constant 1 : i32
        %eq3A_1042 = vector.broadcast %eq3A_1041 : i32 to vector<16xi32>
        %eq3A_1043 = arith.cmpi eq, %iota3A, %eq3A_1042 : vector<16xi32>
        %broadcast_in_dim3A_1044 = vector.broadcast %reduce_sum3A_865 : f32 to vector<16xf32>
        %select_n3A_1045 = arith.select %eq3A_1043, %broadcast_in_dim3A_1044, %broadcast_in_dim3A_1040 : vector<16xi1>, vector<16xf32>
        %eq3A_1046 = arith.constant 2 : i32
        %eq3A_1047 = vector.broadcast %eq3A_1046 : i32 to vector<16xi32>
        %eq3A_1048 = arith.cmpi eq, %iota3A, %eq3A_1047 : vector<16xi32>
        %broadcast_in_dim3A_1049 = vector.broadcast %reduce_sum3A_894 : f32 to vector<16xf32>
        %select_n3A_1050 = arith.select %eq3A_1048, %broadcast_in_dim3A_1049, %select_n3A_1045 : vector<16xi1>, vector<16xf32>
        %eq3A_1051 = arith.constant 3 : i32
        %eq3A_1052 = vector.broadcast %eq3A_1051 : i32 to vector<16xi32>
        %eq3A_1053 = arith.cmpi eq, %iota3A, %eq3A_1052 : vector<16xi32>
        %broadcast_in_dim3A_1054 = vector.broadcast %reduce_sum3A_923 : f32 to vector<16xf32>
        %select_n3A_1055 = arith.select %eq3A_1053, %broadcast_in_dim3A_1054, %select_n3A_1050 : vector<16xi1>, vector<16xf32>
        %eq3A_1056 = arith.constant 4 : i32
        %eq3A_1057 = vector.broadcast %eq3A_1056 : i32 to vector<16xi32>
        %eq3A_1058 = arith.cmpi eq, %iota3A, %eq3A_1057 : vector<16xi32>
        %broadcast_in_dim3A_1059 = vector.broadcast %reduce_sum3A_952 : f32 to vector<16xf32>
        %select_n3A_1060 = arith.select %eq3A_1058, %broadcast_in_dim3A_1059, %select_n3A_1055 : vector<16xi1>, vector<16xf32>
        %eq3A_1061 = arith.constant 5 : i32
        %eq3A_1062 = vector.broadcast %eq3A_1061 : i32 to vector<16xi32>
        %eq3A_1063 = arith.cmpi eq, %iota3A, %eq3A_1062 : vector<16xi32>
        %broadcast_in_dim3A_1064 = vector.broadcast %reduce_sum3A_981 : f32 to vector<16xf32>
        %select_n3A_1065 = arith.select %eq3A_1063, %broadcast_in_dim3A_1064, %select_n3A_1060 : vector<16xi1>, vector<16xf32>
        %eq3A_1066 = arith.constant 6 : i32
        %eq3A_1067 = vector.broadcast %eq3A_1066 : i32 to vector<16xi32>
        %eq3A_1068 = arith.cmpi eq, %iota3A, %eq3A_1067 : vector<16xi32>
        %broadcast_in_dim3A_1069 = vector.broadcast %reduce_sum3A_1010 : f32 to vector<16xf32>
        %select_n3A_1070 = arith.select %eq3A_1068, %broadcast_in_dim3A_1069, %select_n3A_1065 : vector<16xi1>, vector<16xf32>
        %eq3A_1071 = arith.constant 7 : i32
        %eq3A_1072 = vector.broadcast %eq3A_1071 : i32 to vector<16xi32>
        %eq3A_1073 = arith.cmpi eq, %iota3A, %eq3A_1072 : vector<16xi32>
        %broadcast_in_dim3A_1074 = vector.broadcast %reduce_sum3A_1039 : f32 to vector<16xf32>
        %select_n3A_1075 = arith.select %eq3A_1073, %broadcast_in_dim3A_1074, %select_n3A_1070 : vector<16xi1>, vector<16xf32>
        %mul3A_1076 = arith.constant 8 : i32
        %mul3A_1077 = arith.muli %scan3A_806, %mul3A_1076 : i32
        %add3A_1078 = arith.constant 1040 : i32
        %add3A_1079 = arith.addi %add3A_1078, %mul3A_1077 : i32
        %swap3A_1080 = arith.index_cast %add3A_1079 : i32 to index
        %swap3A_1081 = tpu.vector_load %arg15[%swap3A_1080] masked %lt3A_4 {strides = array<i32>} : memref<1664xf32, #tpu.memory_space<vmem>>, vector<16xf32>, vector<16xi1>
        tpu.vector_store %arg15[%swap3A_1080], %select_n3A_1075 masked %lt3A_4 {strides = array<i32>} : memref<1664xf32, #tpu.memory_space<vmem>>, vector<16xf32>, vector<16xi1>
        %scan3A_1082 = arith.constant 0 : i32
        scf.yield %scan3A_1082 : i32
      }
      %scan3A_675 = arith.constant 25 : i32
      %get3A_676 = arith.constant 6 : i32
      %get3A_677 = arith.index_cast %get3A_676 : i32 to index
      %get3A_678 = arith.constant 0 : index
      %get3A_679 = tpu.vector_load %arg12[%get3A_677, %get3A_678] {strides = array<i32>} : memref<8x64xf32, #tpu.memory_space<vmem>>, vector<16xf32>,
      %get3A_680 = arith.constant 6 : i32
      %get3A_681 = arith.index_cast %get3A_680 : i32 to index
      %get3A_682 = arith.constant 16 : index
      %get3A_683 = tpu.vector_load %arg12[%get3A_681, %get3A_682] {strides = array<i32>} : memref<8x64xf32, #tpu.memory_space<vmem>>, vector<16xf32>,
      %get3A_684 = arith.constant 6 : i32
      %get3A_685 = arith.index_cast %get3A_684 : i32 to index
      %get3A_686 = arith.constant 32 : index
      %get3A_687 = tpu.vector_load %arg12[%get3A_685, %get3A_686] {strides = array<i32>} : memref<8x64xf32, #tpu.memory_space<vmem>>, vector<16xf32>,
      %get3A_688 = arith.constant 6 : i32
      %get3A_689 = arith.index_cast %get3A_688 : i32 to index
      %get3A_690 = arith.constant 48 : index
      %get3A_691 = tpu.vector_load %arg12[%get3A_689, %get3A_690] {strides = array<i32>} : memref<8x64xf32, #tpu.memory_space<vmem>>, vector<16xf32>,
      %get3A_692 = arith.constant 6 : i32
      %get3A_693 = arith.index_cast %get3A_692 : i32 to index
      %get3A_694 = arith.constant 0 : index
      %get3A_695 = tpu.vector_load %arg13[%get3A_693, %get3A_694] {strides = array<i32>} : memref<8x64xf32, #tpu.memory_space<vmem>>, vector<16xf32>,
      %mul3A_696 = arith.mulf %get3A_695, %get3A_679 : vector<16xf32>
      %get3A_697 = arith.constant 6 : i32
      %get3A_698 = arith.index_cast %get3A_697 : i32 to index
      %get3A_699 = arith.constant 16 : index
      %get3A_700 = tpu.vector_load %arg13[%get3A_698, %get3A_699] {strides = array<i32>} : memref<8x64xf32, #tpu.memory_space<vmem>>, vector<16xf32>,
      %mul3A_701 = arith.mulf %get3A_700, %get3A_683 : vector<16xf32>
      %add3A_702 = arith.addf %mul3A_696, %mul3A_701 : vector<16xf32>
      %get3A_703 = arith.constant 6 : i32
      %get3A_704 = arith.index_cast %get3A_703 : i32 to index
      %get3A_705 = arith.constant 32 : index
      %get3A_706 = tpu.vector_load %arg13[%get3A_704, %get3A_705] {strides = array<i32>} : memref<8x64xf32, #tpu.memory_space<vmem>>, vector<16xf32>,
      %mul3A_707 = arith.mulf %get3A_706, %get3A_687 : vector<16xf32>
      %add3A_708 = arith.addf %add3A_702, %mul3A_707 : vector<16xf32>
      %get3A_709 = arith.constant 6 : i32
      %get3A_710 = arith.index_cast %get3A_709 : i32 to index
      %get3A_711 = arith.constant 48 : index
      %get3A_712 = tpu.vector_load %arg13[%get3A_710, %get3A_711] {strides = array<i32>} : memref<8x64xf32, #tpu.memory_space<vmem>>, vector<16xf32>,
      %mul3A_713 = arith.mulf %get3A_712, %get3A_691 : vector<16xf32>
      %add3A_714 = arith.addf %add3A_708, %mul3A_713 : vector<16xf32>
      %reduce_sum3A_715 = arith.constant true
      %reduce_sum3A_716 = vector.broadcast %reduce_sum3A_715 : i1 to vector<16xi1>
      %reduce_sum3A_717 = tpu.scan <sum>, %add3A_714 masked %reduce_sum3A_716 : vector<16xf32>, vector<16xi1> -> vector<16xf32>
      %reduce_sum3A_718 = vector.extract %reduce_sum3A_717[15] : f32 from vector<16xf32>
      %eq3A_719 = arith.constant 6 : i32
      %eq3A_720 = vector.broadcast %eq3A_719 : i32 to vector<16xi32>
      %eq3A_721 = arith.cmpi eq, %iota3A, %eq3A_720 : vector<16xi32>
      %broadcast_in_dim3A_722 = vector.broadcast %reduce_sum3A_718 : f32 to vector<16xf32>
      %select_n3A_723 = arith.select %eq3A_721, %broadcast_in_dim3A_722, %select_n3A_668 : vector<16xi1>, vector<16xf32>
      %scan3A_724 = arith.constant 0 : i32
      %scan3A_725 = arith.constant 0 : i32
      %scan3A_726 = arith.constant 25 : i32
      %scan3A_727 = arith.addi %scan3A_725, %scan3A_726 : i32
      %scan3A_728 = arith.constant 1 : i32
      %scan3A_729 = scf.for %scan3A_806 = %scan3A_725 to %scan3A_727 step %scan3A_728 iter_args(%scan3A_807 = %scan3A_724) -> (i32)  : i32 {
        %mul3A_808 = arith.constant 8 : i32
        %mul3A_809 = arith.muli %scan3A_806, %mul3A_808 : i32
        %add3A_810 = arith.constant 1200 : i32
        %add3A_811 = arith.addi %add3A_810, %mul3A_809 : i32
        %add3A_812 = arith.constant 0 : i32
        %add3A_813 = arith.addi %add3A_811, %add3A_812 : i32
        %get3A_814 = arith.index_cast %add3A_813 : i32 to index
        %get3A_815 = arith.constant 0 : index
        %get3A_816 = tpu.vector_load %arg14[%get3A_814, %get3A_815] {strides = array<i32>} : memref<1600x64xf32, #tpu.memory_space<vmem>>, vector<16xf32>,
        %mul3A_817 = arith.mulf %get3A_816, %get3A_679 : vector<16xf32>
        %get3A_818 = arith.index_cast %add3A_813 : i32 to index
        %get3A_819 = arith.constant 16 : index
        %get3A_820 = tpu.vector_load %arg14[%get3A_818, %get3A_819] {strides = array<i32>} : memref<1600x64xf32, #tpu.memory_space<vmem>>, vector<16xf32>,
        %mul3A_821 = arith.mulf %get3A_820, %get3A_683 : vector<16xf32>
        %add3A_822 = arith.addf %mul3A_817, %mul3A_821 : vector<16xf32>
        %get3A_823 = arith.index_cast %add3A_813 : i32 to index
        %get3A_824 = arith.constant 32 : index
        %get3A_825 = tpu.vector_load %arg14[%get3A_823, %get3A_824] {strides = array<i32>} : memref<1600x64xf32, #tpu.memory_space<vmem>>, vector<16xf32>,
        %mul3A_826 = arith.mulf %get3A_825, %get3A_687 : vector<16xf32>
        %add3A_827 = arith.addf %add3A_822, %mul3A_826 : vector<16xf32>
        %get3A_828 = arith.index_cast %add3A_813 : i32 to index
        %get3A_829 = arith.constant 48 : index
        %get3A_830 = tpu.vector_load %arg14[%get3A_828, %get3A_829] {strides = array<i32>} : memref<1600x64xf32, #tpu.memory_space<vmem>>, vector<16xf32>,
        %mul3A_831 = arith.mulf %get3A_830, %get3A_691 : vector<16xf32>
        %add3A_832 = arith.addf %add3A_827, %mul3A_831 : vector<16xf32>
        %reduce_sum3A_833 = arith.constant true
        %reduce_sum3A_834 = vector.broadcast %reduce_sum3A_833 : i1 to vector<16xi1>
        %reduce_sum3A_835 = tpu.scan <sum>, %add3A_832 masked %reduce_sum3A_834 : vector<16xf32>, vector<16xi1> -> vector<16xf32>
        %reduce_sum3A_836 = vector.extract %reduce_sum3A_835[15] : f32 from vector<16xf32>
        %mul3A_837 = arith.constant 8 : i32
        %mul3A_838 = arith.muli %scan3A_806, %mul3A_837 : i32
        %add3A_839 = arith.constant 1200 : i32
        %add3A_840 = arith.addi %add3A_839, %mul3A_838 : i32
        %add3A_841 = arith.constant 1 : i32
        %add3A_842 = arith.addi %add3A_840, %add3A_841 : i32
        %get3A_843 = arith.index_cast %add3A_842 : i32 to index
        %get3A_844 = arith.constant 0 : index
        %get3A_845 = tpu.vector_load %arg14[%get3A_843, %get3A_844] {strides = array<i32>} : memref<1600x64xf32, #tpu.memory_space<vmem>>, vector<16xf32>,
        %mul3A_846 = arith.mulf %get3A_845, %get3A_679 : vector<16xf32>
        %get3A_847 = arith.index_cast %add3A_842 : i32 to index
        %get3A_848 = arith.constant 16 : index
        %get3A_849 = tpu.vector_load %arg14[%get3A_847, %get3A_848] {strides = array<i32>} : memref<1600x64xf32, #tpu.memory_space<vmem>>, vector<16xf32>,
        %mul3A_850 = arith.mulf %get3A_849, %get3A_683 : vector<16xf32>
        %add3A_851 = arith.addf %mul3A_846, %mul3A_850 : vector<16xf32>
        %get3A_852 = arith.index_cast %add3A_842 : i32 to index
        %get3A_853 = arith.constant 32 : index
        %get3A_854 = tpu.vector_load %arg14[%get3A_852, %get3A_853] {strides = array<i32>} : memref<1600x64xf32, #tpu.memory_space<vmem>>, vector<16xf32>,
        %mul3A_855 = arith.mulf %get3A_854, %get3A_687 : vector<16xf32>
        %add3A_856 = arith.addf %add3A_851, %mul3A_855 : vector<16xf32>
        %get3A_857 = arith.index_cast %add3A_842 : i32 to index
        %get3A_858 = arith.constant 48 : index
        %get3A_859 = tpu.vector_load %arg14[%get3A_857, %get3A_858] {strides = array<i32>} : memref<1600x64xf32, #tpu.memory_space<vmem>>, vector<16xf32>,
        %mul3A_860 = arith.mulf %get3A_859, %get3A_691 : vector<16xf32>
        %add3A_861 = arith.addf %add3A_856, %mul3A_860 : vector<16xf32>
        %reduce_sum3A_862 = arith.constant true
        %reduce_sum3A_863 = vector.broadcast %reduce_sum3A_862 : i1 to vector<16xi1>
        %reduce_sum3A_864 = tpu.scan <sum>, %add3A_861 masked %reduce_sum3A_863 : vector<16xf32>, vector<16xi1> -> vector<16xf32>
        %reduce_sum3A_865 = vector.extract %reduce_sum3A_864[15] : f32 from vector<16xf32>
        %mul3A_866 = arith.constant 8 : i32
        %mul3A_867 = arith.muli %scan3A_806, %mul3A_866 : i32
        %add3A_868 = arith.constant 1200 : i32
        %add3A_869 = arith.addi %add3A_868, %mul3A_867 : i32
        %add3A_870 = arith.constant 2 : i32
        %add3A_871 = arith.addi %add3A_869, %add3A_870 : i32
        %get3A_872 = arith.index_cast %add3A_871 : i32 to index
        %get3A_873 = arith.constant 0 : index
        %get3A_874 = tpu.vector_load %arg14[%get3A_872, %get3A_873] {strides = array<i32>} : memref<1600x64xf32, #tpu.memory_space<vmem>>, vector<16xf32>,
        %mul3A_875 = arith.mulf %get3A_874, %get3A_679 : vector<16xf32>
        %get3A_876 = arith.index_cast %add3A_871 : i32 to index
        %get3A_877 = arith.constant 16 : index
        %get3A_878 = tpu.vector_load %arg14[%get3A_876, %get3A_877] {strides = array<i32>} : memref<1600x64xf32, #tpu.memory_space<vmem>>, vector<16xf32>,
        %mul3A_879 = arith.mulf %get3A_878, %get3A_683 : vector<16xf32>
        %add3A_880 = arith.addf %mul3A_875, %mul3A_879 : vector<16xf32>
        %get3A_881 = arith.index_cast %add3A_871 : i32 to index
        %get3A_882 = arith.constant 32 : index
        %get3A_883 = tpu.vector_load %arg14[%get3A_881, %get3A_882] {strides = array<i32>} : memref<1600x64xf32, #tpu.memory_space<vmem>>, vector<16xf32>,
        %mul3A_884 = arith.mulf %get3A_883, %get3A_687 : vector<16xf32>
        %add3A_885 = arith.addf %add3A_880, %mul3A_884 : vector<16xf32>
        %get3A_886 = arith.index_cast %add3A_871 : i32 to index
        %get3A_887 = arith.constant 48 : index
        %get3A_888 = tpu.vector_load %arg14[%get3A_886, %get3A_887] {strides = array<i32>} : memref<1600x64xf32, #tpu.memory_space<vmem>>, vector<16xf32>,
        %mul3A_889 = arith.mulf %get3A_888, %get3A_691 : vector<16xf32>
        %add3A_890 = arith.addf %add3A_885, %mul3A_889 : vector<16xf32>
        %reduce_sum3A_891 = arith.constant true
        %reduce_sum3A_892 = vector.broadcast %reduce_sum3A_891 : i1 to vector<16xi1>
        %reduce_sum3A_893 = tpu.scan <sum>, %add3A_890 masked %reduce_sum3A_892 : vector<16xf32>, vector<16xi1> -> vector<16xf32>
        %reduce_sum3A_894 = vector.extract %reduce_sum3A_893[15] : f32 from vector<16xf32>
        %mul3A_895 = arith.constant 8 : i32
        %mul3A_896 = arith.muli %scan3A_806, %mul3A_895 : i32
        %add3A_897 = arith.constant 1200 : i32
        %add3A_898 = arith.addi %add3A_897, %mul3A_896 : i32
        %add3A_899 = arith.constant 3 : i32
        %add3A_900 = arith.addi %add3A_898, %add3A_899 : i32
        %get3A_901 = arith.index_cast %add3A_900 : i32 to index
        %get3A_902 = arith.constant 0 : index
        %get3A_903 = tpu.vector_load %arg14[%get3A_901, %get3A_902] {strides = array<i32>} : memref<1600x64xf32, #tpu.memory_space<vmem>>, vector<16xf32>,
        %mul3A_904 = arith.mulf %get3A_903, %get3A_679 : vector<16xf32>
        %get3A_905 = arith.index_cast %add3A_900 : i32 to index
        %get3A_906 = arith.constant 16 : index
        %get3A_907 = tpu.vector_load %arg14[%get3A_905, %get3A_906] {strides = array<i32>} : memref<1600x64xf32, #tpu.memory_space<vmem>>, vector<16xf32>,
        %mul3A_908 = arith.mulf %get3A_907, %get3A_683 : vector<16xf32>
        %add3A_909 = arith.addf %mul3A_904, %mul3A_908 : vector<16xf32>
        %get3A_910 = arith.index_cast %add3A_900 : i32 to index
        %get3A_911 = arith.constant 32 : index
        %get3A_912 = tpu.vector_load %arg14[%get3A_910, %get3A_911] {strides = array<i32>} : memref<1600x64xf32, #tpu.memory_space<vmem>>, vector<16xf32>,
        %mul3A_913 = arith.mulf %get3A_912, %get3A_687 : vector<16xf32>
        %add3A_914 = arith.addf %add3A_909, %mul3A_913 : vector<16xf32>
        %get3A_915 = arith.index_cast %add3A_900 : i32 to index
        %get3A_916 = arith.constant 48 : index
        %get3A_917 = tpu.vector_load %arg14[%get3A_915, %get3A_916] {strides = array<i32>} : memref<1600x64xf32, #tpu.memory_space<vmem>>, vector<16xf32>,
        %mul3A_918 = arith.mulf %get3A_917, %get3A_691 : vector<16xf32>
        %add3A_919 = arith.addf %add3A_914, %mul3A_918 : vector<16xf32>
        %reduce_sum3A_920 = arith.constant true
        %reduce_sum3A_921 = vector.broadcast %reduce_sum3A_920 : i1 to vector<16xi1>
        %reduce_sum3A_922 = tpu.scan <sum>, %add3A_919 masked %reduce_sum3A_921 : vector<16xf32>, vector<16xi1> -> vector<16xf32>
        %reduce_sum3A_923 = vector.extract %reduce_sum3A_922[15] : f32 from vector<16xf32>
        %mul3A_924 = arith.constant 8 : i32
        %mul3A_925 = arith.muli %scan3A_806, %mul3A_924 : i32
        %add3A_926 = arith.constant 1200 : i32
        %add3A_927 = arith.addi %add3A_926, %mul3A_925 : i32
        %add3A_928 = arith.constant 4 : i32
        %add3A_929 = arith.addi %add3A_927, %add3A_928 : i32
        %get3A_930 = arith.index_cast %add3A_929 : i32 to index
        %get3A_931 = arith.constant 0 : index
        %get3A_932 = tpu.vector_load %arg14[%get3A_930, %get3A_931] {strides = array<i32>} : memref<1600x64xf32, #tpu.memory_space<vmem>>, vector<16xf32>,
        %mul3A_933 = arith.mulf %get3A_932, %get3A_679 : vector<16xf32>
        %get3A_934 = arith.index_cast %add3A_929 : i32 to index
        %get3A_935 = arith.constant 16 : index
        %get3A_936 = tpu.vector_load %arg14[%get3A_934, %get3A_935] {strides = array<i32>} : memref<1600x64xf32, #tpu.memory_space<vmem>>, vector<16xf32>,
        %mul3A_937 = arith.mulf %get3A_936, %get3A_683 : vector<16xf32>
        %add3A_938 = arith.addf %mul3A_933, %mul3A_937 : vector<16xf32>
        %get3A_939 = arith.index_cast %add3A_929 : i32 to index
        %get3A_940 = arith.constant 32 : index
        %get3A_941 = tpu.vector_load %arg14[%get3A_939, %get3A_940] {strides = array<i32>} : memref<1600x64xf32, #tpu.memory_space<vmem>>, vector<16xf32>,
        %mul3A_942 = arith.mulf %get3A_941, %get3A_687 : vector<16xf32>
        %add3A_943 = arith.addf %add3A_938, %mul3A_942 : vector<16xf32>
        %get3A_944 = arith.index_cast %add3A_929 : i32 to index
        %get3A_945 = arith.constant 48 : index
        %get3A_946 = tpu.vector_load %arg14[%get3A_944, %get3A_945] {strides = array<i32>} : memref<1600x64xf32, #tpu.memory_space<vmem>>, vector<16xf32>,
        %mul3A_947 = arith.mulf %get3A_946, %get3A_691 : vector<16xf32>
        %add3A_948 = arith.addf %add3A_943, %mul3A_947 : vector<16xf32>
        %reduce_sum3A_949 = arith.constant true
        %reduce_sum3A_950 = vector.broadcast %reduce_sum3A_949 : i1 to vector<16xi1>
        %reduce_sum3A_951 = tpu.scan <sum>, %add3A_948 masked %reduce_sum3A_950 : vector<16xf32>, vector<16xi1> -> vector<16xf32>
        %reduce_sum3A_952 = vector.extract %reduce_sum3A_951[15] : f32 from vector<16xf32>
        %mul3A_953 = arith.constant 8 : i32
        %mul3A_954 = arith.muli %scan3A_806, %mul3A_953 : i32
        %add3A_955 = arith.constant 1200 : i32
        %add3A_956 = arith.addi %add3A_955, %mul3A_954 : i32
        %add3A_957 = arith.constant 5 : i32
        %add3A_958 = arith.addi %add3A_956, %add3A_957 : i32
        %get3A_959 = arith.index_cast %add3A_958 : i32 to index
        %get3A_960 = arith.constant 0 : index
        %get3A_961 = tpu.vector_load %arg14[%get3A_959, %get3A_960] {strides = array<i32>} : memref<1600x64xf32, #tpu.memory_space<vmem>>, vector<16xf32>,
        %mul3A_962 = arith.mulf %get3A_961, %get3A_679 : vector<16xf32>
        %get3A_963 = arith.index_cast %add3A_958 : i32 to index
        %get3A_964 = arith.constant 16 : index
        %get3A_965 = tpu.vector_load %arg14[%get3A_963, %get3A_964] {strides = array<i32>} : memref<1600x64xf32, #tpu.memory_space<vmem>>, vector<16xf32>,
        %mul3A_966 = arith.mulf %get3A_965, %get3A_683 : vector<16xf32>
        %add3A_967 = arith.addf %mul3A_962, %mul3A_966 : vector<16xf32>
        %get3A_968 = arith.index_cast %add3A_958 : i32 to index
        %get3A_969 = arith.constant 32 : index
        %get3A_970 = tpu.vector_load %arg14[%get3A_968, %get3A_969] {strides = array<i32>} : memref<1600x64xf32, #tpu.memory_space<vmem>>, vector<16xf32>,
        %mul3A_971 = arith.mulf %get3A_970, %get3A_687 : vector<16xf32>
        %add3A_972 = arith.addf %add3A_967, %mul3A_971 : vector<16xf32>
        %get3A_973 = arith.index_cast %add3A_958 : i32 to index
        %get3A_974 = arith.constant 48 : index
        %get3A_975 = tpu.vector_load %arg14[%get3A_973, %get3A_974] {strides = array<i32>} : memref<1600x64xf32, #tpu.memory_space<vmem>>, vector<16xf32>,
        %mul3A_976 = arith.mulf %get3A_975, %get3A_691 : vector<16xf32>
        %add3A_977 = arith.addf %add3A_972, %mul3A_976 : vector<16xf32>
        %reduce_sum3A_978 = arith.constant true
        %reduce_sum3A_979 = vector.broadcast %reduce_sum3A_978 : i1 to vector<16xi1>
        %reduce_sum3A_980 = tpu.scan <sum>, %add3A_977 masked %reduce_sum3A_979 : vector<16xf32>, vector<16xi1> -> vector<16xf32>
        %reduce_sum3A_981 = vector.extract %reduce_sum3A_980[15] : f32 from vector<16xf32>
        %mul3A_982 = arith.constant 8 : i32
        %mul3A_983 = arith.muli %scan3A_806, %mul3A_982 : i32
        %add3A_984 = arith.constant 1200 : i32
        %add3A_985 = arith.addi %add3A_984, %mul3A_983 : i32
        %add3A_986 = arith.constant 6 : i32
        %add3A_987 = arith.addi %add3A_985, %add3A_986 : i32
        %get3A_988 = arith.index_cast %add3A_987 : i32 to index
        %get3A_989 = arith.constant 0 : index
        %get3A_990 = tpu.vector_load %arg14[%get3A_988, %get3A_989] {strides = array<i32>} : memref<1600x64xf32, #tpu.memory_space<vmem>>, vector<16xf32>,
        %mul3A_991 = arith.mulf %get3A_990, %get3A_679 : vector<16xf32>
        %get3A_992 = arith.index_cast %add3A_987 : i32 to index
        %get3A_993 = arith.constant 16 : index
        %get3A_994 = tpu.vector_load %arg14[%get3A_992, %get3A_993] {strides = array<i32>} : memref<1600x64xf32, #tpu.memory_space<vmem>>, vector<16xf32>,
        %mul3A_995 = arith.mulf %get3A_994, %get3A_683 : vector<16xf32>
        %add3A_996 = arith.addf %mul3A_991, %mul3A_995 : vector<16xf32>
        %get3A_997 = arith.index_cast %add3A_987 : i32 to index
        %get3A_998 = arith.constant 32 : index
        %get3A_999 = tpu.vector_load %arg14[%get3A_997, %get3A_998] {strides = array<i32>} : memref<1600x64xf32, #tpu.memory_space<vmem>>, vector<16xf32>,
        %mul3A_1000 = arith.mulf %get3A_999, %get3A_687 : vector<16xf32>
        %add3A_1001 = arith.addf %add3A_996, %mul3A_1000 : vector<16xf32>
        %get3A_1002 = arith.index_cast %add3A_987 : i32 to index
        %get3A_1003 = arith.constant 48 : index
        %get3A_1004 = tpu.vector_load %arg14[%get3A_1002, %get3A_1003] {strides = array<i32>} : memref<1600x64xf32, #tpu.memory_space<vmem>>, vector<16xf32>,
        %mul3A_1005 = arith.mulf %get3A_1004, %get3A_691 : vector<16xf32>
        %add3A_1006 = arith.addf %add3A_1001, %mul3A_1005 : vector<16xf32>
        %reduce_sum3A_1007 = arith.constant true
        %reduce_sum3A_1008 = vector.broadcast %reduce_sum3A_1007 : i1 to vector<16xi1>
        %reduce_sum3A_1009 = tpu.scan <sum>, %add3A_1006 masked %reduce_sum3A_1008 : vector<16xf32>, vector<16xi1> -> vector<16xf32>
        %reduce_sum3A_1010 = vector.extract %reduce_sum3A_1009[15] : f32 from vector<16xf32>
        %mul3A_1011 = arith.constant 8 : i32
        %mul3A_1012 = arith.muli %scan3A_806, %mul3A_1011 : i32
        %add3A_1013 = arith.constant 1200 : i32
        %add3A_1014 = arith.addi %add3A_1013, %mul3A_1012 : i32
        %add3A_1015 = arith.constant 7 : i32
        %add3A_1016 = arith.addi %add3A_1014, %add3A_1015 : i32
        %get3A_1017 = arith.index_cast %add3A_1016 : i32 to index
        %get3A_1018 = arith.constant 0 : index
        %get3A_1019 = tpu.vector_load %arg14[%get3A_1017, %get3A_1018] {strides = array<i32>} : memref<1600x64xf32, #tpu.memory_space<vmem>>, vector<16xf32>,
        %mul3A_1020 = arith.mulf %get3A_1019, %get3A_679 : vector<16xf32>
        %get3A_1021 = arith.index_cast %add3A_1016 : i32 to index
        %get3A_1022 = arith.constant 16 : index
        %get3A_1023 = tpu.vector_load %arg14[%get3A_1021, %get3A_1022] {strides = array<i32>} : memref<1600x64xf32, #tpu.memory_space<vmem>>, vector<16xf32>,
        %mul3A_1024 = arith.mulf %get3A_1023, %get3A_683 : vector<16xf32>
        %add3A_1025 = arith.addf %mul3A_1020, %mul3A_1024 : vector<16xf32>
        %get3A_1026 = arith.index_cast %add3A_1016 : i32 to index
        %get3A_1027 = arith.constant 32 : index
        %get3A_1028 = tpu.vector_load %arg14[%get3A_1026, %get3A_1027] {strides = array<i32>} : memref<1600x64xf32, #tpu.memory_space<vmem>>, vector<16xf32>,
        %mul3A_1029 = arith.mulf %get3A_1028, %get3A_687 : vector<16xf32>
        %add3A_1030 = arith.addf %add3A_1025, %mul3A_1029 : vector<16xf32>
        %get3A_1031 = arith.index_cast %add3A_1016 : i32 to index
        %get3A_1032 = arith.constant 48 : index
        %get3A_1033 = tpu.vector_load %arg14[%get3A_1031, %get3A_1032] {strides = array<i32>} : memref<1600x64xf32, #tpu.memory_space<vmem>>, vector<16xf32>,
        %mul3A_1034 = arith.mulf %get3A_1033, %get3A_691 : vector<16xf32>
        %add3A_1035 = arith.addf %add3A_1030, %mul3A_1034 : vector<16xf32>
        %reduce_sum3A_1036 = arith.constant true
        %reduce_sum3A_1037 = vector.broadcast %reduce_sum3A_1036 : i1 to vector<16xi1>
        %reduce_sum3A_1038 = tpu.scan <sum>, %add3A_1035 masked %reduce_sum3A_1037 : vector<16xf32>, vector<16xi1> -> vector<16xf32>
        %reduce_sum3A_1039 = vector.extract %reduce_sum3A_1038[15] : f32 from vector<16xf32>
        %broadcast_in_dim3A_1040 = vector.broadcast %reduce_sum3A_836 : f32 to vector<16xf32>
        %eq3A_1041 = arith.constant 1 : i32
        %eq3A_1042 = vector.broadcast %eq3A_1041 : i32 to vector<16xi32>
        %eq3A_1043 = arith.cmpi eq, %iota3A, %eq3A_1042 : vector<16xi32>
        %broadcast_in_dim3A_1044 = vector.broadcast %reduce_sum3A_865 : f32 to vector<16xf32>
        %select_n3A_1045 = arith.select %eq3A_1043, %broadcast_in_dim3A_1044, %broadcast_in_dim3A_1040 : vector<16xi1>, vector<16xf32>
        %eq3A_1046 = arith.constant 2 : i32
        %eq3A_1047 = vector.broadcast %eq3A_1046 : i32 to vector<16xi32>
        %eq3A_1048 = arith.cmpi eq, %iota3A, %eq3A_1047 : vector<16xi32>
        %broadcast_in_dim3A_1049 = vector.broadcast %reduce_sum3A_894 : f32 to vector<16xf32>
        %select_n3A_1050 = arith.select %eq3A_1048, %broadcast_in_dim3A_1049, %select_n3A_1045 : vector<16xi1>, vector<16xf32>
        %eq3A_1051 = arith.constant 3 : i32
        %eq3A_1052 = vector.broadcast %eq3A_1051 : i32 to vector<16xi32>
        %eq3A_1053 = arith.cmpi eq, %iota3A, %eq3A_1052 : vector<16xi32>
        %broadcast_in_dim3A_1054 = vector.broadcast %reduce_sum3A_923 : f32 to vector<16xf32>
        %select_n3A_1055 = arith.select %eq3A_1053, %broadcast_in_dim3A_1054, %select_n3A_1050 : vector<16xi1>, vector<16xf32>
        %eq3A_1056 = arith.constant 4 : i32
        %eq3A_1057 = vector.broadcast %eq3A_1056 : i32 to vector<16xi32>
        %eq3A_1058 = arith.cmpi eq, %iota3A, %eq3A_1057 : vector<16xi32>
        %broadcast_in_dim3A_1059 = vector.broadcast %reduce_sum3A_952 : f32 to vector<16xf32>
        %select_n3A_1060 = arith.select %eq3A_1058, %broadcast_in_dim3A_1059, %select_n3A_1055 : vector<16xi1>, vector<16xf32>
        %eq3A_1061 = arith.constant 5 : i32
        %eq3A_1062 = vector.broadcast %eq3A_1061 : i32 to vector<16xi32>
        %eq3A_1063 = arith.cmpi eq, %iota3A, %eq3A_1062 : vector<16xi32>
        %broadcast_in_dim3A_1064 = vector.broadcast %reduce_sum3A_981 : f32 to vector<16xf32>
        %select_n3A_1065 = arith.select %eq3A_1063, %broadcast_in_dim3A_1064, %select_n3A_1060 : vector<16xi1>, vector<16xf32>
        %eq3A_1066 = arith.constant 6 : i32
        %eq3A_1067 = vector.broadcast %eq3A_1066 : i32 to vector<16xi32>
        %eq3A_1068 = arith.cmpi eq, %iota3A, %eq3A_1067 : vector<16xi32>
        %broadcast_in_dim3A_1069 = vector.broadcast %reduce_sum3A_1010 : f32 to vector<16xf32>
        %select_n3A_1070 = arith.select %eq3A_1068, %broadcast_in_dim3A_1069, %select_n3A_1065 : vector<16xi1>, vector<16xf32>
        %eq3A_1071 = arith.constant 7 : i32
        %eq3A_1072 = vector.broadcast %eq3A_1071 : i32 to vector<16xi32>
        %eq3A_1073 = arith.cmpi eq, %iota3A, %eq3A_1072 : vector<16xi32>
        %broadcast_in_dim3A_1074 = vector.broadcast %reduce_sum3A_1039 : f32 to vector<16xf32>
        %select_n3A_1075 = arith.select %eq3A_1073, %broadcast_in_dim3A_1074, %select_n3A_1070 : vector<16xi1>, vector<16xf32>
        %mul3A_1076 = arith.constant 8 : i32
        %mul3A_1077 = arith.muli %scan3A_806, %mul3A_1076 : i32
        %add3A_1078 = arith.constant 1248 : i32
        %add3A_1079 = arith.addi %add3A_1078, %mul3A_1077 : i32
        %swap3A_1080 = arith.index_cast %add3A_1079 : i32 to index
        %swap3A_1081 = tpu.vector_load %arg15[%swap3A_1080] masked %lt3A_4 {strides = array<i32>} : memref<1664xf32, #tpu.memory_space<vmem>>, vector<16xf32>, vector<16xi1>
        tpu.vector_store %arg15[%swap3A_1080], %select_n3A_1075 masked %lt3A_4 {strides = array<i32>} : memref<1664xf32, #tpu.memory_space<vmem>>, vector<16xf32>, vector<16xi1>
        %scan3A_1082 = arith.constant 0 : i32
        scf.yield %scan3A_1082 : i32
      }
      %scan3A_730 = arith.constant 25 : i32
      %get3A_731 = arith.constant 7 : i32
      %get3A_732 = arith.index_cast %get3A_731 : i32 to index
      %get3A_733 = arith.constant 0 : index
      %get3A_734 = tpu.vector_load %arg12[%get3A_732, %get3A_733] {strides = array<i32>} : memref<8x64xf32, #tpu.memory_space<vmem>>, vector<16xf32>,
      %get3A_735 = arith.constant 7 : i32
      %get3A_736 = arith.index_cast %get3A_735 : i32 to index
      %get3A_737 = arith.constant 16 : index
      %get3A_738 = tpu.vector_load %arg12[%get3A_736, %get3A_737] {strides = array<i32>} : memref<8x64xf32, #tpu.memory_space<vmem>>, vector<16xf32>,
      %get3A_739 = arith.constant 7 : i32
      %get3A_740 = arith.index_cast %get3A_739 : i32 to index
      %get3A_741 = arith.constant 32 : index
      %get3A_742 = tpu.vector_load %arg12[%get3A_740, %get3A_741] {strides = array<i32>} : memref<8x64xf32, #tpu.memory_space<vmem>>, vector<16xf32>,
      %get3A_743 = arith.constant 7 : i32
      %get3A_744 = arith.index_cast %get3A_743 : i32 to index
      %get3A_745 = arith.constant 48 : index
      %get3A_746 = tpu.vector_load %arg12[%get3A_744, %get3A_745] {strides = array<i32>} : memref<8x64xf32, #tpu.memory_space<vmem>>, vector<16xf32>,
      %get3A_747 = arith.constant 7 : i32
      %get3A_748 = arith.index_cast %get3A_747 : i32 to index
      %get3A_749 = arith.constant 0 : index
      %get3A_750 = tpu.vector_load %arg13[%get3A_748, %get3A_749] {strides = array<i32>} : memref<8x64xf32, #tpu.memory_space<vmem>>, vector<16xf32>,
      %mul3A_751 = arith.mulf %get3A_750, %get3A_734 : vector<16xf32>
      %get3A_752 = arith.constant 7 : i32
      %get3A_753 = arith.index_cast %get3A_752 : i32 to index
      %get3A_754 = arith.constant 16 : index
      %get3A_755 = tpu.vector_load %arg13[%get3A_753, %get3A_754] {strides = array<i32>} : memref<8x64xf32, #tpu.memory_space<vmem>>, vector<16xf32>,
      %mul3A_756 = arith.mulf %get3A_755, %get3A_738 : vector<16xf32>
      %add3A_757 = arith.addf %mul3A_751, %mul3A_756 : vector<16xf32>
      %get3A_758 = arith.constant 7 : i32
      %get3A_759 = arith.index_cast %get3A_758 : i32 to index
      %get3A_760 = arith.constant 32 : index
      %get3A_761 = tpu.vector_load %arg13[%get3A_759, %get3A_760] {strides = array<i32>} : memref<8x64xf32, #tpu.memory_space<vmem>>, vector<16xf32>,
      %mul3A_762 = arith.mulf %get3A_761, %get3A_742 : vector<16xf32>
      %add3A_763 = arith.addf %add3A_757, %mul3A_762 : vector<16xf32>
      %get3A_764 = arith.constant 7 : i32
      %get3A_765 = arith.index_cast %get3A_764 : i32 to index
      %get3A_766 = arith.constant 48 : index
      %get3A_767 = tpu.vector_load %arg13[%get3A_765, %get3A_766] {strides = array<i32>} : memref<8x64xf32, #tpu.memory_space<vmem>>, vector<16xf32>,
      %mul3A_768 = arith.mulf %get3A_767, %get3A_746 : vector<16xf32>
      %add3A_769 = arith.addf %add3A_763, %mul3A_768 : vector<16xf32>
      %reduce_sum3A_770 = arith.constant true
      %reduce_sum3A_771 = vector.broadcast %reduce_sum3A_770 : i1 to vector<16xi1>
      %reduce_sum3A_772 = tpu.scan <sum>, %add3A_769 masked %reduce_sum3A_771 : vector<16xf32>, vector<16xi1> -> vector<16xf32>
      %reduce_sum3A_773 = vector.extract %reduce_sum3A_772[15] : f32 from vector<16xf32>
      %eq3A_774 = arith.constant 7 : i32
      %eq3A_775 = vector.broadcast %eq3A_774 : i32 to vector<16xi32>
      %eq3A_776 = arith.cmpi eq, %iota3A, %eq3A_775 : vector<16xi32>
      %broadcast_in_dim3A_777 = vector.broadcast %reduce_sum3A_773 : f32 to vector<16xf32>
      %select_n3A_778 = arith.select %eq3A_776, %broadcast_in_dim3A_777, %select_n3A_723 : vector<16xi1>, vector<16xf32>
      %scan3A_779 = arith.constant 0 : i32
      %scan3A_780 = arith.constant 0 : i32
      %scan3A_781 = arith.constant 25 : i32
      %scan3A_782 = arith.addi %scan3A_780, %scan3A_781 : i32
      %scan3A_783 = arith.constant 1 : i32
      %scan3A_784 = scf.for %scan3A_806 = %scan3A_780 to %scan3A_782 step %scan3A_783 iter_args(%scan3A_807 = %scan3A_779) -> (i32)  : i32 {
        %mul3A_808 = arith.constant 8 : i32
        %mul3A_809 = arith.muli %scan3A_806, %mul3A_808 : i32
        %add3A_810 = arith.constant 1400 : i32
        %add3A_811 = arith.addi %add3A_810, %mul3A_809 : i32
        %add3A_812 = arith.constant 0 : i32
        %add3A_813 = arith.addi %add3A_811, %add3A_812 : i32
        %get3A_814 = arith.index_cast %add3A_813 : i32 to index
        %get3A_815 = arith.constant 0 : index
        %get3A_816 = tpu.vector_load %arg14[%get3A_814, %get3A_815] {strides = array<i32>} : memref<1600x64xf32, #tpu.memory_space<vmem>>, vector<16xf32>,
        %mul3A_817 = arith.mulf %get3A_816, %get3A_734 : vector<16xf32>
        %get3A_818 = arith.index_cast %add3A_813 : i32 to index
        %get3A_819 = arith.constant 16 : index
        %get3A_820 = tpu.vector_load %arg14[%get3A_818, %get3A_819] {strides = array<i32>} : memref<1600x64xf32, #tpu.memory_space<vmem>>, vector<16xf32>,
        %mul3A_821 = arith.mulf %get3A_820, %get3A_738 : vector<16xf32>
        %add3A_822 = arith.addf %mul3A_817, %mul3A_821 : vector<16xf32>
        %get3A_823 = arith.index_cast %add3A_813 : i32 to index
        %get3A_824 = arith.constant 32 : index
        %get3A_825 = tpu.vector_load %arg14[%get3A_823, %get3A_824] {strides = array<i32>} : memref<1600x64xf32, #tpu.memory_space<vmem>>, vector<16xf32>,
        %mul3A_826 = arith.mulf %get3A_825, %get3A_742 : vector<16xf32>
        %add3A_827 = arith.addf %add3A_822, %mul3A_826 : vector<16xf32>
        %get3A_828 = arith.index_cast %add3A_813 : i32 to index
        %get3A_829 = arith.constant 48 : index
        %get3A_830 = tpu.vector_load %arg14[%get3A_828, %get3A_829] {strides = array<i32>} : memref<1600x64xf32, #tpu.memory_space<vmem>>, vector<16xf32>,
        %mul3A_831 = arith.mulf %get3A_830, %get3A_746 : vector<16xf32>
        %add3A_832 = arith.addf %add3A_827, %mul3A_831 : vector<16xf32>
        %reduce_sum3A_833 = arith.constant true
        %reduce_sum3A_834 = vector.broadcast %reduce_sum3A_833 : i1 to vector<16xi1>
        %reduce_sum3A_835 = tpu.scan <sum>, %add3A_832 masked %reduce_sum3A_834 : vector<16xf32>, vector<16xi1> -> vector<16xf32>
        %reduce_sum3A_836 = vector.extract %reduce_sum3A_835[15] : f32 from vector<16xf32>
        %mul3A_837 = arith.constant 8 : i32
        %mul3A_838 = arith.muli %scan3A_806, %mul3A_837 : i32
        %add3A_839 = arith.constant 1400 : i32
        %add3A_840 = arith.addi %add3A_839, %mul3A_838 : i32
        %add3A_841 = arith.constant 1 : i32
        %add3A_842 = arith.addi %add3A_840, %add3A_841 : i32
        %get3A_843 = arith.index_cast %add3A_842 : i32 to index
        %get3A_844 = arith.constant 0 : index
        %get3A_845 = tpu.vector_load %arg14[%get3A_843, %get3A_844] {strides = array<i32>} : memref<1600x64xf32, #tpu.memory_space<vmem>>, vector<16xf32>,
        %mul3A_846 = arith.mulf %get3A_845, %get3A_734 : vector<16xf32>
        %get3A_847 = arith.index_cast %add3A_842 : i32 to index
        %get3A_848 = arith.constant 16 : index
        %get3A_849 = tpu.vector_load %arg14[%get3A_847, %get3A_848] {strides = array<i32>} : memref<1600x64xf32, #tpu.memory_space<vmem>>, vector<16xf32>,
        %mul3A_850 = arith.mulf %get3A_849, %get3A_738 : vector<16xf32>
        %add3A_851 = arith.addf %mul3A_846, %mul3A_850 : vector<16xf32>
        %get3A_852 = arith.index_cast %add3A_842 : i32 to index
        %get3A_853 = arith.constant 32 : index
        %get3A_854 = tpu.vector_load %arg14[%get3A_852, %get3A_853] {strides = array<i32>} : memref<1600x64xf32, #tpu.memory_space<vmem>>, vector<16xf32>,
        %mul3A_855 = arith.mulf %get3A_854, %get3A_742 : vector<16xf32>
        %add3A_856 = arith.addf %add3A_851, %mul3A_855 : vector<16xf32>
        %get3A_857 = arith.index_cast %add3A_842 : i32 to index
        %get3A_858 = arith.constant 48 : index
        %get3A_859 = tpu.vector_load %arg14[%get3A_857, %get3A_858] {strides = array<i32>} : memref<1600x64xf32, #tpu.memory_space<vmem>>, vector<16xf32>,
        %mul3A_860 = arith.mulf %get3A_859, %get3A_746 : vector<16xf32>
        %add3A_861 = arith.addf %add3A_856, %mul3A_860 : vector<16xf32>
        %reduce_sum3A_862 = arith.constant true
        %reduce_sum3A_863 = vector.broadcast %reduce_sum3A_862 : i1 to vector<16xi1>
        %reduce_sum3A_864 = tpu.scan <sum>, %add3A_861 masked %reduce_sum3A_863 : vector<16xf32>, vector<16xi1> -> vector<16xf32>
        %reduce_sum3A_865 = vector.extract %reduce_sum3A_864[15] : f32 from vector<16xf32>
        %mul3A_866 = arith.constant 8 : i32
        %mul3A_867 = arith.muli %scan3A_806, %mul3A_866 : i32
        %add3A_868 = arith.constant 1400 : i32
        %add3A_869 = arith.addi %add3A_868, %mul3A_867 : i32
        %add3A_870 = arith.constant 2 : i32
        %add3A_871 = arith.addi %add3A_869, %add3A_870 : i32
        %get3A_872 = arith.index_cast %add3A_871 : i32 to index
        %get3A_873 = arith.constant 0 : index
        %get3A_874 = tpu.vector_load %arg14[%get3A_872, %get3A_873] {strides = array<i32>} : memref<1600x64xf32, #tpu.memory_space<vmem>>, vector<16xf32>,
        %mul3A_875 = arith.mulf %get3A_874, %get3A_734 : vector<16xf32>
        %get3A_876 = arith.index_cast %add3A_871 : i32 to index
        %get3A_877 = arith.constant 16 : index
        %get3A_878 = tpu.vector_load %arg14[%get3A_876, %get3A_877] {strides = array<i32>} : memref<1600x64xf32, #tpu.memory_space<vmem>>, vector<16xf32>,
        %mul3A_879 = arith.mulf %get3A_878, %get3A_738 : vector<16xf32>
        %add3A_880 = arith.addf %mul3A_875, %mul3A_879 : vector<16xf32>
        %get3A_881 = arith.index_cast %add3A_871 : i32 to index
        %get3A_882 = arith.constant 32 : index
        %get3A_883 = tpu.vector_load %arg14[%get3A_881, %get3A_882] {strides = array<i32>} : memref<1600x64xf32, #tpu.memory_space<vmem>>, vector<16xf32>,
        %mul3A_884 = arith.mulf %get3A_883, %get3A_742 : vector<16xf32>
        %add3A_885 = arith.addf %add3A_880, %mul3A_884 : vector<16xf32>
        %get3A_886 = arith.index_cast %add3A_871 : i32 to index
        %get3A_887 = arith.constant 48 : index
        %get3A_888 = tpu.vector_load %arg14[%get3A_886, %get3A_887] {strides = array<i32>} : memref<1600x64xf32, #tpu.memory_space<vmem>>, vector<16xf32>,
        %mul3A_889 = arith.mulf %get3A_888, %get3A_746 : vector<16xf32>
        %add3A_890 = arith.addf %add3A_885, %mul3A_889 : vector<16xf32>
        %reduce_sum3A_891 = arith.constant true
        %reduce_sum3A_892 = vector.broadcast %reduce_sum3A_891 : i1 to vector<16xi1>
        %reduce_sum3A_893 = tpu.scan <sum>, %add3A_890 masked %reduce_sum3A_892 : vector<16xf32>, vector<16xi1> -> vector<16xf32>
        %reduce_sum3A_894 = vector.extract %reduce_sum3A_893[15] : f32 from vector<16xf32>
        %mul3A_895 = arith.constant 8 : i32
        %mul3A_896 = arith.muli %scan3A_806, %mul3A_895 : i32
        %add3A_897 = arith.constant 1400 : i32
        %add3A_898 = arith.addi %add3A_897, %mul3A_896 : i32
        %add3A_899 = arith.constant 3 : i32
        %add3A_900 = arith.addi %add3A_898, %add3A_899 : i32
        %get3A_901 = arith.index_cast %add3A_900 : i32 to index
        %get3A_902 = arith.constant 0 : index
        %get3A_903 = tpu.vector_load %arg14[%get3A_901, %get3A_902] {strides = array<i32>} : memref<1600x64xf32, #tpu.memory_space<vmem>>, vector<16xf32>,
        %mul3A_904 = arith.mulf %get3A_903, %get3A_734 : vector<16xf32>
        %get3A_905 = arith.index_cast %add3A_900 : i32 to index
        %get3A_906 = arith.constant 16 : index
        %get3A_907 = tpu.vector_load %arg14[%get3A_905, %get3A_906] {strides = array<i32>} : memref<1600x64xf32, #tpu.memory_space<vmem>>, vector<16xf32>,
        %mul3A_908 = arith.mulf %get3A_907, %get3A_738 : vector<16xf32>
        %add3A_909 = arith.addf %mul3A_904, %mul3A_908 : vector<16xf32>
        %get3A_910 = arith.index_cast %add3A_900 : i32 to index
        %get3A_911 = arith.constant 32 : index
        %get3A_912 = tpu.vector_load %arg14[%get3A_910, %get3A_911] {strides = array<i32>} : memref<1600x64xf32, #tpu.memory_space<vmem>>, vector<16xf32>,
        %mul3A_913 = arith.mulf %get3A_912, %get3A_742 : vector<16xf32>
        %add3A_914 = arith.addf %add3A_909, %mul3A_913 : vector<16xf32>
        %get3A_915 = arith.index_cast %add3A_900 : i32 to index
        %get3A_916 = arith.constant 48 : index
        %get3A_917 = tpu.vector_load %arg14[%get3A_915, %get3A_916] {strides = array<i32>} : memref<1600x64xf32, #tpu.memory_space<vmem>>, vector<16xf32>,
        %mul3A_918 = arith.mulf %get3A_917, %get3A_746 : vector<16xf32>
        %add3A_919 = arith.addf %add3A_914, %mul3A_918 : vector<16xf32>
        %reduce_sum3A_920 = arith.constant true
        %reduce_sum3A_921 = vector.broadcast %reduce_sum3A_920 : i1 to vector<16xi1>
        %reduce_sum3A_922 = tpu.scan <sum>, %add3A_919 masked %reduce_sum3A_921 : vector<16xf32>, vector<16xi1> -> vector<16xf32>
        %reduce_sum3A_923 = vector.extract %reduce_sum3A_922[15] : f32 from vector<16xf32>
        %mul3A_924 = arith.constant 8 : i32
        %mul3A_925 = arith.muli %scan3A_806, %mul3A_924 : i32
        %add3A_926 = arith.constant 1400 : i32
        %add3A_927 = arith.addi %add3A_926, %mul3A_925 : i32
        %add3A_928 = arith.constant 4 : i32
        %add3A_929 = arith.addi %add3A_927, %add3A_928 : i32
        %get3A_930 = arith.index_cast %add3A_929 : i32 to index
        %get3A_931 = arith.constant 0 : index
        %get3A_932 = tpu.vector_load %arg14[%get3A_930, %get3A_931] {strides = array<i32>} : memref<1600x64xf32, #tpu.memory_space<vmem>>, vector<16xf32>,
        %mul3A_933 = arith.mulf %get3A_932, %get3A_734 : vector<16xf32>
        %get3A_934 = arith.index_cast %add3A_929 : i32 to index
        %get3A_935 = arith.constant 16 : index
        %get3A_936 = tpu.vector_load %arg14[%get3A_934, %get3A_935] {strides = array<i32>} : memref<1600x64xf32, #tpu.memory_space<vmem>>, vector<16xf32>,
        %mul3A_937 = arith.mulf %get3A_936, %get3A_738 : vector<16xf32>
        %add3A_938 = arith.addf %mul3A_933, %mul3A_937 : vector<16xf32>
        %get3A_939 = arith.index_cast %add3A_929 : i32 to index
        %get3A_940 = arith.constant 32 : index
        %get3A_941 = tpu.vector_load %arg14[%get3A_939, %get3A_940] {strides = array<i32>} : memref<1600x64xf32, #tpu.memory_space<vmem>>, vector<16xf32>,
        %mul3A_942 = arith.mulf %get3A_941, %get3A_742 : vector<16xf32>
        %add3A_943 = arith.addf %add3A_938, %mul3A_942 : vector<16xf32>
        %get3A_944 = arith.index_cast %add3A_929 : i32 to index
        %get3A_945 = arith.constant 48 : index
        %get3A_946 = tpu.vector_load %arg14[%get3A_944, %get3A_945] {strides = array<i32>} : memref<1600x64xf32, #tpu.memory_space<vmem>>, vector<16xf32>,
        %mul3A_947 = arith.mulf %get3A_946, %get3A_746 : vector<16xf32>
        %add3A_948 = arith.addf %add3A_943, %mul3A_947 : vector<16xf32>
        %reduce_sum3A_949 = arith.constant true
        %reduce_sum3A_950 = vector.broadcast %reduce_sum3A_949 : i1 to vector<16xi1>
        %reduce_sum3A_951 = tpu.scan <sum>, %add3A_948 masked %reduce_sum3A_950 : vector<16xf32>, vector<16xi1> -> vector<16xf32>
        %reduce_sum3A_952 = vector.extract %reduce_sum3A_951[15] : f32 from vector<16xf32>
        %mul3A_953 = arith.constant 8 : i32
        %mul3A_954 = arith.muli %scan3A_806, %mul3A_953 : i32
        %add3A_955 = arith.constant 1400 : i32
        %add3A_956 = arith.addi %add3A_955, %mul3A_954 : i32
        %add3A_957 = arith.constant 5 : i32
        %add3A_958 = arith.addi %add3A_956, %add3A_957 : i32
        %get3A_959 = arith.index_cast %add3A_958 : i32 to index
        %get3A_960 = arith.constant 0 : index
        %get3A_961 = tpu.vector_load %arg14[%get3A_959, %get3A_960] {strides = array<i32>} : memref<1600x64xf32, #tpu.memory_space<vmem>>, vector<16xf32>,
        %mul3A_962 = arith.mulf %get3A_961, %get3A_734 : vector<16xf32>
        %get3A_963 = arith.index_cast %add3A_958 : i32 to index
        %get3A_964 = arith.constant 16 : index
        %get3A_965 = tpu.vector_load %arg14[%get3A_963, %get3A_964] {strides = array<i32>} : memref<1600x64xf32, #tpu.memory_space<vmem>>, vector<16xf32>,
        %mul3A_966 = arith.mulf %get3A_965, %get3A_738 : vector<16xf32>
        %add3A_967 = arith.addf %mul3A_962, %mul3A_966 : vector<16xf32>
        %get3A_968 = arith.index_cast %add3A_958 : i32 to index
        %get3A_969 = arith.constant 32 : index
        %get3A_970 = tpu.vector_load %arg14[%get3A_968, %get3A_969] {strides = array<i32>} : memref<1600x64xf32, #tpu.memory_space<vmem>>, vector<16xf32>,
        %mul3A_971 = arith.mulf %get3A_970, %get3A_742 : vector<16xf32>
        %add3A_972 = arith.addf %add3A_967, %mul3A_971 : vector<16xf32>
        %get3A_973 = arith.index_cast %add3A_958 : i32 to index
        %get3A_974 = arith.constant 48 : index
        %get3A_975 = tpu.vector_load %arg14[%get3A_973, %get3A_974] {strides = array<i32>} : memref<1600x64xf32, #tpu.memory_space<vmem>>, vector<16xf32>,
        %mul3A_976 = arith.mulf %get3A_975, %get3A_746 : vector<16xf32>
        %add3A_977 = arith.addf %add3A_972, %mul3A_976 : vector<16xf32>
        %reduce_sum3A_978 = arith.constant true
        %reduce_sum3A_979 = vector.broadcast %reduce_sum3A_978 : i1 to vector<16xi1>
        %reduce_sum3A_980 = tpu.scan <sum>, %add3A_977 masked %reduce_sum3A_979 : vector<16xf32>, vector<16xi1> -> vector<16xf32>
        %reduce_sum3A_981 = vector.extract %reduce_sum3A_980[15] : f32 from vector<16xf32>
        %mul3A_982 = arith.constant 8 : i32
        %mul3A_983 = arith.muli %scan3A_806, %mul3A_982 : i32
        %add3A_984 = arith.constant 1400 : i32
        %add3A_985 = arith.addi %add3A_984, %mul3A_983 : i32
        %add3A_986 = arith.constant 6 : i32
        %add3A_987 = arith.addi %add3A_985, %add3A_986 : i32
        %get3A_988 = arith.index_cast %add3A_987 : i32 to index
        %get3A_989 = arith.constant 0 : index
        %get3A_990 = tpu.vector_load %arg14[%get3A_988, %get3A_989] {strides = array<i32>} : memref<1600x64xf32, #tpu.memory_space<vmem>>, vector<16xf32>,
        %mul3A_991 = arith.mulf %get3A_990, %get3A_734 : vector<16xf32>
        %get3A_992 = arith.index_cast %add3A_987 : i32 to index
        %get3A_993 = arith.constant 16 : index
        %get3A_994 = tpu.vector_load %arg14[%get3A_992, %get3A_993] {strides = array<i32>} : memref<1600x64xf32, #tpu.memory_space<vmem>>, vector<16xf32>,
        %mul3A_995 = arith.mulf %get3A_994, %get3A_738 : vector<16xf32>
        %add3A_996 = arith.addf %mul3A_991, %mul3A_995 : vector<16xf32>
        %get3A_997 = arith.index_cast %add3A_987 : i32 to index
        %get3A_998 = arith.constant 32 : index
        %get3A_999 = tpu.vector_load %arg14[%get3A_997, %get3A_998] {strides = array<i32>} : memref<1600x64xf32, #tpu.memory_space<vmem>>, vector<16xf32>,
        %mul3A_1000 = arith.mulf %get3A_999, %get3A_742 : vector<16xf32>
        %add3A_1001 = arith.addf %add3A_996, %mul3A_1000 : vector<16xf32>
        %get3A_1002 = arith.index_cast %add3A_987 : i32 to index
        %get3A_1003 = arith.constant 48 : index
        %get3A_1004 = tpu.vector_load %arg14[%get3A_1002, %get3A_1003] {strides = array<i32>} : memref<1600x64xf32, #tpu.memory_space<vmem>>, vector<16xf32>,
        %mul3A_1005 = arith.mulf %get3A_1004, %get3A_746 : vector<16xf32>
        %add3A_1006 = arith.addf %add3A_1001, %mul3A_1005 : vector<16xf32>
        %reduce_sum3A_1007 = arith.constant true
        %reduce_sum3A_1008 = vector.broadcast %reduce_sum3A_1007 : i1 to vector<16xi1>
        %reduce_sum3A_1009 = tpu.scan <sum>, %add3A_1006 masked %reduce_sum3A_1008 : vector<16xf32>, vector<16xi1> -> vector<16xf32>
        %reduce_sum3A_1010 = vector.extract %reduce_sum3A_1009[15] : f32 from vector<16xf32>
        %mul3A_1011 = arith.constant 8 : i32
        %mul3A_1012 = arith.muli %scan3A_806, %mul3A_1011 : i32
        %add3A_1013 = arith.constant 1400 : i32
        %add3A_1014 = arith.addi %add3A_1013, %mul3A_1012 : i32
        %add3A_1015 = arith.constant 7 : i32
        %add3A_1016 = arith.addi %add3A_1014, %add3A_1015 : i32
        %get3A_1017 = arith.index_cast %add3A_1016 : i32 to index
        %get3A_1018 = arith.constant 0 : index
        %get3A_1019 = tpu.vector_load %arg14[%get3A_1017, %get3A_1018] {strides = array<i32>} : memref<1600x64xf32, #tpu.memory_space<vmem>>, vector<16xf32>,
        %mul3A_1020 = arith.mulf %get3A_1019, %get3A_734 : vector<16xf32>
        %get3A_1021 = arith.index_cast %add3A_1016 : i32 to index
        %get3A_1022 = arith.constant 16 : index
        %get3A_1023 = tpu.vector_load %arg14[%get3A_1021, %get3A_1022] {strides = array<i32>} : memref<1600x64xf32, #tpu.memory_space<vmem>>, vector<16xf32>,
        %mul3A_1024 = arith.mulf %get3A_1023, %get3A_738 : vector<16xf32>
        %add3A_1025 = arith.addf %mul3A_1020, %mul3A_1024 : vector<16xf32>
        %get3A_1026 = arith.index_cast %add3A_1016 : i32 to index
        %get3A_1027 = arith.constant 32 : index
        %get3A_1028 = tpu.vector_load %arg14[%get3A_1026, %get3A_1027] {strides = array<i32>} : memref<1600x64xf32, #tpu.memory_space<vmem>>, vector<16xf32>,
        %mul3A_1029 = arith.mulf %get3A_1028, %get3A_742 : vector<16xf32>
        %add3A_1030 = arith.addf %add3A_1025, %mul3A_1029 : vector<16xf32>
        %get3A_1031 = arith.index_cast %add3A_1016 : i32 to index
        %get3A_1032 = arith.constant 48 : index
        %get3A_1033 = tpu.vector_load %arg14[%get3A_1031, %get3A_1032] {strides = array<i32>} : memref<1600x64xf32, #tpu.memory_space<vmem>>, vector<16xf32>,
        %mul3A_1034 = arith.mulf %get3A_1033, %get3A_746 : vector<16xf32>
        %add3A_1035 = arith.addf %add3A_1030, %mul3A_1034 : vector<16xf32>
        %reduce_sum3A_1036 = arith.constant true
        %reduce_sum3A_1037 = vector.broadcast %reduce_sum3A_1036 : i1 to vector<16xi1>
        %reduce_sum3A_1038 = tpu.scan <sum>, %add3A_1035 masked %reduce_sum3A_1037 : vector<16xf32>, vector<16xi1> -> vector<16xf32>
        %reduce_sum3A_1039 = vector.extract %reduce_sum3A_1038[15] : f32 from vector<16xf32>
        %broadcast_in_dim3A_1040 = vector.broadcast %reduce_sum3A_836 : f32 to vector<16xf32>
        %eq3A_1041 = arith.constant 1 : i32
        %eq3A_1042 = vector.broadcast %eq3A_1041 : i32 to vector<16xi32>
        %eq3A_1043 = arith.cmpi eq, %iota3A, %eq3A_1042 : vector<16xi32>
        %broadcast_in_dim3A_1044 = vector.broadcast %reduce_sum3A_865 : f32 to vector<16xf32>
        %select_n3A_1045 = arith.select %eq3A_1043, %broadcast_in_dim3A_1044, %broadcast_in_dim3A_1040 : vector<16xi1>, vector<16xf32>
        %eq3A_1046 = arith.constant 2 : i32
        %eq3A_1047 = vector.broadcast %eq3A_1046 : i32 to vector<16xi32>
        %eq3A_1048 = arith.cmpi eq, %iota3A, %eq3A_1047 : vector<16xi32>
        %broadcast_in_dim3A_1049 = vector.broadcast %reduce_sum3A_894 : f32 to vector<16xf32>
        %select_n3A_1050 = arith.select %eq3A_1048, %broadcast_in_dim3A_1049, %select_n3A_1045 : vector<16xi1>, vector<16xf32>
        %eq3A_1051 = arith.constant 3 : i32
        %eq3A_1052 = vector.broadcast %eq3A_1051 : i32 to vector<16xi32>
        %eq3A_1053 = arith.cmpi eq, %iota3A, %eq3A_1052 : vector<16xi32>
        %broadcast_in_dim3A_1054 = vector.broadcast %reduce_sum3A_923 : f32 to vector<16xf32>
        %select_n3A_1055 = arith.select %eq3A_1053, %broadcast_in_dim3A_1054, %select_n3A_1050 : vector<16xi1>, vector<16xf32>
        %eq3A_1056 = arith.constant 4 : i32
        %eq3A_1057 = vector.broadcast %eq3A_1056 : i32 to vector<16xi32>
        %eq3A_1058 = arith.cmpi eq, %iota3A, %eq3A_1057 : vector<16xi32>
        %broadcast_in_dim3A_1059 = vector.broadcast %reduce_sum3A_952 : f32 to vector<16xf32>
        %select_n3A_1060 = arith.select %eq3A_1058, %broadcast_in_dim3A_1059, %select_n3A_1055 : vector<16xi1>, vector<16xf32>
        %eq3A_1061 = arith.constant 5 : i32
        %eq3A_1062 = vector.broadcast %eq3A_1061 : i32 to vector<16xi32>
        %eq3A_1063 = arith.cmpi eq, %iota3A, %eq3A_1062 : vector<16xi32>
        %broadcast_in_dim3A_1064 = vector.broadcast %reduce_sum3A_981 : f32 to vector<16xf32>
        %select_n3A_1065 = arith.select %eq3A_1063, %broadcast_in_dim3A_1064, %select_n3A_1060 : vector<16xi1>, vector<16xf32>
        %eq3A_1066 = arith.constant 6 : i32
        %eq3A_1067 = vector.broadcast %eq3A_1066 : i32 to vector<16xi32>
        %eq3A_1068 = arith.cmpi eq, %iota3A, %eq3A_1067 : vector<16xi32>
        %broadcast_in_dim3A_1069 = vector.broadcast %reduce_sum3A_1010 : f32 to vector<16xf32>
        %select_n3A_1070 = arith.select %eq3A_1068, %broadcast_in_dim3A_1069, %select_n3A_1065 : vector<16xi1>, vector<16xf32>
        %eq3A_1071 = arith.constant 7 : i32
        %eq3A_1072 = vector.broadcast %eq3A_1071 : i32 to vector<16xi32>
        %eq3A_1073 = arith.cmpi eq, %iota3A, %eq3A_1072 : vector<16xi32>
        %broadcast_in_dim3A_1074 = vector.broadcast %reduce_sum3A_1039 : f32 to vector<16xf32>
        %select_n3A_1075 = arith.select %eq3A_1073, %broadcast_in_dim3A_1074, %select_n3A_1070 : vector<16xi1>, vector<16xf32>
        %mul3A_1076 = arith.constant 8 : i32
        %mul3A_1077 = arith.muli %scan3A_806, %mul3A_1076 : i32
        %add3A_1078 = arith.constant 1456 : i32
        %add3A_1079 = arith.addi %add3A_1078, %mul3A_1077 : i32
        %swap3A_1080 = arith.index_cast %add3A_1079 : i32 to index
        %swap3A_1081 = tpu.vector_load %arg15[%swap3A_1080] masked %lt3A_4 {strides = array<i32>} : memref<1664xf32, #tpu.memory_space<vmem>>, vector<16xf32>, vector<16xi1>
        tpu.vector_store %arg15[%swap3A_1080], %select_n3A_1075 masked %lt3A_4 {strides = array<i32>} : memref<1664xf32, #tpu.memory_space<vmem>>, vector<16xf32>, vector<16xi1>
        %scan3A_1082 = arith.constant 0 : i32
        scf.yield %scan3A_1082 : i32
      }
      %scan3A_785 = arith.constant 25 : i32
      %mul3A_786 = arith.constant 8 : i32
      %mul3A_787 = arith.muli %scan3A_11, %mul3A_786 : i32
      %swap3A = arith.index_cast %mul3A_787 : i32 to index
      %swap3A_788 = tpu.vector_load %arg16[%swap3A] masked %lt3A_4 {strides = array<i32>} : memref<520xf32, #tpu.memory_space<vmem>>, vector<16xf32>, vector<16xi1>
      tpu.vector_store %arg16[%swap3A], %select_n3A_778 masked %lt3A_4 {strides = array<i32>} : memref<520xf32, #tpu.memory_space<vmem>>, vector<16xf32>, vector<16xi1>
      %add3A_789 = arith.constant 0 : i32
      %add3A_790 = arith.addi %multiple_of3A_16, %add3A_789 : i32
      "tpu.region"() ({
        %run_scoped3A = tpu.sem_alloc : memref<!tpu.dma_semaphore, #tpu.memory_space<semaphore_mem>>
        %dma_start3A_806 = arith.constant 0 : i32
        %dma_start3A_807 = tpu.memref_slice %arg15[%dma_start3A_806] : memref<1664xf32, #tpu.memory_space<vmem>> -> memref<200xf32, #tpu.memory_space<vmem>>
        %dma_start3A_808 = arith.constant 0 : i32
        %dma_start3A_809 = tpu.memref_slice %arg8[%add3A_790, %dma_start3A_808] : memref<16384x200xf32, #tpu.memory_space<hbm>> -> memref<1x200xf32, #tpu.memory_space<hbm>>
        %dma_start3A_810 = tpu.memref_squeeze %dma_start3A_809 : memref<1x200xf32, #tpu.memory_space<hbm>> -> memref<200xf32, #tpu.memory_space<hbm>>
        %dma_start3A_811 = arith.constant 0 : i32
        %dma_start3A_812 = tpu.memref_slice %arg8[%add3A_790, %dma_start3A_811] : memref<16384x200xf32, #tpu.memory_space<hbm>> -> memref<1x200xf32, #tpu.memory_space<hbm>>
        %dma_start3A_813 = tpu.memref_squeeze %dma_start3A_812 : memref<1x200xf32, #tpu.memory_space<hbm>> -> memref<200xf32, #tpu.memory_space<hbm>>
        %dma_start3A_814 = arith.constant 0 : i32
        %dma_start3A_815 = tpu.memref_slice %arg15[%dma_start3A_814] : memref<1664xf32, #tpu.memory_space<vmem>> -> memref<200xf32, #tpu.memory_space<vmem>>
        tpu.enqueue_dma source(%dma_start3A_815 : memref<200xf32, #tpu.memory_space<vmem>>) target(%dma_start3A_813 : memref<200xf32, #tpu.memory_space<hbm>>) target_semaphore(%run_scoped3A : memref<!tpu.dma_semaphore, #tpu.memory_space<semaphore_mem>>)
        %dma_wait3A_816 = arith.constant 0 : i32
        %dma_wait3A_817 = tpu.memref_slice %arg15[%dma_wait3A_816] : memref<1664xf32, #tpu.memory_space<vmem>> -> memref<200xf32, #tpu.memory_space<vmem>>
        %dma_wait3A_818 = arith.constant 0 : i32
        %dma_wait3A_819 = tpu.memref_slice %arg8[%add3A_790, %dma_wait3A_818] : memref<16384x200xf32, #tpu.memory_space<hbm>> -> memref<1x200xf32, #tpu.memory_space<hbm>>
        %dma_wait3A_820 = tpu.memref_squeeze %dma_wait3A_819 : memref<1x200xf32, #tpu.memory_space<hbm>> -> memref<200xf32, #tpu.memory_space<hbm>>
        %dma_wait3A_821 = arith.constant 0 : i32
        %dma_wait3A_822 = tpu.memref_slice %arg8[%add3A_790, %dma_wait3A_821] : memref<16384x200xf32, #tpu.memory_space<hbm>> -> memref<1x200xf32, #tpu.memory_space<hbm>>
        %dma_wait3A_823 = tpu.memref_squeeze %dma_wait3A_822 : memref<1x200xf32, #tpu.memory_space<hbm>> -> memref<200xf32, #tpu.memory_space<hbm>>
        %dma_wait3A_824 = arith.constant 0 : i32
        %dma_wait3A_825 = tpu.memref_slice %arg15[%dma_wait3A_824] : memref<1664xf32, #tpu.memory_space<vmem>> -> memref<200xf32, #tpu.memory_space<vmem>>
        tpu.wait_dma2 semaphore(%run_scoped3A : memref<!tpu.dma_semaphore, #tpu.memory_space<semaphore_mem>>) src(%dma_wait3A_825 : memref<200xf32, #tpu.memory_space<vmem>>) dst(%dma_wait3A_823 : memref<200xf32, #tpu.memory_space<hbm>>)
        tpu.yield
      }) : () -> ()
      %add3A_791 = arith.constant 1 : i32
      %add3A_792 = arith.addi %multiple_of3A_16, %add3A_791 : i32
      "tpu.region"() ({
        %run_scoped3A = tpu.sem_alloc : memref<!tpu.dma_semaphore, #tpu.memory_space<semaphore_mem>>
        %dma_start3A_806 = arith.constant 208 : i32
        %dma_start3A_807 = tpu.memref_slice %arg15[%dma_start3A_806] : memref<1664xf32, #tpu.memory_space<vmem>> -> memref<200xf32, #tpu.memory_space<vmem>>
        %dma_start3A_808 = arith.constant 0 : i32
        %dma_start3A_809 = tpu.memref_slice %arg8[%add3A_792, %dma_start3A_808] : memref<16384x200xf32, #tpu.memory_space<hbm>> -> memref<1x200xf32, #tpu.memory_space<hbm>>
        %dma_start3A_810 = tpu.memref_squeeze %dma_start3A_809 : memref<1x200xf32, #tpu.memory_space<hbm>> -> memref<200xf32, #tpu.memory_space<hbm>>
        %dma_start3A_811 = arith.constant 0 : i32
        %dma_start3A_812 = tpu.memref_slice %arg8[%add3A_792, %dma_start3A_811] : memref<16384x200xf32, #tpu.memory_space<hbm>> -> memref<1x200xf32, #tpu.memory_space<hbm>>
        %dma_start3A_813 = tpu.memref_squeeze %dma_start3A_812 : memref<1x200xf32, #tpu.memory_space<hbm>> -> memref<200xf32, #tpu.memory_space<hbm>>
        %dma_start3A_814 = arith.constant 208 : i32
        %dma_start3A_815 = tpu.memref_slice %arg15[%dma_start3A_814] : memref<1664xf32, #tpu.memory_space<vmem>> -> memref<200xf32, #tpu.memory_space<vmem>>
        tpu.enqueue_dma source(%dma_start3A_815 : memref<200xf32, #tpu.memory_space<vmem>>) target(%dma_start3A_813 : memref<200xf32, #tpu.memory_space<hbm>>) target_semaphore(%run_scoped3A : memref<!tpu.dma_semaphore, #tpu.memory_space<semaphore_mem>>)
        %dma_wait3A_816 = arith.constant 208 : i32
        %dma_wait3A_817 = tpu.memref_slice %arg15[%dma_wait3A_816] : memref<1664xf32, #tpu.memory_space<vmem>> -> memref<200xf32, #tpu.memory_space<vmem>>
        %dma_wait3A_818 = arith.constant 0 : i32
        %dma_wait3A_819 = tpu.memref_slice %arg8[%add3A_792, %dma_wait3A_818] : memref<16384x200xf32, #tpu.memory_space<hbm>> -> memref<1x200xf32, #tpu.memory_space<hbm>>
        %dma_wait3A_820 = tpu.memref_squeeze %dma_wait3A_819 : memref<1x200xf32, #tpu.memory_space<hbm>> -> memref<200xf32, #tpu.memory_space<hbm>>
        %dma_wait3A_821 = arith.constant 0 : i32
        %dma_wait3A_822 = tpu.memref_slice %arg8[%add3A_792, %dma_wait3A_821] : memref<16384x200xf32, #tpu.memory_space<hbm>> -> memref<1x200xf32, #tpu.memory_space<hbm>>
        %dma_wait3A_823 = tpu.memref_squeeze %dma_wait3A_822 : memref<1x200xf32, #tpu.memory_space<hbm>> -> memref<200xf32, #tpu.memory_space<hbm>>
        %dma_wait3A_824 = arith.constant 208 : i32
        %dma_wait3A_825 = tpu.memref_slice %arg15[%dma_wait3A_824] : memref<1664xf32, #tpu.memory_space<vmem>> -> memref<200xf32, #tpu.memory_space<vmem>>
        tpu.wait_dma2 semaphore(%run_scoped3A : memref<!tpu.dma_semaphore, #tpu.memory_space<semaphore_mem>>) src(%dma_wait3A_825 : memref<200xf32, #tpu.memory_space<vmem>>) dst(%dma_wait3A_823 : memref<200xf32, #tpu.memory_space<hbm>>)
        tpu.yield
      }) : () -> ()
      %add3A_793 = arith.constant 2 : i32
      %add3A_794 = arith.addi %multiple_of3A_16, %add3A_793 : i32
      "tpu.region"() ({
        %run_scoped3A = tpu.sem_alloc : memref<!tpu.dma_semaphore, #tpu.memory_space<semaphore_mem>>
        %dma_start3A_806 = arith.constant 416 : i32
        %dma_start3A_807 = tpu.memref_slice %arg15[%dma_start3A_806] : memref<1664xf32, #tpu.memory_space<vmem>> -> memref<200xf32, #tpu.memory_space<vmem>>
        %dma_start3A_808 = arith.constant 0 : i32
        %dma_start3A_809 = tpu.memref_slice %arg8[%add3A_794, %dma_start3A_808] : memref<16384x200xf32, #tpu.memory_space<hbm>> -> memref<1x200xf32, #tpu.memory_space<hbm>>
        %dma_start3A_810 = tpu.memref_squeeze %dma_start3A_809 : memref<1x200xf32, #tpu.memory_space<hbm>> -> memref<200xf32, #tpu.memory_space<hbm>>
        %dma_start3A_811 = arith.constant 0 : i32
        %dma_start3A_812 = tpu.memref_slice %arg8[%add3A_794, %dma_start3A_811] : memref<16384x200xf32, #tpu.memory_space<hbm>> -> memref<1x200xf32, #tpu.memory_space<hbm>>
        %dma_start3A_813 = tpu.memref_squeeze %dma_start3A_812 : memref<1x200xf32, #tpu.memory_space<hbm>> -> memref<200xf32, #tpu.memory_space<hbm>>
        %dma_start3A_814 = arith.constant 416 : i32
        %dma_start3A_815 = tpu.memref_slice %arg15[%dma_start3A_814] : memref<1664xf32, #tpu.memory_space<vmem>> -> memref<200xf32, #tpu.memory_space<vmem>>
        tpu.enqueue_dma source(%dma_start3A_815 : memref<200xf32, #tpu.memory_space<vmem>>) target(%dma_start3A_813 : memref<200xf32, #tpu.memory_space<hbm>>) target_semaphore(%run_scoped3A : memref<!tpu.dma_semaphore, #tpu.memory_space<semaphore_mem>>)
        %dma_wait3A_816 = arith.constant 416 : i32
        %dma_wait3A_817 = tpu.memref_slice %arg15[%dma_wait3A_816] : memref<1664xf32, #tpu.memory_space<vmem>> -> memref<200xf32, #tpu.memory_space<vmem>>
        %dma_wait3A_818 = arith.constant 0 : i32
        %dma_wait3A_819 = tpu.memref_slice %arg8[%add3A_794, %dma_wait3A_818] : memref<16384x200xf32, #tpu.memory_space<hbm>> -> memref<1x200xf32, #tpu.memory_space<hbm>>
        %dma_wait3A_820 = tpu.memref_squeeze %dma_wait3A_819 : memref<1x200xf32, #tpu.memory_space<hbm>> -> memref<200xf32, #tpu.memory_space<hbm>>
        %dma_wait3A_821 = arith.constant 0 : i32
        %dma_wait3A_822 = tpu.memref_slice %arg8[%add3A_794, %dma_wait3A_821] : memref<16384x200xf32, #tpu.memory_space<hbm>> -> memref<1x200xf32, #tpu.memory_space<hbm>>
        %dma_wait3A_823 = tpu.memref_squeeze %dma_wait3A_822 : memref<1x200xf32, #tpu.memory_space<hbm>> -> memref<200xf32, #tpu.memory_space<hbm>>
        %dma_wait3A_824 = arith.constant 416 : i32
        %dma_wait3A_825 = tpu.memref_slice %arg15[%dma_wait3A_824] : memref<1664xf32, #tpu.memory_space<vmem>> -> memref<200xf32, #tpu.memory_space<vmem>>
        tpu.wait_dma2 semaphore(%run_scoped3A : memref<!tpu.dma_semaphore, #tpu.memory_space<semaphore_mem>>) src(%dma_wait3A_825 : memref<200xf32, #tpu.memory_space<vmem>>) dst(%dma_wait3A_823 : memref<200xf32, #tpu.memory_space<hbm>>)
        tpu.yield
      }) : () -> ()
      %add3A_795 = arith.constant 3 : i32
      %add3A_796 = arith.addi %multiple_of3A_16, %add3A_795 : i32
      "tpu.region"() ({
        %run_scoped3A = tpu.sem_alloc : memref<!tpu.dma_semaphore, #tpu.memory_space<semaphore_mem>>
        %dma_start3A_806 = arith.constant 624 : i32
        %dma_start3A_807 = tpu.memref_slice %arg15[%dma_start3A_806] : memref<1664xf32, #tpu.memory_space<vmem>> -> memref<200xf32, #tpu.memory_space<vmem>>
        %dma_start3A_808 = arith.constant 0 : i32
        %dma_start3A_809 = tpu.memref_slice %arg8[%add3A_796, %dma_start3A_808] : memref<16384x200xf32, #tpu.memory_space<hbm>> -> memref<1x200xf32, #tpu.memory_space<hbm>>
        %dma_start3A_810 = tpu.memref_squeeze %dma_start3A_809 : memref<1x200xf32, #tpu.memory_space<hbm>> -> memref<200xf32, #tpu.memory_space<hbm>>
        %dma_start3A_811 = arith.constant 0 : i32
        %dma_start3A_812 = tpu.memref_slice %arg8[%add3A_796, %dma_start3A_811] : memref<16384x200xf32, #tpu.memory_space<hbm>> -> memref<1x200xf32, #tpu.memory_space<hbm>>
        %dma_start3A_813 = tpu.memref_squeeze %dma_start3A_812 : memref<1x200xf32, #tpu.memory_space<hbm>> -> memref<200xf32, #tpu.memory_space<hbm>>
        %dma_start3A_814 = arith.constant 624 : i32
        %dma_start3A_815 = tpu.memref_slice %arg15[%dma_start3A_814] : memref<1664xf32, #tpu.memory_space<vmem>> -> memref<200xf32, #tpu.memory_space<vmem>>
        tpu.enqueue_dma source(%dma_start3A_815 : memref<200xf32, #tpu.memory_space<vmem>>) target(%dma_start3A_813 : memref<200xf32, #tpu.memory_space<hbm>>) target_semaphore(%run_scoped3A : memref<!tpu.dma_semaphore, #tpu.memory_space<semaphore_mem>>)
        %dma_wait3A_816 = arith.constant 624 : i32
        %dma_wait3A_817 = tpu.memref_slice %arg15[%dma_wait3A_816] : memref<1664xf32, #tpu.memory_space<vmem>> -> memref<200xf32, #tpu.memory_space<vmem>>
        %dma_wait3A_818 = arith.constant 0 : i32
        %dma_wait3A_819 = tpu.memref_slice %arg8[%add3A_796, %dma_wait3A_818] : memref<16384x200xf32, #tpu.memory_space<hbm>> -> memref<1x200xf32, #tpu.memory_space<hbm>>
        %dma_wait3A_820 = tpu.memref_squeeze %dma_wait3A_819 : memref<1x200xf32, #tpu.memory_space<hbm>> -> memref<200xf32, #tpu.memory_space<hbm>>
        %dma_wait3A_821 = arith.constant 0 : i32
        %dma_wait3A_822 = tpu.memref_slice %arg8[%add3A_796, %dma_wait3A_821] : memref<16384x200xf32, #tpu.memory_space<hbm>> -> memref<1x200xf32, #tpu.memory_space<hbm>>
        %dma_wait3A_823 = tpu.memref_squeeze %dma_wait3A_822 : memref<1x200xf32, #tpu.memory_space<hbm>> -> memref<200xf32, #tpu.memory_space<hbm>>
        %dma_wait3A_824 = arith.constant 624 : i32
        %dma_wait3A_825 = tpu.memref_slice %arg15[%dma_wait3A_824] : memref<1664xf32, #tpu.memory_space<vmem>> -> memref<200xf32, #tpu.memory_space<vmem>>
        tpu.wait_dma2 semaphore(%run_scoped3A : memref<!tpu.dma_semaphore, #tpu.memory_space<semaphore_mem>>) src(%dma_wait3A_825 : memref<200xf32, #tpu.memory_space<vmem>>) dst(%dma_wait3A_823 : memref<200xf32, #tpu.memory_space<hbm>>)
        tpu.yield
      }) : () -> ()
      %add3A_797 = arith.constant 4 : i32
      %add3A_798 = arith.addi %multiple_of3A_16, %add3A_797 : i32
      "tpu.region"() ({
        %run_scoped3A = tpu.sem_alloc : memref<!tpu.dma_semaphore, #tpu.memory_space<semaphore_mem>>
        %dma_start3A_806 = arith.constant 832 : i32
        %dma_start3A_807 = tpu.memref_slice %arg15[%dma_start3A_806] : memref<1664xf32, #tpu.memory_space<vmem>> -> memref<200xf32, #tpu.memory_space<vmem>>
        %dma_start3A_808 = arith.constant 0 : i32
        %dma_start3A_809 = tpu.memref_slice %arg8[%add3A_798, %dma_start3A_808] : memref<16384x200xf32, #tpu.memory_space<hbm>> -> memref<1x200xf32, #tpu.memory_space<hbm>>
        %dma_start3A_810 = tpu.memref_squeeze %dma_start3A_809 : memref<1x200xf32, #tpu.memory_space<hbm>> -> memref<200xf32, #tpu.memory_space<hbm>>
        %dma_start3A_811 = arith.constant 0 : i32
        %dma_start3A_812 = tpu.memref_slice %arg8[%add3A_798, %dma_start3A_811] : memref<16384x200xf32, #tpu.memory_space<hbm>> -> memref<1x200xf32, #tpu.memory_space<hbm>>
        %dma_start3A_813 = tpu.memref_squeeze %dma_start3A_812 : memref<1x200xf32, #tpu.memory_space<hbm>> -> memref<200xf32, #tpu.memory_space<hbm>>
        %dma_start3A_814 = arith.constant 832 : i32
        %dma_start3A_815 = tpu.memref_slice %arg15[%dma_start3A_814] : memref<1664xf32, #tpu.memory_space<vmem>> -> memref<200xf32, #tpu.memory_space<vmem>>
        tpu.enqueue_dma source(%dma_start3A_815 : memref<200xf32, #tpu.memory_space<vmem>>) target(%dma_start3A_813 : memref<200xf32, #tpu.memory_space<hbm>>) target_semaphore(%run_scoped3A : memref<!tpu.dma_semaphore, #tpu.memory_space<semaphore_mem>>)
        %dma_wait3A_816 = arith.constant 832 : i32
        %dma_wait3A_817 = tpu.memref_slice %arg15[%dma_wait3A_816] : memref<1664xf32, #tpu.memory_space<vmem>> -> memref<200xf32, #tpu.memory_space<vmem>>
        %dma_wait3A_818 = arith.constant 0 : i32
        %dma_wait3A_819 = tpu.memref_slice %arg8[%add3A_798, %dma_wait3A_818] : memref<16384x200xf32, #tpu.memory_space<hbm>> -> memref<1x200xf32, #tpu.memory_space<hbm>>
        %dma_wait3A_820 = tpu.memref_squeeze %dma_wait3A_819 : memref<1x200xf32, #tpu.memory_space<hbm>> -> memref<200xf32, #tpu.memory_space<hbm>>
        %dma_wait3A_821 = arith.constant 0 : i32
        %dma_wait3A_822 = tpu.memref_slice %arg8[%add3A_798, %dma_wait3A_821] : memref<16384x200xf32, #tpu.memory_space<hbm>> -> memref<1x200xf32, #tpu.memory_space<hbm>>
        %dma_wait3A_823 = tpu.memref_squeeze %dma_wait3A_822 : memref<1x200xf32, #tpu.memory_space<hbm>> -> memref<200xf32, #tpu.memory_space<hbm>>
        %dma_wait3A_824 = arith.constant 832 : i32
        %dma_wait3A_825 = tpu.memref_slice %arg15[%dma_wait3A_824] : memref<1664xf32, #tpu.memory_space<vmem>> -> memref<200xf32, #tpu.memory_space<vmem>>
        tpu.wait_dma2 semaphore(%run_scoped3A : memref<!tpu.dma_semaphore, #tpu.memory_space<semaphore_mem>>) src(%dma_wait3A_825 : memref<200xf32, #tpu.memory_space<vmem>>) dst(%dma_wait3A_823 : memref<200xf32, #tpu.memory_space<hbm>>)
        tpu.yield
      }) : () -> ()
      %add3A_799 = arith.constant 5 : i32
      %add3A_800 = arith.addi %multiple_of3A_16, %add3A_799 : i32
      "tpu.region"() ({
        %run_scoped3A = tpu.sem_alloc : memref<!tpu.dma_semaphore, #tpu.memory_space<semaphore_mem>>
        %dma_start3A_806 = arith.constant 1040 : i32
        %dma_start3A_807 = tpu.memref_slice %arg15[%dma_start3A_806] : memref<1664xf32, #tpu.memory_space<vmem>> -> memref<200xf32, #tpu.memory_space<vmem>>
        %dma_start3A_808 = arith.constant 0 : i32
        %dma_start3A_809 = tpu.memref_slice %arg8[%add3A_800, %dma_start3A_808] : memref<16384x200xf32, #tpu.memory_space<hbm>> -> memref<1x200xf32, #tpu.memory_space<hbm>>
        %dma_start3A_810 = tpu.memref_squeeze %dma_start3A_809 : memref<1x200xf32, #tpu.memory_space<hbm>> -> memref<200xf32, #tpu.memory_space<hbm>>
        %dma_start3A_811 = arith.constant 0 : i32
        %dma_start3A_812 = tpu.memref_slice %arg8[%add3A_800, %dma_start3A_811] : memref<16384x200xf32, #tpu.memory_space<hbm>> -> memref<1x200xf32, #tpu.memory_space<hbm>>
        %dma_start3A_813 = tpu.memref_squeeze %dma_start3A_812 : memref<1x200xf32, #tpu.memory_space<hbm>> -> memref<200xf32, #tpu.memory_space<hbm>>
        %dma_start3A_814 = arith.constant 1040 : i32
        %dma_start3A_815 = tpu.memref_slice %arg15[%dma_start3A_814] : memref<1664xf32, #tpu.memory_space<vmem>> -> memref<200xf32, #tpu.memory_space<vmem>>
        tpu.enqueue_dma source(%dma_start3A_815 : memref<200xf32, #tpu.memory_space<vmem>>) target(%dma_start3A_813 : memref<200xf32, #tpu.memory_space<hbm>>) target_semaphore(%run_scoped3A : memref<!tpu.dma_semaphore, #tpu.memory_space<semaphore_mem>>)
        %dma_wait3A_816 = arith.constant 1040 : i32
        %dma_wait3A_817 = tpu.memref_slice %arg15[%dma_wait3A_816] : memref<1664xf32, #tpu.memory_space<vmem>> -> memref<200xf32, #tpu.memory_space<vmem>>
        %dma_wait3A_818 = arith.constant 0 : i32
        %dma_wait3A_819 = tpu.memref_slice %arg8[%add3A_800, %dma_wait3A_818] : memref<16384x200xf32, #tpu.memory_space<hbm>> -> memref<1x200xf32, #tpu.memory_space<hbm>>
        %dma_wait3A_820 = tpu.memref_squeeze %dma_wait3A_819 : memref<1x200xf32, #tpu.memory_space<hbm>> -> memref<200xf32, #tpu.memory_space<hbm>>
        %dma_wait3A_821 = arith.constant 0 : i32
        %dma_wait3A_822 = tpu.memref_slice %arg8[%add3A_800, %dma_wait3A_821] : memref<16384x200xf32, #tpu.memory_space<hbm>> -> memref<1x200xf32, #tpu.memory_space<hbm>>
        %dma_wait3A_823 = tpu.memref_squeeze %dma_wait3A_822 : memref<1x200xf32, #tpu.memory_space<hbm>> -> memref<200xf32, #tpu.memory_space<hbm>>
        %dma_wait3A_824 = arith.constant 1040 : i32
        %dma_wait3A_825 = tpu.memref_slice %arg15[%dma_wait3A_824] : memref<1664xf32, #tpu.memory_space<vmem>> -> memref<200xf32, #tpu.memory_space<vmem>>
        tpu.wait_dma2 semaphore(%run_scoped3A : memref<!tpu.dma_semaphore, #tpu.memory_space<semaphore_mem>>) src(%dma_wait3A_825 : memref<200xf32, #tpu.memory_space<vmem>>) dst(%dma_wait3A_823 : memref<200xf32, #tpu.memory_space<hbm>>)
        tpu.yield
      }) : () -> ()
      %add3A_801 = arith.constant 6 : i32
      %add3A_802 = arith.addi %multiple_of3A_16, %add3A_801 : i32
      "tpu.region"() ({
        %run_scoped3A = tpu.sem_alloc : memref<!tpu.dma_semaphore, #tpu.memory_space<semaphore_mem>>
        %dma_start3A_806 = arith.constant 1248 : i32
        %dma_start3A_807 = tpu.memref_slice %arg15[%dma_start3A_806] : memref<1664xf32, #tpu.memory_space<vmem>> -> memref<200xf32, #tpu.memory_space<vmem>>
        %dma_start3A_808 = arith.constant 0 : i32
        %dma_start3A_809 = tpu.memref_slice %arg8[%add3A_802, %dma_start3A_808] : memref<16384x200xf32, #tpu.memory_space<hbm>> -> memref<1x200xf32, #tpu.memory_space<hbm>>
        %dma_start3A_810 = tpu.memref_squeeze %dma_start3A_809 : memref<1x200xf32, #tpu.memory_space<hbm>> -> memref<200xf32, #tpu.memory_space<hbm>>
        %dma_start3A_811 = arith.constant 0 : i32
        %dma_start3A_812 = tpu.memref_slice %arg8[%add3A_802, %dma_start3A_811] : memref<16384x200xf32, #tpu.memory_space<hbm>> -> memref<1x200xf32, #tpu.memory_space<hbm>>
        %dma_start3A_813 = tpu.memref_squeeze %dma_start3A_812 : memref<1x200xf32, #tpu.memory_space<hbm>> -> memref<200xf32, #tpu.memory_space<hbm>>
        %dma_start3A_814 = arith.constant 1248 : i32
        %dma_start3A_815 = tpu.memref_slice %arg15[%dma_start3A_814] : memref<1664xf32, #tpu.memory_space<vmem>> -> memref<200xf32, #tpu.memory_space<vmem>>
        tpu.enqueue_dma source(%dma_start3A_815 : memref<200xf32, #tpu.memory_space<vmem>>) target(%dma_start3A_813 : memref<200xf32, #tpu.memory_space<hbm>>) target_semaphore(%run_scoped3A : memref<!tpu.dma_semaphore, #tpu.memory_space<semaphore_mem>>)
        %dma_wait3A_816 = arith.constant 1248 : i32
        %dma_wait3A_817 = tpu.memref_slice %arg15[%dma_wait3A_816] : memref<1664xf32, #tpu.memory_space<vmem>> -> memref<200xf32, #tpu.memory_space<vmem>>
        %dma_wait3A_818 = arith.constant 0 : i32
        %dma_wait3A_819 = tpu.memref_slice %arg8[%add3A_802, %dma_wait3A_818] : memref<16384x200xf32, #tpu.memory_space<hbm>> -> memref<1x200xf32, #tpu.memory_space<hbm>>
        %dma_wait3A_820 = tpu.memref_squeeze %dma_wait3A_819 : memref<1x200xf32, #tpu.memory_space<hbm>> -> memref<200xf32, #tpu.memory_space<hbm>>
        %dma_wait3A_821 = arith.constant 0 : i32
        %dma_wait3A_822 = tpu.memref_slice %arg8[%add3A_802, %dma_wait3A_821] : memref<16384x200xf32, #tpu.memory_space<hbm>> -> memref<1x200xf32, #tpu.memory_space<hbm>>
        %dma_wait3A_823 = tpu.memref_squeeze %dma_wait3A_822 : memref<1x200xf32, #tpu.memory_space<hbm>> -> memref<200xf32, #tpu.memory_space<hbm>>
        %dma_wait3A_824 = arith.constant 1248 : i32
        %dma_wait3A_825 = tpu.memref_slice %arg15[%dma_wait3A_824] : memref<1664xf32, #tpu.memory_space<vmem>> -> memref<200xf32, #tpu.memory_space<vmem>>
        tpu.wait_dma2 semaphore(%run_scoped3A : memref<!tpu.dma_semaphore, #tpu.memory_space<semaphore_mem>>) src(%dma_wait3A_825 : memref<200xf32, #tpu.memory_space<vmem>>) dst(%dma_wait3A_823 : memref<200xf32, #tpu.memory_space<hbm>>)
        tpu.yield
      }) : () -> ()
      %add3A_803 = arith.constant 7 : i32
      %add3A_804 = arith.addi %multiple_of3A_16, %add3A_803 : i32
      "tpu.region"() ({
        %run_scoped3A = tpu.sem_alloc : memref<!tpu.dma_semaphore, #tpu.memory_space<semaphore_mem>>
        %dma_start3A_806 = arith.constant 1456 : i32
        %dma_start3A_807 = tpu.memref_slice %arg15[%dma_start3A_806] : memref<1664xf32, #tpu.memory_space<vmem>> -> memref<200xf32, #tpu.memory_space<vmem>>
        %dma_start3A_808 = arith.constant 0 : i32
        %dma_start3A_809 = tpu.memref_slice %arg8[%add3A_804, %dma_start3A_808] : memref<16384x200xf32, #tpu.memory_space<hbm>> -> memref<1x200xf32, #tpu.memory_space<hbm>>
        %dma_start3A_810 = tpu.memref_squeeze %dma_start3A_809 : memref<1x200xf32, #tpu.memory_space<hbm>> -> memref<200xf32, #tpu.memory_space<hbm>>
        %dma_start3A_811 = arith.constant 0 : i32
        %dma_start3A_812 = tpu.memref_slice %arg8[%add3A_804, %dma_start3A_811] : memref<16384x200xf32, #tpu.memory_space<hbm>> -> memref<1x200xf32, #tpu.memory_space<hbm>>
        %dma_start3A_813 = tpu.memref_squeeze %dma_start3A_812 : memref<1x200xf32, #tpu.memory_space<hbm>> -> memref<200xf32, #tpu.memory_space<hbm>>
        %dma_start3A_814 = arith.constant 1456 : i32
        %dma_start3A_815 = tpu.memref_slice %arg15[%dma_start3A_814] : memref<1664xf32, #tpu.memory_space<vmem>> -> memref<200xf32, #tpu.memory_space<vmem>>
        tpu.enqueue_dma source(%dma_start3A_815 : memref<200xf32, #tpu.memory_space<vmem>>) target(%dma_start3A_813 : memref<200xf32, #tpu.memory_space<hbm>>) target_semaphore(%run_scoped3A : memref<!tpu.dma_semaphore, #tpu.memory_space<semaphore_mem>>)
        %dma_wait3A_816 = arith.constant 1456 : i32
        %dma_wait3A_817 = tpu.memref_slice %arg15[%dma_wait3A_816] : memref<1664xf32, #tpu.memory_space<vmem>> -> memref<200xf32, #tpu.memory_space<vmem>>
        %dma_wait3A_818 = arith.constant 0 : i32
        %dma_wait3A_819 = tpu.memref_slice %arg8[%add3A_804, %dma_wait3A_818] : memref<16384x200xf32, #tpu.memory_space<hbm>> -> memref<1x200xf32, #tpu.memory_space<hbm>>
        %dma_wait3A_820 = tpu.memref_squeeze %dma_wait3A_819 : memref<1x200xf32, #tpu.memory_space<hbm>> -> memref<200xf32, #tpu.memory_space<hbm>>
        %dma_wait3A_821 = arith.constant 0 : i32
        %dma_wait3A_822 = tpu.memref_slice %arg8[%add3A_804, %dma_wait3A_821] : memref<16384x200xf32, #tpu.memory_space<hbm>> -> memref<1x200xf32, #tpu.memory_space<hbm>>
        %dma_wait3A_823 = tpu.memref_squeeze %dma_wait3A_822 : memref<1x200xf32, #tpu.memory_space<hbm>> -> memref<200xf32, #tpu.memory_space<hbm>>
        %dma_wait3A_824 = arith.constant 1456 : i32
        %dma_wait3A_825 = tpu.memref_slice %arg15[%dma_wait3A_824] : memref<1664xf32, #tpu.memory_space<vmem>> -> memref<200xf32, #tpu.memory_space<vmem>>
        tpu.wait_dma2 semaphore(%run_scoped3A : memref<!tpu.dma_semaphore, #tpu.memory_space<semaphore_mem>>) src(%dma_wait3A_825 : memref<200xf32, #tpu.memory_space<vmem>>) dst(%dma_wait3A_823 : memref<200xf32, #tpu.memory_space<hbm>>)
        tpu.yield
      }) : () -> ()
      %scan3A_805 = arith.constant 0 : i32
      scf.yield %scan3A_805 : i32
    }
    %scan3A_10 = arith.constant 64 : i32
    "tpu.region"() ({
      %run_scoped3A = tpu.sem_alloc : memref<!tpu.dma_semaphore, #tpu.memory_space<semaphore_mem>>
      %dma_start3A = arith.constant 0 : i32
      %dma_start3A_11 = tpu.memref_slice %arg16[%dma_start3A] : memref<520xf32, #tpu.memory_space<vmem>> -> memref<512xf32, #tpu.memory_space<vmem>>
      %dma_start3A_12 = tpu.memref_slice %arg7[%multiple_of3A] : memref<16384xf32, #tpu.memory_space<hbm>> -> memref<512xf32, #tpu.memory_space<hbm>>
      %dma_start3A_13 = tpu.memref_slice %arg7[%multiple_of3A] : memref<16384xf32, #tpu.memory_space<hbm>> -> memref<512xf32, #tpu.memory_space<hbm>>
      %dma_start3A_14 = arith.constant 0 : i32
      %dma_start3A_15 = tpu.memref_slice %arg16[%dma_start3A_14] : memref<520xf32, #tpu.memory_space<vmem>> -> memref<512xf32, #tpu.memory_space<vmem>>
      tpu.enqueue_dma source(%dma_start3A_15 : memref<512xf32, #tpu.memory_space<vmem>>) target(%dma_start3A_13 : memref<512xf32, #tpu.memory_space<hbm>>) target_semaphore(%run_scoped3A : memref<!tpu.dma_semaphore, #tpu.memory_space<semaphore_mem>>)
      %dma_wait3A = arith.constant 0 : i32
      %dma_wait3A_16 = tpu.memref_slice %arg16[%dma_wait3A] : memref<520xf32, #tpu.memory_space<vmem>> -> memref<512xf32, #tpu.memory_space<vmem>>
      %dma_wait3A_17 = tpu.memref_slice %arg7[%multiple_of3A] : memref<16384xf32, #tpu.memory_space<hbm>> -> memref<512xf32, #tpu.memory_space<hbm>>
      %dma_wait3A_18 = tpu.memref_slice %arg7[%multiple_of3A] : memref<16384xf32, #tpu.memory_space<hbm>> -> memref<512xf32, #tpu.memory_space<hbm>>
      %dma_wait3A_19 = arith.constant 0 : i32
      %dma_wait3A_20 = tpu.memref_slice %arg16[%dma_wait3A_19] : memref<520xf32, #tpu.memory_space<vmem>> -> memref<512xf32, #tpu.memory_space<vmem>>
      tpu.wait_dma2 semaphore(%run_scoped3A : memref<!tpu.dma_semaphore, #tpu.memory_space<semaphore_mem>>) src(%dma_wait3A_20 : memref<512xf32, #tpu.memory_space<vmem>>) dst(%dma_wait3A_18 : memref<512xf32, #tpu.memory_space<hbm>>)
      tpu.yield
    }) : () -> ()
    return
  }
}

</mosaic_0001>

<sc_bundles>
// kernel: _mf_scores.3.cloned.1.call-start
scs
__scs_entry_jumppad:
0x0: {  	(pc) =	sbr.rel $0x88, $3  }
0x1: {  	(tag) =	ssettag $0x0;
	lr =	simm.s32 $0x1  }
0x2: {  	[smem:$0x3F9C] =	sst lr;
	_ =	strace $0xD0000000  }
0x3: {  	_ = 	snop  }
0x4: {  	_ = 	snop  }
0x5: {  	_ = 	snop  }
0x6: {  	_ = 	snop  }
0x7: {  	_ = 	snop  }
__scs_overlays_trampoline_lowered:
0x8: {  	[smem:$0x3FAB] =	sst s0  }
0x9: {  	[smem:$0x3FAC] =	sst s1  }
0xa: {  	[smem:$0x3FAD] =	sst s2  }
0xb: {  	[smem:$0x3FAE] =	sst s3  }
0xc: {  	[smem:$0x3FAF] =	sst s4  }
0xd: {  	[smem:$0x3FB0] =	sst s5  }
0xe: {  	[smem:$0x3FB1] =	sst s6  }
0xf: {  	[smem:$0x3FB2] =	sst s7  }
0x10: {  	[smem:$0x3FB3] =	sst s8  }
0x11: {  	[smem:$0x3FB4] =	sst s9;
	s0 =	simm.s32 @!p0 $0x0  }
0x12: {  	s1 =	sld [smem:$0x3F9A];
	s0 =	simm.s32 @p0 $0x1  }
0x13: {  	[smem:$0x3FB5] =	sst s0;
	s0 =	simm.s32 @!p1 $0x0  }
0x14: {  	s2 =	sld [smem:$0x3F99];
	s0 =	simm.s32 @p1 $0x1  }
0x15: {  	[smem:$0x3FB6] =	sst s0;
	s0 =	simm.s32 @!p2 $0x0  }
0x16: {  	s3 =	sld [smem:$0x3FDB];
	s0 =	simm.s32 @p2 $0x1  }
0x17: {  	s4 =	simm.s32 $0x1BF5;
	[smem:$0x3FB8] =	sst s0  }
0x18: {  	s0 =	sld [smem:$0x3F9B];
	_ =	swait.ge [sflag:s4], $0x0  }
0x19: {  	s7 =	sld [smem:$0x3F9C]  }
0x1a: {  	s8 =	sadd.s32 $0xFFFFE003, lr  }
0x1b: {  	s9 =	sadd.s32 $0xFFFFFEF7, lr;
	s5 =	simm.s32 $0xFFFFFFFF;
	p2 =	slt.u32 s8, $0xFFFFF086  }
0x1c: {  	p1 =	slt.u32 s9, $0xF7A;
	s5 =	simm.s32 @!p2 $0x0  }
0x1d: {  	s5 =	simm.s32 @p1 $0x1;
	p0 =	seq.s32 s7, s2  }
0x1e: {  	s7 =	smul.u32 @!p0 $0xF7A, s2;
	p2 =	seq.s32 @!p0 s5, $0x0  }
0x1f: {  	s9 =	smul.u32 $0xF7A, s1;
	s8 =	simm.s32 @!p0 $0x1BF5;
	p2 =	por !p2, p0  }
0x20: {  	[sflag:s8] =	ssyncset.s32 @!p0 $0xFFFFF086;
	s6 =	sadd.s32 @!p0 s3, s7;
	s7 =	simm.s32 @!p0 $0x108  }
0x21: {  	s3 =	sadd.s32 s3, s9;
	s6 =	sadd.s32 @!p0 $0x88, s6;
	s7 =	simm.s32 @p2 $0x1082  }
0x22: {  	[simem:s7], [sflag:s8] =	dma.local @!p0 [hbm:s6], $0xF7A  }
0x23: {  	s9 =	sor.u32 $0xD0000000, s2;
	s6 =	simm.s32 $0x108;
	_ =	swait.ge @!p0 [sflag:s8], $0x0  }
0x24: {  	s3 =	sadd.s32 $0x88, s3;
	s6 =	simm.s32 @!p1 $0x1082;
	[sflag:s4] =	ssyncset.s32 $0xFFFFF086  }
0x25: {  	[simem:s6], [sflag:s4] =	dma.local [hbm:s3], $0xF7A  }
0x26: {  	[smem:$0x3F9C] =	sst s1;
	(tag) =	ssettag s2;
	_ =	strace s9  }
0x27: {  	s1 =	sld [smem:$0x3FAC]  }
0x28: {  	s2 =	sld [smem:$0x3FAD]  }
0x29: {  	s4 =	sld [smem:$0x3FAF]  }
0x2a: {  	p0 =	seq.s32 s5, $0x0;
	s5 =	sld [smem:$0x3FB0]  }
0x2b: {  	s6 =	sld [smem:$0x3FB1]  }
0x2c: {  	s7 =	sld [smem:$0x3FB2]  }
0x2d: {  	s3 =	simm.s32 $0x108;
	s8 =	sld [smem:$0x3FB3]  }
0x2e: {  	s3 =	simm.s32 @!p0 $0x1082;
	s9 =	sld [smem:$0x3FB4]  }
0x2f: {  	lr =	sadd.s32 s0, s3;
	s0 =	sld [smem:$0x3FAB]  }
0x30: {  	s3 =	sld [smem:$0x3FAE]  }
0x31: {  	[smem:$0x3FB7] =	sst s10  }
0x32: {  	s10 =	sld [smem:$0x3FB5];
	_ =	sdelay $0x3  }
0x33: {  	p0 =	seq.s32 s10, $0x1;
	s10 =	sld [smem:$0x3FB7];
	_ =	sdelay $0x3  }
0x34: {  	[smem:$0x3FB7] =	sst s10  }
0x35: {  	s10 =	sld [smem:$0x3FB6];
	_ =	sdelay $0x3  }
0x36: {  	p1 =	seq.s32 s10, $0x1;
	s10 =	sld [smem:$0x3FB7];
	_ =	sdelay $0x3  }
0x37: {  	[smem:$0x3FB7] =	sst s10  }
0x38: {  	s10 =	sld [smem:$0x3FB8]  }
0x39: {  	_ = 	snop;
	(pc) =	sbr.ind lr, $3  }
0x3a: {  	_ = 	snop  }
0x3b: {  	_ = 	snop  }
0x3c: {  	p2 =	seq.s32 s10, $0x1;
	s10 =	sld [smem:$0x3FB7]  }
0x3d: {  	_ =	shalt  }
0x3e: {  	_ =	shalt  }
0x3f: {  	_ =	shalt  }
0x40: {  	_ =	shalt  }
0x41: {  	_ =	shalt  }
0x42: {  	_ =	shalt  }
0x43: {  	_ =	shalt  }
0x44: {  	_ =	shalt  }
0x45: {  	_ =	shalt  }
0x46: {  	_ =	shalt  }
0x47: {  	_ =	shalt  }
0x48: {  	_ =	shalt  }
0x49: {  	_ =	shalt  }
0x4a: {  	_ =	shalt  }
0x4b: {  	_ =	shalt  }
0x4c: {  	_ =	shalt  }
0x4d: {  	_ =	shalt  }
0x4e: {  	_ =	shalt  }
0x4f: {  	_ =	shalt  }
0x50: {  	_ =	shalt  }
0x51: {  	_ =	shalt  }
0x52: {  	_ =	shalt  }
0x53: {  	_ =	shalt  }
0x54: {  	_ =	shalt  }
0x55: {  	_ =	shalt  }
0x56: {  	_ =	shalt  }
0x57: {  	_ =	shalt  }
0x58: {  	_ =	shalt  }
0x59: {  	_ =	shalt  }
0x5a: {  	_ =	shalt  }
0x5b: {  	_ =	shalt  }
0x5c: {  	_ =	shalt  }
0x5d: {  	_ =	shalt  }
0x5e: {  	_ =	shalt  }
0x5f: {  	_ =	shalt  }
0x60: {  	_ =	shalt  }
0x61: {  	_ =	shalt  }
0x62: {  	_ =	shalt  }
0x63: {  	_ =	shalt  }
0x64: {  	_ =	shalt  }
0x65: {  	_ =	shalt  }
0x66: {  	_ =	shalt  }
0x67: {  	_ =	shalt  }
0x68: {  	_ =	shalt  }
0x69: {  	_ =	shalt  }
0x6a: {  	_ =	shalt  }
0x6b: {  	_ =	shalt  }
0x6c: {  	_ =	shalt  }
0x6d: {  	_ =	shalt  }
0x6e: {  	_ =	shalt  }
0x6f: {  	_ =	shalt  }
0x70: {  	_ =	shalt  }
0x71: {  	_ =	shalt  }
0x72: {  	_ =	shalt  }
0x73: {  	_ =	shalt  }
0x74: {  	_ =	shalt  }
0x75: {  	_ =	shalt  }
0x76: {  	_ =	shalt  }
0x77: {  	_ =	shalt  }
0x78: {  	_ =	shalt  }
0x79: {  	_ =	shalt  }
0x7a: {  	_ =	shalt  }
0x7b: {  	_ =	shalt  }
0x7c: {  	_ =	shalt  }
0x7d: {  	_ =	shalt  }
0x7e: {  	_ =	shalt  }
0x7f: {  	_ =	shalt  }
0x80: {  	_ =	shalt  }
0x81: {  	_ =	shalt  }
0x82: {  	_ =	shalt  }
0x83: {  	_ =	shalt  }
0x84: {  	_ =	shalt  }
0x85: {  	_ =	shalt  }
0x86: {  	_ =	shalt  }
0x87: {  	_ =	shalt  }
.Lfunc_end0:
.L_simem_size_0:
called_computation_lowered:
.L_overlay_start_0:
0x88: {  	s2 =	sld [smem:$0x3FD9]  }
0x89: {  	s3 =	sld [smem:$0x3FFE];
	_ =	sdelay $0x1  }
0x8a: {  	s1 =	srdreg.scid  }
0x8b: {  	s0 =	sand.u32 $0x1, s1  }
0x8c: {  	s14 =	sshll.u32 s0, $0xA;
	s2 =	sadd.s32 s3, s2  }
0x8d: {  	s2 =	sadd.s32 s2, s14  }
0x8e: {  	[smem:$0x3FC3] =	sst s2  }
0x8f: {  	_ = 	snop  }
0x90: {  	s2 =	sld [smem:$0x3FD0];
	_ =	sdelay $0x1  }
0x91: {  	s15 =	sld [smem:$0x3FC9]  }
0x92: {  	s5 =	simm.s32 $0xA;
	s6 =	simm.s32 $0x10;
	s4 =	sld [smem:$0x3FC8]  }
0x93: {  	[smem:s6], [sflag:s5] =	dma.local [hbm:s2], $0x1  }
0x94: {  	_ =	swait.eq [sflag:s5], $0x1  }
0x95: {  	[sflag:s5] =	ssyncset.done $0x0  }
0x96: {  	s16 =	sld [smem:$0x10];
	[sflag:s5] =	ssyncadd.s32 $0xFFFFFFFF  }
0x97: {  	s17 =	sld [smem:$0x11];
	(tm) =	ssettm $0x1  }
0x98: {  	s18 =	sld [smem:$0x3FFB];
	_ =	sdelay $0x3  }
0x99: {  	_ =	strace s18  }
0x9a: {  	s6 =	sld [smem:$0x3FFC];
	_ =	sdelay $0x3  }
0x9b: {  	_ =	strace s6  }
0x9c: {  	s6 =	sld [smem:$0x3FFD];
	_ =	sdelay $0x3  }
0x9d: {  	_ =	strace s6  }
0x9e: {  	_ =	strace $0x8FFFFFFF  }
0x9f: {  	s19 =	sld [smem:$0x3FDB];
	_ =	sdelay $0x1  }
0xa0: {  	s7 =	simm.s32 $_scs_section_size  }
0xa1: {  	s8 =	simm.s32 $_size__tile_overlayer_lowered;
	s9 =	simm.s32 $_tile_overlayer_lowered  }
0xa2: {  	s22 =	simm.s32 $0x1BFF;
	s21 =	sshll.u32 s9, $0x1;
	s6 =	sadd.s32 s7, s19  }
0xa3: {  	s10 =	simm.s32 $0x0;
	s20 =	sshll.u32 s8, $0x1;
	s8 =	sadd.s32 s21, s6  }
0xa4: {  	[timem:s10], [sflag:s22] =	dma.local [hbm:s8], s20  }
0xa5: {  	_ =	swait.ge [sflag:s22], s20  }
0xa6: {  	s7 =	ssub.s32 $0x0, s20;
	[sflag:s22] =	ssyncset.done $0x0  }
0xa7: {  	[sflag:s22] =	ssyncadd.s32 s7;
	_ =	sdelay $0x1  }
0xa8: {  	s23 =	simm.s32 $0x1B8B  }
0xa9: {  	_ =	swait.ge [sflag:s23], $0x1  }
0xaa: {  	[sflag:s23] =	ssyncset.done $0x0  }
0xab: {  	s25 =	simm.s32 $0x1B8E;
	s24 =	sld [smem:$0x3FFE];
	[sflag:s23] =	ssyncadd.s32 $0xFFFFFFFF  }
0xac: {  	s26 =	simm.s32 $execute0_lowered;
	[smem:$0x3FD2] =	sst s25  }
0xad: {  	s8 =	sshll.u32 s26, $0x1;
	_ =	strace $0x80000046;
	[dreg:$0x1] =	wrdreg $0xFFFFFFFF  }
0xae: {  	s28 =	simm.s32 $_size_execute0_lowered;
	s6 =	sadd.s32 s6, s8;
	[dreg:$0x0] =	wrdreg $0x0  }
0xaf: {  	s8 =	sshll.u32 s28, $0x1;
	[dreg:$0x2] =	wrdreg s6  }
0xb0: {  	[dreg:$0x3] =	wrdreg s8  }
0xb1: {  	[dreg:$0x4] =	wrdreg $0xC0  }
0xb2: {  	_ =	task [dreg:s10], $0x5FFFF  }
0xb3: {  	[dreg:$0x1] =	wrdreg $0xFFFFFFFF  }
0xb4: {  	[dreg:$0x0] =	wrdreg $0x60  }
0xb5: {  	[dreg:$0x2] =	wrdreg s15  }
0xb6: {  	[dreg:$0x3] =	wrdreg s4  }
0xb7: {  	[dreg:$0x4] =	wrdreg s24  }
0xb8: {  	[dreg:$0x5] =	wrdreg s16  }
0xb9: {  	[dreg:$0x6] =	wrdreg s17  }
0xba: {  	[dreg:$0x7] =	wrdreg $0x9  }
0xbb: {  	_ =	task.clear_ibuf [dreg:s10], $0x8FFFF;
	_ =	strace $0x90000046  }
0xbc: {  	s29 =	simm.s32 $0x9;
	_ =	strace $0x80000048  }
0xbd: {  	_ =	swait.ge [sflag:s29], $0x1  }
0xbe: {  	[sflag:s29] =	ssyncadd.s32 $0xFFFFFFFF  }
0xbf: {  	_ =	strace $0x90000048  }
0xc0: {  	_ =	sfence  }
0xc1: {  	s30 =	sld [smem:$0x0];
	_ =	sdelay $0x2  }
0xc2: {  	s31 =	sshll.u32 s1, $0xD;
	s1 =	sshrl.u32 s1, $0x2  }
0xc3: {  	s3 =	sand.u32 $0x4000, s31;
	s1 =	sadd.s32 s1, s30  }
0xc4: {  	s0 =	sor.u32 s3, s0;
	s1 =	sshll.u32 s1, $0x11  }
0xc5: {  	s0 =	sor.u32 s1, s0  }
0xc6: {  	s0 =	sadd.s32 $0x8F2B, s0  }
0xc7: {  	[sflag:s0] =	ssyncadd.remote.s32 $0x1  }
0xc8: {  	_ =	sfence.sel $0xFFFF  }
0xc9: {  	[dreg:$0x0] =	wrdreg $0xFFFFFFFF;
	(pc) =	sbr.abs _section_cstart, $3  }
0xca: {  	[dreg:$0x1] =	wrdreg $0xFFFFFFFF  }
0xcb: {  	_ =	task.clear_ibuf [dreg:s10], $0x2FFFF;
	_ =	strace $0x9FFFFFFF  }
0xcc: {  	(tm) =	ssettm $0x7FFFFFFF  }
0xcd: {  	_ =	shalt  }
tec
execute0_lowered:
.L_overlay_start_1:
0x0: {  	(tag) =	ssettag $0x1  }
0x1: {  	s0 =	rddreg [dreg:$0x2]  }
0x2: {  	s1 =	rddreg [dreg:$0x3]  }
0x3: {  	s3 =	rddreg [dreg:$0x4]  }
0x4: {  	s4 =	simm.s32 $0x0;
	s2 =	srdreg.scid;
	s7 =	stileid.u32  }
0x5: {  	s12 =	simm.s32 $0x680;
	s13 =	simm.s32 $0x2;
	s14 =	simm.s32 $0x688  }
0x6: {  	s15 =	simm.s32 $0x8;
	s18 =	simm.s32 $0x64;
	s28 =	simm.s32 $0x16890  }
0x7: {  	s29 =	simm.s32 $0x618;
	s30 =	simm.s32 $0x18190;
	s31 =	simm.s32 $0x1  }
0x8: {  	s11 =	simm.s32 $0x19D00;
	s16 =	simm.s32 $0x19F70;
	s17 =	simm.s32 $0x1A040  }
0x9: {  	s20 =	simm.s32 $0x0;
	[smem:$0x7FF] =	sst s4;
	s6 =	sadd.s32 $0xA00, s0  }
0xa: {  	s2 =	sand.u32 $0x1, s2;
	s8 =	sshll.u32 s7, $0xA;
	s7 =	sadd.s32 $0x16E4400, s0  }
0xb: {  	s9 =	sadd.s32 $0xF43000, s0;
	s5 =	ssub.s32 $0x2, s2;
	s2 =	sshll.u32 s2, $0x9  }
0xc: {  	_ =	strace $0x80000047;
	s10 =	sshrl.u32 s5, $0x1;
	s8 =	sor.u32 s2, s8  }
0xd: {  	s26 =	ssub.s32 s5, s10;
	s2 =	sshrl.u32 s8, $0x3;
	s5 =	simm.s32 $0x19B60  }
0xe: {  	vm0 =	vmmov $0x1;
	s10 =	simm.s32 $0x19C30;
	s1 =	sadd.s32 s1, s2;
	s0 =	smax.u32 s26, $0x1  }
0xf: {  	vm1 =	vmmov $0x3;
	vm2 =	vmmov $0x7;
	vm3 =	vmmov $0xf;
	s26 =	simm.s32 $0x5B0;
	s2 =	simm.s32 $0x19EA0;
	[dreg:$0x6] =	wrdreg s1  }
0x10: {  	vm4 =	vmmov $0x1f;
	vm5 =	vmmov $0x3f;
	vm6 =	vmmov $0x7f;
	[dreg:$0x7] =	wrdreg s0;
	s0 =	simm.s32 $0x19A90;
	s1 =	simm.s32 $0x19DD0  }
.LBB2_1:
0x11: {  	[dreg:$0x8] =	wrdreg s20;
	s19 =	simm.s32 $0x0  }
.LBB2_2:
0x12: {  	s21 =	sshll.u32 s19, $0x3  }
0x13: {  	s20 =	sadd.s32 s8, s21  }
0x14: {  	s22 =	rddreg [dreg:$0x0];
	s23 =	sshrl.u32 s20, $0x3  }
0x15: {  	s24 =	sadd.s32 s22, s23;
	s22 =	simm.s32 $0x0  }
0x16: {  	[tilespmem:s12], [sflag:$0x2] =	stream.linear.gather [hbm4b:s24+s22], $0x8, $0x38;
	[tilespmem:$0x1A318] =	vst v63  }
0x17: {  	_ =	swait.ge [sflag:s13], $0x8  }
0x18: {  	[sflag:s13] =	ssyncset.done $0x0  }
0x19: {  	[sflag:s13] =	ssyncadd.s32 $0xFFFFFFF8  }
0x1a: {  	s25 =	rddreg [dreg:$0x1]  }
0x1b: {  	s23 =	sadd.s32 s25, s23  }
0x1c: {  	[tilespmem:s14], [sflag:$0x2] =	stream.linear.gather [hbm4b:s23+s22], $0x8, $0x38;
	[tilespmem:$0x1A318] =	vst v63  }
0x1d: {  	s24 =	smul.u32 $0x1A, s20;
	_ =	swait.ge [sflag:s13], $0x8  }
0x1e: {  	[sflag:s13] =	ssyncset.done $0x0  }
0x1f: {  	s23 =	sadd.s32 s6, s24;
	[sflag:s13] =	ssyncadd.s32 $0xFFFFFFF8  }
0x20: {  	[tilespmem:s22], [sflag:$0x2] =	stream.linear.gather [hbm4b:s23+s22], $0x680, $0x38;
	[tilespmem:$0x1A318] =	vst v63  }
0x21: {  	_ =	swait.ge [sflag:s13], $0x680  }
0x22: {  	[sflag:s13] =	ssyncset.done $0x0  }
0x23: {  	s25 =	simm.s32 $0x690;
	[sflag:s13] =	ssyncadd.s32 $0xFFFFF980  }
0x24: {  	[tilespmem:s25], [sflag:$0x1] =	stream.indirect.gather [hbm4b:s7+s15], $0x40, s12, s15, $0xb8;
	[tilespmem:$0x1A318] =	vst v63  }
0x25: {  	s24 =	simm.s32 $0x890  }
0x26: {  	[tilespmem:s24], [sflag:$0x1] =	stream.indirect.gather [hbm4b:s9+s15], $0x40, s14, s15, $0xb8;
	[tilespmem:$0x1A318] =	vst v63  }
0x27: {  	s25 =	simm.s32 $0xA90  }
0x28: {  	[tilespmem:s25], [sflag:$0x1] =	stream.indirect.gather [hbm4b:s9+s18], $0x40, s22, s18, $0xb8;
	[tilespmem:$0x1A318] =	vst v63  }
0x29: {  	s24 =	simm.s32 $0x68;
	s25 =	simm.s32 $0x2390  }
0x2a: {  	[tilespmem:s25], [sflag:$0x1] =	stream.indirect.gather [hbm4b:s9+s18], $0x40, s24, s18, $0xb8;
	[tilespmem:$0x1A318] =	vst v63  }
0x2b: {  	s24 =	simm.s32 $0xD0;
	s25 =	simm.s32 $0x3C90  }
0x2c: {  	[tilespmem:s25], [sflag:$0x1] =	stream.indirect.gather [hbm4b:s9+s18], $0x40, s24, s18, $0xb8;
	[tilespmem:$0x1A318] =	vst v63  }
0x2d: {  	s24 =	simm.s32 $0x138;
	s25 =	simm.s32 $0x5590  }
0x2e: {  	[tilespmem:s25], [sflag:$0x1] =	stream.indirect.gather [hbm4b:s9+s18], $0x40, s24, s18, $0xb8;
	[tilespmem:$0x1A318] =	vst v63  }
0x2f: {  	s24 =	simm.s32 $0x1A0;
	s25 =	simm.s32 $0x6E90  }
0x30: {  	[tilespmem:s25], [sflag:$0x1] =	stream.indirect.gather [hbm4b:s9+s18], $0x40, s24, s18, $0xb8;
	[tilespmem:$0x1A318] =	vst v63  }
0x31: {  	s24 =	simm.s32 $0x208;
	s25 =	simm.s32 $0x8790  }
0x32: {  	[tilespmem:s25], [sflag:$0x1] =	stream.indirect.gather [hbm4b:s9+s18], $0x40, s24, s18, $0xb8;
	[tilespmem:$0x1A318] =	vst v63  }
0x33: {  	s24 =	simm.s32 $0x270;
	s25 =	simm.s32 $0xA090  }
0x34: {  	[tilespmem:s25], [sflag:$0x1] =	stream.indirect.gather [hbm4b:s9+s18], $0x40, s24, s18, $0xb8;
	[tilespmem:$0x1A318] =	vst v63  }
0x35: {  	s24 =	simm.s32 $0x2D8;
	s25 =	simm.s32 $0xB990  }
0x36: {  	[tilespmem:s25], [sflag:$0x1] =	stream.indirect.gather [hbm4b:s9+s18], $0x40, s24, s18, $0xb8;
	[tilespmem:$0x1A318] =	vst v63  }
0x37: {  	s24 =	simm.s32 $0x340;
	s25 =	simm.s32 $0xD290  }
0x38: {  	[tilespmem:s25], [sflag:$0x1] =	stream.indirect.gather [hbm4b:s9+s18], $0x40, s24, s18, $0xb8;
	[tilespmem:$0x1A318] =	vst v63  }
0x39: {  	s24 =	simm.s32 $0x3A8;
	s25 =	simm.s32 $0xEB90  }
0x3a: {  	[tilespmem:s25], [sflag:$0x1] =	stream.indirect.gather [hbm4b:s9+s18], $0x40, s24, s18, $0xb8;
	[tilespmem:$0x1A318] =	vst v63  }
0x3b: {  	s24 =	simm.s32 $0x410;
	s25 =	simm.s32 $0x10490  }
0x3c: {  	[tilespmem:s25], [sflag:$0x1] =	stream.indirect.gather [hbm4b:s9+s18], $0x40, s24, s18, $0xb8;
	[tilespmem:$0x1A318] =	vst v63  }
0x3d: {  	s24 =	simm.s32 $0x478;
	s25 =	simm.s32 $0x11D90  }
0x3e: {  	[tilespmem:s25], [sflag:$0x1] =	stream.indirect.gather [hbm4b:s9+s18], $0x40, s24, s18, $0xb8;
	[tilespmem:$0x1A318] =	vst v63  }
0x3f: {  	s24 =	simm.s32 $0x4E0;
	s25 =	simm.s32 $0x13690  }
0x40: {  	[tilespmem:s25], [sflag:$0x1] =	stream.indirect.gather [hbm4b:s9+s18], $0x40, s24, s18, $0xb8;
	[tilespmem:$0x1A318] =	vst v63  }
0x41: {  	s24 =	simm.s32 $0x548;
	s25 =	simm.s32 $0x14F90  }
0x42: {  	[tilespmem:s25], [sflag:$0x1] =	stream.indirect.gather [hbm4b:s9+s18], $0x40, s24, s18, $0xb8;
	[tilespmem:$0x1A318] =	vst v63  }
0x43: {  	_ = 	snop  }
0x44: {  	[tilespmem:s28], [sflag:$0x1] =	stream.indirect.gather [hbm4b:s9+s18], $0x40, s26, s18, $0xb8;
	[tilespmem:$0x1A318] =	vst v63  }
0x45: {  	_ = 	snop  }
0x46: {  	[tilespmem:s30], [sflag:$0x1] =	stream.indirect.gather [hbm4b:s9+s18], $0x40, s29, s18, $0xb8;
	[tilespmem:$0x1A318] =	vst v63  }
0x47: {  	_ =	swait.ge [sflag:s31], $0x200  }
0x48: {  	[sflag:s31] =	ssyncset.done $0x0  }
0x49: {  	[sflag:s31] =	ssyncadd.s32 $0xFFFFFE00  }
0x4a: {  	_ =	swait.ge [sflag:s31], $0x200  }
0x4b: {  	[sflag:s31] =	ssyncset.done $0x0  }
0x4c: {  	[sflag:s31] =	ssyncadd.s32 $0xFFFFFE00  }
0x4d: {  	_ =	swait.ge [sflag:s31], $0x1900  }
0x4e: {  	[sflag:s31] =	ssyncset.done $0x0  }
0x4f: {  	[sflag:s31] =	ssyncadd.s32 $0xFFFFE700  }
0x50: {  	_ =	swait.ge [sflag:s31], $0x1900  }
0x51: {  	[sflag:s31] =	ssyncset.done $0x0  }
0x52: {  	[sflag:s31] =	ssyncadd.s32 $0xFFFFE700  }
0x53: {  	_ =	swait.ge [sflag:s31], $0x1900  }
0x54: {  	[sflag:s31] =	ssyncset.done $0x0  }
0x55: {  	[sflag:s31] =	ssyncadd.s32 $0xFFFFE700  }
0x56: {  	_ =	swait.ge [sflag:s31], $0x1900  }
0x57: {  	[sflag:s31] =	ssyncset.done $0x0  }
0x58: {  	[sflag:s31] =	ssyncadd.s32 $0xFFFFE700  }
0x59: {  	_ =	swait.ge [sflag:s31], $0x1900  }
0x5a: {  	[sflag:s31] =	ssyncset.done $0x0  }
0x5b: {  	[sflag:s31] =	ssyncadd.s32 $0xFFFFE700  }
0x5c: {  	_ =	swait.ge [sflag:s31], $0x1900  }
0x5d: {  	[sflag:s31] =	ssyncset.done $0x0  }
0x5e: {  	[sflag:s31] =	ssyncadd.s32 $0xFFFFE700  }
0x5f: {  	_ =	swait.ge [sflag:s31], $0x1900  }
0x60: {  	[sflag:s31] =	ssyncset.done $0x0  }
0x61: {  	[sflag:s31] =	ssyncadd.s32 $0xFFFFE700  }
0x62: {  	_ =	swait.ge [sflag:s31], $0x1900  }
0x63: {  	[sflag:s31] =	ssyncset.done $0x0  }
0x64: {  	[sflag:s31] =	ssyncadd.s32 $0xFFFFE700  }
0x65: {  	_ =	swait.ge [sflag:s31], $0x1900  }
0x66: {  	[sflag:s31] =	ssyncset.done $0x0  }
0x67: {  	[sflag:s31] =	ssyncadd.s32 $0xFFFFE700  }
0x68: {  	_ =	swait.ge [sflag:s31], $0x1900  }
0x69: {  	[sflag:s31] =	ssyncset.done $0x0  }
0x6a: {  	[sflag:s31] =	ssyncadd.s32 $0xFFFFE700  }
0x6b: {  	_ =	swait.ge [sflag:s31], $0x1900  }
0x6c: {  	[sflag:s31] =	ssyncset.done $0x0  }
0x6d: {  	[sflag:s31] =	ssyncadd.s32 $0xFFFFE700  }
0x6e: {  	_ =	swait.ge [sflag:s31], $0x1900  }
0x6f: {  	[sflag:s31] =	ssyncset.done $0x0  }
0x70: {  	[sflag:s31] =	ssyncadd.s32 $0xFFFFE700  }
0x71: {  	_ =	swait.ge [sflag:s31], $0x1900  }
0x72: {  	[sflag:s31] =	ssyncset.done $0x0  }
0x73: {  	[sflag:s31] =	ssyncadd.s32 $0xFFFFE700  }
0x74: {  	_ =	swait.ge [sflag:s31], $0x1900  }
0x75: {  	[sflag:s31] =	ssyncset.done $0x0  }
0x76: {  	[sflag:s31] =	ssyncadd.s32 $0xFFFFE700  }
0x77: {  	_ =	swait.ge [sflag:s31], $0x1900  }
0x78: {  	[sflag:s31] =	ssyncset.done $0x0  }
0x79: {  	[sflag:s31] =	ssyncadd.s32 $0xFFFFE700  }
0x7a: {  	_ =	swait.ge [sflag:s31], $0x1900  }
0x7b: {  	[sflag:s31] =	ssyncset.done $0x0  }
0x7c: {  	[sflag:s31] =	ssyncadd.s32 $0xFFFFE700  }
0x7d: {  	v2 =	vld [tilespmem:$0x890];
	_ =	sdelay $0x4  }
0x7e: {  	[tilespmem:$0x1FFC0] =	vst v2;
	v2 =	vld [tilespmem:$0x8A0];
	_ =	sdelay $0x1  }
0x7f: {  	v5 =	vld [tilespmem:$0x690]  }
0x80: {  	v4 =	vld [tilespmem:$0x6A0]  }
0x81: {  	v0 =	vld [tilespmem:$0x6B0]  }
0x82: {  	[tilespmem:$0x1FFD0] =	vst v2;
	v2 =	vld [tilespmem:$0x8B0]  }
0x83: {  	s23 =	simm.s32 $0xB90;
	v1 =	vld [tilespmem:$0x6C0]  }
0x84: {  	v6 =	vld [tilespmem:s23+$0xB0]  }
0x85: {  	v10 =	vld [tilespmem:s23+$0x70]  }
0x86: {  	v7 =	vld [tilespmem:s23+$0xA0]  }
0x87: {  	[tilespmem:$0x1FFE0] =	vst v2;
	v2 =	vld [tilespmem:$0x8C0]  }
0x88: {  	v8 =	vld [tilespmem:s23+$0xC0]  }
0x89: {  	v9 =	vld [tilespmem:s23+$0x60]  }
0x8a: {  	v11 =	vld [tilespmem:s23+$0x90]  }
0x8b: {  	v12 =	vld [tilespmem:s23+$0x40]  }
0x8c: {  	[tilespmem:$0x1FFF0] =	vst v2;
	v2 =	vld [tilespmem:s23+$0x80]  }
0x8d: {  	v13 =	vld [tilespmem:s23+$0x50]  }
0x8e: {  	v16 =	vld [tilespmem:s23+$0xFFFFFFF0]  }
0x8f: {  	v3 =	vld [tilespmem:s23+$0xFFFFFFB0]  }
0x90: {  	v14 =	vld [tilespmem:s23+$0xFFFFFFE0]  }
0x91: {  	v15 =	vld [tilespmem:s23+$0xFFFFFFC0];
	v11 =	vmul.f32 v11, v4;
	v17 =	vmul.f32 v2, v5  }
0x92: {  	v18 =	vld [tilespmem:s23+$0xFFFFFFD0];
	v12 =	vmul.f32 v12, v5;
	v13 =	vmul.f32 v13, v4  }
0x93: {  	v19 =	vld [tilespmem:s23+$0xFFFFFF90];
	v7 =	vmul.f32 v7, v0;
	v11 =	vadd.f32 v11, v17  }
0x94: {  	v12 =	vadd.f32 v13, v12;
	v13 =	vmul.f32 v9, v0;
	v9 =	vld [tilespmem:s23+$0xFFFFFF00]  }
0x95: {  	v6 =	vmul.f32 v6, v1;
	v17 =	vld [tilespmem:s23+$0xFFFFFF80];
	v11 =	vadd.f32 v7, v11  }
0x96: {  	v12 =	vadd.f32 v13, v12;
	v13 =	vmul.f32 v10, v1;
	v10 =	vld [tilespmem:s23+$0xFFFFFF40]  }
0x97: {  	v15 =	vmul.f32 v15, v5;
	v18 =	vmul.f32 v18, v4;
	v7 =	vld [tilespmem:s23+$0xFFFFFFA0];
	v20 =	vadd.f32 v6, v11  }
0x98: {  	v11 =	vld [tilespmem:s23+$0xFFFFFF10]  }
0x99: {  	v14 =	vmul.f32 v14, v0;
	v18 =	vadd.f32 v18, v15;
	v12 =	vadd.f32 v13, v12;
	v13 =	vld [tilespmem:s23+$0xFFFFFF50];
	(xrf2) =	vadd.scan.msk.f32 $0xffff, v20  }
0x9a: {  	v6 =	vld [tilespmem:s23+$0xFFFFFF20];
	v15 =	vmul.f32 v17, v5;
	v17 =	vmul.f32 v19, v4  }
0x9b: {  	s24 =	simm.s32 $0x20;
	v16 =	vmul.f32 v16, v1;
	v14 =	vadd.f32 v14, v18;
	v2 =	vld [tilespmem:s23+$0x0]  }
.LBB2_3:
0x9c: {  	p0 =	sne.s32 s24, $0x300;
	v18 =	vld [tilespmem:s23+$0xFFFFFF30];
	v15 =	vadd.f32 v17, v15;
	v7 =	vmul.f32 v7, v0;
	(xrf2) =	vadd.scan.msk.f32 $0xffff, v12  }
0x9d: {  	v9 =	vmul.f32 v9, v5;
	v11 =	vmul.f32 v11, v4;
	v12 =	vld [tilespmem:s23+$0xFFFFFF60];
	v14 =	vadd.f32 v16, v14  }
0x9e: {  	v3 =	vmul.f32 v3, v1;
	v7 =	vadd.f32 v7, v15;
	v15 =	vld [tilespmem:s23+$0x10]  }
0x9f: {  	v6 =	vmul.f32 v6, v0;
	v9 =	vadd.f32 v11, v9;
	v11 =	vld [tilespmem:s23+$0xFFFFFF70];
	(xrf2) =	vadd.scan.msk.f32 $0xffff, v14  }
0xa0: {  	v10 =	vmul.f32 v10, v5;
	v13 =	vmul.f32 v13, v4;
	v3 =	vadd.f32 v3, v7;
	v7 =	vld [tilespmem:s23+$0x20]  }
0xa1: {  	v6 =	vadd.f32 v6, v9;
	v9 =	vmul.f32 v18, v1;
	v14 =	vld [tilespmem:s23+$0xD0]  }
0xa2: {  	v10 =	vadd.f32 v13, v10;
	v12 =	vmul.f32 v12, v0;
	v13 =	vld [tilespmem:s23+$0x30];
	(xrf2) =	vadd.scan.msk.f32 $0xffff, v3  }
0xa3: {  	v2 =	vmul.f32 v2, v5;
	v3 =	vadd.f32 v9, v6;
	v6 =	vmul.f32 v15, v4;
	v9 =	vld [tilespmem:s23+$0xE0];
	v15, _, _ =	vpop (xrf2)  }
0xa4: {  	v10 =	vadd.f32 v12, v10;
	v12 =	vmul.f32 v11, v1  }
0xa5: {  	v2 =	vadd.f32 v6, v2;
	v6 =	vmul.f32 v7, v0;
	v7 =	vld [tilespmem:s23+$0xF0];
	(xrf2) =	vadd.scan.msk.f32 $0xffff, v3  }
0xa6: {  	v8 =	vmul.f32 v8, v5;
	v12 =	vadd.f32 v12, v10;
	v10 =	vmul.f32 v14, v4;
	v11, _, _ =	vpop (xrf2)  }
0xa7: {  	v2 =	vadd.f32 v6, v2;
	v6 =	vmul.f32 v13, v1  }
0xa8: {  	v8 =	vadd.f32 v10, v8;
	v9 =	vmul.f32 v9, v0;
	(xrf2) =	vadd.scan.msk.f32 $0xffff, v12  }
0xa9: {  	v2 =	vadd.f32 v6, v2;
	v3, _, _ =	vpop (xrf2)  }
0xaa: {  	v8 =	vadd.f32 v9, v8;
	v7 =	vmul.f32 v7, v1  }
0xab: {  	(xrf2) =	vadd.scan.msk.f32 $0xffff, v2  }
0xac: {  	v7 =	vadd.f32 v7, v8;
	v6, _, _ =	vpop (xrf2);
	_ =	sdelay $0x1  }
0xad: {  	(xrf2) =	vadd.scan.msk.f32 $0xffff, v7  }
0xae: {  	v2, _, _ =	vpop (xrf2);
	_ =	sdelay $0x2  }
0xaf: {  	v7, _, _ =	vpop (xrf2)  }
0xb0: {  	v2 =	vbroadcast v2, $0xF;
	v8 =	vbroadcast v7, $0xF  }
0xb1: {  	v6 =	vbroadcast v6, $0xF  }
0xb2: {  	v3 =	vbroadcast v3, $0xF;
	v2 =	vsel vm0, v2, v8;
	v7, _, _ =	vpop (xrf2)  }
0xb3: {  	v2 =	vsel vm1, v2, v6;
	v6 =	vbroadcast v7, $0xF  }
0xb4: {  	v2 =	vsel vm2, v2, v3;
	v3 =	vbroadcast v11, $0xF  }
0xb5: {  	v2 =	vsel vm3, v2, v6;
	v6 =	vbroadcast v15, $0xF;
	v7, _, _ =	vpop (xrf2)  }
0xb6: {  	v2 =	vsel vm4, v2, v3;
	v3 =	vbroadcast v7, $0xF  }
0xb7: {  	v2 =	vsel vm5, v2, v6  }
0xb8: {  	s25 =	sshra.s32 s22, $0x2;
	s22 =	smov.u32 s24;
	v2 =	vsel vm6, v2, v3  }
0xb9: {  	s23 =	sadd.s32 $0x200, s23;
	[tilespmem:s25+$0x19A90] =	vst.msk $0xff, v2  }
0xba: {  	v6 =	vld [tilespmem:s23+$0xB0]  }
0xbb: {  	v10 =	vld [tilespmem:s23+$0x70]  }
0xbc: {  	v7 =	vld [tilespmem:s23+$0xA0]  }
0xbd: {  	v8 =	vld [tilespmem:s23+$0xC0]  }
0xbe: {  	v9 =	vld [tilespmem:s23+$0x60]  }
0xbf: {  	v2 =	vld [tilespmem:s23+$0x80]  }
0xc0: {  	v11 =	vld [tilespmem:s23+$0x90]  }
0xc1: {  	v16 =	vld [tilespmem:s23+$0xFFFFFFF0]  }
0xc2: {  	v12 =	vld [tilespmem:s23+$0x40]  }
0xc3: {  	v13 =	vld [tilespmem:s23+$0x50]  }
0xc4: {  	v3 =	vld [tilespmem:s23+$0xFFFFFFB0]  }
0xc5: {  	v14 =	vld [tilespmem:s23+$0xFFFFFFE0]  }
0xc6: {  	v17 =	vmul.f32 v2, v5;
	v11 =	vmul.f32 v11, v4;
	v15 =	vld [tilespmem:s23+$0xFFFFFFC0]  }
0xc7: {  	v18 =	vld [tilespmem:s23+$0xFFFFFFD0]  }
0xc8: {  	v7 =	vmul.f32 v7, v0;
	v11 =	vadd.f32 v11, v17;
	v2 =	vld [tilespmem:s23+$0x0]  }
0xc9: {  	v12 =	vmul.f32 v12, v5;
	v13 =	vmul.f32 v13, v4;
	v17 =	vld [tilespmem:s23+$0xFFFFFF80]  }
0xca: {  	v6 =	vmul.f32 v6, v1;
	v11 =	vadd.f32 v7, v11;
	v19 =	vld [tilespmem:s23+$0xFFFFFF90]  }
0xcb: {  	v12 =	vadd.f32 v13, v12;
	v13 =	vmul.f32 v9, v0;
	v7 =	vld [tilespmem:s23+$0xFFFFFFA0]  }
.Ltmp0:
0xcc: {  	v15 =	vmul.f32 v15, v5;
	v20 =	vadd.f32 v6, v11;
	v9 =	vld [tilespmem:s23+$0xFFFFFF00];
	v18 =	vmul.f32 v18, v4;
	(pc) =	sbr.rel @p0 .LBB2_3-.Ltmp0, $4  }
0xcd: {  	v12 =	vadd.f32 v13, v12;
	v13 =	vmul.f32 v10, v1;
	v11 =	vld [tilespmem:s23+$0xFFFFFF10]  }
0xce: {  	v14 =	vmul.f32 v14, v0;
	v6 =	vld [tilespmem:s23+$0xFFFFFF20];
	v18 =	vadd.f32 v18, v15;
	(xrf2) =	vadd.scan.msk.f32 $0xffff, v20  }
0xcf: {  	v15 =	vmul.f32 v17, v5;
	v12 =	vadd.f32 v13, v12;
	v10 =	vld [tilespmem:s23+$0xFFFFFF40];
	v17 =	vmul.f32 v19, v4  }
0xd0: {  	s24 =	sadd.s32 $0x20, s24;
	v16 =	vmul.f32 v16, v1;
	v13 =	vld [tilespmem:s23+$0xFFFFFF50];
	v14 =	vadd.f32 v14, v18  }
0xd1: {  	v19 =	vld [tilespmem:s23+$0xFFFFFF60]  }
0xd2: {  	v15 =	vadd.f32 v17, v15;
	v17 =	vld [tilespmem:s23+$0x10];
	v9 =	vmul.f32 v9, v5;
	v11 =	vmul.f32 v11, v4  }
0xd3: {  	v18 =	vld [tilespmem:s23+$0xFFFFFF30];
	v7 =	vmul.f32 v7, v0  }
0xd4: {  	v14 =	vadd.f32 v16, v14;
	v16 =	vld [tilespmem:s23+$0xFFFFFF70];
	v6 =	vmul.f32 v6, v0;
	v9 =	vadd.f32 v11, v9  }
0xd5: {  	v7 =	vadd.f32 v7, v15;
	v15 =	vld [tilespmem:s23+$0x20];
	v10 =	vmul.f32 v10, v5;
	v13 =	vmul.f32 v13, v4  }
0xd6: {  	v3 =	vmul.f32 v3, v1;
	v11 =	vld [tilespmem:s23+$0xD0];
	v6 =	vadd.f32 v6, v9  }
0xd7: {  	v9 =	vmul.f32 v17, v4;
	v17 =	vld [tilespmem:s23+$0xE0];
	v10 =	vadd.f32 v13, v10;
	v13 =	vmul.f32 v19, v0  }
0xd8: {  	v2 =	vmul.f32 v2, v5;
	v18 =	vmul.f32 v18, v1;
	v19 =	vld [tilespmem:s23+$0x30]  }
0xd9: {  	(xrf2) =	vadd.scan.msk.f32 $0xffff, v12;
	v3 =	vadd.f32 v3, v7;
	v7 =	vadd.f32 v13, v10;
	v10 =	vmul.f32 v16, v1  }
0xda: {  	v12 =	vld [tilespmem:s23+$0xF0];
	(xrf2) =	vadd.scan.msk.f32 $0xffff, v14;
	v6 =	vadd.f32 v18, v6;
	v2 =	vadd.f32 v9, v2;
	v9 =	vmul.f32 v15, v0  }
0xdb: {  	(xrf2) =	vadd.scan.msk.f32 $0xffff, v3;
	v3 =	vadd.f32 v10, v7;
	v7 =	vmul.f32 v8, v5;
	v8 =	vmul.f32 v11, v4  }
0xdc: {  	v2 =	vadd.f32 v9, v2  }
0xdd: {  	(xrf2) =	vadd.scan.msk.f32 $0xffff, v6;
	v6 =	vmul.f32 v19, v1;
	v7 =	vadd.f32 v8, v7;
	v8 =	vmul.f32 v17, v0  }
0xde: {  	(xrf2) =	vadd.scan.msk.f32 $0xffff, v3  }
0xdf: {  	v2 =	vadd.f32 v6, v2;
	v6 =	vmul.f32 v12, v1;
	v3 =	vadd.f32 v8, v7;
	_ =	sdelay $0x1  }
0xe0: {  	(xrf2) =	vadd.scan.msk.f32 $0xffff, v2;
	v2 =	vadd.f32 v6, v3;
	_ =	sdelay $0x1  }
0xe1: {  	v3, _, _ =	vpop (xrf2)  }
0xe2: {  	v6, _, _ =	vpop (xrf2)  }
0xe3: {  	(xrf2) =	vadd.scan.msk.f32 $0xffff, v2;
	v2, _, _ =	vpop (xrf2)  }
0xe4: {  	v7, _, _ =	vpop (xrf2)  }
0xe5: {  	v8, _, _ =	vpop (xrf2)  }
0xe6: {  	v9, _, _ =	vpop (xrf2)  }
0xe7: {  	v9 =	vbroadcast v9, $0xF  }
0xe8: {  	v8 =	vbroadcast v8, $0xF  }
0xe9: {  	v7 =	vbroadcast v7, $0xF  }
0xea: {  	v8 =	vsel vm0, v8, v9  }
0xeb: {  	v2 =	vbroadcast v2, $0xF;
	v7 =	vsel vm1, v8, v7;
	v9, _, _ =	vpop (xrf2)  }
0xec: {  	v8 =	vbroadcast v9, $0xF  }
0xed: {  	v6 =	vbroadcast v6, $0xF;
	v2 =	vsel vm2, v7, v2  }
0xee: {  	v3 =	vbroadcast v3, $0xF;
	v7, _, _ =	vpop (xrf2);
	v2 =	vsel vm3, v2, v8  }
0xef: {  	v2 =	vsel vm4, v2, v6;
	v6 =	vbroadcast v7, $0xF  }
0xf0: {  	v2 =	vsel vm5, v2, v3  }
0xf1: {  	s22 =	sshra.s32 s22, $0x2;
	v2 =	vsel vm6, v2, v6  }
0xf2: {  	[tilespmem:s22+$0x19A90] =	vst.msk $0xff, v2  }
0xf3: {  	v2 =	vld [tilespmem:$0x8D0];
	_ =	sdelay $0x4  }
0xf4: {  	[tilespmem:$0x1FF80] =	vst v2;
	v2 =	vld [tilespmem:$0x8E0];
	_ =	sdelay $0x1  }
0xf5: {  	v12 =	vld [tilespmem:$0x6D0]  }
0xf6: {  	v13 =	vld [tilespmem:$0x6E0]  }
0xf7: {  	v10 =	vld [tilespmem:$0x6F0]  }
0xf8: {  	[tilespmem:$0x1FF90] =	vst v2;
	v2 =	vld [tilespmem:$0x8F0]  }
0xf9: {  	s22 =	simm.s32 $0x3E80;
	v8 =	vld [tilespmem:$0x700]  }
0xfa: {  	v6 =	vld [tilespmem:s22+$0xFFFFFFC0]  }
0xfb: {  	v11 =	vld [tilespmem:s22+$0xFFFFFF80]  }
0xfc: {  	v7 =	vld [tilespmem:s22+$0xFFFFFFB0]  }
0xfd: {  	[tilespmem:$0x1FFA0] =	vst v2;
	v2 =	vld [tilespmem:$0x900]  }
0xfe: {  	v16 =	vld [tilespmem:s22+$0xFFFFFFD0]  }
0xff: {  	v9 =	vld [tilespmem:s22+$0xFFFFFF70]  }
0x100: {  	v14 =	vld [tilespmem:s22+$0xFFFFFFA0]  }
0x101: {  	v15 =	vld [tilespmem:s22+$0xFFFFFF50]  }
0x102: {  	[tilespmem:$0x1FFB0] =	vst v2;
	v2 =	vld [tilespmem:s22+$0xFFFFFF90]  }
0x103: {  	v17 =	vld [tilespmem:s22+$0xFFFFFF60]  }
0x104: {  	v20 =	vld [tilespmem:s22+$0xFFFFFF00]  }
0x105: {  	v3 =	vld [tilespmem:s22+$0xFFFFFEC0]  }
0x106: {  	v18 =	vld [tilespmem:s22+$0xFFFFFEF0]  }
0x107: {  	v19 =	vld [tilespmem:s22+$0xFFFFFED0];
	v14 =	vmul.f32 v14, v13;
	v21 =	vmul.f32 v2, v12  }
0x108: {  	v22 =	vld [tilespmem:s22+$0xFFFFFEE0];
	v15 =	vmul.f32 v15, v12;
	v17 =	vmul.f32 v17, v13  }
0x109: {  	v23 =	vld [tilespmem:s22+$0xFFFFFEA0];
	v7 =	vmul.f32 v7, v10;
	v14 =	vadd.f32 v14, v21  }
0x10a: {  	v15 =	vadd.f32 v17, v15;
	v17 =	vmul.f32 v9, v10;
	v9 =	vld [tilespmem:s22+$0xFFFFFE10]  }
0x10b: {  	v6 =	vmul.f32 v6, v8;
	v21 =	vld [tilespmem:s22+$0xFFFFFE90];
	v14 =	vadd.f32 v7, v14  }
0x10c: {  	v15 =	vadd.f32 v17, v15;
	v17 =	vmul.f32 v11, v8;
	v11 =	vld [tilespmem:s22+$0xFFFFFE50]  }
0x10d: {  	v19 =	vmul.f32 v19, v12;
	v22 =	vmul.f32 v22, v13;
	v7 =	vld [tilespmem:s22+$0xFFFFFEB0];
	v24 =	vadd.f32 v6, v14  }
0x10e: {  	v14 =	vld [tilespmem:s22+$0xFFFFFE20]  }
0x10f: {  	v18 =	vmul.f32 v18, v10;
	v22 =	vadd.f32 v22, v19;
	v15 =	vadd.f32 v17, v15;
	v17 =	vld [tilespmem:s22+$0xFFFFFE60];
	(xrf2) =	vadd.scan.msk.f32 $0xffff, v24  }
0x110: {  	v6 =	vld [tilespmem:s22+$0xFFFFFE30];
	v19 =	vmul.f32 v21, v12;
	v21 =	vmul.f32 v23, v13  }
0x111: {  	s24 =	simm.s32 $0x20;
	s23 =	simm.s32 $0x0;
	v20 =	vmul.f32 v20, v8;
	v18 =	vadd.f32 v18, v22;
	v2 =	vld [tilespmem:s22+$0xFFFFFF10]  }
.LBB2_5:
0x112: {  	p0 =	sne.s32 s24, $0x300;
	v22 =	vld [tilespmem:s22+$0xFFFFFE40];
	v19 =	vadd.f32 v21, v19;
	v7 =	vmul.f32 v7, v10;
	(xrf2) =	vadd.scan.msk.f32 $0xffff, v15  }
0x113: {  	v9 =	vmul.f32 v9, v12;
	v14 =	vmul.f32 v14, v13;
	v15 =	vld [tilespmem:s22+$0xFFFFFE70];
	v18 =	vadd.f32 v20, v18  }
0x114: {  	v3 =	vmul.f32 v3, v8;
	v7 =	vadd.f32 v7, v19;
	v19 =	vld [tilespmem:s22+$0xFFFFFF20]  }
0x115: {  	v6 =	vmul.f32 v6, v10;
	v9 =	vadd.f32 v14, v9;
	v14 =	vld [tilespmem:s22+$0xFFFFFE80];
	(xrf2) =	vadd.scan.msk.f32 $0xffff, v18  }
0x116: {  	v11 =	vmul.f32 v11, v12;
	v17 =	vmul.f32 v17, v13;
	v3 =	vadd.f32 v3, v7;
	v7 =	vld [tilespmem:s22+$0xFFFFFF30]  }
0x117: {  	v6 =	vadd.f32 v6, v9;
	v9 =	vmul.f32 v22, v8;
	v18 =	vld [tilespmem:s22+$0xFFFFFFE0]  }
0x118: {  	v11 =	vadd.f32 v17, v11;
	v15 =	vmul.f32 v15, v10;
	v17 =	vld [tilespmem:s22+$0xFFFFFF40];
	(xrf2) =	vadd.scan.msk.f32 $0xffff, v3  }
0x119: {  	v2 =	vmul.f32 v2, v12;
	v3 =	vadd.f32 v9, v6;
	v6 =	vmul.f32 v19, v13;
	v9 =	vld [tilespmem:s22+$0xFFFFFFF0];
	v19, _, _ =	vpop (xrf2)  }
0x11a: {  	v11 =	vadd.f32 v15, v11;
	v14 =	vmul.f32 v14, v8  }
0x11b: {  	v2 =	vadd.f32 v6, v2;
	v6 =	vmul.f32 v7, v10;
	v7 =	vld [tilespmem:s22+$0x0];
	(xrf2) =	vadd.scan.msk.f32 $0xffff, v3  }
0x11c: {  	v20 =	vadd.f32 v14, v11;
	v11 =	vmul.f32 v16, v12;
	v14 =	vmul.f32 v18, v13;
	v15, _, _ =	vpop (xrf2)  }
0x11d: {  	v2 =	vadd.f32 v6, v2;
	v6 =	vmul.f32 v17, v8  }
0x11e: {  	v11 =	vadd.f32 v14, v11;
	v9 =	vmul.f32 v9, v10;
	(xrf2) =	vadd.scan.msk.f32 $0xffff, v20  }
0x11f: {  	v2 =	vadd.f32 v6, v2;
	v3, _, _ =	vpop (xrf2)  }
0x120: {  	v9 =	vadd.f32 v9, v11;
	v7 =	vmul.f32 v7, v8  }
0x121: {  	(xrf2) =	vadd.scan.msk.f32 $0xffff, v2  }
0x122: {  	v7 =	vadd.f32 v7, v9;
	v6, _, _ =	vpop (xrf2);
	_ =	sdelay $0x1  }
0x123: {  	(xrf2) =	vadd.scan.msk.f32 $0xffff, v7  }
0x124: {  	v2, _, _ =	vpop (xrf2);
	_ =	sdelay $0x2  }
0x125: {  	v7, _, _ =	vpop (xrf2)  }
0x126: {  	v2 =	vbroadcast v2, $0xF;
	v9 =	vbroadcast v7, $0xF  }
0x127: {  	v6 =	vbroadcast v6, $0xF  }
0x128: {  	v3 =	vbroadcast v3, $0xF;
	v2 =	vsel vm0, v2, v9;
	v7, _, _ =	vpop (xrf2)  }
0x129: {  	v2 =	vsel vm1, v2, v6;
	v6 =	vbroadcast v7, $0xF  }
0x12a: {  	v2 =	vsel vm2, v2, v3;
	v3 =	vbroadcast v15, $0xF  }
0x12b: {  	v2 =	vsel vm3, v2, v6;
	v6 =	vbroadcast v19, $0xF;
	v7, _, _ =	vpop (xrf2)  }
0x12c: {  	v2 =	vsel vm4, v2, v3;
	v3 =	vbroadcast v7, $0xF  }
0x12d: {  	v2 =	vsel vm5, v2, v6  }
0x12e: {  	s25 =	sshra.s32 s23, $0x2;
	s23 =	smov.u32 s24;
	v2 =	vsel vm6, v2, v3  }
0x12f: {  	s22 =	sadd.s32 $0x200, s22;
	[tilespmem:s25+$0x19B60] =	vst.msk $0xff, v2  }
0x130: {  	v6 =	vld [tilespmem:s22+$0xFFFFFFC0]  }
0x131: {  	v11 =	vld [tilespmem:s22+$0xFFFFFF80]  }
0x132: {  	v7 =	vld [tilespmem:s22+$0xFFFFFFB0]  }
0x133: {  	v16 =	vld [tilespmem:s22+$0xFFFFFFD0]  }
0x134: {  	v9 =	vld [tilespmem:s22+$0xFFFFFF70]  }
0x135: {  	v2 =	vld [tilespmem:s22+$0xFFFFFF90]  }
0x136: {  	v14 =	vld [tilespmem:s22+$0xFFFFFFA0]  }
0x137: {  	v20 =	vld [tilespmem:s22+$0xFFFFFF00]  }
0x138: {  	v15 =	vld [tilespmem:s22+$0xFFFFFF50]  }
0x139: {  	v17 =	vld [tilespmem:s22+$0xFFFFFF60]  }
0x13a: {  	v3 =	vld [tilespmem:s22+$0xFFFFFEC0]  }
0x13b: {  	v18 =	vld [tilespmem:s22+$0xFFFFFEF0]  }
0x13c: {  	v21 =	vmul.f32 v2, v12;
	v14 =	vmul.f32 v14, v13;
	v19 =	vld [tilespmem:s22+$0xFFFFFED0]  }
0x13d: {  	v22 =	vld [tilespmem:s22+$0xFFFFFEE0]  }
0x13e: {  	v7 =	vmul.f32 v7, v10;
	v14 =	vadd.f32 v14, v21;
	v2 =	vld [tilespmem:s22+$0xFFFFFF10]  }
0x13f: {  	v15 =	vmul.f32 v15, v12;
	v17 =	vmul.f32 v17, v13;
	v21 =	vld [tilespmem:s22+$0xFFFFFE90]  }
0x140: {  	v6 =	vmul.f32 v6, v8;
	v14 =	vadd.f32 v7, v14;
	v23 =	vld [tilespmem:s22+$0xFFFFFEA0]  }
0x141: {  	v15 =	vadd.f32 v17, v15;
	v17 =	vmul.f32 v9, v10;
	v7 =	vld [tilespmem:s22+$0xFFFFFEB0]  }
.Ltmp1:
0x142: {  	v19 =	vmul.f32 v19, v12;
	v24 =	vadd.f32 v6, v14;
	v9 =	vld [tilespmem:s22+$0xFFFFFE10];
	v22 =	vmul.f32 v22, v13;
	(pc) =	sbr.rel @p0 .LBB2_5-.Ltmp1, $4  }
0x143: {  	v15 =	vadd.f32 v17, v15;
	v17 =	vmul.f32 v11, v8;
	v14 =	vld [tilespmem:s22+$0xFFFFFE20]  }
0x144: {  	v18 =	vmul.f32 v18, v10;
	v6 =	vld [tilespmem:s22+$0xFFFFFE30];
	v22 =	vadd.f32 v22, v19;
	(xrf2) =	vadd.scan.msk.f32 $0xffff, v24  }
0x145: {  	v19 =	vmul.f32 v21, v12;
	v15 =	vadd.f32 v17, v15;
	v11 =	vld [tilespmem:s22+$0xFFFFFE50];
	v21 =	vmul.f32 v23, v13  }
0x146: {  	s24 =	sadd.s32 $0x20, s24;
	v20 =	vmul.f32 v20, v8;
	v17 =	vld [tilespmem:s22+$0xFFFFFE60];
	v18 =	vadd.f32 v18, v22  }
0x147: {  	v23 =	vld [tilespmem:s22+$0xFFFFFE70]  }
0x148: {  	v19 =	vadd.f32 v21, v19;
	v21 =	vld [tilespmem:s22+$0xFFFFFF20];
	v9 =	vmul.f32 v9, v12;
	v14 =	vmul.f32 v14, v13  }
0x149: {  	v22 =	vld [tilespmem:s22+$0xFFFFFE40];
	v7 =	vmul.f32 v7, v10  }
0x14a: {  	v18 =	vadd.f32 v20, v18;
	v20 =	vld [tilespmem:s22+$0xFFFFFE80];
	v6 =	vmul.f32 v6, v10;
	v9 =	vadd.f32 v14, v9  }
0x14b: {  	v7 =	vadd.f32 v7, v19;
	v19 =	vld [tilespmem:s22+$0xFFFFFF30];
	v11 =	vmul.f32 v11, v12;
	v17 =	vmul.f32 v17, v13  }
0x14c: {  	v3 =	vmul.f32 v3, v8;
	v14 =	vld [tilespmem:s22+$0xFFFFFFE0];
	v6 =	vadd.f32 v6, v9  }
0x14d: {  	v9 =	vmul.f32 v21, v13;
	v21 =	vld [tilespmem:s22+$0xFFFFFFF0];
	v11 =	vadd.f32 v17, v11;
	v17 =	vmul.f32 v23, v10  }
0x14e: {  	v2 =	vmul.f32 v2, v12;
	v22 =	vmul.f32 v22, v8;
	v23 =	vld [tilespmem:s22+$0xFFFFFF40]  }
0x14f: {  	(xrf2) =	vadd.scan.msk.f32 $0xffff, v15;
	v3 =	vadd.f32 v3, v7;
	v7 =	vadd.f32 v17, v11;
	v11 =	vmul.f32 v20, v8  }
0x150: {  	v15 =	vld [tilespmem:s22+$0x0];
	(xrf2) =	vadd.scan.msk.f32 $0xffff, v18;
	v6 =	vadd.f32 v22, v6;
	v2 =	vadd.f32 v9, v2;
	v9 =	vmul.f32 v19, v10  }
0x151: {  	(xrf2) =	vadd.scan.msk.f32 $0xffff, v3;
	v3 =	vadd.f32 v11, v7;
	v7 =	vmul.f32 v16, v12;
	v11 =	vmul.f32 v14, v13  }
0x152: {  	v2 =	vadd.f32 v9, v2  }
0x153: {  	(xrf2) =	vadd.scan.msk.f32 $0xffff, v6;
	v9 =	vmul.f32 v21, v10;
	v6 =	vmul.f32 v23, v8;
	v7 =	vadd.f32 v11, v7  }
0x154: {  	(xrf2) =	vadd.scan.msk.f32 $0xffff, v3  }
0x155: {  	v2 =	vadd.f32 v6, v2;
	v6 =	vmul.f32 v15, v8;
	v3 =	vadd.f32 v9, v7;
	_ =	sdelay $0x1  }
0x156: {  	(xrf2) =	vadd.scan.msk.f32 $0xffff, v2;
	v2 =	vadd.f32 v6, v3;
	_ =	sdelay $0x1  }
0x157: {  	v3, _, _ =	vpop (xrf2)  }
0x158: {  	v6, _, _ =	vpop (xrf2)  }
0x159: {  	(xrf2) =	vadd.scan.msk.f32 $0xffff, v2;
	v2, _, _ =	vpop (xrf2)  }
0x15a: {  	v7, _, _ =	vpop (xrf2)  }
0x15b: {  	v9, _, _ =	vpop (xrf2)  }
0x15c: {  	v11, _, _ =	vpop (xrf2)  }
0x15d: {  	v11 =	vbroadcast v11, $0xF  }
0x15e: {  	v9 =	vbroadcast v9, $0xF  }
0x15f: {  	v7 =	vbroadcast v7, $0xF  }
0x160: {  	v9 =	vsel vm0, v9, v11  }
0x161: {  	v2 =	vbroadcast v2, $0xF;
	v7 =	vsel vm1, v9, v7;
	v11, _, _ =	vpop (xrf2)  }
0x162: {  	v9 =	vbroadcast v11, $0xF  }
0x163: {  	v6 =	vbroadcast v6, $0xF;
	v2 =	vsel vm2, v7, v2  }
0x164: {  	v3 =	vbroadcast v3, $0xF;
	v7, _, _ =	vpop (xrf2);
	v2 =	vsel vm3, v2, v9  }
0x165: {  	v2 =	vsel vm4, v2, v6;
	v6 =	vbroadcast v7, $0xF  }
0x166: {  	v2 =	vsel vm5, v2, v3  }
0x167: {  	s24 =	sshra.s32 s23, $0x2;
	v2 =	vsel vm6, v2, v6  }
0x168: {  	[tilespmem:s24+$0x19B60] =	vst.msk $0xff, v2  }
0x169: {  	v18 =	vld [tilespmem:$0x710]  }
0x16a: {  	v19 =	vld [tilespmem:$0x720]  }
0x16b: {  	v17 =	vld [tilespmem:$0x730]  }
0x16c: {  	s25 =	simm.s32 $0x0;
	v16 =	vld [tilespmem:$0x740]  }
0x16d: {  	v2 =	vld [tilespmem:s25+$0x7040]  }
0x16e: {  	v3 =	vld [tilespmem:s25+$0x7000]  }
0x16f: {  	v6 =	vld [tilespmem:s25+$0x7030]  }
0x170: {  	v7 =	vld [tilespmem:s25+$0x7050]  }
0x171: {  	v9 =	vld [tilespmem:s25+$0x6FF0]  }
0x172: {  	v11 =	vld [tilespmem:s25+$0x7010]  }
0x173: {  	v14 =	vld [tilespmem:s25+$0x7020]  }
0x174: {  	v15 =	vld [tilespmem:s25+$0x6F80]  }
0x175: {  	v20 =	vld [tilespmem:s25+$0x6FD0]  }
0x176: {  	v21 =	vld [tilespmem:s25+$0x6FE0]  }
0x177: {  	v22 =	vld [tilespmem:s25+$0x6F40]  }
0x178: {  	v23 =	vld [tilespmem:s25+$0x6F70]  }
0x179: {  	v24 =	vld [tilespmem:s25+$0x6F50]  }
0x17a: {  	v25 =	vld [tilespmem:s25+$0x6F60]  }
0x17b: {  	v26 =	vld [tilespmem:s25+$0x6F90]  }
0x17c: {  	v27 =	vld [tilespmem:s25+$0x6F10]  }
0x17d: {  	v28 =	vld [tilespmem:s25+$0x6F20];
	v11 =	vmul.f32 v11, v18;
	v14 =	vmul.f32 v14, v19  }
0x17e: {  	v29 =	vld [tilespmem:s25+$0x6F30];
	v20 =	vmul.f32 v20, v18;
	v21 =	vmul.f32 v21, v19  }
0x17f: {  	v30 =	vld [tilespmem:s25+$0x6EA0];
	v6 =	vmul.f32 v6, v17;
	v2 =	vmul.f32 v2, v16;
	v11 =	vadd.f32 v14, v11  }
0x180: {  	v9 =	vmul.f32 v9, v17;
	v3 =	vmul.f32 v3, v16;
	v14 =	vld [tilespmem:s25+$0x6E90];
	v20 =	vadd.f32 v21, v20  }
0x181: {  	v21 =	vld [tilespmem:s25+$0x6ED0];
	v6 =	vadd.f32 v6, v11;
	v11 =	vmul.f32 v24, v18;
	v24 =	vmul.f32 v25, v19  }
0x182: {  	v25 =	vld [tilespmem:s25+$0x6EB0];
	v9 =	vadd.f32 v9, v20;
	v20 =	vmul.f32 v27, v18;
	v27 =	vmul.f32 v28, v19  }
0x183: {  	v23 =	vmul.f32 v23, v17;
	v11 =	vadd.f32 v24, v11;
	v24 =	vld [tilespmem:s25+$0x6EE0];
	v2 =	vadd.f32 v2, v6  }
0x184: {  	v61 =	vld [tilespmem:s25+$0x6EC0];
	v3 =	vadd.f32 v3, v9;
	v9 =	vadd.f32 v27, v20  }
0x185: {  	v20 =	vmul.f32 v29, v17;
	v6 =	vadd.f32 v23, v11;
	v11 =	vmul.f32 v15, v16;
	v15 =	vld [tilespmem:s25+$0x6EF0]  }
0x186: {  	v27 =	vmul.f32 v30, v19;
	v14 =	vmul.f32 v14, v18;
	v23 =	vld [tilespmem:s25+$0x6FA0]  }
0x187: {  	v9 =	vadd.f32 v20, v9;
	v20 =	vmul.f32 v21, v18;
	v6 =	vadd.f32 v11, v6;
	v11 =	vld [tilespmem:s25+$0x6F00]  }
0x188: {  	v14 =	vadd.f32 v27, v14;
	v25 =	vmul.f32 v25, v17;
	v21 =	vmul.f32 v24, v19;
	v24 =	vld [tilespmem:s25+$0x6FB0]  }
0x189: {  	v22 =	vmul.f32 v22, v16;
	v28 =	vmul.f32 v61, v16;
	v27 =	vld [tilespmem:s25+$0x7060]  }
0x18a: {  	(xrf2) =	vadd.scan.msk.f32 $0xffff, v2;
	v2 =	vadd.f32 v25, v14;
	v25 =	vld [tilespmem:s25+$0x7070];
	v20 =	vadd.f32 v21, v20;
	v15 =	vmul.f32 v15, v17  }
0x18b: {  	v14 =	vmul.f32 v26, v18;
	v21 =	vld [tilespmem:s25+$0x6FC0];
	v23 =	vmul.f32 v23, v19  }
0x18c: {  	(xrf2) =	vadd.scan.msk.f32 $0xffff, v3;
	v3 =	vadd.f32 v22, v9;
	v9 =	vadd.f32 v15, v20;
	v11 =	vmul.f32 v11, v16  }
0x18d: {  	(xrf2) =	vadd.scan.msk.f32 $0xffff, v6;
	v2 =	vadd.f32 v28, v2;
	v6 =	vadd.f32 v23, v14;
	v15 =	vld [tilespmem:s25+$0x7080];
	v14 =	vmul.f32 v24, v17  }
0x18e: {  	v7 =	vmul.f32 v7, v18;
	(xrf2) =	vadd.scan.msk.f32 $0xffff, v3;
	v3 =	vadd.f32 v11, v9;
	v9 =	vmul.f32 v27, v19  }
0x18f: {  	(xrf2) =	vadd.scan.msk.f32 $0xffff, v2;
	v2 =	vadd.f32 v14, v6  }
0x190: {  	v6 =	vmul.f32 v21, v16;
	v7 =	vadd.f32 v9, v7;
	v9 =	vmul.f32 v25, v17  }
0x191: {  	(xrf2) =	vadd.scan.msk.f32 $0xffff, v3  }
0x192: {  	v2 =	vadd.f32 v6, v2;
	v6 =	vmul.f32 v15, v16;
	v3 =	vadd.f32 v9, v7;
	_ =	sdelay $0x1  }
0x193: {  	(xrf2) =	vadd.scan.msk.f32 $0xffff, v2;
	v2 =	vadd.f32 v6, v3;
	_ =	sdelay $0x1  }
0x194: {  	v3, _, _ =	vpop (xrf2)  }
0x195: {  	v6, _, _ =	vpop (xrf2)  }
0x196: {  	(xrf2) =	vadd.scan.msk.f32 $0xffff, v2;
	v2, _, _ =	vpop (xrf2)  }
0x197: {  	v7, _, _ =	vpop (xrf2)  }
0x198: {  	v9, _, _ =	vpop (xrf2)  }
0x199: {  	v11, _, _ =	vpop (xrf2)  }
0x19a: {  	v9 =	vbroadcast v9, $0xF;
	v11 =	vbroadcast v11, $0xF  }
0x19b: {  	v7 =	vbroadcast v7, $0xF  }
0x19c: {  	v2 =	vbroadcast v2, $0xF;
	v9 =	vsel vm0, v9, v11  }
0x19d: {  	v7 =	vsel vm1, v9, v7  }
0x19e: {  	v2 =	vsel vm2, v7, v2;
	v7 =	vld [tilespmem:$0x910];
	_ =	sdelay $0x1  }
0x19f: {  	v11, _, _ =	vpop (xrf2)  }
0x1a0: {  	v9 =	vbroadcast v11, $0xF  }
0x1a1: {  	v6 =	vbroadcast v6, $0xF  }
0x1a2: {  	v3 =	vbroadcast v3, $0xF;
	v2 =	vsel vm3, v2, v9;
	[tilespmem:$0x1FF40] =	vst v7;
	v7, _, _ =	vpop (xrf2)  }
0x1a3: {  	v9 =	vld [tilespmem:$0x920];
	v2 =	vsel vm4, v2, v6;
	v6 =	vbroadcast v7, $0xF  }
0x1a4: {  	v2 =	vsel vm5, v2, v3  }
0x1a5: {  	s22 =	simm.s32 $0x19C30;
	v3 =	vld [tilespmem:$0x940];
	v2 =	vsel vm6, v2, v6  }
0x1a6: {  	s23 =	simm.s32 $0x200;
	v7 =	vld [tilespmem:$0x930];
	[tilespmem:s22+$0x0] =	vst.msk $0xff, v2  }
0x1a7: {  	v14 =	vld [tilespmem:s23+$0x7000]  }
0x1a8: {  	[tilespmem:$0x1FF50] =	vst v9;
	v9 =	vld [tilespmem:s23+$0x7030]  }
0x1a9: {  	v24 =	vld [tilespmem:s23+$0x7050]  }
0x1aa: {  	v11 =	vld [tilespmem:s23+$0x6FF0]  }
0x1ab: {  	v2 =	vld [tilespmem:s23+$0x7010]  }
0x1ac: {  	v15 =	vld [tilespmem:s23+$0x7020]  }
0x1ad: {  	v6 =	vld [tilespmem:s23+$0x6F80]  }
0x1ae: {  	v20 =	vld [tilespmem:s23+$0x6FD0]  }
0x1af: {  	v21 =	vld [tilespmem:s23+$0x6FE0]  }
0x1b0: {  	[tilespmem:$0x1FF70] =	vst v3;
	v3 =	vld [tilespmem:s23+$0x6F40]  }
0x1b1: {  	v22 =	vld [tilespmem:s23+$0x6F70]  }
0x1b2: {  	[tilespmem:$0x1FF60] =	vst v7;
	v7 =	vld [tilespmem:s23+$0x7040]  }
0x1b3: {  	v23 =	vld [tilespmem:s23+$0x6F50];
	v25 =	vmul.f32 v2, v18;
	v15 =	vmul.f32 v15, v19  }
0x1b4: {  	v26 =	vld [tilespmem:s23+$0x6F60]  }
0x1b5: {  	v27 =	vld [tilespmem:s23+$0x6F20];
	v9 =	vmul.f32 v9, v17;
	v15 =	vadd.f32 v15, v25  }
0x1b6: {  	v2 =	vld [tilespmem:s23+$0x6F90];
	v20 =	vmul.f32 v20, v18;
	v21 =	vmul.f32 v21, v19  }
0x1b7: {  	v7 =	vmul.f32 v7, v16;
	v25 =	vld [tilespmem:s23+$0x6F10];
	v15 =	vadd.f32 v9, v15  }
0x1b8: {  	v20 =	vadd.f32 v21, v20;
	v21 =	vmul.f32 v11, v17;
	v11 =	vld [tilespmem:s23+$0x6E90]  }
0x1b9: {  	v23 =	vmul.f32 v23, v18;
	v26 =	vmul.f32 v26, v19;
	v9 =	vld [tilespmem:s23+$0x6F30];
	v62 =	vadd.f32 v7, v15  }
0x1ba: {  	v63 =	vmul.f32 v14, v16;
	v20 =	vadd.f32 v21, v20;
	v15 =	vld [tilespmem:s23+$0x6EA0]  }
0x1bb: {  	v22 =	vmul.f32 v22, v17;
	v14 =	vld [tilespmem:s23+$0x6ED0];
	v21 =	vadd.f32 v26, v23;
	(xrf2) =	vadd.scan.msk.f32 $0xffff, v62  }
0x1bc: {  	s24 =	simm.s32 $0x1000;
	v23 =	vmul.f32 v27, v19;
	v7 =	vld [tilespmem:s23+$0x6EB0];
	v20 =	vadd.f32 v63, v20;
	v25 =	vmul.f32 v25, v18  }
.LBB2_7:
0x1bd: {  	p0 =	sne.s32 s24, $0xC000;
	v26 =	vld [tilespmem:s23+$0x6EE0];
	v21 =	vadd.f32 v22, v21;
	v6 =	vmul.f32 v6, v16  }
0x1be: {  	v9 =	vmul.f32 v9, v17;
	v22 =	vld [tilespmem:s23+$0x6EC0];
	v23 =	vadd.f32 v23, v25;
	(xrf2) =	vadd.scan.msk.f32 $0xffff, v20  }
0x1bf: {  	v11 =	vmul.f32 v11, v18;
	v15 =	vmul.f32 v15, v19;
	v20 =	vld [tilespmem:s23+$0x6EF0];
	v6 =	vadd.f32 v6, v21  }
0x1c0: {  	v3 =	vmul.f32 v3, v16;
	v9 =	vadd.f32 v9, v23;
	v21 =	vld [tilespmem:s23+$0x6FA0]  }
0x1c1: {  	v7 =	vmul.f32 v7, v17;
	v11 =	vadd.f32 v15, v11;
	v15 =	vld [tilespmem:s23+$0x6F00];
	(xrf2) =	vadd.scan.msk.f32 $0xffff, v6  }
0x1c2: {  	v6 =	vmul.f32 v14, v18;
	v14 =	vmul.f32 v26, v19;
	v3 =	vadd.f32 v3, v9;
	v9 =	vld [tilespmem:s23+$0x6FB0]  }
0x1c3: {  	v7 =	vadd.f32 v7, v11;
	v11 =	vmul.f32 v22, v16;
	v22 =	vld [tilespmem:s23+$0x7060]  }
0x1c4: {  	v6 =	vadd.f32 v14, v6;
	v14 =	vmul.f32 v20, v17;
	v20 =	vld [tilespmem:s23+$0x6FC0];
	(xrf2) =	vadd.scan.msk.f32 $0xffff, v3  }
0x1c5: {  	v2 =	vmul.f32 v2, v18;
	v3 =	vadd.f32 v11, v7;
	v7 =	vmul.f32 v21, v19;
	v11 =	vld [tilespmem:s23+$0x7070];
	v21, _, _ =	vpop (xrf2)  }
0x1c6: {  	v6 =	vadd.f32 v14, v6;
	v14 =	vmul.f32 v15, v16  }
0x1c7: {  	v2 =	vadd.f32 v7, v2;
	v7 =	vmul.f32 v9, v17;
	v9 =	vld [tilespmem:s23+$0x7080];
	(xrf2) =	vadd.scan.msk.f32 $0xffff, v3  }
0x1c8: {  	v23 =	vadd.f32 v14, v6;
	v6 =	vmul.f32 v24, v18;
	v14 =	vmul.f32 v22, v19;
	v15, _, _ =	vpop (xrf2)  }
0x1c9: {  	v2 =	vadd.f32 v7, v2;
	v7 =	vmul.f32 v20, v16  }
0x1ca: {  	v6 =	vadd.f32 v14, v6;
	v11 =	vmul.f32 v11, v17;
	(xrf2) =	vadd.scan.msk.f32 $0xffff, v23  }
0x1cb: {  	v2 =	vadd.f32 v7, v2;
	v3, _, _ =	vpop (xrf2)  }
0x1cc: {  	v11 =	vadd.f32 v11, v6;
	v7 =	vmul.f32 v9, v16  }
0x1cd: {  	(xrf2) =	vadd.scan.msk.f32 $0xffff, v2  }
0x1ce: {  	v7 =	vadd.f32 v7, v11;
	v6, _, _ =	vpop (xrf2);
	_ =	sdelay $0x1  }
0x1cf: {  	(xrf2) =	vadd.scan.msk.f32 $0xffff, v7  }
0x1d0: {  	v2, _, _ =	vpop (xrf2);
	_ =	sdelay $0x2  }
0x1d1: {  	v7, _, _ =	vpop (xrf2)  }
0x1d2: {  	v2 =	vbroadcast v2, $0xF;
	v9 =	vbroadcast v7, $0xF  }
0x1d3: {  	v6 =	vbroadcast v6, $0xF  }
0x1d4: {  	v3 =	vbroadcast v3, $0xF;
	v2 =	vsel vm0, v2, v9;
	v7, _, _ =	vpop (xrf2)  }
0x1d5: {  	v2 =	vsel vm1, v2, v6;
	v6 =	vbroadcast v7, $0xF  }
0x1d6: {  	v2 =	vsel vm2, v2, v3;
	v3 =	vbroadcast v15, $0xF  }
0x1d7: {  	v2 =	vsel vm3, v2, v6;
	v6 =	vbroadcast v21, $0xF;
	v7, _, _ =	vpop (xrf2)  }
0x1d8: {  	v2 =	vsel vm4, v2, v3;
	v3 =	vbroadcast v7, $0xF  }
0x1d9: {  	v2 =	vsel vm5, v2, v6  }
0x1da: {  	s22 =	sadd.s32 $0x8, s22;
	v2 =	vsel vm6, v2, v3  }
0x1db: {  	s23 =	sshra.s32 s24, $0x2;
	[tilespmem:s22+$0x0] =	vst.msk $0xff, v2  }
0x1dc: {  	v7 =	vld [tilespmem:s23+$0x7040]  }
0x1dd: {  	v14 =	vld [tilespmem:s23+$0x7000]  }
0x1de: {  	v9 =	vld [tilespmem:s23+$0x7030]  }
0x1df: {  	v24 =	vld [tilespmem:s23+$0x7050]  }
0x1e0: {  	v11 =	vld [tilespmem:s23+$0x6FF0]  }
0x1e1: {  	v2 =	vld [tilespmem:s23+$0x7010]  }
0x1e2: {  	v15 =	vld [tilespmem:s23+$0x7020]  }
0x1e3: {  	v6 =	vld [tilespmem:s23+$0x6F80]  }
0x1e4: {  	v20 =	vld [tilespmem:s23+$0x6FD0]  }
0x1e5: {  	v21 =	vld [tilespmem:s23+$0x6FE0]  }
0x1e6: {  	v3 =	vld [tilespmem:s23+$0x6F40]  }
0x1e7: {  	v22 =	vld [tilespmem:s23+$0x6F70]  }
0x1e8: {  	v25 =	vmul.f32 v2, v18;
	v15 =	vmul.f32 v15, v19;
	v23 =	vld [tilespmem:s23+$0x6F50]  }
0x1e9: {  	v26 =	vld [tilespmem:s23+$0x6F60]  }
0x1ea: {  	v9 =	vmul.f32 v9, v17;
	v15 =	vadd.f32 v15, v25;
	v2 =	vld [tilespmem:s23+$0x6F90]  }
0x1eb: {  	v20 =	vmul.f32 v20, v18;
	v21 =	vmul.f32 v21, v19;
	v25 =	vld [tilespmem:s23+$0x6F10]  }
0x1ec: {  	v7 =	vmul.f32 v7, v16;
	v15 =	vadd.f32 v9, v15;
	v27 =	vld [tilespmem:s23+$0x6F20]  }
.Ltmp2:
0x1ed: {  	v20 =	vadd.f32 v21, v20;
	v21 =	vmul.f32 v11, v17;
	v9 =	vld [tilespmem:s23+$0x6F30];
	(pc) =	sbr.rel @p0 .LBB2_7-.Ltmp2, $4  }
0x1ee: {  	v23 =	vmul.f32 v23, v18;
	v28 =	vadd.f32 v7, v15;
	v11 =	vld [tilespmem:s23+$0x6E90];
	v26 =	vmul.f32 v26, v19  }
0x1ef: {  	v29 =	vmul.f32 v14, v16;
	v20 =	vadd.f32 v21, v20;
	v15 =	vld [tilespmem:s23+$0x6EA0]  }
0x1f0: {  	v22 =	vmul.f32 v22, v17;
	v7 =	vld [tilespmem:s23+$0x6EB0];
	v21 =	vadd.f32 v26, v23;
	(xrf2) =	vadd.scan.msk.f32 $0xffff, v28  }
0x1f1: {  	s24 =	sadd.s32 $0x800, s24;
	v25 =	vmul.f32 v25, v18;
	v20 =	vadd.f32 v29, v20;
	v14 =	vld [tilespmem:s23+$0x6ED0];
	v23 =	vmul.f32 v27, v19  }
0x1f2: {  	v26 =	vld [tilespmem:s23+$0x6EE0]  }
0x1f3: {  	v21 =	vadd.f32 v22, v21;
	v22 =	vld [tilespmem:s23+$0x6EF0]  }
0x1f4: {  	v6 =	vmul.f32 v6, v16;
	v9 =	vmul.f32 v9, v17;
	v23 =	vadd.f32 v23, v25;
	v25 =	vld [tilespmem:s23+$0x6FA0]  }
0x1f5: {  	v27 =	vld [tilespmem:s23+$0x6EC0];
	v11 =	vmul.f32 v11, v18;
	v15 =	vmul.f32 v15, v19  }
0x1f6: {  	v6 =	vadd.f32 v6, v21;
	v21 =	vld [tilespmem:s23+$0x6F00];
	v9 =	vadd.f32 v9, v23;
	v7 =	vmul.f32 v7, v17  }
0x1f7: {  	v14 =	vmul.f32 v14, v18;
	v11 =	vadd.f32 v15, v11;
	v23 =	vmul.f32 v26, v19;
	v26 =	vld [tilespmem:s23+$0x6FB0]  }
0x1f8: {  	v3 =	vmul.f32 v3, v16;
	v15 =	vld [tilespmem:s23+$0x7060];
	v22 =	vmul.f32 v22, v17  }
0x1f9: {  	v7 =	vadd.f32 v7, v11;
	v11 =	vmul.f32 v25, v19;
	v25 =	vld [tilespmem:s23+$0x7070];
	v14 =	vadd.f32 v23, v14  }
0x1fa: {  	v2 =	vmul.f32 v2, v18;
	v27 =	vmul.f32 v27, v16;
	v23 =	vld [tilespmem:s23+$0x6FC0]  }
0x1fb: {  	(xrf2) =	vadd.scan.msk.f32 $0xffff, v20;
	v3 =	vadd.f32 v3, v9;
	v9 =	vadd.f32 v22, v14;
	v14 =	vmul.f32 v21, v16  }
0x1fc: {  	(xrf2) =	vadd.scan.msk.f32 $0xffff, v6;
	v6 =	vadd.f32 v27, v7;
	v2 =	vadd.f32 v11, v2;
	v11 =	vld [tilespmem:s23+$0x7080];
	v7 =	vmul.f32 v26, v17  }
0x1fd: {  	(xrf2) =	vadd.scan.msk.f32 $0xffff, v3;
	v3 =	vadd.f32 v14, v9;
	v9 =	vmul.f32 v24, v18;
	v14 =	vmul.f32 v15, v19  }
0x1fe: {  	v2 =	vadd.f32 v7, v2  }
0x1ff: {  	(xrf2) =	vadd.scan.msk.f32 $0xffff, v6;
	v6 =	vmul.f32 v23, v16;
	v7 =	vadd.f32 v14, v9;
	v9 =	vmul.f32 v25, v17  }
0x200: {  	(xrf2) =	vadd.scan.msk.f32 $0xffff, v3  }
0x201: {  	v2 =	vadd.f32 v6, v2;
	v6 =	vmul.f32 v11, v16;
	v3 =	vadd.f32 v9, v7;
	_ =	sdelay $0x1  }
0x202: {  	(xrf2) =	vadd.scan.msk.f32 $0xffff, v2;
	v2 =	vadd.f32 v6, v3;
	_ =	sdelay $0x1  }
0x203: {  	v3, _, _ =	vpop (xrf2)  }
0x204: {  	v6, _, _ =	vpop (xrf2)  }
0x205: {  	(xrf2) =	vadd.scan.msk.f32 $0xffff, v2;
	v2, _, _ =	vpop (xrf2)  }
0x206: {  	v7, _, _ =	vpop (xrf2)  }
0x207: {  	v9, _, _ =	vpop (xrf2)  }
0x208: {  	v11, _, _ =	vpop (xrf2)  }
0x209: {  	v11 =	vbroadcast v11, $0xF  }
0x20a: {  	v9 =	vbroadcast v9, $0xF  }
0x20b: {  	v7 =	vbroadcast v7, $0xF  }
0x20c: {  	v9 =	vsel vm0, v9, v11  }
0x20d: {  	v2 =	vbroadcast v2, $0xF;
	v7 =	vsel vm1, v9, v7;
	v11, _, _ =	vpop (xrf2)  }
0x20e: {  	v9 =	vbroadcast v11, $0xF  }
0x20f: {  	v6 =	vbroadcast v6, $0xF;
	v2 =	vsel vm2, v7, v2  }
0x210: {  	v3 =	vbroadcast v3, $0xF;
	v7, _, _ =	vpop (xrf2);
	v2 =	vsel vm3, v2, v9  }
0x211: {  	v2 =	vsel vm4, v2, v6;
	v6 =	vbroadcast v7, $0xF  }
0x212: {  	v2 =	vsel vm5, v2, v3  }
0x213: {  	s22 =	sadd.s32 $0x8, s22;
	v2 =	vsel vm6, v2, v6  }
0x214: {  	[tilespmem:s22+$0x0] =	vst.msk $0xff, v2  }
0x215: {  	v26 =	vld [tilespmem:$0x750]  }
0x216: {  	v27 =	vld [tilespmem:$0x760]  }
0x217: {  	v25 =	vld [tilespmem:$0x770]  }
0x218: {  	s25 =	simm.s32 $0x0;
	v24 =	vld [tilespmem:$0x780]  }
0x219: {  	v2 =	vld [tilespmem:s25+$0xA240]  }
0x21a: {  	v3 =	vld [tilespmem:s25+$0xA200]  }
0x21b: {  	v6 =	vld [tilespmem:s25+$0xA230]  }
0x21c: {  	v7 =	vld [tilespmem:s25+$0xA250]  }
0x21d: {  	v9 =	vld [tilespmem:s25+$0xA1F0]  }
0x21e: {  	v11 =	vld [tilespmem:s25+$0xA210]  }
0x21f: {  	v14 =	vld [tilespmem:s25+$0xA220]  }
0x220: {  	v15 =	vld [tilespmem:s25+$0xA180]  }
0x221: {  	v20 =	vld [tilespmem:s25+$0xA1D0]  }
0x222: {  	v21 =	vld [tilespmem:s25+$0xA1E0]  }
0x223: {  	v22 =	vld [tilespmem:s25+$0xA140]  }
0x224: {  	v23 =	vld [tilespmem:s25+$0xA170]  }
0x225: {  	v28 =	vld [tilespmem:s25+$0xA150]  }
0x226: {  	v29 =	vld [tilespmem:s25+$0xA160]  }
0x227: {  	v30 =	vld [tilespmem:s25+$0xA190]  }
0x228: {  	v31 =	vld [tilespmem:s25+$0xA110]  }
0x229: {  	v32 =	vld [tilespmem:s25+$0xA120];
	v11 =	vmul.f32 v11, v26;
	v14 =	vmul.f32 v14, v27  }
0x22a: {  	v33 =	vld [tilespmem:s25+$0xA130];
	v20 =	vmul.f32 v20, v26;
	v21 =	vmul.f32 v21, v27  }
0x22b: {  	v34 =	vld [tilespmem:s25+$0xA0A0];
	v6 =	vmul.f32 v6, v25;
	v2 =	vmul.f32 v2, v24;
	v11 =	vadd.f32 v14, v11  }
0x22c: {  	v9 =	vmul.f32 v9, v25;
	v3 =	vmul.f32 v3, v24;
	v14 =	vld [tilespmem:s25+$0xA090];
	v20 =	vadd.f32 v21, v20  }
0x22d: {  	v21 =	vld [tilespmem:s25+$0xA0D0];
	v6 =	vadd.f32 v6, v11;
	v11 =	vmul.f32 v28, v26;
	v28 =	vmul.f32 v29, v27  }
0x22e: {  	v58 =	vmul.f32 v32, v27;
	v29 =	vld [tilespmem:s25+$0xA0B0];
	v9 =	vadd.f32 v9, v20;
	v20 =	vmul.f32 v31, v26  }
0x22f: {  	v23 =	vmul.f32 v23, v25;
	v11 =	vadd.f32 v28, v11;
	v28 =	vld [tilespmem:s25+$0xA0E0];
	v2 =	vadd.f32 v2, v6  }
0x230: {  	v59 =	vld [tilespmem:s25+$0xA0C0];
	v3 =	vadd.f32 v3, v9;
	v9 =	vadd.f32 v58, v20  }
0x231: {  	v20 =	vmul.f32 v33, v25;
	v6 =	vadd.f32 v23, v11;
	v11 =	vmul.f32 v15, v24;
	v15 =	vld [tilespmem:s25+$0xA0F0]  }
0x232: {  	v60 =	vmul.f32 v34, v27;
	v14 =	vmul.f32 v14, v26;
	v23 =	vld [tilespmem:s25+$0xA1A0]  }
0x233: {  	v9 =	vadd.f32 v20, v9;
	v20 =	vmul.f32 v21, v26;
	v6 =	vadd.f32 v11, v6;
	v11 =	vld [tilespmem:s25+$0xA100]  }
0x234: {  	v14 =	vadd.f32 v60, v14;
	v29 =	vmul.f32 v29, v25;
	v21 =	vmul.f32 v28, v27;
	v28 =	vld [tilespmem:s25+$0xA1B0]  }
0x235: {  	v61 =	vld [tilespmem:s25+$0xA260];
	v22 =	vmul.f32 v22, v24;
	v32 =	vmul.f32 v59, v24  }
0x236: {  	(xrf2) =	vadd.scan.msk.f32 $0xffff, v2;
	v2 =	vadd.f32 v29, v14;
	v29 =	vld [tilespmem:s25+$0xA270];
	v20 =	vadd.f32 v21, v20;
	v15 =	vmul.f32 v15, v25  }
0x237: {  	v14 =	vmul.f32 v30, v26;
	v21 =	vld [tilespmem:s25+$0xA1C0];
	v23 =	vmul.f32 v23, v27  }
0x238: {  	(xrf2) =	vadd.scan.msk.f32 $0xffff, v3;
	v3 =	vadd.f32 v22, v9;
	v9 =	vadd.f32 v15, v20;
	v11 =	vmul.f32 v11, v24  }
0x239: {  	(xrf2) =	vadd.scan.msk.f32 $0xffff, v6;
	v2 =	vadd.f32 v32, v2;
	v6 =	vadd.f32 v23, v14;
	v15 =	vld [tilespmem:s25+$0xA280];
	v14 =	vmul.f32 v28, v25  }
0x23a: {  	v7 =	vmul.f32 v7, v26;
	(xrf2) =	vadd.scan.msk.f32 $0xffff, v3;
	v3 =	vadd.f32 v11, v9;
	v9 =	vmul.f32 v61, v27  }
0x23b: {  	(xrf2) =	vadd.scan.msk.f32 $0xffff, v2;
	v2 =	vadd.f32 v14, v6  }
0x23c: {  	v6 =	vmul.f32 v21, v24;
	v7 =	vadd.f32 v9, v7;
	v9 =	vmul.f32 v29, v25  }
0x23d: {  	(xrf2) =	vadd.scan.msk.f32 $0xffff, v3  }
0x23e: {  	v2 =	vadd.f32 v6, v2;
	v6 =	vmul.f32 v15, v24;
	v3 =	vadd.f32 v9, v7;
	_ =	sdelay $0x1  }
0x23f: {  	(xrf2) =	vadd.scan.msk.f32 $0xffff, v2;
	v2 =	vadd.f32 v6, v3;
	_ =	sdelay $0x1  }
0x240: {  	v3, _, _ =	vpop (xrf2)  }
0x241: {  	v6, _, _ =	vpop (xrf2)  }
0x242: {  	(xrf2) =	vadd.scan.msk.f32 $0xffff, v2;
	v2, _, _ =	vpop (xrf2)  }
0x243: {  	v7, _, _ =	vpop (xrf2)  }
0x244: {  	v9, _, _ =	vpop (xrf2)  }
0x245: {  	v11, _, _ =	vpop (xrf2)  }
0x246: {  	v9 =	vbroadcast v9, $0xF;
	v11 =	vbroadcast v11, $0xF  }
0x247: {  	v7 =	vbroadcast v7, $0xF  }
0x248: {  	v2 =	vbroadcast v2, $0xF;
	v9 =	vsel vm0, v9, v11  }
0x249: {  	v7 =	vsel vm1, v9, v7  }
0x24a: {  	v2 =	vsel vm2, v7, v2;
	v7 =	vld [tilespmem:$0x950];
	_ =	sdelay $0x1  }
0x24b: {  	v11, _, _ =	vpop (xrf2)  }
0x24c: {  	v9 =	vbroadcast v11, $0xF  }
0x24d: {  	v6 =	vbroadcast v6, $0xF  }
0x24e: {  	v3 =	vbroadcast v3, $0xF;
	v2 =	vsel vm3, v2, v9;
	[tilespmem:$0x1FF00] =	vst v7;
	v7, _, _ =	vpop (xrf2)  }
0x24f: {  	v9 =	vld [tilespmem:$0x960];
	v2 =	vsel vm4, v2, v6;
	v6 =	vbroadcast v7, $0xF  }
0x250: {  	v2 =	vsel vm5, v2, v3  }
0x251: {  	s22 =	simm.s32 $0x19D00;
	v3 =	vld [tilespmem:$0x980];
	v2 =	vsel vm6, v2, v6  }
0x252: {  	s23 =	simm.s32 $0x200;
	v7 =	vld [tilespmem:$0x970];
	[tilespmem:s22+$0x0] =	vst.msk $0xff, v2  }
0x253: {  	v14 =	vld [tilespmem:s23+$0xA200]  }
0x254: {  	[tilespmem:$0x1FF10] =	vst v9;
	v9 =	vld [tilespmem:s23+$0xA230]  }
0x255: {  	v32 =	vld [tilespmem:s23+$0xA250]  }
0x256: {  	v11 =	vld [tilespmem:s23+$0xA1F0]  }
0x257: {  	v2 =	vld [tilespmem:s23+$0xA210]  }
0x258: {  	v15 =	vld [tilespmem:s23+$0xA220]  }
0x259: {  	v6 =	vld [tilespmem:s23+$0xA180]  }
0x25a: {  	v20 =	vld [tilespmem:s23+$0xA1D0]  }
0x25b: {  	v21 =	vld [tilespmem:s23+$0xA1E0]  }
0x25c: {  	[tilespmem:$0x1FF30] =	vst v3;
	v3 =	vld [tilespmem:s23+$0xA140]  }
0x25d: {  	v22 =	vld [tilespmem:s23+$0xA170]  }
0x25e: {  	[tilespmem:$0x1FF20] =	vst v7;
	v7 =	vld [tilespmem:s23+$0xA240]  }
0x25f: {  	v23 =	vld [tilespmem:s23+$0xA150];
	v28 =	vmul.f32 v2, v26;
	v15 =	vmul.f32 v15, v27  }
0x260: {  	v29 =	vld [tilespmem:s23+$0xA160]  }
0x261: {  	v62 =	vld [tilespmem:s23+$0xA120];
	v9 =	vmul.f32 v9, v25;
	v15 =	vadd.f32 v15, v28  }
0x262: {  	v2 =	vld [tilespmem:s23+$0xA190];
	v20 =	vmul.f32 v20, v26;
	v21 =	vmul.f32 v21, v27  }
0x263: {  	v7 =	vmul.f32 v7, v24;
	v28 =	vld [tilespmem:s23+$0xA110];
	v15 =	vadd.f32 v9, v15  }
0x264: {  	v20 =	vadd.f32 v21, v20;
	v21 =	vmul.f32 v11, v25;
	v11 =	vld [tilespmem:s23+$0xA090]  }
0x265: {  	v23 =	vmul.f32 v23, v26;
	v29 =	vmul.f32 v29, v27;
	v9 =	vld [tilespmem:s23+$0xA130];
	v63 =	vadd.f32 v7, v15  }
0x266: {  	v35 =	vmul.f32 v14, v24;
	v20 =	vadd.f32 v21, v20;
	v15 =	vld [tilespmem:s23+$0xA0A0]  }
0x267: {  	v22 =	vmul.f32 v22, v25;
	v14 =	vld [tilespmem:s23+$0xA0D0];
	v21 =	vadd.f32 v29, v23;
	(xrf2) =	vadd.scan.msk.f32 $0xffff, v63  }
0x268: {  	s24 =	simm.s32 $0x1000;
	v23 =	vmul.f32 v62, v27;
	v7 =	vld [tilespmem:s23+$0xA0B0];
	v20 =	vadd.f32 v35, v20;
	v33 =	vmul.f32 v28, v26  }
.LBB2_9:
0x269: {  	p0 =	sne.s32 s24, $0xC000;
	v28 =	vld [tilespmem:s23+$0xA0E0];
	v21 =	vadd.f32 v22, v21;
	v6 =	vmul.f32 v6, v24  }
0x26a: {  	v9 =	vmul.f32 v9, v25;
	v22 =	vld [tilespmem:s23+$0xA0C0];
	v23 =	vadd.f32 v23, v33;
	(xrf2) =	vadd.scan.msk.f32 $0xffff, v20  }
0x26b: {  	v11 =	vmul.f32 v11, v26;
	v15 =	vmul.f32 v15, v27;
	v20 =	vld [tilespmem:s23+$0xA0F0];
	v6 =	vadd.f32 v6, v21  }
0x26c: {  	v3 =	vmul.f32 v3, v24;
	v9 =	vadd.f32 v9, v23;
	v21 =	vld [tilespmem:s23+$0xA1A0]  }
0x26d: {  	v7 =	vmul.f32 v7, v25;
	v11 =	vadd.f32 v15, v11;
	v15 =	vld [tilespmem:s23+$0xA100];
	(xrf2) =	vadd.scan.msk.f32 $0xffff, v6  }
0x26e: {  	v6 =	vmul.f32 v14, v26;
	v14 =	vmul.f32 v28, v27;
	v3 =	vadd.f32 v3, v9;
	v9 =	vld [tilespmem:s23+$0xA1B0]  }
0x26f: {  	v7 =	vadd.f32 v7, v11;
	v11 =	vmul.f32 v22, v24;
	v22 =	vld [tilespmem:s23+$0xA260]  }
0x270: {  	v6 =	vadd.f32 v14, v6;
	v14 =	vmul.f32 v20, v25;
	v20 =	vld [tilespmem:s23+$0xA1C0];
	(xrf2) =	vadd.scan.msk.f32 $0xffff, v3  }
0x271: {  	v2 =	vmul.f32 v2, v26;
	v3 =	vadd.f32 v11, v7;
	v7 =	vmul.f32 v21, v27;
	v11 =	vld [tilespmem:s23+$0xA270];
	v21, _, _ =	vpop (xrf2)  }
0x272: {  	v6 =	vadd.f32 v14, v6;
	v14 =	vmul.f32 v15, v24  }
0x273: {  	v2 =	vadd.f32 v7, v2;
	v7 =	vmul.f32 v9, v25;
	v9 =	vld [tilespmem:s23+$0xA280];
	(xrf2) =	vadd.scan.msk.f32 $0xffff, v3  }
0x274: {  	v23 =	vadd.f32 v14, v6;
	v6 =	vmul.f32 v32, v26;
	v14 =	vmul.f32 v22, v27;
	v15, _, _ =	vpop (xrf2)  }
0x275: {  	v2 =	vadd.f32 v7, v2;
	v7 =	vmul.f32 v20, v24  }
0x276: {  	v6 =	vadd.f32 v14, v6;
	v11 =	vmul.f32 v11, v25;
	(xrf2) =	vadd.scan.msk.f32 $0xffff, v23  }
0x277: {  	v2 =	vadd.f32 v7, v2;
	v3, _, _ =	vpop (xrf2)  }
0x278: {  	v11 =	vadd.f32 v11, v6;
	v7 =	vmul.f32 v9, v24  }
0x279: {  	(xrf2) =	vadd.scan.msk.f32 $0xffff, v2  }
0x27a: {  	v7 =	vadd.f32 v7, v11;
	v6, _, _ =	vpop (xrf2);
	_ =	sdelay $0x1  }
0x27b: {  	(xrf2) =	vadd.scan.msk.f32 $0xffff, v7  }
0x27c: {  	v2, _, _ =	vpop (xrf2);
	_ =	sdelay $0x2  }
0x27d: {  	v7, _, _ =	vpop (xrf2)  }
0x27e: {  	v2 =	vbroadcast v2, $0xF;
	v9 =	vbroadcast v7, $0xF  }
0x27f: {  	v6 =	vbroadcast v6, $0xF  }
0x280: {  	v3 =	vbroadcast v3, $0xF;
	v2 =	vsel vm0, v2, v9;
	v7, _, _ =	vpop (xrf2)  }
0x281: {  	v2 =	vsel vm1, v2, v6;
	v6 =	vbroadcast v7, $0xF  }
0x282: {  	v2 =	vsel vm2, v2, v3;
	v3 =	vbroadcast v15, $0xF  }
0x283: {  	v2 =	vsel vm3, v2, v6;
	v6 =	vbroadcast v21, $0xF;
	v7, _, _ =	vpop (xrf2)  }
0x284: {  	v2 =	vsel vm4, v2, v3;
	v3 =	vbroadcast v7, $0xF  }
0x285: {  	v2 =	vsel vm5, v2, v6  }
0x286: {  	s22 =	sadd.s32 $0x8, s22;
	v2 =	vsel vm6, v2, v3  }
0x287: {  	s23 =	sshra.s32 s24, $0x2;
	[tilespmem:s22+$0x0] =	vst.msk $0xff, v2  }
0x288: {  	v7 =	vld [tilespmem:s23+$0xA240]  }
0x289: {  	v14 =	vld [tilespmem:s23+$0xA200]  }
0x28a: {  	v9 =	vld [tilespmem:s23+$0xA230]  }
0x28b: {  	v32 =	vld [tilespmem:s23+$0xA250]  }
0x28c: {  	v11 =	vld [tilespmem:s23+$0xA1F0]  }
0x28d: {  	v2 =	vld [tilespmem:s23+$0xA210]  }
0x28e: {  	v15 =	vld [tilespmem:s23+$0xA220]  }
0x28f: {  	v6 =	vld [tilespmem:s23+$0xA180]  }
0x290: {  	v20 =	vld [tilespmem:s23+$0xA1D0]  }
0x291: {  	v21 =	vld [tilespmem:s23+$0xA1E0]  }
0x292: {  	v3 =	vld [tilespmem:s23+$0xA140]  }
0x293: {  	v22 =	vld [tilespmem:s23+$0xA170]  }
0x294: {  	v28 =	vmul.f32 v2, v26;
	v15 =	vmul.f32 v15, v27;
	v23 =	vld [tilespmem:s23+$0xA150]  }
0x295: {  	v29 =	vld [tilespmem:s23+$0xA160]  }
0x296: {  	v9 =	vmul.f32 v9, v25;
	v15 =	vadd.f32 v15, v28;
	v2 =	vld [tilespmem:s23+$0xA190]  }
0x297: {  	v20 =	vmul.f32 v20, v26;
	v21 =	vmul.f32 v21, v27;
	v28 =	vld [tilespmem:s23+$0xA110]  }
0x298: {  	v7 =	vmul.f32 v7, v24;
	v15 =	vadd.f32 v9, v15;
	v34 =	vld [tilespmem:s23+$0xA120]  }
.Ltmp3:
0x299: {  	v20 =	vadd.f32 v21, v20;
	v21 =	vmul.f32 v11, v25;
	v9 =	vld [tilespmem:s23+$0xA130];
	(pc) =	sbr.rel @p0 .LBB2_9-.Ltmp3, $4  }
0x29a: {  	v23 =	vmul.f32 v23, v26;
	v33 =	vadd.f32 v7, v15;
	v11 =	vld [tilespmem:s23+$0xA090];
	v29 =	vmul.f32 v29, v27  }
0x29b: {  	v35 =	vmul.f32 v14, v24;
	v20 =	vadd.f32 v21, v20;
	v15 =	vld [tilespmem:s23+$0xA0A0]  }
0x29c: {  	v22 =	vmul.f32 v22, v25;
	v7 =	vld [tilespmem:s23+$0xA0B0];
	v21 =	vadd.f32 v29, v23;
	(xrf2) =	vadd.scan.msk.f32 $0xffff, v33  }
0x29d: {  	s24 =	sadd.s32 $0x800, s24;
	v33 =	vmul.f32 v28, v26;
	v20 =	vadd.f32 v35, v20;
	v14 =	vld [tilespmem:s23+$0xA0D0];
	v23 =	vmul.f32 v34, v27  }
0x29e: {  	v28 =	vld [tilespmem:s23+$0xA0E0]  }
0x29f: {  	v29 =	vld [tilespmem:s23+$0xA0C0]  }
0x2a0: {  	v21 =	vadd.f32 v22, v21;
	v6 =	vmul.f32 v6, v24;
	v22 =	vld [tilespmem:s23+$0xA0F0]  }
0x2a1: {  	v9 =	vmul.f32 v9, v25;
	v58 =	vld [tilespmem:s23+$0xA1A0];
	v23 =	vadd.f32 v23, v33  }
0x2a2: {  	v11 =	vmul.f32 v11, v26;
	v15 =	vmul.f32 v15, v27;
	v6 =	vadd.f32 v6, v21;
	v21 =	vld [tilespmem:s23+$0xA100]  }
0x2a3: {  	v9 =	vadd.f32 v9, v23;
	v14 =	vmul.f32 v14, v26;
	v23 =	vmul.f32 v28, v27;
	v28 =	vld [tilespmem:s23+$0xA1B0]  }
0x2a4: {  	v3 =	vmul.f32 v3, v24;
	v7 =	vmul.f32 v7, v25;
	v11 =	vadd.f32 v15, v11;
	v15 =	vld [tilespmem:s23+$0xA260]  }
0x2a5: {  	v2 =	vmul.f32 v2, v26;
	v59 =	vld [tilespmem:s23+$0xA270];
	v22 =	vmul.f32 v22, v25;
	v14 =	vadd.f32 v23, v14  }
0x2a6: {  	v29 =	vmul.f32 v29, v24;
	v7 =	vadd.f32 v7, v11;
	v11 =	vmul.f32 v58, v27;
	v23 =	vld [tilespmem:s23+$0xA1C0]  }
0x2a7: {  	(xrf2) =	vadd.scan.msk.f32 $0xffff, v20;
	v3 =	vadd.f32 v3, v9;
	v9 =	vadd.f32 v22, v14;
	v14 =	vmul.f32 v21, v24  }
0x2a8: {  	(xrf2) =	vadd.scan.msk.f32 $0xffff, v6;
	v6 =	vadd.f32 v29, v7;
	v2 =	vadd.f32 v11, v2;
	v11 =	vld [tilespmem:s23+$0xA280];
	v7 =	vmul.f32 v28, v25  }
0x2a9: {  	(xrf2) =	vadd.scan.msk.f32 $0xffff, v3;
	v3 =	vadd.f32 v14, v9;
	v9 =	vmul.f32 v32, v26;
	v14 =	vmul.f32 v15, v27  }
0x2aa: {  	v2 =	vadd.f32 v7, v2  }
0x2ab: {  	(xrf2) =	vadd.scan.msk.f32 $0xffff, v6;
	v6 =	vmul.f32 v23, v24;
	v7 =	vadd.f32 v14, v9;
	v9 =	vmul.f32 v59, v25  }
0x2ac: {  	(xrf2) =	vadd.scan.msk.f32 $0xffff, v3  }
0x2ad: {  	v2 =	vadd.f32 v6, v2;
	v6 =	vmul.f32 v11, v24;
	v3 =	vadd.f32 v9, v7;
	_ =	sdelay $0x1  }
0x2ae: {  	(xrf2) =	vadd.scan.msk.f32 $0xffff, v2;
	v2 =	vadd.f32 v6, v3;
	_ =	sdelay $0x1  }
0x2af: {  	v3, _, _ =	vpop (xrf2)  }
0x2b0: {  	v6, _, _ =	vpop (xrf2)  }
0x2b1: {  	(xrf2) =	vadd.scan.msk.f32 $0xffff, v2;
	v2, _, _ =	vpop (xrf2)  }
0x2b2: {  	v7, _, _ =	vpop (xrf2)  }
0x2b3: {  	v9, _, _ =	vpop (xrf2)  }
0x2b4: {  	v11, _, _ =	vpop (xrf2)  }
0x2b5: {  	v11 =	vbroadcast v11, $0xF  }
0x2b6: {  	v9 =	vbroadcast v9, $0xF  }
0x2b7: {  	v7 =	vbroadcast v7, $0xF  }
0x2b8: {  	v9 =	vsel vm0, v9, v11  }
0x2b9: {  	v2 =	vbroadcast v2, $0xF;
	v7 =	vsel vm1, v9, v7;
	v11, _, _ =	vpop (xrf2)  }
0x2ba: {  	v9 =	vbroadcast v11, $0xF  }
0x2bb: {  	v6 =	vbroadcast v6, $0xF;
	v2 =	vsel vm2, v7, v2  }
0x2bc: {  	v3 =	vbroadcast v3, $0xF;
	v7, _, _ =	vpop (xrf2);
	v2 =	vsel vm3, v2, v9  }
0x2bd: {  	v2 =	vsel vm4, v2, v6;
	v6 =	vbroadcast v7, $0xF  }
0x2be: {  	v2 =	vsel vm5, v2, v3  }
0x2bf: {  	s22 =	sadd.s32 $0x8, s22;
	v2 =	vsel vm6, v2, v6  }
0x2c0: {  	[tilespmem:s22+$0x0] =	vst.msk $0xff, v2  }
0x2c1: {  	v35 =	vld [tilespmem:$0x790]  }
0x2c2: {  	v33 =	vld [tilespmem:$0x7A0]  }
0x2c3: {  	v34 =	vld [tilespmem:$0x7B0]  }
0x2c4: {  	s25 =	simm.s32 $0x0;
	v32 =	vld [tilespmem:$0x7C0]  }
0x2c5: {  	v2 =	vld [tilespmem:s25+$0xD440]  }
0x2c6: {  	v3 =	vld [tilespmem:s25+$0xD400]  }
0x2c7: {  	v6 =	vld [tilespmem:s25+$0xD430]  }
0x2c8: {  	v7 =	vld [tilespmem:s25+$0xD450]  }
0x2c9: {  	v9 =	vld [tilespmem:s25+$0xD3F0]  }
0x2ca: {  	v11 =	vld [tilespmem:s25+$0xD410]  }
0x2cb: {  	v14 =	vld [tilespmem:s25+$0xD420]  }
0x2cc: {  	v15 =	vld [tilespmem:s25+$0xD380]  }
0x2cd: {  	v20 =	vld [tilespmem:s25+$0xD3D0]  }
0x2ce: {  	v21 =	vld [tilespmem:s25+$0xD3E0]  }
0x2cf: {  	v22 =	vld [tilespmem:s25+$0xD340]  }
0x2d0: {  	v23 =	vld [tilespmem:s25+$0xD370]  }
0x2d1: {  	v28 =	vld [tilespmem:s25+$0xD350]  }
0x2d2: {  	v29 =	vld [tilespmem:s25+$0xD360]  }
0x2d3: {  	v36 =	vld [tilespmem:s25+$0xD390]  }
0x2d4: {  	v37 =	vld [tilespmem:s25+$0xD310]  }
0x2d5: {  	v38 =	vld [tilespmem:s25+$0xD320];
	v11 =	vmul.f32 v11, v35;
	v14 =	vmul.f32 v14, v33  }
0x2d6: {  	v39 =	vld [tilespmem:s25+$0xD330];
	v20 =	vmul.f32 v20, v35;
	v21 =	vmul.f32 v21, v33  }
0x2d7: {  	v40 =	vld [tilespmem:s25+$0xD2A0];
	v6 =	vmul.f32 v6, v34;
	v2 =	vmul.f32 v2, v32;
	v11 =	vadd.f32 v14, v11  }
0x2d8: {  	v9 =	vmul.f32 v9, v34;
	v3 =	vmul.f32 v3, v32;
	v14 =	vld [tilespmem:s25+$0xD290];
	v20 =	vadd.f32 v21, v20  }
0x2d9: {  	v21 =	vld [tilespmem:s25+$0xD2D0];
	v6 =	vadd.f32 v6, v11;
	v11 =	vmul.f32 v28, v35;
	v28 =	vmul.f32 v29, v33  }
0x2da: {  	v60 =	vmul.f32 v38, v33;
	v29 =	vld [tilespmem:s25+$0xD2B0];
	v9 =	vadd.f32 v9, v20;
	v20 =	vmul.f32 v37, v35  }
0x2db: {  	v23 =	vmul.f32 v23, v34;
	v11 =	vadd.f32 v28, v11;
	v28 =	vld [tilespmem:s25+$0xD2E0];
	v2 =	vadd.f32 v2, v6  }
0x2dc: {  	v61 =	vld [tilespmem:s25+$0xD2C0];
	v3 =	vadd.f32 v3, v9;
	v9 =	vadd.f32 v60, v20  }
0x2dd: {  	v20 =	vmul.f32 v39, v34;
	v6 =	vadd.f32 v23, v11;
	v11 =	vmul.f32 v15, v32;
	v15 =	vld [tilespmem:s25+$0xD2F0]  }
0x2de: {  	v62 =	vmul.f32 v40, v33;
	v14 =	vmul.f32 v14, v35;
	v23 =	vld [tilespmem:s25+$0xD3A0]  }
0x2df: {  	v9 =	vadd.f32 v20, v9;
	v20 =	vmul.f32 v21, v35;
	v6 =	vadd.f32 v11, v6;
	v11 =	vld [tilespmem:s25+$0xD300]  }
0x2e0: {  	v14 =	vadd.f32 v62, v14;
	v29 =	vmul.f32 v29, v34;
	v21 =	vmul.f32 v28, v33;
	v28 =	vld [tilespmem:s25+$0xD3B0]  }
0x2e1: {  	v63 =	vld [tilespmem:s25+$0xD460];
	v22 =	vmul.f32 v22, v32;
	v38 =	vmul.f32 v61, v32  }
0x2e2: {  	(xrf2) =	vadd.scan.msk.f32 $0xffff, v2;
	v2 =	vadd.f32 v29, v14;
	v29 =	vld [tilespmem:s25+$0xD470];
	v20 =	vadd.f32 v21, v20;
	v15 =	vmul.f32 v15, v34  }
0x2e3: {  	v14 =	vmul.f32 v36, v35;
	v21 =	vld [tilespmem:s25+$0xD3C0];
	v23 =	vmul.f32 v23, v33  }
0x2e4: {  	(xrf2) =	vadd.scan.msk.f32 $0xffff, v3;
	v3 =	vadd.f32 v22, v9;
	v9 =	vadd.f32 v15, v20;
	v11 =	vmul.f32 v11, v32  }
0x2e5: {  	(xrf2) =	vadd.scan.msk.f32 $0xffff, v6;
	v2 =	vadd.f32 v38, v2;
	v6 =	vadd.f32 v23, v14;
	v15 =	vld [tilespmem:s25+$0xD480];
	v14 =	vmul.f32 v28, v34  }
0x2e6: {  	v7 =	vmul.f32 v7, v35;
	(xrf2) =	vadd.scan.msk.f32 $0xffff, v3;
	v3 =	vadd.f32 v11, v9;
	v9 =	vmul.f32 v63, v33  }
0x2e7: {  	(xrf2) =	vadd.scan.msk.f32 $0xffff, v2;
	v2 =	vadd.f32 v14, v6  }
0x2e8: {  	v6 =	vmul.f32 v21, v32;
	v7 =	vadd.f32 v9, v7;
	v9 =	vmul.f32 v29, v34  }
0x2e9: {  	(xrf2) =	vadd.scan.msk.f32 $0xffff, v3  }
0x2ea: {  	v2 =	vadd.f32 v6, v2;
	v6 =	vmul.f32 v15, v32;
	v3 =	vadd.f32 v9, v7;
	_ =	sdelay $0x1  }
0x2eb: {  	(xrf2) =	vadd.scan.msk.f32 $0xffff, v2;
	v2 =	vadd.f32 v6, v3;
	_ =	sdelay $0x1  }
0x2ec: {  	v3, _, _ =	vpop (xrf2)  }
0x2ed: {  	v6, _, _ =	vpop (xrf2)  }
0x2ee: {  	(xrf2) =	vadd.scan.msk.f32 $0xffff, v2;
	v2, _, _ =	vpop (xrf2)  }
0x2ef: {  	v7, _, _ =	vpop (xrf2)  }
0x2f0: {  	v9, _, _ =	vpop (xrf2)  }
0x2f1: {  	v11, _, _ =	vpop (xrf2)  }
0x2f2: {  	v9 =	vbroadcast v9, $0xF;
	v11 =	vbroadcast v11, $0xF  }
0x2f3: {  	v7 =	vbroadcast v7, $0xF  }
0x2f4: {  	v2 =	vbroadcast v2, $0xF;
	v9 =	vsel vm0, v9, v11  }
0x2f5: {  	v7 =	vsel vm1, v9, v7  }
0x2f6: {  	v2 =	vsel vm2, v7, v2;
	v7 =	vld [tilespmem:$0x990];
	_ =	sdelay $0x1  }
0x2f7: {  	v11, _, _ =	vpop (xrf2)  }
0x2f8: {  	v9 =	vbroadcast v11, $0xF  }
0x2f9: {  	v6 =	vbroadcast v6, $0xF  }
0x2fa: {  	v3 =	vbroadcast v3, $0xF;
	v2 =	vsel vm3, v2, v9;
	[tilespmem:$0x1FEE0] =	vst v7;
	v7, _, _ =	vpop (xrf2)  }
0x2fb: {  	v2 =	vsel vm4, v2, v6;
	v6 =	vbroadcast v7, $0xF  }
0x2fc: {  	v39 =	vld [tilespmem:$0x9B0];
	v2 =	vsel vm5, v2, v3  }
0x2fd: {  	s22 =	simm.s32 $0x19DD0;
	v38 =	vld [tilespmem:$0x9A0];
	v2 =	vsel vm6, v2, v6  }
0x2fe: {  	s23 =	simm.s32 $0x200;
	v3 =	vld [tilespmem:$0x9C0];
	[tilespmem:s22+$0x0] =	vst.msk $0xff, v2  }
0x2ff: {  	v7 =	vld [tilespmem:s23+$0xD440]  }
0x300: {  	v14 =	vld [tilespmem:s23+$0xD400]  }
0x301: {  	v9 =	vld [tilespmem:s23+$0xD430]  }
0x302: {  	v40 =	vld [tilespmem:s23+$0xD450]  }
0x303: {  	v11 =	vld [tilespmem:s23+$0xD3F0]  }
0x304: {  	v2 =	vld [tilespmem:s23+$0xD410]  }
0x305: {  	v15 =	vld [tilespmem:s23+$0xD420]  }
0x306: {  	v6 =	vld [tilespmem:s23+$0xD380]  }
0x307: {  	v20 =	vld [tilespmem:s23+$0xD3D0]  }
0x308: {  	v21 =	vld [tilespmem:s23+$0xD3E0]  }
0x309: {  	[tilespmem:$0x1FEF0] =	vst v3;
	v3 =	vld [tilespmem:s23+$0xD340]  }
0x30a: {  	v22 =	vld [tilespmem:s23+$0xD370]  }
0x30b: {  	v23 =	vld [tilespmem:s23+$0xD350];
	v28 =	vmul.f32 v2, v35;
	v15 =	vmul.f32 v15, v33  }
0x30c: {  	v29 =	vld [tilespmem:s23+$0xD360]  }
0x30d: {  	v42 =	vld [tilespmem:s23+$0xD320];
	v9 =	vmul.f32 v9, v34;
	v15 =	vadd.f32 v15, v28  }
0x30e: {  	v2 =	vld [tilespmem:s23+$0xD390];
	v20 =	vmul.f32 v20, v35;
	v21 =	vmul.f32 v21, v33  }
0x30f: {  	v7 =	vmul.f32 v7, v32;
	v28 =	vld [tilespmem:s23+$0xD310];
	v15 =	vadd.f32 v9, v15  }
0x310: {  	v20 =	vadd.f32 v21, v20;
	v21 =	vmul.f32 v11, v34;
	v11 =	vld [tilespmem:s23+$0xD290]  }
0x311: {  	v23 =	vmul.f32 v23, v35;
	v29 =	vmul.f32 v29, v33;
	v9 =	vld [tilespmem:s23+$0xD330];
	v41 =	vadd.f32 v7, v15  }
0x312: {  	v43 =	vmul.f32 v14, v32;
	v20 =	vadd.f32 v21, v20;
	v15 =	vld [tilespmem:s23+$0xD2A0]  }
0x313: {  	v22 =	vmul.f32 v22, v34;
	v14 =	vld [tilespmem:s23+$0xD2D0];
	v21 =	vadd.f32 v29, v23;
	(xrf2) =	vadd.scan.msk.f32 $0xffff, v41  }
0x314: {  	s24 =	simm.s32 $0x1000;
	v23 =	vmul.f32 v42, v33;
	v7 =	vld [tilespmem:s23+$0xD2B0];
	v20 =	vadd.f32 v43, v20;
	v41 =	vmul.f32 v28, v35  }
.LBB2_11:
0x315: {  	p0 =	sne.s32 s24, $0xC000;
	v28 =	vld [tilespmem:s23+$0xD2E0];
	v21 =	vadd.f32 v22, v21;
	v6 =	vmul.f32 v6, v32  }
0x316: {  	v9 =	vmul.f32 v9, v34;
	v22 =	vld [tilespmem:s23+$0xD2C0];
	v23 =	vadd.f32 v23, v41;
	(xrf2) =	vadd.scan.msk.f32 $0xffff, v20  }
0x317: {  	v11 =	vmul.f32 v11, v35;
	v15 =	vmul.f32 v15, v33;
	v20 =	vld [tilespmem:s23+$0xD2F0];
	v6 =	vadd.f32 v6, v21  }
0x318: {  	v3 =	vmul.f32 v3, v32;
	v9 =	vadd.f32 v9, v23;
	v21 =	vld [tilespmem:s23+$0xD3A0]  }
0x319: {  	v7 =	vmul.f32 v7, v34;
	v11 =	vadd.f32 v15, v11;
	v15 =	vld [tilespmem:s23+$0xD300];
	(xrf2) =	vadd.scan.msk.f32 $0xffff, v6  }
0x31a: {  	v6 =	vmul.f32 v14, v35;
	v14 =	vmul.f32 v28, v33;
	v3 =	vadd.f32 v3, v9;
	v9 =	vld [tilespmem:s23+$0xD3B0]  }
0x31b: {  	v7 =	vadd.f32 v7, v11;
	v11 =	vmul.f32 v22, v32;
	v22 =	vld [tilespmem:s23+$0xD460]  }
0x31c: {  	v6 =	vadd.f32 v14, v6;
	v14 =	vmul.f32 v20, v34;
	v20 =	vld [tilespmem:s23+$0xD3C0];
	(xrf2) =	vadd.scan.msk.f32 $0xffff, v3  }
0x31d: {  	v2 =	vmul.f32 v2, v35;
	v3 =	vadd.f32 v11, v7;
	v7 =	vmul.f32 v21, v33;
	v11 =	vld [tilespmem:s23+$0xD470];
	v21, _, _ =	vpop (xrf2)  }
0x31e: {  	v6 =	vadd.f32 v14, v6;
	v14 =	vmul.f32 v15, v32  }
0x31f: {  	v2 =	vadd.f32 v7, v2;
	v7 =	vmul.f32 v9, v34;
	v9 =	vld [tilespmem:s23+$0xD480];
	(xrf2) =	vadd.scan.msk.f32 $0xffff, v3  }
0x320: {  	v23 =	vadd.f32 v14, v6;
	v6 =	vmul.f32 v40, v35;
	v14 =	vmul.f32 v22, v33;
	v15, _, _ =	vpop (xrf2)  }
0x321: {  	v2 =	vadd.f32 v7, v2;
	v7 =	vmul.f32 v20, v32  }
0x322: {  	v6 =	vadd.f32 v14, v6;
	v11 =	vmul.f32 v11, v34;
	(xrf2) =	vadd.scan.msk.f32 $0xffff, v23  }
0x323: {  	v2 =	vadd.f32 v7, v2;
	v3, _, _ =	vpop (xrf2)  }
0x324: {  	v11 =	vadd.f32 v11, v6;
	v7 =	vmul.f32 v9, v32  }
0x325: {  	(xrf2) =	vadd.scan.msk.f32 $0xffff, v2  }
0x326: {  	v7 =	vadd.f32 v7, v11;
	v6, _, _ =	vpop (xrf2);
	_ =	sdelay $0x1  }
0x327: {  	(xrf2) =	vadd.scan.msk.f32 $0xffff, v7  }
0x328: {  	v2, _, _ =	vpop (xrf2);
	_ =	sdelay $0x2  }
0x329: {  	v7, _, _ =	vpop (xrf2)  }
0x32a: {  	v2 =	vbroadcast v2, $0xF;
	v9 =	vbroadcast v7, $0xF  }
0x32b: {  	v6 =	vbroadcast v6, $0xF  }
0x32c: {  	v3 =	vbroadcast v3, $0xF;
	v2 =	vsel vm0, v2, v9;
	v7, _, _ =	vpop (xrf2)  }
0x32d: {  	v2 =	vsel vm1, v2, v6;
	v6 =	vbroadcast v7, $0xF  }
0x32e: {  	v2 =	vsel vm2, v2, v3;
	v3 =	vbroadcast v15, $0xF  }
0x32f: {  	v2 =	vsel vm3, v2, v6;
	v6 =	vbroadcast v21, $0xF;
	v7, _, _ =	vpop (xrf2)  }
0x330: {  	v2 =	vsel vm4, v2, v3;
	v3 =	vbroadcast v7, $0xF  }
0x331: {  	v2 =	vsel vm5, v2, v6  }
0x332: {  	s22 =	sadd.s32 $0x8, s22;
	v2 =	vsel vm6, v2, v3  }
0x333: {  	s23 =	sshra.s32 s24, $0x2;
	[tilespmem:s22+$0x0] =	vst.msk $0xff, v2  }
0x334: {  	v7 =	vld [tilespmem:s23+$0xD440]  }
0x335: {  	v14 =	vld [tilespmem:s23+$0xD400]  }
0x336: {  	v9 =	vld [tilespmem:s23+$0xD430]  }
0x337: {  	v40 =	vld [tilespmem:s23+$0xD450]  }
0x338: {  	v11 =	vld [tilespmem:s23+$0xD3F0]  }
0x339: {  	v2 =	vld [tilespmem:s23+$0xD410]  }
0x33a: {  	v15 =	vld [tilespmem:s23+$0xD420]  }
0x33b: {  	v6 =	vld [tilespmem:s23+$0xD380]  }
0x33c: {  	v20 =	vld [tilespmem:s23+$0xD3D0]  }
0x33d: {  	v21 =	vld [tilespmem:s23+$0xD3E0]  }
0x33e: {  	v3 =	vld [tilespmem:s23+$0xD340]  }
0x33f: {  	v22 =	vld [tilespmem:s23+$0xD370]  }
0x340: {  	v28 =	vmul.f32 v2, v35;
	v15 =	vmul.f32 v15, v33;
	v23 =	vld [tilespmem:s23+$0xD350]  }
0x341: {  	v29 =	vld [tilespmem:s23+$0xD360]  }
0x342: {  	v9 =	vmul.f32 v9, v34;
	v15 =	vadd.f32 v15, v28;
	v2 =	vld [tilespmem:s23+$0xD390]  }
0x343: {  	v20 =	vmul.f32 v20, v35;
	v21 =	vmul.f32 v21, v33;
	v28 =	vld [tilespmem:s23+$0xD310]  }
0x344: {  	v7 =	vmul.f32 v7, v32;
	v15 =	vadd.f32 v9, v15;
	v42 =	vld [tilespmem:s23+$0xD320]  }
.Ltmp4:
0x345: {  	v20 =	vadd.f32 v21, v20;
	v21 =	vmul.f32 v11, v34;
	v9 =	vld [tilespmem:s23+$0xD330];
	(pc) =	sbr.rel @p0 .LBB2_11-.Ltmp4, $4  }
0x346: {  	v23 =	vmul.f32 v23, v35;
	v41 =	vadd.f32 v7, v15;
	v11 =	vld [tilespmem:s23+$0xD290];
	v29 =	vmul.f32 v29, v33  }
0x347: {  	v43 =	vmul.f32 v14, v32;
	v20 =	vadd.f32 v21, v20;
	v15 =	vld [tilespmem:s23+$0xD2A0]  }
0x348: {  	v22 =	vmul.f32 v22, v34;
	v7 =	vld [tilespmem:s23+$0xD2B0];
	v21 =	vadd.f32 v29, v23;
	(xrf2) =	vadd.scan.msk.f32 $0xffff, v41  }
0x349: {  	s24 =	sadd.s32 $0x800, s24;
	v41 =	vmul.f32 v28, v35;
	v20 =	vadd.f32 v43, v20;
	v14 =	vld [tilespmem:s23+$0xD2D0];
	v23 =	vmul.f32 v42, v33  }
0x34a: {  	v28 =	vld [tilespmem:s23+$0xD2E0]  }
0x34b: {  	v29 =	vld [tilespmem:s23+$0xD2C0]  }
0x34c: {  	v21 =	vadd.f32 v22, v21;
	v6 =	vmul.f32 v6, v32;
	v22 =	vld [tilespmem:s23+$0xD2F0]  }
0x34d: {  	v9 =	vmul.f32 v9, v34;
	v58 =	vld [tilespmem:s23+$0xD3A0];
	v23 =	vadd.f32 v23, v41  }
0x34e: {  	v11 =	vmul.f32 v11, v35;
	v15 =	vmul.f32 v15, v33;
	v6 =	vadd.f32 v6, v21;
	v21 =	vld [tilespmem:s23+$0xD300]  }
0x34f: {  	v9 =	vadd.f32 v9, v23;
	v14 =	vmul.f32 v14, v35;
	v23 =	vmul.f32 v28, v33;
	v28 =	vld [tilespmem:s23+$0xD3B0]  }
0x350: {  	v3 =	vmul.f32 v3, v32;
	v7 =	vmul.f32 v7, v34;
	v11 =	vadd.f32 v15, v11;
	v15 =	vld [tilespmem:s23+$0xD460]  }
0x351: {  	v2 =	vmul.f32 v2, v35;
	v59 =	vld [tilespmem:s23+$0xD470];
	v22 =	vmul.f32 v22, v34;
	v14 =	vadd.f32 v23, v14  }
0x352: {  	v29 =	vmul.f32 v29, v32;
	v7 =	vadd.f32 v7, v11;
	v11 =	vmul.f32 v58, v33;
	v23 =	vld [tilespmem:s23+$0xD3C0]  }
0x353: {  	(xrf2) =	vadd.scan.msk.f32 $0xffff, v20;
	v3 =	vadd.f32 v3, v9;
	v9 =	vadd.f32 v22, v14;
	v14 =	vmul.f32 v21, v32  }
0x354: {  	(xrf2) =	vadd.scan.msk.f32 $0xffff, v6;
	v6 =	vadd.f32 v29, v7;
	v2 =	vadd.f32 v11, v2;
	v11 =	vld [tilespmem:s23+$0xD480];
	v7 =	vmul.f32 v28, v34  }
0x355: {  	(xrf2) =	vadd.scan.msk.f32 $0xffff, v3;
	v3 =	vadd.f32 v14, v9;
	v9 =	vmul.f32 v40, v35;
	v14 =	vmul.f32 v15, v33  }
0x356: {  	v2 =	vadd.f32 v7, v2  }
0x357: {  	(xrf2) =	vadd.scan.msk.f32 $0xffff, v6;
	v6 =	vmul.f32 v23, v32;
	v7 =	vadd.f32 v14, v9;
	v9 =	vmul.f32 v59, v34  }
0x358: {  	(xrf2) =	vadd.scan.msk.f32 $0xffff, v3  }
0x359: {  	v2 =	vadd.f32 v6, v2;
	v6 =	vmul.f32 v11, v32;
	v3 =	vadd.f32 v9, v7;
	_ =	sdelay $0x1  }
0x35a: {  	(xrf2) =	vadd.scan.msk.f32 $0xffff, v2;
	v2 =	vadd.f32 v6, v3;
	_ =	sdelay $0x1  }
0x35b: {  	v3, _, _ =	vpop (xrf2)  }
0x35c: {  	v6, _, _ =	vpop (xrf2)  }
0x35d: {  	(xrf2) =	vadd.scan.msk.f32 $0xffff, v2;
	v2, _, _ =	vpop (xrf2)  }
0x35e: {  	v7, _, _ =	vpop (xrf2)  }
0x35f: {  	v9, _, _ =	vpop (xrf2)  }
0x360: {  	v11, _, _ =	vpop (xrf2)  }
0x361: {  	v11 =	vbroadcast v11, $0xF  }
0x362: {  	v9 =	vbroadcast v9, $0xF  }
0x363: {  	v7 =	vbroadcast v7, $0xF  }
0x364: {  	v9 =	vsel vm0, v9, v11  }
0x365: {  	v2 =	vbroadcast v2, $0xF;
	v7 =	vsel vm1, v9, v7;
	v11, _, _ =	vpop (xrf2)  }
0x366: {  	v9 =	vbroadcast v11, $0xF  }
0x367: {  	v6 =	vbroadcast v6, $0xF;
	v2 =	vsel vm2, v7, v2  }
0x368: {  	v3 =	vbroadcast v3, $0xF;
	v7, _, _ =	vpop (xrf2);
	v2 =	vsel vm3, v2, v9  }
0x369: {  	v2 =	vsel vm4, v2, v6;
	v6 =	vbroadcast v7, $0xF  }
0x36a: {  	v2 =	vsel vm5, v2, v3  }
0x36b: {  	s22 =	sadd.s32 $0x8, s22;
	v2 =	vsel vm6, v2, v6  }
0x36c: {  	[tilespmem:s22+$0x0] =	vst.msk $0xff, v2  }
0x36d: {  	v42 =	vld [tilespmem:$0x7D0]  }
0x36e: {  	v43 =	vld [tilespmem:$0x7E0]  }
0x36f: {  	v41 =	vld [tilespmem:$0x7F0]  }
0x370: {  	s25 =	simm.s32 $0x0;
	v40 =	vld [tilespmem:$0x800]  }
0x371: {  	v2 =	vld [tilespmem:s25+$0x10640]  }
0x372: {  	v3 =	vld [tilespmem:s25+$0x10600]  }
0x373: {  	v6 =	vld [tilespmem:s25+$0x10630]  }
0x374: {  	v7 =	vld [tilespmem:s25+$0x10650]  }
0x375: {  	v9 =	vld [tilespmem:s25+$0x105F0]  }
0x376: {  	v11 =	vld [tilespmem:s25+$0x10610]  }
0x377: {  	v14 =	vld [tilespmem:s25+$0x10620]  }
0x378: {  	v15 =	vld [tilespmem:s25+$0x10580]  }
0x379: {  	v20 =	vld [tilespmem:s25+$0x105D0]  }
0x37a: {  	v21 =	vld [tilespmem:s25+$0x105E0]  }
0x37b: {  	v22 =	vld [tilespmem:s25+$0x10540]  }
0x37c: {  	v23 =	vld [tilespmem:s25+$0x10570]  }
0x37d: {  	v28 =	vld [tilespmem:s25+$0x10550]  }
0x37e: {  	v29 =	vld [tilespmem:s25+$0x10560]  }
0x37f: {  	v44 =	vld [tilespmem:s25+$0x10590]  }
0x380: {  	v45 =	vld [tilespmem:s25+$0x10510]  }
0x381: {  	v46 =	vld [tilespmem:s25+$0x10520];
	v11 =	vmul.f32 v11, v42;
	v14 =	vmul.f32 v14, v43  }
0x382: {  	v47 =	vld [tilespmem:s25+$0x10530];
	v20 =	vmul.f32 v20, v42;
	v21 =	vmul.f32 v21, v43  }
0x383: {  	v48 =	vld [tilespmem:s25+$0x104A0];
	v6 =	vmul.f32 v6, v41;
	v2 =	vmul.f32 v2, v40;
	v11 =	vadd.f32 v14, v11  }
0x384: {  	v9 =	vmul.f32 v9, v41;
	v3 =	vmul.f32 v3, v40;
	v14 =	vld [tilespmem:s25+$0x10490];
	v20 =	vadd.f32 v21, v20  }
0x385: {  	v21 =	vld [tilespmem:s25+$0x104D0];
	v6 =	vadd.f32 v6, v11;
	v11 =	vmul.f32 v28, v42;
	v28 =	vmul.f32 v29, v43  }
0x386: {  	v60 =	vmul.f32 v46, v43;
	v29 =	vld [tilespmem:s25+$0x104B0];
	v9 =	vadd.f32 v9, v20;
	v20 =	vmul.f32 v45, v42  }
0x387: {  	v23 =	vmul.f32 v23, v41;
	v11 =	vadd.f32 v28, v11;
	v28 =	vld [tilespmem:s25+$0x104E0];
	v2 =	vadd.f32 v2, v6  }
0x388: {  	v61 =	vld [tilespmem:s25+$0x104C0];
	v3 =	vadd.f32 v3, v9;
	v9 =	vadd.f32 v60, v20  }
0x389: {  	v20 =	vmul.f32 v47, v41;
	v6 =	vadd.f32 v23, v11;
	v11 =	vmul.f32 v15, v40;
	v15 =	vld [tilespmem:s25+$0x104F0]  }
0x38a: {  	v62 =	vmul.f32 v48, v43;
	v14 =	vmul.f32 v14, v42;
	v23 =	vld [tilespmem:s25+$0x105A0]  }
0x38b: {  	v9 =	vadd.f32 v20, v9;
	v20 =	vmul.f32 v21, v42;
	v6 =	vadd.f32 v11, v6;
	v11 =	vld [tilespmem:s25+$0x10500]  }
0x38c: {  	v14 =	vadd.f32 v62, v14;
	v29 =	vmul.f32 v29, v41;
	v21 =	vmul.f32 v28, v43;
	v28 =	vld [tilespmem:s25+$0x105B0]  }
0x38d: {  	v63 =	vld [tilespmem:s25+$0x10660];
	v22 =	vmul.f32 v22, v40;
	v46 =	vmul.f32 v61, v40  }
0x38e: {  	(xrf2) =	vadd.scan.msk.f32 $0xffff, v2;
	v2 =	vadd.f32 v29, v14;
	v29 =	vld [tilespmem:s25+$0x10670];
	v20 =	vadd.f32 v21, v20;
	v15 =	vmul.f32 v15, v41  }
0x38f: {  	v14 =	vmul.f32 v44, v42;
	v21 =	vld [tilespmem:s25+$0x105C0];
	v23 =	vmul.f32 v23, v43  }
0x390: {  	(xrf2) =	vadd.scan.msk.f32 $0xffff, v3;
	v3 =	vadd.f32 v22, v9;
	v9 =	vadd.f32 v15, v20;
	v11 =	vmul.f32 v11, v40  }
0x391: {  	(xrf2) =	vadd.scan.msk.f32 $0xffff, v6;
	v2 =	vadd.f32 v46, v2;
	v6 =	vadd.f32 v23, v14;
	v15 =	vld [tilespmem:s25+$0x10680];
	v14 =	vmul.f32 v28, v41  }
0x392: {  	v7 =	vmul.f32 v7, v42;
	(xrf2) =	vadd.scan.msk.f32 $0xffff, v3;
	v3 =	vadd.f32 v11, v9;
	v9 =	vmul.f32 v63, v43  }
0x393: {  	(xrf2) =	vadd.scan.msk.f32 $0xffff, v2;
	v2 =	vadd.f32 v14, v6  }
0x394: {  	v6 =	vmul.f32 v21, v40;
	v7 =	vadd.f32 v9, v7;
	v9 =	vmul.f32 v29, v41  }
0x395: {  	(xrf2) =	vadd.scan.msk.f32 $0xffff, v3  }
0x396: {  	v2 =	vadd.f32 v6, v2;
	v6 =	vmul.f32 v15, v40;
	v3 =	vadd.f32 v9, v7;
	_ =	sdelay $0x1  }
0x397: {  	(xrf2) =	vadd.scan.msk.f32 $0xffff, v2;
	v2 =	vadd.f32 v6, v3;
	_ =	sdelay $0x1  }
0x398: {  	v3, _, _ =	vpop (xrf2)  }
0x399: {  	v6, _, _ =	vpop (xrf2)  }
0x39a: {  	(xrf2) =	vadd.scan.msk.f32 $0xffff, v2;
	v2, _, _ =	vpop (xrf2)  }
0x39b: {  	v7, _, _ =	vpop (xrf2)  }
0x39c: {  	v9, _, _ =	vpop (xrf2)  }
0x39d: {  	v11, _, _ =	vpop (xrf2)  }
0x39e: {  	v11 =	vbroadcast v11, $0xF  }
0x39f: {  	v9 =	vbroadcast v9, $0xF  }
0x3a0: {  	v7 =	vbroadcast v7, $0xF  }
0x3a1: {  	v9 =	vsel vm0, v9, v11  }
0x3a2: {  	v2 =	vbroadcast v2, $0xF;
	v7 =	vsel vm1, v9, v7;
	v11, _, _ =	vpop (xrf2)  }
0x3a3: {  	v9 =	vbroadcast v11, $0xF  }
0x3a4: {  	v6 =	vbroadcast v6, $0xF;
	v2 =	vsel vm2, v7, v2  }
0x3a5: {  	v3 =	vbroadcast v3, $0xF;
	v7, _, _ =	vpop (xrf2);
	v2 =	vsel vm3, v2, v9  }
0x3a6: {  	v45 =	vld [tilespmem:$0x9D0];
	v2 =	vsel vm4, v2, v6;
	v6 =	vbroadcast v7, $0xF  }
0x3a7: {  	v47 =	vld [tilespmem:$0x9E0];
	v2 =	vsel vm5, v2, v3  }
0x3a8: {  	s22 =	simm.s32 $0x19EA0;
	v44 =	vld [tilespmem:$0xA00];
	v2 =	vsel vm6, v2, v6  }
0x3a9: {  	s23 =	simm.s32 $0x200;
	v46 =	vld [tilespmem:$0x9F0];
	[tilespmem:s22+$0x0] =	vst.msk $0xff, v2  }
0x3aa: {  	v7 =	vld [tilespmem:s23+$0x10640]  }
0x3ab: {  	v14 =	vld [tilespmem:s23+$0x10600]  }
0x3ac: {  	v9 =	vld [tilespmem:s23+$0x10630]  }
0x3ad: {  	v48 =	vld [tilespmem:s23+$0x10650]  }
0x3ae: {  	v11 =	vld [tilespmem:s23+$0x105F0]  }
0x3af: {  	v2 =	vld [tilespmem:s23+$0x10610]  }
0x3b0: {  	v15 =	vld [tilespmem:s23+$0x10620]  }
0x3b1: {  	v6 =	vld [tilespmem:s23+$0x10580]  }
0x3b2: {  	v20 =	vld [tilespmem:s23+$0x105D0]  }
0x3b3: {  	v21 =	vld [tilespmem:s23+$0x105E0]  }
0x3b4: {  	v3 =	vld [tilespmem:s23+$0x10540]  }
0x3b5: {  	v22 =	vld [tilespmem:s23+$0x10570]  }
0x3b6: {  	v23 =	vld [tilespmem:s23+$0x10550];
	v28 =	vmul.f32 v2, v42;
	v15 =	vmul.f32 v15, v43  }
0x3b7: {  	v29 =	vld [tilespmem:s23+$0x10560]  }
0x3b8: {  	v50 =	vld [tilespmem:s23+$0x10520];
	v9 =	vmul.f32 v9, v41;
	v15 =	vadd.f32 v15, v28  }
0x3b9: {  	v2 =	vld [tilespmem:s23+$0x10590];
	v20 =	vmul.f32 v20, v42;
	v21 =	vmul.f32 v21, v43  }
0x3ba: {  	v7 =	vmul.f32 v7, v40;
	v28 =	vld [tilespmem:s23+$0x10510];
	v15 =	vadd.f32 v9, v15  }
0x3bb: {  	v20 =	vadd.f32 v21, v20;
	v21 =	vmul.f32 v11, v41;
	v11 =	vld [tilespmem:s23+$0x10490]  }
0x3bc: {  	v23 =	vmul.f32 v23, v42;
	v29 =	vmul.f32 v29, v43;
	v9 =	vld [tilespmem:s23+$0x10530];
	v49 =	vadd.f32 v7, v15  }
0x3bd: {  	v51 =	vmul.f32 v14, v40;
	v20 =	vadd.f32 v21, v20;
	v15 =	vld [tilespmem:s23+$0x104A0]  }
0x3be: {  	v22 =	vmul.f32 v22, v41;
	v14 =	vld [tilespmem:s23+$0x104D0];
	v21 =	vadd.f32 v29, v23;
	(xrf2) =	vadd.scan.msk.f32 $0xffff, v49  }
0x3bf: {  	s24 =	simm.s32 $0x1000;
	v23 =	vmul.f32 v50, v43;
	v7 =	vld [tilespmem:s23+$0x104B0];
	v20 =	vadd.f32 v51, v20;
	v49 =	vmul.f32 v28, v42  }
.LBB2_13:
0x3c0: {  	p0 =	sne.s32 s24, $0xC000;
	v28 =	vld [tilespmem:s23+$0x104E0];
	v21 =	vadd.f32 v22, v21;
	v6 =	vmul.f32 v6, v40  }
0x3c1: {  	v9 =	vmul.f32 v9, v41;
	v22 =	vld [tilespmem:s23+$0x104C0];
	v23 =	vadd.f32 v23, v49;
	(xrf2) =	vadd.scan.msk.f32 $0xffff, v20  }
0x3c2: {  	v11 =	vmul.f32 v11, v42;
	v15 =	vmul.f32 v15, v43;
	v20 =	vld [tilespmem:s23+$0x104F0];
	v6 =	vadd.f32 v6, v21  }
0x3c3: {  	v3 =	vmul.f32 v3, v40;
	v9 =	vadd.f32 v9, v23;
	v21 =	vld [tilespmem:s23+$0x105A0]  }
0x3c4: {  	v7 =	vmul.f32 v7, v41;
	v11 =	vadd.f32 v15, v11;
	v15 =	vld [tilespmem:s23+$0x10500];
	(xrf2) =	vadd.scan.msk.f32 $0xffff, v6  }
0x3c5: {  	v6 =	vmul.f32 v14, v42;
	v14 =	vmul.f32 v28, v43;
	v3 =	vadd.f32 v3, v9;
	v9 =	vld [tilespmem:s23+$0x105B0]  }
0x3c6: {  	v7 =	vadd.f32 v7, v11;
	v11 =	vmul.f32 v22, v40;
	v22 =	vld [tilespmem:s23+$0x10660]  }
0x3c7: {  	v6 =	vadd.f32 v14, v6;
	v14 =	vmul.f32 v20, v41;
	v20 =	vld [tilespmem:s23+$0x105C0];
	(xrf2) =	vadd.scan.msk.f32 $0xffff, v3  }
0x3c8: {  	v2 =	vmul.f32 v2, v42;
	v3 =	vadd.f32 v11, v7;
	v7 =	vmul.f32 v21, v43;
	v11 =	vld [tilespmem:s23+$0x10670];
	v21, _, _ =	vpop (xrf2)  }
0x3c9: {  	v6 =	vadd.f32 v14, v6;
	v14 =	vmul.f32 v15, v40  }
0x3ca: {  	v2 =	vadd.f32 v7, v2;
	v7 =	vmul.f32 v9, v41;
	v9 =	vld [tilespmem:s23+$0x10680];
	(xrf2) =	vadd.scan.msk.f32 $0xffff, v3  }
0x3cb: {  	v23 =	vadd.f32 v14, v6;
	v6 =	vmul.f32 v48, v42;
	v14 =	vmul.f32 v22, v43;
	v15, _, _ =	vpop (xrf2)  }
0x3cc: {  	v2 =	vadd.f32 v7, v2;
	v7 =	vmul.f32 v20, v40  }
0x3cd: {  	v6 =	vadd.f32 v14, v6;
	v11 =	vmul.f32 v11, v41;
	(xrf2) =	vadd.scan.msk.f32 $0xffff, v23  }
0x3ce: {  	v2 =	vadd.f32 v7, v2;
	v3, _, _ =	vpop (xrf2)  }
0x3cf: {  	v11 =	vadd.f32 v11, v6;
	v7 =	vmul.f32 v9, v40  }
0x3d0: {  	(xrf2) =	vadd.scan.msk.f32 $0xffff, v2  }
0x3d1: {  	v7 =	vadd.f32 v7, v11;
	v6, _, _ =	vpop (xrf2);
	_ =	sdelay $0x1  }
0x3d2: {  	(xrf2) =	vadd.scan.msk.f32 $0xffff, v7  }
0x3d3: {  	v2, _, _ =	vpop (xrf2);
	_ =	sdelay $0x2  }
0x3d4: {  	v7, _, _ =	vpop (xrf2)  }
0x3d5: {  	v2 =	vbroadcast v2, $0xF;
	v9 =	vbroadcast v7, $0xF  }
0x3d6: {  	v6 =	vbroadcast v6, $0xF  }
0x3d7: {  	v3 =	vbroadcast v3, $0xF;
	v2 =	vsel vm0, v2, v9;
	v7, _, _ =	vpop (xrf2)  }
0x3d8: {  	v2 =	vsel vm1, v2, v6;
	v6 =	vbroadcast v7, $0xF  }
0x3d9: {  	v2 =	vsel vm2, v2, v3;
	v3 =	vbroadcast v15, $0xF  }
0x3da: {  	v2 =	vsel vm3, v2, v6;
	v6 =	vbroadcast v21, $0xF;
	v7, _, _ =	vpop (xrf2)  }
0x3db: {  	v2 =	vsel vm4, v2, v3;
	v3 =	vbroadcast v7, $0xF  }
0x3dc: {  	v2 =	vsel vm5, v2, v6  }
0x3dd: {  	s22 =	sadd.s32 $0x8, s22;
	v2 =	vsel vm6, v2, v3  }
0x3de: {  	s23 =	sshra.s32 s24, $0x2;
	[tilespmem:s22+$0x0] =	vst.msk $0xff, v2  }
0x3df: {  	v7 =	vld [tilespmem:s23+$0x10640]  }
0x3e0: {  	v14 =	vld [tilespmem:s23+$0x10600]  }
0x3e1: {  	v9 =	vld [tilespmem:s23+$0x10630]  }
0x3e2: {  	v48 =	vld [tilespmem:s23+$0x10650]  }
0x3e3: {  	v11 =	vld [tilespmem:s23+$0x105F0]  }
0x3e4: {  	v2 =	vld [tilespmem:s23+$0x10610]  }
0x3e5: {  	v15 =	vld [tilespmem:s23+$0x10620]  }
0x3e6: {  	v6 =	vld [tilespmem:s23+$0x10580]  }
0x3e7: {  	v20 =	vld [tilespmem:s23+$0x105D0]  }
0x3e8: {  	v21 =	vld [tilespmem:s23+$0x105E0]  }
0x3e9: {  	v3 =	vld [tilespmem:s23+$0x10540]  }
0x3ea: {  	v22 =	vld [tilespmem:s23+$0x10570]  }
0x3eb: {  	v28 =	vmul.f32 v2, v42;
	v15 =	vmul.f32 v15, v43;
	v23 =	vld [tilespmem:s23+$0x10550]  }
0x3ec: {  	v29 =	vld [tilespmem:s23+$0x10560]  }
0x3ed: {  	v9 =	vmul.f32 v9, v41;
	v15 =	vadd.f32 v15, v28;
	v2 =	vld [tilespmem:s23+$0x10590]  }
0x3ee: {  	v20 =	vmul.f32 v20, v42;
	v21 =	vmul.f32 v21, v43;
	v28 =	vld [tilespmem:s23+$0x10510]  }
0x3ef: {  	v7 =	vmul.f32 v7, v40;
	v15 =	vadd.f32 v9, v15;
	v50 =	vld [tilespmem:s23+$0x10520]  }
.Ltmp5:
0x3f0: {  	v20 =	vadd.f32 v21, v20;
	v21 =	vmul.f32 v11, v41;
	v9 =	vld [tilespmem:s23+$0x10530];
	(pc) =	sbr.rel @p0 .LBB2_13-.Ltmp5, $4  }
0x3f1: {  	v23 =	vmul.f32 v23, v42;
	v49 =	vadd.f32 v7, v15;
	v11 =	vld [tilespmem:s23+$0x10490];
	v29 =	vmul.f32 v29, v43  }
0x3f2: {  	v51 =	vmul.f32 v14, v40;
	v20 =	vadd.f32 v21, v20;
	v15 =	vld [tilespmem:s23+$0x104A0]  }
0x3f3: {  	v22 =	vmul.f32 v22, v41;
	v7 =	vld [tilespmem:s23+$0x104B0];
	v21 =	vadd.f32 v29, v23;
	(xrf2) =	vadd.scan.msk.f32 $0xffff, v49  }
0x3f4: {  	s24 =	sadd.s32 $0x800, s24;
	v49 =	vmul.f32 v28, v42;
	v20 =	vadd.f32 v51, v20;
	v14 =	vld [tilespmem:s23+$0x104D0];
	v23 =	vmul.f32 v50, v43  }
0x3f5: {  	v28 =	vld [tilespmem:s23+$0x104E0]  }
0x3f6: {  	v29 =	vld [tilespmem:s23+$0x104C0]  }
0x3f7: {  	v21 =	vadd.f32 v22, v21;
	v6 =	vmul.f32 v6, v40;
	v22 =	vld [tilespmem:s23+$0x104F0]  }
0x3f8: {  	v9 =	vmul.f32 v9, v41;
	v58 =	vld [tilespmem:s23+$0x105A0];
	v23 =	vadd.f32 v23, v49  }
0x3f9: {  	v11 =	vmul.f32 v11, v42;
	v15 =	vmul.f32 v15, v43;
	v6 =	vadd.f32 v6, v21;
	v21 =	vld [tilespmem:s23+$0x10500]  }
0x3fa: {  	v9 =	vadd.f32 v9, v23;
	v14 =	vmul.f32 v14, v42;
	v23 =	vmul.f32 v28, v43;
	v28 =	vld [tilespmem:s23+$0x105B0]  }
0x3fb: {  	v3 =	vmul.f32 v3, v40;
	v7 =	vmul.f32 v7, v41;
	v11 =	vadd.f32 v15, v11;
	v15 =	vld [tilespmem:s23+$0x10660]  }
0x3fc: {  	v2 =	vmul.f32 v2, v42;
	v59 =	vld [tilespmem:s23+$0x10670];
	v22 =	vmul.f32 v22, v41;
	v14 =	vadd.f32 v23, v14  }
0x3fd: {  	v29 =	vmul.f32 v29, v40;
	v7 =	vadd.f32 v7, v11;
	v11 =	vmul.f32 v58, v43;
	v23 =	vld [tilespmem:s23+$0x105C0]  }
0x3fe: {  	(xrf2) =	vadd.scan.msk.f32 $0xffff, v20;
	v3 =	vadd.f32 v3, v9;
	v9 =	vadd.f32 v22, v14;
	v14 =	vmul.f32 v21, v40  }
0x3ff: {  	(xrf2) =	vadd.scan.msk.f32 $0xffff, v6;
	v6 =	vadd.f32 v29, v7;
	v2 =	vadd.f32 v11, v2;
	v11 =	vld [tilespmem:s23+$0x10680];
	v7 =	vmul.f32 v28, v41  }
0x400: {  	(xrf2) =	vadd.scan.msk.f32 $0xffff, v3;
	v3 =	vadd.f32 v14, v9;
	v9 =	vmul.f32 v48, v42;
	v14 =	vmul.f32 v15, v43  }
0x401: {  	v2 =	vadd.f32 v7, v2  }
0x402: {  	(xrf2) =	vadd.scan.msk.f32 $0xffff, v6;
	v6 =	vmul.f32 v23, v40;
	v7 =	vadd.f32 v14, v9;
	v9 =	vmul.f32 v59, v41  }
0x403: {  	(xrf2) =	vadd.scan.msk.f32 $0xffff, v3  }
0x404: {  	v2 =	vadd.f32 v6, v2;
	v6 =	vmul.f32 v11, v40;
	v3 =	vadd.f32 v9, v7;
	_ =	sdelay $0x1  }
0x405: {  	(xrf2) =	vadd.scan.msk.f32 $0xffff, v2;
	v2 =	vadd.f32 v6, v3;
	_ =	sdelay $0x1  }
0x406: {  	v3, _, _ =	vpop (xrf2)  }
0x407: {  	v6, _, _ =	vpop (xrf2)  }
0x408: {  	(xrf2) =	vadd.scan.msk.f32 $0xffff, v2;
	v2, _, _ =	vpop (xrf2)  }
0x409: {  	v7, _, _ =	vpop (xrf2)  }
0x40a: {  	v9, _, _ =	vpop (xrf2)  }
0x40b: {  	v11, _, _ =	vpop (xrf2)  }
0x40c: {  	v11 =	vbroadcast v11, $0xF  }
0x40d: {  	v9 =	vbroadcast v9, $0xF  }
0x40e: {  	v7 =	vbroadcast v7, $0xF  }
0x40f: {  	v9 =	vsel vm0, v9, v11  }
0x410: {  	v2 =	vbroadcast v2, $0xF;
	v7 =	vsel vm1, v9, v7;
	v11, _, _ =	vpop (xrf2)  }
0x411: {  	v9 =	vbroadcast v11, $0xF  }
0x412: {  	v6 =	vbroadcast v6, $0xF;
	v2 =	vsel vm2, v7, v2  }
0x413: {  	v3 =	vbroadcast v3, $0xF;
	v7, _, _ =	vpop (xrf2);
	v2 =	vsel vm3, v2, v9  }
0x414: {  	v2 =	vsel vm4, v2, v6;
	v6 =	vbroadcast v7, $0xF  }
0x415: {  	v2 =	vsel vm5, v2, v3  }
0x416: {  	s22 =	sadd.s32 $0x8, s22;
	v2 =	vsel vm6, v2, v6  }
0x417: {  	[tilespmem:s22+$0x0] =	vst.msk $0xff, v2  }
0x418: {  	v50 =	vld [tilespmem:$0x810]  }
0x419: {  	v51 =	vld [tilespmem:$0x820]  }
0x41a: {  	v49 =	vld [tilespmem:$0x830]  }
0x41b: {  	s25 =	simm.s32 $0x0;
	v48 =	vld [tilespmem:$0x840]  }
0x41c: {  	v2 =	vld [tilespmem:s25+$0x13840]  }
0x41d: {  	v3 =	vld [tilespmem:s25+$0x13800]  }
0x41e: {  	v6 =	vld [tilespmem:s25+$0x13830]  }
0x41f: {  	v7 =	vld [tilespmem:s25+$0x13850]  }
0x420: {  	v9 =	vld [tilespmem:s25+$0x137F0]  }
0x421: {  	v11 =	vld [tilespmem:s25+$0x13810]  }
0x422: {  	v14 =	vld [tilespmem:s25+$0x13820]  }
0x423: {  	v15 =	vld [tilespmem:s25+$0x13780]  }
0x424: {  	v20 =	vld [tilespmem:s25+$0x137D0]  }
0x425: {  	v21 =	vld [tilespmem:s25+$0x137E0]  }
0x426: {  	v22 =	vld [tilespmem:s25+$0x13740]  }
0x427: {  	v23 =	vld [tilespmem:s25+$0x13770]  }
0x428: {  	v28 =	vld [tilespmem:s25+$0x13750]  }
0x429: {  	v29 =	vld [tilespmem:s25+$0x13760]  }
0x42a: {  	v52 =	vld [tilespmem:s25+$0x13790]  }
0x42b: {  	v53 =	vld [tilespmem:s25+$0x13710]  }
0x42c: {  	v54 =	vld [tilespmem:s25+$0x13720];
	v11 =	vmul.f32 v11, v50;
	v14 =	vmul.f32 v14, v51  }
0x42d: {  	v55 =	vld [tilespmem:s25+$0x13730];
	v20 =	vmul.f32 v20, v50;
	v21 =	vmul.f32 v21, v51  }
0x42e: {  	v56 =	vld [tilespmem:s25+$0x136A0];
	v6 =	vmul.f32 v6, v49;
	v2 =	vmul.f32 v2, v48;
	v11 =	vadd.f32 v14, v11  }
0x42f: {  	v9 =	vmul.f32 v9, v49;
	v3 =	vmul.f32 v3, v48;
	v14 =	vld [tilespmem:s25+$0x13690];
	v20 =	vadd.f32 v21, v20  }
0x430: {  	v21 =	vld [tilespmem:s25+$0x136D0];
	v6 =	vadd.f32 v6, v11;
	v11 =	vmul.f32 v28, v50;
	v28 =	vmul.f32 v29, v51  }
0x431: {  	v60 =	vmul.f32 v54, v51;
	v29 =	vld [tilespmem:s25+$0x136B0];
	v9 =	vadd.f32 v9, v20;
	v20 =	vmul.f32 v53, v50  }
0x432: {  	v23 =	vmul.f32 v23, v49;
	v11 =	vadd.f32 v28, v11;
	v28 =	vld [tilespmem:s25+$0x136E0];
	v2 =	vadd.f32 v2, v6  }
0x433: {  	v61 =	vld [tilespmem:s25+$0x136C0];
	v3 =	vadd.f32 v3, v9;
	v9 =	vadd.f32 v60, v20  }
0x434: {  	v20 =	vmul.f32 v55, v49;
	v6 =	vadd.f32 v23, v11;
	v11 =	vmul.f32 v15, v48;
	v15 =	vld [tilespmem:s25+$0x136F0]  }
0x435: {  	v62 =	vmul.f32 v56, v51;
	v14 =	vmul.f32 v14, v50;
	v23 =	vld [tilespmem:s25+$0x137A0]  }
0x436: {  	v9 =	vadd.f32 v20, v9;
	v20 =	vmul.f32 v21, v50;
	v6 =	vadd.f32 v11, v6;
	v11 =	vld [tilespmem:s25+$0x13700]  }
0x437: {  	v14 =	vadd.f32 v62, v14;
	v29 =	vmul.f32 v29, v49;
	v21 =	vmul.f32 v28, v51;
	v28 =	vld [tilespmem:s25+$0x137B0]  }
0x438: {  	v63 =	vld [tilespmem:s25+$0x13860];
	v22 =	vmul.f32 v22, v48;
	v54 =	vmul.f32 v61, v48  }
0x439: {  	(xrf2) =	vadd.scan.msk.f32 $0xffff, v2;
	v2 =	vadd.f32 v29, v14;
	v29 =	vld [tilespmem:s25+$0x13870];
	v20 =	vadd.f32 v21, v20;
	v15 =	vmul.f32 v15, v49  }
0x43a: {  	v14 =	vmul.f32 v52, v50;
	v21 =	vld [tilespmem:s25+$0x137C0];
	v23 =	vmul.f32 v23, v51  }
0x43b: {  	(xrf2) =	vadd.scan.msk.f32 $0xffff, v3;
	v3 =	vadd.f32 v22, v9;
	v9 =	vadd.f32 v15, v20;
	v11 =	vmul.f32 v11, v48  }
0x43c: {  	(xrf2) =	vadd.scan.msk.f32 $0xffff, v6;
	v2 =	vadd.f32 v54, v2;
	v6 =	vadd.f32 v23, v14;
	v15 =	vld [tilespmem:s25+$0x13880];
	v14 =	vmul.f32 v28, v49  }
0x43d: {  	v7 =	vmul.f32 v7, v50;
	(xrf2) =	vadd.scan.msk.f32 $0xffff, v3;
	v3 =	vadd.f32 v11, v9;
	v9 =	vmul.f32 v63, v51  }
0x43e: {  	(xrf2) =	vadd.scan.msk.f32 $0xffff, v2;
	v2 =	vadd.f32 v14, v6  }
0x43f: {  	v6 =	vmul.f32 v21, v48;
	v7 =	vadd.f32 v9, v7;
	v9 =	vmul.f32 v29, v49  }
0x440: {  	(xrf2) =	vadd.scan.msk.f32 $0xffff, v3  }
0x441: {  	v2 =	vadd.f32 v6, v2;
	v6 =	vmul.f32 v15, v48;
	v3 =	vadd.f32 v9, v7;
	_ =	sdelay $0x1  }
0x442: {  	(xrf2) =	vadd.scan.msk.f32 $0xffff, v2;
	v2 =	vadd.f32 v6, v3;
	_ =	sdelay $0x1  }
0x443: {  	v3, _, _ =	vpop (xrf2)  }
0x444: {  	v6, _, _ =	vpop (xrf2)  }
0x445: {  	(xrf2) =	vadd.scan.msk.f32 $0xffff, v2;
	v2, _, _ =	vpop (xrf2)  }
0x446: {  	v7, _, _ =	vpop (xrf2)  }
0x447: {  	v9, _, _ =	vpop (xrf2)  }
0x448: {  	v11, _, _ =	vpop (xrf2)  }
0x449: {  	v11 =	vbroadcast v11, $0xF  }
0x44a: {  	v9 =	vbroadcast v9, $0xF  }
0x44b: {  	v7 =	vbroadcast v7, $0xF  }
0x44c: {  	v9 =	vsel vm0, v9, v11  }
0x44d: {  	v2 =	vbroadcast v2, $0xF;
	v7 =	vsel vm1, v9, v7;
	v11, _, _ =	vpop (xrf2)  }
0x44e: {  	v9 =	vbroadcast v11, $0xF  }
0x44f: {  	v6 =	vbroadcast v6, $0xF;
	v2 =	vsel vm2, v7, v2  }
0x450: {  	v3 =	vbroadcast v3, $0xF;
	v7, _, _ =	vpop (xrf2);
	v2 =	vsel vm3, v2, v9  }
0x451: {  	v53 =	vld [tilespmem:$0xA30];
	v2 =	vsel vm4, v2, v6;
	v6 =	vbroadcast v7, $0xF  }
0x452: {  	v55 =	vld [tilespmem:$0xA20];
	v2 =	vsel vm5, v2, v3  }
0x453: {  	s22 =	simm.s32 $0x19F70;
	v52 =	vld [tilespmem:$0xA40];
	v2 =	vsel vm6, v2, v6  }
0x454: {  	s23 =	simm.s32 $0x200;
	v54 =	vld [tilespmem:$0xA10];
	[tilespmem:s22+$0x0] =	vst.msk $0xff, v2  }
0x455: {  	v7 =	vld [tilespmem:s23+$0x13840]  }
0x456: {  	v14 =	vld [tilespmem:s23+$0x13800]  }
0x457: {  	v9 =	vld [tilespmem:s23+$0x13830]  }
0x458: {  	v56 =	vld [tilespmem:s23+$0x13850]  }
0x459: {  	v11 =	vld [tilespmem:s23+$0x137F0]  }
0x45a: {  	v2 =	vld [tilespmem:s23+$0x13810]  }
0x45b: {  	v15 =	vld [tilespmem:s23+$0x13820]  }
0x45c: {  	v6 =	vld [tilespmem:s23+$0x13780]  }
0x45d: {  	v20 =	vld [tilespmem:s23+$0x137D0]  }
0x45e: {  	v21 =	vld [tilespmem:s23+$0x137E0]  }
0x45f: {  	v3 =	vld [tilespmem:s23+$0x13740]  }
0x460: {  	v22 =	vld [tilespmem:s23+$0x13770]  }
0x461: {  	v23 =	vld [tilespmem:s23+$0x13750];
	v28 =	vmul.f32 v2, v50;
	v15 =	vmul.f32 v15, v51  }
0x462: {  	v29 =	vld [tilespmem:s23+$0x13760]  }
0x463: {  	v58 =	vld [tilespmem:s23+$0x13720];
	v9 =	vmul.f32 v9, v49;
	v15 =	vadd.f32 v15, v28  }
0x464: {  	v2 =	vld [tilespmem:s23+$0x13790];
	v20 =	vmul.f32 v20, v50;
	v21 =	vmul.f32 v21, v51  }
0x465: {  	v7 =	vmul.f32 v7, v48;
	v28 =	vld [tilespmem:s23+$0x13710];
	v15 =	vadd.f32 v9, v15  }
0x466: {  	v20 =	vadd.f32 v21, v20;
	v21 =	vmul.f32 v11, v49;
	v11 =	vld [tilespmem:s23+$0x13690]  }
0x467: {  	v23 =	vmul.f32 v23, v50;
	v29 =	vmul.f32 v29, v51;
	v9 =	vld [tilespmem:s23+$0x13730];
	v57 =	vadd.f32 v7, v15  }
0x468: {  	v59 =	vmul.f32 v14, v48;
	v20 =	vadd.f32 v21, v20;
	v15 =	vld [tilespmem:s23+$0x136A0]  }
0x469: {  	v22 =	vmul.f32 v22, v49;
	v14 =	vld [tilespmem:s23+$0x136D0];
	v21 =	vadd.f32 v29, v23;
	(xrf2) =	vadd.scan.msk.f32 $0xffff, v57  }
0x46a: {  	s24 =	simm.s32 $0x1000;
	v23 =	vmul.f32 v58, v51;
	v7 =	vld [tilespmem:s23+$0x136B0];
	v20 =	vadd.f32 v59, v20;
	v57 =	vmul.f32 v28, v50  }
.LBB2_15:
0x46b: {  	p0 =	sne.s32 s24, $0xC000;
	v28 =	vld [tilespmem:s23+$0x136E0];
	v21 =	vadd.f32 v22, v21;
	v6 =	vmul.f32 v6, v48  }
0x46c: {  	v9 =	vmul.f32 v9, v49;
	v22 =	vld [tilespmem:s23+$0x136C0];
	v23 =	vadd.f32 v23, v57;
	(xrf2) =	vadd.scan.msk.f32 $0xffff, v20  }
0x46d: {  	v11 =	vmul.f32 v11, v50;
	v15 =	vmul.f32 v15, v51;
	v20 =	vld [tilespmem:s23+$0x136F0];
	v6 =	vadd.f32 v6, v21  }
0x46e: {  	v3 =	vmul.f32 v3, v48;
	v9 =	vadd.f32 v9, v23;
	v21 =	vld [tilespmem:s23+$0x137A0]  }
0x46f: {  	v7 =	vmul.f32 v7, v49;
	v11 =	vadd.f32 v15, v11;
	v15 =	vld [tilespmem:s23+$0x13700];
	(xrf2) =	vadd.scan.msk.f32 $0xffff, v6  }
0x470: {  	v6 =	vmul.f32 v14, v50;
	v14 =	vmul.f32 v28, v51;
	v3 =	vadd.f32 v3, v9;
	v9 =	vld [tilespmem:s23+$0x137B0]  }
0x471: {  	v7 =	vadd.f32 v7, v11;
	v11 =	vmul.f32 v22, v48;
	v22 =	vld [tilespmem:s23+$0x13860]  }
0x472: {  	v6 =	vadd.f32 v14, v6;
	v14 =	vmul.f32 v20, v49;
	v20 =	vld [tilespmem:s23+$0x137C0];
	(xrf2) =	vadd.scan.msk.f32 $0xffff, v3  }
0x473: {  	v2 =	vmul.f32 v2, v50;
	v3 =	vadd.f32 v11, v7;
	v7 =	vmul.f32 v21, v51;
	v11 =	vld [tilespmem:s23+$0x13870];
	v21, _, _ =	vpop (xrf2)  }
0x474: {  	v6 =	vadd.f32 v14, v6;
	v14 =	vmul.f32 v15, v48  }
0x475: {  	v2 =	vadd.f32 v7, v2;
	v7 =	vmul.f32 v9, v49;
	v9 =	vld [tilespmem:s23+$0x13880];
	(xrf2) =	vadd.scan.msk.f32 $0xffff, v3  }
0x476: {  	v23 =	vadd.f32 v14, v6;
	v6 =	vmul.f32 v56, v50;
	v14 =	vmul.f32 v22, v51;
	v15, _, _ =	vpop (xrf2)  }
0x477: {  	v2 =	vadd.f32 v7, v2;
	v7 =	vmul.f32 v20, v48  }
0x478: {  	v6 =	vadd.f32 v14, v6;
	v11 =	vmul.f32 v11, v49;
	(xrf2) =	vadd.scan.msk.f32 $0xffff, v23  }
0x479: {  	v2 =	vadd.f32 v7, v2;
	v3, _, _ =	vpop (xrf2)  }
0x47a: {  	v11 =	vadd.f32 v11, v6;
	v7 =	vmul.f32 v9, v48  }
0x47b: {  	(xrf2) =	vadd.scan.msk.f32 $0xffff, v2  }
0x47c: {  	v7 =	vadd.f32 v7, v11;
	v6, _, _ =	vpop (xrf2);
	_ =	sdelay $0x1  }
0x47d: {  	(xrf2) =	vadd.scan.msk.f32 $0xffff, v7  }
0x47e: {  	v2, _, _ =	vpop (xrf2);
	_ =	sdelay $0x2  }
0x47f: {  	v7, _, _ =	vpop (xrf2)  }
0x480: {  	v2 =	vbroadcast v2, $0xF;
	v9 =	vbroadcast v7, $0xF  }
0x481: {  	v6 =	vbroadcast v6, $0xF  }
0x482: {  	v3 =	vbroadcast v3, $0xF;
	v2 =	vsel vm0, v2, v9;
	v7, _, _ =	vpop (xrf2)  }
0x483: {  	v2 =	vsel vm1, v2, v6;
	v6 =	vbroadcast v7, $0xF  }
0x484: {  	v2 =	vsel vm2, v2, v3;
	v3 =	vbroadcast v15, $0xF  }
0x485: {  	v2 =	vsel vm3, v2, v6;
	v6 =	vbroadcast v21, $0xF;
	v7, _, _ =	vpop (xrf2)  }
0x486: {  	v2 =	vsel vm4, v2, v3;
	v3 =	vbroadcast v7, $0xF  }
0x487: {  	v2 =	vsel vm5, v2, v6  }
0x488: {  	s22 =	sadd.s32 $0x8, s22;
	v2 =	vsel vm6, v2, v3  }
0x489: {  	s23 =	sshra.s32 s24, $0x2;
	[tilespmem:s22+$0x0] =	vst.msk $0xff, v2  }
0x48a: {  	v7 =	vld [tilespmem:s23+$0x13840]  }
0x48b: {  	v14 =	vld [tilespmem:s23+$0x13800]  }
0x48c: {  	v9 =	vld [tilespmem:s23+$0x13830]  }
0x48d: {  	v56 =	vld [tilespmem:s23+$0x13850]  }
0x48e: {  	v11 =	vld [tilespmem:s23+$0x137F0]  }
0x48f: {  	v2 =	vld [tilespmem:s23+$0x13810]  }
0x490: {  	v15 =	vld [tilespmem:s23+$0x13820]  }
0x491: {  	v6 =	vld [tilespmem:s23+$0x13780]  }
0x492: {  	v20 =	vld [tilespmem:s23+$0x137D0]  }
0x493: {  	v21 =	vld [tilespmem:s23+$0x137E0]  }
0x494: {  	v3 =	vld [tilespmem:s23+$0x13740]  }
0x495: {  	v22 =	vld [tilespmem:s23+$0x13770]  }
0x496: {  	v28 =	vmul.f32 v2, v50;
	v15 =	vmul.f32 v15, v51;
	v23 =	vld [tilespmem:s23+$0x13750]  }
0x497: {  	v29 =	vld [tilespmem:s23+$0x13760]  }
0x498: {  	v9 =	vmul.f32 v9, v49;
	v15 =	vadd.f32 v15, v28;
	v2 =	vld [tilespmem:s23+$0x13790]  }
0x499: {  	v20 =	vmul.f32 v20, v50;
	v21 =	vmul.f32 v21, v51;
	v28 =	vld [tilespmem:s23+$0x13710]  }
0x49a: {  	v7 =	vmul.f32 v7, v48;
	v15 =	vadd.f32 v9, v15;
	v58 =	vld [tilespmem:s23+$0x13720]  }
.Ltmp6:
0x49b: {  	v20 =	vadd.f32 v21, v20;
	v21 =	vmul.f32 v11, v49;
	v9 =	vld [tilespmem:s23+$0x13730];
	(pc) =	sbr.rel @p0 .LBB2_15-.Ltmp6, $4  }
0x49c: {  	v23 =	vmul.f32 v23, v50;
	v57 =	vadd.f32 v7, v15;
	v11 =	vld [tilespmem:s23+$0x13690];
	v29 =	vmul.f32 v29, v51  }
0x49d: {  	v59 =	vmul.f32 v14, v48;
	v20 =	vadd.f32 v21, v20;
	v15 =	vld [tilespmem:s23+$0x136A0]  }
0x49e: {  	v22 =	vmul.f32 v22, v49;
	v7 =	vld [tilespmem:s23+$0x136B0];
	v21 =	vadd.f32 v29, v23;
	(xrf2) =	vadd.scan.msk.f32 $0xffff, v57  }
0x49f: {  	s24 =	sadd.s32 $0x800, s24;
	v57 =	vmul.f32 v28, v50;
	v20 =	vadd.f32 v59, v20;
	v14 =	vld [tilespmem:s23+$0x136D0];
	v23 =	vmul.f32 v58, v51  }
0x4a0: {  	v28 =	vld [tilespmem:s23+$0x136E0]  }
0x4a1: {  	v29 =	vld [tilespmem:s23+$0x136C0]  }
0x4a2: {  	v21 =	vadd.f32 v22, v21;
	v6 =	vmul.f32 v6, v48;
	v22 =	vld [tilespmem:s23+$0x136F0]  }
0x4a3: {  	v9 =	vmul.f32 v9, v49;
	v63 =	vld [tilespmem:s23+$0x137A0];
	v23 =	vadd.f32 v23, v57  }
0x4a4: {  	v11 =	vmul.f32 v11, v50;
	v15 =	vmul.f32 v15, v51;
	v6 =	vadd.f32 v6, v21;
	v21 =	vld [tilespmem:s23+$0x13700]  }
0x4a5: {  	v9 =	vadd.f32 v9, v23;
	v14 =	vmul.f32 v14, v50;
	v23 =	vmul.f32 v28, v51;
	v28 =	vld [tilespmem:s23+$0x137B0]  }
0x4a6: {  	v3 =	vmul.f32 v3, v48;
	v7 =	vmul.f32 v7, v49;
	v11 =	vadd.f32 v15, v11;
	v15 =	vld [tilespmem:s23+$0x13860]  }
0x4a7: {  	v2 =	vmul.f32 v2, v50;
	v36 =	vld [tilespmem:s23+$0x13870];
	v22 =	vmul.f32 v22, v49;
	v14 =	vadd.f32 v23, v14  }
0x4a8: {  	v29 =	vmul.f32 v29, v48;
	v7 =	vadd.f32 v7, v11;
	v11 =	vmul.f32 v63, v51;
	v23 =	vld [tilespmem:s23+$0x137C0]  }
0x4a9: {  	(xrf2) =	vadd.scan.msk.f32 $0xffff, v20;
	v3 =	vadd.f32 v3, v9;
	v9 =	vadd.f32 v22, v14;
	v14 =	vmul.f32 v21, v48  }
0x4aa: {  	(xrf2) =	vadd.scan.msk.f32 $0xffff, v6;
	v6 =	vadd.f32 v29, v7;
	v2 =	vadd.f32 v11, v2;
	v11 =	vld [tilespmem:s23+$0x13880];
	v7 =	vmul.f32 v28, v49  }
0x4ab: {  	(xrf2) =	vadd.scan.msk.f32 $0xffff, v3;
	v3 =	vadd.f32 v14, v9;
	v9 =	vmul.f32 v56, v50;
	v14 =	vmul.f32 v15, v51  }
0x4ac: {  	v2 =	vadd.f32 v7, v2  }
0x4ad: {  	(xrf2) =	vadd.scan.msk.f32 $0xffff, v6;
	v6 =	vmul.f32 v23, v48;
	v7 =	vadd.f32 v14, v9;
	v9 =	vmul.f32 v36, v49  }
0x4ae: {  	(xrf2) =	vadd.scan.msk.f32 $0xffff, v3  }
0x4af: {  	v2 =	vadd.f32 v6, v2;
	v6 =	vmul.f32 v11, v48;
	v3 =	vadd.f32 v9, v7;
	_ =	sdelay $0x1  }
0x4b0: {  	(xrf2) =	vadd.scan.msk.f32 $0xffff, v2;
	v2 =	vadd.f32 v6, v3;
	_ =	sdelay $0x1  }
0x4b1: {  	v3, _, _ =	vpop (xrf2)  }
0x4b2: {  	v6, _, _ =	vpop (xrf2)  }
0x4b3: {  	(xrf2) =	vadd.scan.msk.f32 $0xffff, v2;
	v2, _, _ =	vpop (xrf2)  }
0x4b4: {  	v7, _, _ =	vpop (xrf2)  }
0x4b5: {  	v9, _, _ =	vpop (xrf2)  }
0x4b6: {  	v11, _, _ =	vpop (xrf2)  }
0x4b7: {  	v11 =	vbroadcast v11, $0xF  }
0x4b8: {  	v9 =	vbroadcast v9, $0xF  }
0x4b9: {  	v7 =	vbroadcast v7, $0xF  }
0x4ba: {  	v9 =	vsel vm0, v9, v11  }
0x4bb: {  	v2 =	vbroadcast v2, $0xF;
	v7 =	vsel vm1, v9, v7;
	v11, _, _ =	vpop (xrf2)  }
0x4bc: {  	v9 =	vbroadcast v11, $0xF  }
0x4bd: {  	v6 =	vbroadcast v6, $0xF;
	v2 =	vsel vm2, v7, v2  }
0x4be: {  	v3 =	vbroadcast v3, $0xF;
	v7, _, _ =	vpop (xrf2);
	v2 =	vsel vm3, v2, v9  }
0x4bf: {  	v2 =	vsel vm4, v2, v6;
	v6 =	vbroadcast v7, $0xF  }
0x4c0: {  	v2 =	vsel vm5, v2, v3  }
0x4c1: {  	s22 =	sadd.s32 $0x8, s22;
	v2 =	vsel vm6, v2, v6  }
0x4c2: {  	[tilespmem:s22+$0x0] =	vst.msk $0xff, v2  }
0x4c3: {  	v58 =	vld [tilespmem:$0x850]  }
0x4c4: {  	v59 =	vld [tilespmem:$0x860]  }
0x4c5: {  	v57 =	vld [tilespmem:$0x870]  }
0x4c6: {  	s25 =	simm.s32 $0x0;
	v56 =	vld [tilespmem:$0x880]  }
0x4c7: {  	v2 =	vld [tilespmem:s25+$0x16A40]  }
0x4c8: {  	v3 =	vld [tilespmem:s25+$0x16A00]  }
0x4c9: {  	v6 =	vld [tilespmem:s25+$0x16A30]  }
0x4ca: {  	v7 =	vld [tilespmem:s25+$0x16A50]  }
0x4cb: {  	v9 =	vld [tilespmem:s25+$0x169F0]  }
0x4cc: {  	v11 =	vld [tilespmem:s25+$0x16A10]  }
0x4cd: {  	v14 =	vld [tilespmem:s25+$0x16A20]  }
0x4ce: {  	v15 =	vld [tilespmem:s25+$0x16980]  }
0x4cf: {  	v20 =	vld [tilespmem:s25+$0x169D0]  }
0x4d0: {  	v21 =	vld [tilespmem:s25+$0x169E0]  }
0x4d1: {  	v22 =	vld [tilespmem:s25+$0x16940]  }
0x4d2: {  	v23 =	vld [tilespmem:s25+$0x16970]  }
0x4d3: {  	v28 =	vld [tilespmem:s25+$0x16950]  }
0x4d4: {  	v29 =	vld [tilespmem:s25+$0x16960]  }
0x4d5: {  	v60 =	vld [tilespmem:s25+$0x16990]  }
0x4d6: {  	v61 =	vld [tilespmem:s25+$0x16910]  }
0x4d7: {  	v62 =	vld [tilespmem:s25+$0x16920];
	v11 =	vmul.f32 v11, v58;
	v14 =	vmul.f32 v14, v59  }
0x4d8: {  	v63 =	vld [tilespmem:s25+$0x16930];
	v20 =	vmul.f32 v20, v58;
	v21 =	vmul.f32 v21, v59  }
0x4d9: {  	v30 =	vld [tilespmem:s25+$0x168A0];
	v6 =	vmul.f32 v6, v57;
	v2 =	vmul.f32 v2, v56;
	v11 =	vadd.f32 v14, v11  }
0x4da: {  	v9 =	vmul.f32 v9, v57;
	v3 =	vmul.f32 v3, v56;
	v14 =	vld [tilespmem:s25+$0x16890];
	v20 =	vadd.f32 v21, v20  }
0x4db: {  	v21 =	vld [tilespmem:s25+$0x168D0];
	v6 =	vadd.f32 v6, v11;
	v11 =	vmul.f32 v28, v58;
	v28 =	vmul.f32 v29, v59  }
0x4dc: {  	v37 =	vmul.f32 v62, v59;
	v29 =	vld [tilespmem:s25+$0x168B0];
	v9 =	vadd.f32 v9, v20;
	v20 =	vmul.f32 v61, v58  }
0x4dd: {  	v23 =	vmul.f32 v23, v57;
	v11 =	vadd.f32 v28, v11;
	v28 =	vld [tilespmem:s25+$0x168E0];
	v2 =	vadd.f32 v2, v6  }
0x4de: {  	v36 =	vld [tilespmem:s25+$0x168C0];
	v3 =	vadd.f32 v3, v9;
	v9 =	vadd.f32 v37, v20  }
0x4df: {  	v20 =	vmul.f32 v63, v57;
	v6 =	vadd.f32 v23, v11;
	v11 =	vmul.f32 v15, v56;
	v15 =	vld [tilespmem:s25+$0x168F0]  }
0x4e0: {  	v30 =	vmul.f32 v30, v59;
	v14 =	vmul.f32 v14, v58;
	v23 =	vld [tilespmem:s25+$0x169A0]  }
0x4e1: {  	v9 =	vadd.f32 v20, v9;
	v20 =	vmul.f32 v21, v58;
	v6 =	vadd.f32 v11, v6;
	v11 =	vld [tilespmem:s25+$0x16900]  }
0x4e2: {  	v14 =	vadd.f32 v30, v14;
	v29 =	vmul.f32 v29, v57;
	v21 =	vmul.f32 v28, v59;
	v28 =	vld [tilespmem:s25+$0x169B0]  }
0x4e3: {  	v22 =	vmul.f32 v22, v56;
	v37 =	vmul.f32 v36, v56;
	v30 =	vld [tilespmem:s25+$0x16A60]  }
0x4e4: {  	(xrf2) =	vadd.scan.msk.f32 $0xffff, v2;
	v2 =	vadd.f32 v29, v14;
	v29 =	vld [tilespmem:s25+$0x16A70];
	v20 =	vadd.f32 v21, v20;
	v15 =	vmul.f32 v15, v57  }
0x4e5: {  	v14 =	vmul.f32 v60, v58;
	v21 =	vld [tilespmem:s25+$0x169C0];
	v23 =	vmul.f32 v23, v59  }
0x4e6: {  	(xrf2) =	vadd.scan.msk.f32 $0xffff, v3;
	v3 =	vadd.f32 v22, v9;
	v9 =	vadd.f32 v15, v20;
	v11 =	vmul.f32 v11, v56  }
0x4e7: {  	(xrf2) =	vadd.scan.msk.f32 $0xffff, v6;
	v2 =	vadd.f32 v37, v2;
	v6 =	vadd.f32 v23, v14;
	v15 =	vld [tilespmem:s25+$0x16A80];
	v14 =	vmul.f32 v28, v57  }
0x4e8: {  	v7 =	vmul.f32 v7, v58;
	(xrf2) =	vadd.scan.msk.f32 $0xffff, v3;
	v3 =	vadd.f32 v11, v9;
	v9 =	vmul.f32 v30, v59  }
0x4e9: {  	(xrf2) =	vadd.scan.msk.f32 $0xffff, v2;
	v2 =	vadd.f32 v14, v6  }
0x4ea: {  	v6 =	vmul.f32 v21, v56;
	v7 =	vadd.f32 v9, v7;
	v9 =	vmul.f32 v29, v57  }
0x4eb: {  	(xrf2) =	vadd.scan.msk.f32 $0xffff, v3  }
0x4ec: {  	v2 =	vadd.f32 v6, v2;
	v6 =	vmul.f32 v15, v56;
	v3 =	vadd.f32 v9, v7;
	_ =	sdelay $0x1  }
0x4ed: {  	(xrf2) =	vadd.scan.msk.f32 $0xffff, v2;
	v2 =	vadd.f32 v6, v3;
	_ =	sdelay $0x1  }
0x4ee: {  	v3, _, _ =	vpop (xrf2)  }
0x4ef: {  	v6, _, _ =	vpop (xrf2)  }
0x4f0: {  	(xrf2) =	vadd.scan.msk.f32 $0xffff, v2;
	v2, _, _ =	vpop (xrf2)  }
0x4f1: {  	v7, _, _ =	vpop (xrf2)  }
0x4f2: {  	v9, _, _ =	vpop (xrf2)  }
0x4f3: {  	v11, _, _ =	vpop (xrf2)  }
0x4f4: {  	v11 =	vbroadcast v11, $0xF  }
0x4f5: {  	v9 =	vbroadcast v9, $0xF  }
0x4f6: {  	v7 =	vbroadcast v7, $0xF  }
0x4f7: {  	v9 =	vsel vm0, v9, v11  }
0x4f8: {  	v2 =	vbroadcast v2, $0xF;
	v7 =	vsel vm1, v9, v7;
	v11, _, _ =	vpop (xrf2)  }
0x4f9: {  	v9 =	vbroadcast v11, $0xF  }
0x4fa: {  	v6 =	vbroadcast v6, $0xF;
	v2 =	vsel vm2, v7, v2  }
0x4fb: {  	v3 =	vbroadcast v3, $0xF;
	v7, _, _ =	vpop (xrf2);
	v2 =	vsel vm3, v2, v9  }
0x4fc: {  	v62 =	vld [tilespmem:$0xA50];
	v2 =	vsel vm4, v2, v6;
	v6 =	vbroadcast v7, $0xF  }
0x4fd: {  	v61 =	vld [tilespmem:$0xA70];
	v2 =	vsel vm5, v2, v3  }
0x4fe: {  	s22 =	simm.s32 $0x1A040;
	v63 =	vld [tilespmem:$0xA60];
	v2 =	vsel vm6, v2, v6  }
0x4ff: {  	s23 =	simm.s32 $0x200;
	v60 =	vld [tilespmem:$0xA80];
	[tilespmem:s22+$0x0] =	vst.msk $0xff, v2  }
0x500: {  	v9 =	vld [tilespmem:s23+$0x16A40]  }
0x501: {  	v11 =	vld [tilespmem:s23+$0x16A00]  }
0x502: {  	v14 =	vld [tilespmem:s23+$0x16A30]  }
0x503: {  	v2 =	vld [tilespmem:s23+$0x16A50]  }
0x504: {  	v15 =	vld [tilespmem:s23+$0x169F0]  }
0x505: {  	v3 =	vld [tilespmem:s23+$0x16A10]  }
0x506: {  	v20 =	vld [tilespmem:s23+$0x16A20]  }
0x507: {  	v7 =	vld [tilespmem:s23+$0x16980]  }
0x508: {  	v21 =	vld [tilespmem:s23+$0x169D0]  }
0x509: {  	v22 =	vld [tilespmem:s23+$0x169E0]  }
0x50a: {  	v6 =	vld [tilespmem:s23+$0x16940]  }
0x50b: {  	v23 =	vld [tilespmem:s23+$0x16970]  }
0x50c: {  	v28 =	vld [tilespmem:s23+$0x16950];
	v29 =	vmul.f32 v3, v58;
	v20 =	vmul.f32 v20, v59  }
0x50d: {  	v30 =	vld [tilespmem:s23+$0x16960]  }
0x50e: {  	v31 =	vld [tilespmem:s23+$0x16920];
	v14 =	vmul.f32 v14, v57;
	v20 =	vadd.f32 v20, v29  }
0x50f: {  	v3 =	vld [tilespmem:s23+$0x16990];
	v21 =	vmul.f32 v21, v58;
	v22 =	vmul.f32 v22, v59  }
0x510: {  	v9 =	vmul.f32 v9, v56;
	v29 =	vld [tilespmem:s23+$0x16910];
	v20 =	vadd.f32 v14, v20  }
0x511: {  	v36 =	vmul.f32 v15, v57;
	v15 =	vld [tilespmem:s23+$0x16890];
	v22 =	vadd.f32 v22, v21  }
0x512: {  	v28 =	vmul.f32 v28, v58;
	v30 =	vmul.f32 v30, v59;
	v14 =	vld [tilespmem:s23+$0x16930];
	v9 =	vadd.f32 v9, v20  }
0x513: {  	v37 =	vmul.f32 v11, v56;
	v21 =	vld [tilespmem:s23+$0x168A0];
	v36 =	vadd.f32 v36, v22  }
0x514: {  	v11 =	vld [tilespmem:s23+$0x168B0];
	v23 =	vmul.f32 v23, v57;
	v22 =	vadd.f32 v30, v28;
	(xrf2) =	vadd.scan.msk.f32 $0xffff, v9  }
0x515: {  	s24 =	simm.s32 $0x1000;
	v20 =	vld [tilespmem:s23+$0x168D0];
	v28 =	vmul.f32 v29, v58;
	v29 =	vmul.f32 v31, v59;
	v9 =	vadd.f32 v37, v36  }
.LBB2_17:
0x516: {  	p0 =	sne.s32 s24, $0xC000;
	v30 =	vld [tilespmem:s23+$0x168E0];
	v22 =	vadd.f32 v23, v22;
	v7 =	vmul.f32 v7, v56  }
0x517: {  	v14 =	vmul.f32 v14, v57;
	v23 =	vld [tilespmem:s23+$0x168C0];
	v28 =	vadd.f32 v29, v28;
	(xrf2) =	vadd.scan.msk.f32 $0xffff, v9  }
0x518: {  	v9 =	vmul.f32 v15, v58;
	v15 =	vmul.f32 v21, v59;
	v21 =	vld [tilespmem:s23+$0x168F0];
	v7 =	vadd.f32 v7, v22  }
0x519: {  	v6 =	vmul.f32 v6, v56;
	v14 =	vadd.f32 v14, v28;
	v22 =	vld [tilespmem:s23+$0x169A0]  }
0x51a: {  	v11 =	vmul.f32 v11, v57;
	v9 =	vadd.f32 v15, v9;
	v15 =	vld [tilespmem:s23+$0x16900];
	(xrf2) =	vadd.scan.msk.f32 $0xffff, v7  }
0x51b: {  	v7 =	vmul.f32 v20, v58;
	v20 =	vmul.f32 v30, v59;
	v6 =	vadd.f32 v6, v14;
	v14 =	vld [tilespmem:s23+$0x169B0]  }
0x51c: {  	v9 =	vadd.f32 v11, v9;
	v11 =	vmul.f32 v23, v56;
	v23 =	vld [tilespmem:s23+$0x16A60]  }
0x51d: {  	v7 =	vadd.f32 v20, v7;
	v20 =	vmul.f32 v21, v57;
	v21 =	vld [tilespmem:s23+$0x169C0];
	(xrf2) =	vadd.scan.msk.f32 $0xffff, v6  }
0x51e: {  	v3 =	vmul.f32 v3, v58;
	v6 =	vadd.f32 v11, v9;
	v9 =	vmul.f32 v22, v59;
	v11 =	vld [tilespmem:s23+$0x16A70];
	v22, _, _ =	vpop (xrf2)  }
0x51f: {  	v7 =	vadd.f32 v20, v7;
	v20 =	vmul.f32 v15, v56  }
0x520: {  	v3 =	vadd.f32 v9, v3;
	v9 =	vmul.f32 v14, v57;
	v14 =	vld [tilespmem:s23+$0x16A80];
	(xrf2) =	vadd.scan.msk.f32 $0xffff, v6  }
0x521: {  	v2 =	vmul.f32 v2, v58;
	v20 =	vadd.f32 v20, v7;
	v7 =	vmul.f32 v23, v59;
	v15, _, _ =	vpop (xrf2)  }
0x522: {  	v3 =	vadd.f32 v9, v3;
	v9 =	vmul.f32 v21, v56  }
0x523: {  	v2 =	vadd.f32 v7, v2;
	v7 =	vmul.f32 v11, v57;
	(xrf2) =	vadd.scan.msk.f32 $0xffff, v20  }
0x524: {  	v9 =	vadd.f32 v9, v3;
	v6, _, _ =	vpop (xrf2)  }
0x525: {  	v2 =	vadd.f32 v7, v2;
	v7 =	vmul.f32 v14, v56  }
0x526: {  	(xrf2) =	vadd.scan.msk.f32 $0xffff, v9  }
0x527: {  	v7 =	vadd.f32 v7, v2;
	v3, _, _ =	vpop (xrf2);
	_ =	sdelay $0x1  }
0x528: {  	(xrf2) =	vadd.scan.msk.f32 $0xffff, v7  }
0x529: {  	v2, _, _ =	vpop (xrf2);
	_ =	sdelay $0x2  }
0x52a: {  	v7, _, _ =	vpop (xrf2)  }
0x52b: {  	v2 =	vbroadcast v2, $0xF;
	v9 =	vbroadcast v7, $0xF  }
0x52c: {  	v3 =	vbroadcast v3, $0xF  }
0x52d: {  	v6 =	vbroadcast v6, $0xF;
	v2 =	vsel vm0, v2, v9;
	v7, _, _ =	vpop (xrf2)  }
0x52e: {  	v2 =	vsel vm1, v2, v3;
	v3 =	vbroadcast v7, $0xF  }
0x52f: {  	v2 =	vsel vm2, v2, v6;
	v6 =	vbroadcast v15, $0xF  }
0x530: {  	v2 =	vsel vm3, v2, v3;
	v3 =	vbroadcast v22, $0xF;
	v7, _, _ =	vpop (xrf2)  }
0x531: {  	v2 =	vsel vm4, v2, v6;
	v6 =	vbroadcast v7, $0xF  }
0x532: {  	v2 =	vsel vm5, v2, v3  }
0x533: {  	s22 =	sadd.s32 $0x8, s22;
	v2 =	vsel vm6, v2, v6  }
0x534: {  	s23 =	sshra.s32 s24, $0x2;
	[tilespmem:s22+$0x0] =	vst.msk $0xff, v2  }
0x535: {  	v9 =	vld [tilespmem:s23+$0x16A40]  }
0x536: {  	v11 =	vld [tilespmem:s23+$0x16A00]  }
0x537: {  	v14 =	vld [tilespmem:s23+$0x16A30]  }
0x538: {  	v2 =	vld [tilespmem:s23+$0x16A50]  }
0x539: {  	v15 =	vld [tilespmem:s23+$0x169F0]  }
0x53a: {  	v3 =	vld [tilespmem:s23+$0x16A10]  }
0x53b: {  	v20 =	vld [tilespmem:s23+$0x16A20]  }
0x53c: {  	v7 =	vld [tilespmem:s23+$0x16980]  }
0x53d: {  	v21 =	vld [tilespmem:s23+$0x169D0]  }
0x53e: {  	v22 =	vld [tilespmem:s23+$0x169E0]  }
0x53f: {  	v6 =	vld [tilespmem:s23+$0x16940]  }
0x540: {  	v23 =	vld [tilespmem:s23+$0x16970]  }
0x541: {  	v29 =	vmul.f32 v3, v58;
	v20 =	vmul.f32 v20, v59;
	v28 =	vld [tilespmem:s23+$0x16950]  }
0x542: {  	v30 =	vld [tilespmem:s23+$0x16960]  }
0x543: {  	v14 =	vmul.f32 v14, v57;
	v20 =	vadd.f32 v20, v29;
	v3 =	vld [tilespmem:s23+$0x16990]  }
0x544: {  	v21 =	vmul.f32 v21, v58;
	v22 =	vmul.f32 v22, v59;
	v29 =	vld [tilespmem:s23+$0x16910]  }
0x545: {  	v9 =	vmul.f32 v9, v56;
	v20 =	vadd.f32 v14, v20;
	v31 =	vld [tilespmem:s23+$0x16920]  }
.Ltmp7:
0x546: {  	v36 =	vmul.f32 v15, v57;
	v22 =	vadd.f32 v22, v21;
	v14 =	vld [tilespmem:s23+$0x16930];
	(pc) =	sbr.rel @p0 .LBB2_17-.Ltmp7, $4  }
0x547: {  	v28 =	vmul.f32 v28, v58;
	v9 =	vadd.f32 v9, v20;
	v15 =	vld [tilespmem:s23+$0x16890];
	v30 =	vmul.f32 v30, v59  }
0x548: {  	v37 =	vmul.f32 v11, v56;
	v36 =	vadd.f32 v36, v22;
	v21 =	vld [tilespmem:s23+$0x168A0]  }
0x549: {  	v23 =	vmul.f32 v23, v57;
	v11 =	vld [tilespmem:s23+$0x168B0];
	v22 =	vadd.f32 v30, v28;
	(xrf2) =	vadd.scan.msk.f32 $0xffff, v9  }
0x54a: {  	s24 =	sadd.s32 $0x800, s24;
	v28 =	vmul.f32 v29, v58;
	v9 =	vadd.f32 v37, v36;
	v20 =	vld [tilespmem:s23+$0x168D0];
	v29 =	vmul.f32 v31, v59  }
0x54b: {  	v30 =	vld [tilespmem:s23+$0x168E0]  }
0x54c: {  	v31 =	vld [tilespmem:s23+$0x168C0]  }
0x54d: {  	v22 =	vadd.f32 v23, v22;
	v23 =	vld [tilespmem:s23+$0x168F0]  }
0x54e: {  	v7 =	vmul.f32 v7, v56;
	v14 =	vmul.f32 v14, v57;
	v36 =	vld [tilespmem:s23+$0x16900];
	v28 =	vadd.f32 v29, v28  }
0x54f: {  	v29 =	vld [tilespmem:s23+$0x169A0];
	v15 =	vmul.f32 v15, v58;
	v21 =	vmul.f32 v21, v59  }
0x550: {  	v6 =	vmul.f32 v6, v56;
	v3 =	vmul.f32 v3, v58;
	v14 =	vadd.f32 v14, v28;
	v28 =	vld [tilespmem:s23+$0x169B0]  }
0x551: {  	v7 =	vadd.f32 v7, v22;
	v22 =	vld [tilespmem:s23+$0x16A60];
	v11 =	vmul.f32 v11, v57;
	v15 =	vadd.f32 v21, v15  }
0x552: {  	v20 =	vmul.f32 v20, v58;
	v37 =	vmul.f32 v30, v59;
	v30 =	vld [tilespmem:s23+$0x16A70]  }
0x553: {  	v6 =	vadd.f32 v6, v14;
	v14 =	vmul.f32 v31, v56;
	v31 =	vld [tilespmem:s23+$0x16A80];
	v11 =	vadd.f32 v11, v15  }
0x554: {  	v15 =	vmul.f32 v29, v59;
	v20 =	vadd.f32 v37, v20;
	v37 =	vmul.f32 v23, v57;
	v23 =	vld [tilespmem:s23+$0x169C0]  }
0x555: {  	v29 =	vmul.f32 v36, v56;
	v36 =	vmul.f32 v28, v57;
	v28 =	vld [tilespmem:$0x1FFC0]  }
0x556: {  	v11 =	vadd.f32 v14, v11;
	v3 =	vadd.f32 v15, v3;
	v14 =	vld [tilespmem:$0x1FFE0]  }
0x557: {  	v2 =	vmul.f32 v2, v58;
	v20 =	vadd.f32 v37, v20;
	v37 =	vmul.f32 v22, v59;
	v22 =	vld [tilespmem:$0x1FFA0]  }
0x558: {  	v3 =	vadd.f32 v36, v3;
	v36 =	vld [tilespmem:$0x1FF80]  }
0x559: {  	v2 =	vadd.f32 v37, v2;
	v37 =	vmul.f32 v30, v57;
	v30 =	vld [tilespmem:$0x1FFD0]  }
0x55a: {  	v15 =	vadd.f32 v29, v20;
	v20 =	vld [tilespmem:$0x1FFF0]  }
0x55b: {  	v2 =	vadd.f32 v37, v2;
	v37 =	vld [tilespmem:$0x1FF90]  }
0x55c: {  	v29 =	vmul.f32 v23, v56;
	v23 =	vld [tilespmem:$0x1FF40]  }
0x55d: {  	v5 =	vmul.f32 v28, v5;
	v28 =	vld [tilespmem:$0x1FF50]  }
0x55e: {  	v3 =	vadd.f32 v29, v3;
	v29 =	vld [tilespmem:$0x1FF00]  }
0x55f: {  	v31 =	vmul.f32 v31, v56;
	v4 =	vmul.f32 v30, v4;
	v30 =	vld [tilespmem:$0x1FF10]  }
0x560: {  	v12 =	vmul.f32 v36, v12;
	v36 =	vld [tilespmem:$0x1FF60];
	v13 =	vmul.f32 v37, v13  }
0x561: {  	v0 =	vmul.f32 v14, v0;
	v2 =	vadd.f32 v31, v2;
	v31 =	vld [tilespmem:$0x1FFB0];
	v4 =	vadd.f32 v4, v5  }
0x562: {  	v10 =	vmul.f32 v22, v10;
	v21 =	vadd.f32 v13, v12  }
0x563: {  	v14 =	vld [tilespmem:$0x1FF70];
	v0 =	vadd.f32 v0, v4;
	v4 =	vmul.f32 v23, v18;
	v12 =	vmul.f32 v28, v19  }
0x564: {  	v1 =	vmul.f32 v20, v1;
	v13 =	vmul.f32 v30, v27;
	v5 =	vadd.f32 v10, v21  }
0x565: {  	v10 =	vmul.f32 v29, v26;
	v4 =	vadd.f32 v12, v4;
	v12 =	vmul.f32 v36, v17;
	v17 =	vld [tilespmem:$0x1FEE0]  }
0x566: {  	v20 =	vmul.f32 v45, v42;
	v8 =	vmul.f32 v31, v8  }
0x567: {  	v18 =	vmul.f32 v38, v33;
	v19 =	vmul.f32 v39, v34;
	v37 =	vadd.f32 v13, v10;
	v13 =	vld [tilespmem:$0x1FF20]  }
0x568: {  	(xrf2) =	vadd.scan.msk.f32 $0xffff, v9;
	v23 =	vmul.f32 v46, v41;
	v5 =	vadd.f32 v8, v5;
	v8 =	vmul.f32 v14, v16;
	v16 =	vld [tilespmem:$0x1FF30]  }
0x569: {  	(xrf2) =	vadd.scan.msk.f32 $0xffff, v7;
	v22 =	vld [tilespmem:$0x1FEF0];
	v28 =	vmul.f32 v62, v58;
	v33 =	vmul.f32 v44, v40  }
0x56a: {  	(xrf2) =	vadd.scan.msk.f32 $0xffff, v6;
	v21 =	vmul.f32 v47, v43;
	v4 =	vadd.f32 v12, v4;
	v9 =	vmul.f32 v17, v35  }
0x56b: {  	(xrf2) =	vadd.scan.msk.f32 $0xffff, v11;
	v0 =	vadd.f32 v1, v0;
	v26 =	vmul.f32 v55, v51;
	v29 =	vmul.f32 v63, v59  }
0x56c: {  	(xrf2) =	vadd.scan.msk.f32 $0xffff, v15;
	v4 =	vadd.f32 v8, v4;
	v10 =	vmul.f32 v13, v25;
	v6 =	vadd.f32 v18, v9  }
0x56d: {  	(xrf2) =	vadd.scan.msk.f32 $0xffff, v3;
	v7 =	vmul.f32 v16, v24;
	v24 =	vadd.f32 v21, v20;
	v25 =	vmul.f32 v54, v50  }
0x56e: {  	(xrf2) =	vadd.scan.msk.f32 $0xffff, v2;
	v9 =	vmul.f32 v22, v32;
	v1 =	vadd.f32 v10, v37;
	v27 =	vadd.f32 v19, v6  }
0x56f: {  	(xrf2) =	vadd.scan.msk.f32 $0xffff, v0;
	v32 =	vmul.f32 v53, v49;
	v30 =	vadd.f32 v23, v24;
	v31 =	vadd.f32 v26, v25  }
0x570: {  	v34 =	vmul.f32 v61, v57;
	(xrf2) =	vadd.scan.msk.f32 $0xffff, v5;
	v6 =	vadd.f32 v29, v28;
	v1 =	vadd.f32 v7, v1  }
0x571: {  	v36, _, _ =	vpop (xrf2);
	v35 =	vmul.f32 v52, v48;
	(xrf2) =	vadd.scan.msk.f32 $0xffff, v4;
	v2 =	vadd.f32 v9, v27;
	v3 =	vadd.f32 v32, v31  }
0x572: {  	v39 =	vmul.f32 v60, v56;
	v38, _, _ =	vpop (xrf2);
	v0 =	vadd.f32 v33, v30;
	v37 =	vadd.f32 v34, v6;
	(xrf2) =	vadd.scan.msk.f32 $0xffff, v1  }
0x573: {  	v40, _, _ =	vpop (xrf2);
	v41 =	vadd.f32 v35, v3;
	(xrf2) =	vadd.scan.msk.f32 $0xffff, v2  }
0x574: {  	v42, _, _ =	vpop (xrf2);
	v43 =	vadd.f32 v39, v37;
	(xrf2) =	vadd.scan.msk.f32 $0xffff, v0  }
0x575: {  	v44, _, _ =	vpop (xrf2);
	(xrf2) =	vadd.scan.msk.f32 $0xffff, v41  }
0x576: {  	v45, _, _ =	vpop (xrf2);
	(xrf2) =	vadd.scan.msk.f32 $0xffff, v43  }
0x577: {  	v46, _, _ =	vpop (xrf2)  }
0x578: {  	v57 =	vbroadcast v36, $0xF;
	v8 =	vbroadcast v40, $0xF;
	v47, _, _ =	vpop (xrf2)  }
0x579: {  	v48, _, _ =	vpop (xrf2);
	v1 =	vbroadcast v44, $0xF;
	v2 =	vbroadcast v45, $0xF  }
0x57a: {  	v5 =	vbroadcast v38, $0xF;
	v3 =	vbroadcast v42, $0xF;
	v49, _, _ =	vpop (xrf2)  }
0x57b: {  	v6 =	vbroadcast v48, $0xF;
	v1 =	vsel vm0, v1, v2;
	v50, _, _ =	vpop (xrf2);
	v2 =	vbroadcast v49, $0xF  }
0x57c: {  	v0 =	vbroadcast v46, $0xF;
	v1 =	vsel vm1, v1, v3;
	v3 =	vbroadcast v50, $0xF;
	v51, _, _ =	vpop (xrf2)  }
0x57d: {  	v1 =	vsel vm2, v1, v8;
	v52 =	vsel vm0, v6, v2;
	v53 =	vbroadcast v51, $0xF;
	v54, _, _ =	vpop (xrf2)  }
0x57e: {  	v0 =	vsel vm3, v1, v0;
	v1 =	vsel vm1, v52, v3;
	v55 =	vbroadcast v54, $0xF;
	v56, _, _ =	vpop (xrf2)  }
0x57f: {  	v4 =	vbroadcast v47, $0xF;
	v1 =	vsel vm2, v1, v53;
	v58 =	vbroadcast v56, $0xF;
	v59, _, _ =	vpop (xrf2)  }
0x580: {  	v0 =	vsel vm4, v0, v5;
	v1 =	vsel vm3, v1, v55;
	v60 =	vbroadcast v59, $0xF;
	v61, _, _ =	vpop (xrf2)  }
0x581: {  	v0 =	vsel vm5, v0, v57;
	v1 =	vsel vm4, v1, v58;
	v62 =	vbroadcast v61, $0xF  }
0x582: {  	s22 =	sadd.s32 $0x8, s22;
	s25 =	smul.u32 $0x19, s20;
	v0 =	vsel vm6, v0, v4;
	v1 =	vsel vm5, v1, v60  }
0x583: {  	s21 =	sand.u32 $0x3FFFFFF8, s21;
	[tilespmem:s22+$0x0] =	vst.msk $0xff, v0;
	v63 =	vsel vm6, v1, v62  }
0x584: {  	s20 =	smul.u32 $0xC8, s20;
	s22 =	sadd.s32 s3, s25;
	[tilespmem:s21+$0x1A110] =	vst.msk $0xff, v63  }
0x585: {  	[hbm4b:s22+s4] =	stream.linear.scatter [tilespmem:s0], [sflag:$0x2], $0xC8, $0x38;
	[tilespmem:$0x1A318] =	vst v63  }
0x586: {  	s23 =	sadd.s32 $0xC8, s20;
	_ =	swait.ge [sflag:s13], $0xC8  }
0x587: {  	s21 =	sshrl.u32 s23, $0x3;
	[sflag:s13] =	ssyncset.done $0x0  }
0x588: {  	s21 =	sadd.s32 s3, s21;
	[sflag:s13] =	ssyncadd.s32 $0xFFFFFF38  }
0x589: {  	[hbm4b:s21+s4] =	stream.linear.scatter [tilespmem:s5], [sflag:$0x2], $0xC8, $0x38;
	[tilespmem:$0x1A318] =	vst v63  }
0x58a: {  	s24 =	sshrl.u32 s20, $0x3;
	_ =	swait.ge [sflag:s13], $0xC8  }
0x58b: {  	s21 =	sadd.s32 s3, s24;
	[sflag:s13] =	ssyncset.done $0x0  }
0x58c: {  	s25 =	sadd.s32 $0x32, s21;
	[sflag:s13] =	ssyncadd.s32 $0xFFFFFF38  }
0x58d: {  	[hbm4b:s25+s4] =	stream.linear.scatter [tilespmem:s10], [sflag:$0x2], $0xC8, $0x38;
	[tilespmem:$0x1A318] =	vst v63  }
0x58e: {  	s23 =	sadd.s32 $0x258, s20;
	_ =	swait.ge [sflag:s13], $0xC8  }
0x58f: {  	s22 =	sshrl.u32 s23, $0x3;
	[sflag:s13] =	ssyncset.done $0x0  }
0x590: {  	s22 =	sadd.s32 s3, s22;
	[sflag:s13] =	ssyncadd.s32 $0xFFFFFF38  }
0x591: {  	[hbm4b:s22+s4] =	stream.linear.scatter [tilespmem:s11], [sflag:$0x2], $0xC8, $0x38;
	[tilespmem:$0x1A318] =	vst v63  }
0x592: {  	_ =	swait.ge [sflag:s13], $0xC8  }
0x593: {  	[sflag:s13] =	ssyncset.done $0x0  }
0x594: {  	s24 =	sadd.s32 $0x64, s21;
	[sflag:s13] =	ssyncadd.s32 $0xFFFFFF38  }
0x595: {  	[hbm4b:s24+s4] =	stream.linear.scatter [tilespmem:s1], [sflag:$0x2], $0xC8, $0x38;
	[tilespmem:$0x1A318] =	vst v63  }
0x596: {  	s25 =	sadd.s32 $0x3E8, s20;
	_ =	swait.ge [sflag:s13], $0xC8  }
0x597: {  	s22 =	sshrl.u32 s25, $0x3;
	[sflag:s13] =	ssyncset.done $0x0  }
0x598: {  	s22 =	sadd.s32 s3, s22;
	[sflag:s13] =	ssyncadd.s32 $0xFFFFFF38  }
0x599: {  	[hbm4b:s22+s4] =	stream.linear.scatter [tilespmem:s2], [sflag:$0x2], $0xC8, $0x38;
	[tilespmem:$0x1A318] =	vst v63  }
0x59a: {  	_ =	swait.ge [sflag:s13], $0xC8  }
0x59b: {  	[sflag:s13] =	ssyncset.done $0x0  }
0x59c: {  	s21 =	sadd.s32 $0x96, s21;
	[sflag:s13] =	ssyncadd.s32 $0xFFFFFF38  }
0x59d: {  	[hbm4b:s21+s4] =	stream.linear.scatter [tilespmem:s16], [sflag:$0x2], $0xC8, $0x38;
	[tilespmem:$0x1A318] =	vst v63  }
0x59e: {  	s19 =	sadd.s32 $0x1, s19;
	s20 =	sadd.s32 $0x578, s20;
	_ =	swait.ge [sflag:s13], $0xC8  }
0x59f: {  	p0 =	sne.s32 s19, $0x40;
	s20 =	sshrl.u32 s20, $0x3;
	[sflag:s13] =	ssyncset.done $0x0  }
.Ltmp8:
0x5a0: {  	s20 =	sadd.s32 s3, s20;
	[sflag:s13] =	ssyncadd.s32 $0xFFFFFF38;
	(pc) =	sbr.rel @p0 .LBB2_2-.Ltmp8, $4  }
0x5a1: {  	[hbm4b:s20+s4] =	stream.linear.scatter [tilespmem:s17], [sflag:$0x2], $0xC8, $0x38;
	[tilespmem:$0x1A318] =	vst v63  }
0x5a2: {  	_ =	swait.ge [sflag:s13], $0xC8  }
0x5a3: {  	[sflag:s13] =	ssyncset.done $0x0  }
0x5a4: {  	[sflag:s13] =	ssyncadd.s32 $0xFFFFFF38  }
0x5a5: {  	s19 =	rddreg [dreg:$0x6];
	s20 =	simm.s32 $0x1A110  }
0x5a6: {  	[hbm4b:s19+s4] =	stream.linear.scatter [tilespmem:s20], [sflag:$0x2], $0x200, $0x38;
	[tilespmem:$0x1A318] =	vst v63  }
0x5a7: {  	_ =	swait.ge [sflag:s13], $0x200  }
0x5a8: {  	s24 =	rddreg [dreg:$0x8]  }
0x5a9: {  	s25 =	rddreg [dreg:$0x7];
	s20 =	sadd.s32 $0x1, s24  }
0x5aa: {  	p0 =	sne.s32 s20, s25  }
.Ltmp9:
0x5ab: {  	_ = 	snop;
	(pc) =	sbr.rel @p0 .LBB2_1-.Ltmp9, $3  }
0x5ac: {  	_ =	sdelay $0x1  }
0x5ad: {  	[sflag:s13] =	ssyncset.done $0x0  }
0x5ae: {  	[sflag:s13] =	ssyncadd.s32 $0xFFFFFE00  }
0x5af: {  	_ =	sfence.sel $0x180000  }
0x5b0: {  	[bflag:$0x0] =	sbarrier.arrive $0xFFFF  }
0x5b1: {  	_ =	strace $0x90000047  }
0x5b2: {  	s0 =	stileid.u32;
	[bflag:$0x2] =	sbarrier.arrive $0xFFFF  }
0x5b3: {  	p0 =	sne.s32 s0, $0x0;
	s0 =	rddreg [dreg:$0x5]  }
0x5b4: {  	s0 =	sadd.s32 @!p0 $0x100000, s0  }
0x5b5: {  	[sflag:s0] =	ssyncadd.tile.s32 @!p0 $0x1;
	_ =	shalt  }
.Lfunc_end2:
_tile_overlayer_lowered:
.L_overlay_start_2:
0x5b6: {  	(tag) =	ssettag $0x2  }
0x5b7: {  	s0 =	rddreg [dreg:$0x0];
	s2 =	stileid.u32  }
0x5b8: {  	s1 =	rddreg [dreg:$0x1];
	p0 =	sne.s32 s2, $0x0  }
0x5b9: {  	s3 =	rddreg [dreg:$0x2];
	[bflag:$0x3] =	sbarrier.arrive $0xFFFF;
	s2 =	simm.s32 @!p0 $0x1C02  }
0x5ba: {  	[timem:s3], [sflag:s2] =	dma.local @!p0 [hbm:s0], s1  }
0x5bb: {  	s0 =	simm.s32 @!p0 $0x2  }
0x5bc: {  	_ =	swait.ge @!p0 [sflag:s0], s1  }
0x5bd: {  	s1 =	ssub.s32 @!p0 $0x0, s1;
	[sflag:s0] =	ssyncset.done @!p0 $0x0  }
0x5be: {  	[sflag:s0] =	ssyncadd.s32 @!p0 s1  }
0x5bf: {  	[bflag:$0x3] =	sbarrier.arrive $0xFFFF  }
0x5c0: {  	_ =	shalt  }

</sc_bundles>
